<compile_context>
chip_gen: v7x
topology: tpu7x:2x2x1
jax: 0.10.2.dev20260603
libtpu: 0.0.44.dev20260713+nightly
codegen_flags: <defaults>
</compile_context>

<pallas_src>
import functools

import jax
import jax.numpy as jnp
from jax import lax
from jax.experimental import pallas as pl
from jax.experimental.pallas import tpu as pltpu
from jax.experimental.pallas import tpu_sc as plsc

N = 10000
D = 128
E = 320000
NC, NS = 2, 16
NW = NC * NS
NP = 10240
RPW = NP // NS
H = 8
CHUNK = 128
CPW = 80
M = NW * CPW
EP = M * CHUNK
SETS = 8

BLK = 1024
GRID = NP // BLK
BLKF = 1000
GRIDF = N // BLKF


def _sc_mesh():
    return plsc.VectorSubcoreMesh(
        core_axis_name="c", subcore_axis_name="s",
        num_cores=NC, num_subcores=NS)


_SC_PARAMS = pltpu.CompilerParams(use_tc_tiling_on_sc=False)


@functools.lru_cache(maxsize=None)
def _sc_agg():

    @functools.partial(
        pl.kernel,
        out_type=jax.ShapeDtypeStruct((NC, NP, H), jnp.float32),
        mesh=_sc_mesh(),
        scratch_types=(
            [pltpu.VMEM((2, CHUNK), jnp.int32) for _ in range(SETS)]
            + [pltpu.VMEM((CHUNK, H), jnp.float32) for _ in range(SETS)]
            + [pltpu.SemaphoreType.DMA] * (2 * SETS)
            + [pltpu.VMEM_SHARED((NP, H), jnp.float32)]
        ),
        compiler_params=_SC_PARAMS,
    )
    def agg(sd_hbm, g_hbm, z_hbm, out_hbm, *scr):
        sdb = scr[:SETS]
        rows = scr[SETS:2 * SETS]
        gsem = scr[2 * SETS:3 * SETS]
        ssem = scr[3 * SETS:4 * SETS]
        acc = scr[4 * SETS]
        c = lax.axis_index("c")
        s = lax.axis_index("s")
        w = c * NS + s
        pltpu.sync_copy(z_hbm.at[pl.ds(s * RPW, RPW)],
                        acc.at[pl.ds(s * RPW, RPW)])
        plsc.subcore_barrier()

        @pl.loop(0, CPW, step=SETS)
        def body(j):
            descs = []
            for k in range(SETS):
                @pl.when(j > 0)
                def _(k=k):
                    pltpu.make_async_copy(
                        rows[k], acc.at[sdb[k].at[1]], ssem[k]).wait()
                descs.append(pltpu.async_copy(
                    sd_hbm.at[:, w * CPW + j + k], sdb[k], gsem[k]))
            for k in range(SETS):
                descs[k].wait()
                pltpu.async_copy(g_hbm.at[sdb[k].at[0]], rows[k], gsem[k])
            for k in range(SETS):
                pltpu.make_async_copy(
                    g_hbm.at[sdb[k].at[0]], rows[k], gsem[k]).wait()
                pltpu.async_copy(
                    rows[k], acc.at[sdb[k].at[1]], ssem[k], add=True)

        for k in range(SETS):
            pltpu.make_async_copy(
                rows[k], acc.at[sdb[k].at[1]], ssem[k]).wait()
        plsc.subcore_barrier()
        pltpu.sync_copy(acc.at[pl.ds(s * RPW, RPW)],
                        out_hbm.at[c, pl.ds(s * RPW, RPW)])

    return agg


@functools.lru_cache(maxsize=None)
def _sc_deg():

    @functools.partial(
        pl.kernel,
        out_type=jax.ShapeDtypeStruct((NC, NP, H), jnp.float32),
        mesh=_sc_mesh(),
        scratch_types=(
            [pltpu.VMEM((CHUNK,), jnp.int32) for _ in range(SETS)]
            + [pltpu.SemaphoreType.DMA] * SETS
            + [pltpu.VMEM((CHUNK, H), jnp.float32),
               pltpu.VMEM_SHARED((NP, H), jnp.float32)]
        ),
        compiler_params=_SC_PARAMS,
    )
    def deg(sd_hbm, ones_hbm, z_hbm, out_hbm, *scr):
        sdb = scr[:SETS]
        ssem = scr[SETS:2 * SETS]
        ones_v = scr[2 * SETS]
        acc = scr[2 * SETS + 1]
        c = lax.axis_index("c")
        s = lax.axis_index("s")
        w = c * NS + s
        pltpu.sync_copy(ones_hbm, ones_v)
        pltpu.sync_copy(z_hbm.at[pl.ds(s * RPW, RPW)],
                        acc.at[pl.ds(s * RPW, RPW)])
        plsc.subcore_barrier()

        @pl.loop(0, CPW, step=SETS)
        def body(j):
            descs = []
            for k in range(SETS):
                @pl.when(j > 0)
                def _(k=k):
                    pltpu.make_async_copy(
                        ones_v, acc.at[sdb[k]], ssem[k]).wait()
                descs.append(pltpu.async_copy(
                    sd_hbm.at[1, w * CPW + j + k], sdb[k], ssem[k]))
            for k in range(SETS):
                descs[k].wait()
                pltpu.async_copy(
                    ones_v, acc.at[sdb[k]], ssem[k], add=True)

        for k in range(SETS):
            pltpu.make_async_copy(
                ones_v, acc.at[sdb[k]], ssem[k]).wait()
        plsc.subcore_barrier()
        pltpu.sync_copy(acc.at[pl.ds(s * RPW, RPW)],
                        out_hbm.at[c, pl.ds(s * RPW, RPW)])

    return deg


def _tc_matmul1(x, W1):

    def body(x_ref, w_ref, h_ref):
        h_ref[...] = jnp.dot(x_ref[...], w_ref[...],
                             preferred_element_type=jnp.float32)

    return pl.pallas_call(
        body,
        grid=(GRIDF,),
        in_specs=[
            pl.BlockSpec((BLKF, D), lambda i: (i, 0)),
            pl.BlockSpec((D, 4), lambda i: (0, 0)),
        ],
        out_specs=pl.BlockSpec((BLKF, 4), lambda i: (i, 0)),
        out_shape=jax.ShapeDtypeStruct((N, 4), jnp.float32),
    )(x, W1)


def _tc_scale1(h1, degs):

    def body(h_ref, deg_ref, g_ref, dinv_ref):
        deg = deg_ref[0, :, 0:1] + deg_ref[1, :, 0:1] + 1.0
        dinv = lax.rsqrt(deg)
        g = h_ref[...] * dinv[:N]
        g = jnp.concatenate([g, jnp.zeros((NP - N, 4), jnp.float32)], axis=0)
        g_ref[...] = jnp.concatenate(
            [g, jnp.zeros((NP, H - 4), jnp.float32)], axis=1)
        dinv_ref[...] = dinv

    return pl.pallas_call(
        body,
        in_specs=[
            pl.BlockSpec((N, 4), lambda: (0, 0)),
            pl.BlockSpec((NC, NP, H), lambda: (0, 0, 0)),
        ],
        out_specs=[
            pl.BlockSpec((NP, H), lambda: (0, 0)),
            pl.BlockSpec((NP, 1), lambda: (0, 0)),
        ],
        out_shape=[
            jax.ShapeDtypeStruct((NP, H), jnp.float32),
            jax.ShapeDtypeStruct((NP, 1), jnp.float32),
        ],
    )(h1, degs)


def _tc_mid(acc, g, dinv, b, W):
    hin = W.shape[0]
    hout = W.shape[1]

    def body(acc_ref, g_ref, dinv_ref, b_ref, w_ref, out_ref):
        dv = dinv_ref[...]
        t = ((acc_ref[0, :, :hin] + acc_ref[1, :, :hin] + g_ref[:, :hin]) * dv
             + b_ref[...])
        xx = jnp.tanh(t)
        h = jnp.dot(xx, w_ref[...], preferred_element_type=jnp.float32)
        out_ref[...] = jnp.concatenate(
            [h * dv, jnp.zeros((NP, H - hout), jnp.float32)], axis=1)

    return pl.pallas_call(
        body,
        in_specs=[
            pl.BlockSpec((NC, NP, H), lambda: (0, 0, 0)),
            pl.BlockSpec((NP, H), lambda: (0, 0)),
            pl.BlockSpec((NP, 1), lambda: (0, 0)),
            pl.BlockSpec((1, hin), lambda: (0, 0)),
            pl.BlockSpec((hin, hout), lambda: (0, 0)),
        ],
        out_specs=pl.BlockSpec((NP, H), lambda: (0, 0)),
        out_shape=jax.ShapeDtypeStruct((NP, H), jnp.float32),
    )(acc, g, dinv, b, W)


def _tc_final(acc, g, dinv, b, Wc, bc):
    hin = Wc.shape[0]
    c = Wc.shape[1]

    def body(acc_ref, g_ref, dinv_ref, b_ref, wc_ref, bc_ref,
             out_ref, h_ref):
        dv = dinv_ref[...]
        t = ((acc_ref[0, :, :hin] + acc_ref[1, :, :hin] + g_ref[:, :hin]) * dv
             + b_ref[...])
        x3 = jnp.tanh(t)
        out_ref[...] = jnp.dot(x3, wc_ref[...],
                               preferred_element_type=jnp.float32) + bc_ref[...]
        h_ref[...] = x3

    return pl.pallas_call(
        body,
        grid=(GRIDF,),
        in_specs=[
            pl.BlockSpec((NC, BLKF, H), lambda i: (0, i, 0)),
            pl.BlockSpec((BLKF, H), lambda i: (i, 0)),
            pl.BlockSpec((BLKF, 1), lambda i: (i, 0)),
            pl.BlockSpec((1, hin), lambda i: (0, 0)),
            pl.BlockSpec((hin, c), lambda i: (0, 0)),
            pl.BlockSpec((1, c), lambda i: (0, 0)),
        ],
        out_specs=[
            pl.BlockSpec((BLKF, c), lambda i: (i, 0)),
            pl.BlockSpec((BLKF, hin), lambda i: (i, 0)),
        ],
        out_shape=[
            jax.ShapeDtypeStruct((N, c), jnp.float32),
            jax.ShapeDtypeStruct((N, hin), jnp.float32),
        ],
    )(acc, g, dinv, b, Wc, bc)


def kernel(x, edge_index, W1, b1, W2, b2, W3, b3, Wc, bc):
    epw = E // NW
    ppw = CPW * CHUNK - epw
    pad_src = N + 112 + (jnp.arange(ppw, dtype=jnp.int32) % 128)
    pad_dst = N + 112 + ((jnp.arange(ppw, dtype=jnp.int32) + 64) % 128)
    padblock = jnp.broadcast_to(
        jnp.stack([pad_src, pad_dst])[:, None, :], (2, NW, ppw))
    sd = jnp.concatenate(
        [edge_index.reshape(2, NW, epw), padblock],
        axis=2).reshape(2, M, CHUNK)
    z8 = jnp.zeros((NP, H), jnp.float32)
    ones = jnp.ones((CHUNK, H), jnp.float32)

    h1 = _tc_matmul1(x, W1)
    degs = _sc_deg()(sd, ones, z8)
    g1, dinv = _tc_scale1(h1, degs)
    acc1 = _sc_agg()(sd, g1, z8)
    g2 = _tc_mid(acc1, g1, dinv, b1.reshape(1, -1), W2)
    acc2 = _sc_agg()(sd, g2, z8)
    g3 = _tc_mid(acc2, g2, dinv, b2.reshape(1, -1), W3)
    acc3 = _sc_agg()(sd, g3, z8)
    out, h = _tc_final(acc3, g3, dinv, b3.reshape(1, -1),
                       Wc, bc.reshape(1, -1))
    return out, h

# --- scband reference (transcript-rebuilt; emitter-appended) ---
"""Pipeline reference for scband-gcn-62362925138642 (READ-ONLY COPY).

The authoritative reference and input builder live on the scoring server;
editing this copy changes nothing except your own understanding.
"""

import jax, jax.numpy as jnp
import numpy as np

N = 10000
E = 320000
D = 128
H1, H2, H3, C = 4, 4, 2, 4


def setup_inputs(seed: int = 0):
    key = jax.random.key(seed)
    ks = jax.random.split(key, 12)
    x = jax.random.normal(ks[0], (N, D), dtype=jnp.float32)
    edge_index = jax.random.randint(ks[1], (2, E), 0, N, dtype=jnp.int32)
    W1 = jax.random.normal(ks[2], (D, H1), dtype=jnp.float32) * (1.0 / np.sqrt(D))
    b1 = jnp.zeros((H1,), dtype=jnp.float32)
    W2 = jax.random.normal(ks[3], (H1, H2), dtype=jnp.float32) * (1.0 / np.sqrt(H1))
    b2 = jnp.zeros((H2,), dtype=jnp.float32)
    W3 = jax.random.normal(ks[4], (H2, H3), dtype=jnp.float32) * (1.0 / np.sqrt(H2))
    b3 = jnp.zeros((H3,), dtype=jnp.float32)
    Wc = jax.random.normal(ks[5], (H3, C), dtype=jnp.float32) * (1.0 / np.sqrt(H3))
    bc = jnp.zeros((C,), dtype=jnp.float32)
    return {"x": x, "edge_index": edge_index, "W1": W1, "b1": b1, "W2": W2, "b2": b2, "W3": W3, "b3": b3, "Wc": Wc, "bc": bc}


def gcn_conv(x, edge_index, W, b):
    n = x.shape[0]
    loop = jnp.arange(n, dtype=edge_index.dtype)
    src = jnp.concatenate([edge_index[0], loop])
    dst = jnp.concatenate([edge_index[1], loop])
    deg = jnp.zeros((n,), dtype=jnp.float32).at[dst].add(1.0)
    dinv = jax.lax.rsqrt(deg)
    norm = dinv[src] * dinv[dst]
    h = x @ W
    msg = norm[:, None] * jnp.take(h, src, axis=0)
    out = jax.ops.segment_sum(msg, dst, num_segments=n) + b
    return out


def reference(x, edge_index, W1, b1, W2, b2, W3, b3, Wc, bc):
    h = jnp.tanh(gcn_conv(x, edge_index, W1, b1))
    h = jnp.tanh(gcn_conv(h, edge_index, W2, b2))
    h = jnp.tanh(gcn_conv(h, edge_index, W3, b3))
    out = h @ Wc + bc
    return (out, h)

if __name__ == "__main__":
    import jax
    _d = setup_inputs()
    print(jax.jit(kernel)(*tuple(_d.values())))

</pallas_src>

<mosaic_0001>
#map = affine_map<(d0, d1) -> (0, 0, 0)>
#map1 = affine_map<(d0, d1) -> (0, 0)>
module attributes {stable_mosaic.version = 14 : i64} {
  func.func @agg(%arg0: i32, %arg1: i32, %arg2: memref<2x2560x128xi32, #tpu.memory_space<hbm>>, %arg3: memref<10240x8xf32, #tpu.memory_space<hbm>>, %arg4: memref<10240x8xf32, #tpu.memory_space<hbm>>, %arg5: memref<2x10240x8xf32, #tpu.memory_space<hbm>>, %arg6: memref<2x128xi32, #tpu.memory_space<vmem>>, %arg7: memref<2x128xi32, #tpu.memory_space<vmem>>, %arg8: memref<2x128xi32, #tpu.memory_space<vmem>>, %arg9: memref<2x128xi32, #tpu.memory_space<vmem>>, %arg10: memref<2x128xi32, #tpu.memory_space<vmem>>, %arg11: memref<2x128xi32, #tpu.memory_space<vmem>>, %arg12: memref<2x128xi32, #tpu.memory_space<vmem>>, %arg13: memref<2x128xi32, #tpu.memory_space<vmem>>, %arg14: memref<128x8xf32, #tpu.memory_space<vmem>>, %arg15: memref<128x8xf32, #tpu.memory_space<vmem>>, %arg16: memref<128x8xf32, #tpu.memory_space<vmem>>, %arg17: memref<128x8xf32, #tpu.memory_space<vmem>>, %arg18: memref<128x8xf32, #tpu.memory_space<vmem>>, %arg19: memref<128x8xf32, #tpu.memory_space<vmem>>, %arg20: memref<128x8xf32, #tpu.memory_space<vmem>>, %arg21: memref<128x8xf32, #tpu.memory_space<vmem>>, %arg22: memref<!tpu.dma_semaphore, #tpu.memory_space<semaphore_mem>>, %arg23: memref<!tpu.dma_semaphore, #tpu.memory_space<semaphore_mem>>, %arg24: memref<!tpu.dma_semaphore, #tpu.memory_space<semaphore_mem>>, %arg25: memref<!tpu.dma_semaphore, #tpu.memory_space<semaphore_mem>>, %arg26: memref<!tpu.dma_semaphore, #tpu.memory_space<semaphore_mem>>, %arg27: memref<!tpu.dma_semaphore, #tpu.memory_space<semaphore_mem>>, %arg28: memref<!tpu.dma_semaphore, #tpu.memory_space<semaphore_mem>>, %arg29: memref<!tpu.dma_semaphore, #tpu.memory_space<semaphore_mem>>, %arg30: memref<!tpu.dma_semaphore, #tpu.memory_space<semaphore_mem>>, %arg31: memref<!tpu.dma_semaphore, #tpu.memory_space<semaphore_mem>>, %arg32: memref<!tpu.dma_semaphore, #tpu.memory_space<semaphore_mem>>, %arg33: memref<!tpu.dma_semaphore, #tpu.memory_space<semaphore_mem>>, %arg34: memref<!tpu.dma_semaphore, #tpu.memory_space<semaphore_mem>>, %arg35: memref<!tpu.dma_semaphore, #tpu.memory_space<semaphore_mem>>, %arg36: memref<!tpu.dma_semaphore, #tpu.memory_space<semaphore_mem>>, %arg37: memref<!tpu.dma_semaphore, #tpu.memory_space<semaphore_mem>>, %arg38: memref<10240x8xf32, #tpu.memory_space<vmem_shared>>) attributes {dimension_semantics = [#tpu.dimension_semantics<core_parallel>, #tpu.dimension_semantics<subcore_parallel>], iteration_bounds = array<i64: 2, 16>, scalar_prefetch = 0 : i64, scratch_operands = 33 : i64, tpu.core_type = #tpu.core_type<sc_vector_subcore>, window_params = [{transform_indices = #map}, {transform_indices = #map1}, {transform_indices = #map1}, {transform_indices = #map}]} {
    %mul3A = arith.constant 16 : i32
    %mul3A_0 = arith.muli %arg0, %mul3A : i32
    %add3A = arith.addi %mul3A_0, %arg1 : i32
    %mul3A_1 = arith.constant 640 : i32
    %mul3A_2 = arith.muli %arg1, %mul3A_1 : i32
    %mul3A_3 = arith.constant 640 : i32
    %mul3A_4 = arith.muli %arg1, %mul3A_3 : i32
    "tpu.region"() ({
      %run_scoped3A = tpu.sem_alloc : memref<!tpu.dma_semaphore, #tpu.memory_space<semaphore_mem>>
      %dma_start3A = arith.constant 0 : i32
      %dma_start3A_69 = tpu.memref_slice %arg38[%mul3A_4, %dma_start3A] : memref<10240x8xf32, #tpu.memory_space<vmem_shared>> -> memref<640x8xf32, #tpu.memory_space<vmem_shared>>
      %dma_start3A_70 = arith.constant 0 : i32
      %dma_start3A_71 = tpu.memref_slice %arg4[%mul3A_2, %dma_start3A_70] : memref<10240x8xf32, #tpu.memory_space<hbm>> -> memref<640x8xf32, #tpu.memory_space<hbm>>
      tpu.enqueue_dma source(%dma_start3A_71 : memref<640x8xf32, #tpu.memory_space<hbm>>) target(%dma_start3A_69 : memref<640x8xf32, #tpu.memory_space<vmem_shared>>) target_semaphore(%run_scoped3A : memref<!tpu.dma_semaphore, #tpu.memory_space<semaphore_mem>>)
      %dma_wait3A_72 = arith.constant 0 : i32
      %dma_wait3A_73 = tpu.memref_slice %arg38[%mul3A_4, %dma_wait3A_72] : memref<10240x8xf32, #tpu.memory_space<vmem_shared>> -> memref<640x8xf32, #tpu.memory_space<vmem_shared>>
      %dma_wait3A_74 = arith.constant 0 : i32
      %dma_wait3A_75 = tpu.memref_slice %arg4[%mul3A_2, %dma_wait3A_74] : memref<10240x8xf32, #tpu.memory_space<hbm>> -> memref<640x8xf32, #tpu.memory_space<hbm>>
      tpu.wait_dma2 semaphore(%run_scoped3A : memref<!tpu.dma_semaphore, #tpu.memory_space<semaphore_mem>>) src(%dma_wait3A_75 : memref<640x8xf32, #tpu.memory_space<hbm>>) dst(%dma_wait3A_73 : memref<640x8xf32, #tpu.memory_space<vmem_shared>>)
      tpu.yield
    }) : () -> ()
    %barrier3A = arith.constant 0 : index
    tpu.barrier barrier_id(%barrier3A)
    %scan3A = arith.constant 0 : i32
    %scan3A_5 = arith.constant 10 : i32
    %scan3A_6 = arith.addi %scan3A, %scan3A_5 : i32
    %scan3A_7 = arith.constant 1 : i32
    scf.for %scan3A_69 = %scan3A to %scan3A_6 step %scan3A_7  : i32 {
      %mul3A_70 = arith.constant 8 : i32
      %mul3A_71 = arith.muli %scan3A_69, %mul3A_70 : i32
      %add3A_72 = arith.constant 0 : i32
      %add3A_73 = arith.addi %add3A_72, %mul3A_71 : i32
      %gt3A = arith.constant 0 : i32
      %gt3A_74 = arith.cmpi sgt, %add3A_73, %gt3A : i32
      %convert_element_type3A = arith.extui %gt3A_74 : i1 to i32
      %cond3A = arith.constant 0 : i32
      %cond3A_75 = arith.cmpi ne, %convert_element_type3A, %cond3A : i32
      scf.if %cond3A_75 {
        %dma_wait3A_446 = arith.constant 1 : i32
        %dma_wait3A_447 = arith.constant 0 : i32
        %dma_wait3A_448 = tpu.memref_slice %arg6[%dma_wait3A_446, %dma_wait3A_447] : memref<2x128xi32, #tpu.memory_space<vmem>> -> memref<1x128xi32, #tpu.memory_space<vmem>>
        %dma_wait3A_449 = tpu.memref_squeeze %dma_wait3A_448 : memref<1x128xi32, #tpu.memory_space<vmem>> -> memref<128xi32, #tpu.memory_space<vmem>>
        %dma_wait3A_450 = arith.constant 0 : i32
        %dma_wait3A_451 = arith.constant 0 : i32
        %dma_wait3A_452 = tpu.memref_slice %arg38[%dma_wait3A_450, %dma_wait3A_451] : memref<10240x8xf32, #tpu.memory_space<vmem_shared>> -> memref<10240x8xf32, #tpu.memory_space<vmem_shared>>
        tpu.wait_indirect_dma semaphore(%arg30 : memref<!tpu.dma_semaphore, #tpu.memory_space<semaphore_mem>>) src(%arg14 : memref<128x8xf32, #tpu.memory_space<vmem>>) dst(%dma_wait3A_452 : memref<10240x8xf32, #tpu.memory_space<vmem_shared>>)
      } else {
      }
      %mul3A_76 = arith.constant 80 : i32
      %mul3A_77 = arith.muli %add3A, %mul3A_76 : i32
      %add3A_78 = arith.addi %mul3A_77, %add3A_73 : i32
      %add3A_79 = arith.constant 0 : i32
      %add3A_80 = arith.addi %add3A_78, %add3A_79 : i32
      %dma_start3A = arith.constant 0 : i32
      %dma_start3A_81 = arith.constant 0 : i32
      %dma_start3A_82 = tpu.memref_slice %arg2[%dma_start3A, %add3A_80, %dma_start3A_81] : memref<2x2560x128xi32, #tpu.memory_space<hbm>> -> memref<2x1x128xi32, #tpu.memory_space<hbm>>
      %dma_start3A_83 = tpu.memref_squeeze %dma_start3A_82 : memref<2x1x128xi32, #tpu.memory_space<hbm>> -> memref<2x128xi32, #tpu.memory_space<hbm>>
      %dma_start3A_84 = arith.constant 0 : i32
      %dma_start3A_85 = arith.constant 0 : i32
      %dma_start3A_86 = tpu.memref_slice %arg2[%dma_start3A_84, %add3A_80, %dma_start3A_85] : memref<2x2560x128xi32, #tpu.memory_space<hbm>> -> memref<2x1x128xi32, #tpu.memory_space<hbm>>
      %dma_start3A_87 = tpu.memref_squeeze %dma_start3A_86 : memref<2x1x128xi32, #tpu.memory_space<hbm>> -> memref<2x128xi32, #tpu.memory_space<hbm>>
      tpu.enqueue_dma source(%dma_start3A_87 : memref<2x128xi32, #tpu.memory_space<hbm>>) target(%arg6 : memref<2x128xi32, #tpu.memory_space<vmem>>) target_semaphore(%arg22 : memref<!tpu.dma_semaphore, #tpu.memory_space<semaphore_mem>>)
      %gt3A_88 = arith.constant 0 : i32
      %gt3A_89 = arith.cmpi sgt, %add3A_73, %gt3A_88 : i32
      %convert_element_type3A_90 = arith.extui %gt3A_89 : i1 to i32
      %cond3A_91 = arith.constant 0 : i32
      %cond3A_92 = arith.cmpi ne, %convert_element_type3A_90, %cond3A_91 : i32
      scf.if %cond3A_92 {
        %dma_wait3A_446 = arith.constant 1 : i32
        %dma_wait3A_447 = arith.constant 0 : i32
        %dma_wait3A_448 = tpu.memref_slice %arg7[%dma_wait3A_446, %dma_wait3A_447] : memref<2x128xi32, #tpu.memory_space<vmem>> -> memref<1x128xi32, #tpu.memory_space<vmem>>
        %dma_wait3A_449 = tpu.memref_squeeze %dma_wait3A_448 : memref<1x128xi32, #tpu.memory_space<vmem>> -> memref<128xi32, #tpu.memory_space<vmem>>
        %dma_wait3A_450 = arith.constant 0 : i32
        %dma_wait3A_451 = arith.constant 0 : i32
        %dma_wait3A_452 = tpu.memref_slice %arg38[%dma_wait3A_450, %dma_wait3A_451] : memref<10240x8xf32, #tpu.memory_space<vmem_shared>> -> memref<10240x8xf32, #tpu.memory_space<vmem_shared>>
        tpu.wait_indirect_dma semaphore(%arg31 : memref<!tpu.dma_semaphore, #tpu.memory_space<semaphore_mem>>) src(%arg15 : memref<128x8xf32, #tpu.memory_space<vmem>>) dst(%dma_wait3A_452 : memref<10240x8xf32, #tpu.memory_space<vmem_shared>>)
      } else {
      }
      %mul3A_93 = arith.constant 80 : i32
      %mul3A_94 = arith.muli %add3A, %mul3A_93 : i32
      %add3A_95 = arith.addi %mul3A_94, %add3A_73 : i32
      %add3A_96 = arith.constant 1 : i32
      %add3A_97 = arith.addi %add3A_95, %add3A_96 : i32
      %dma_start3A_98 = arith.constant 0 : i32
      %dma_start3A_99 = arith.constant 0 : i32
      %dma_start3A_100 = tpu.memref_slice %arg2[%dma_start3A_98, %add3A_97, %dma_start3A_99] : memref<2x2560x128xi32, #tpu.memory_space<hbm>> -> memref<2x1x128xi32, #tpu.memory_space<hbm>>
      %dma_start3A_101 = tpu.memref_squeeze %dma_start3A_100 : memref<2x1x128xi32, #tpu.memory_space<hbm>> -> memref<2x128xi32, #tpu.memory_space<hbm>>
      %dma_start3A_102 = arith.constant 0 : i32
      %dma_start3A_103 = arith.constant 0 : i32
      %dma_start3A_104 = tpu.memref_slice %arg2[%dma_start3A_102, %add3A_97, %dma_start3A_103] : memref<2x2560x128xi32, #tpu.memory_space<hbm>> -> memref<2x1x128xi32, #tpu.memory_space<hbm>>
      %dma_start3A_105 = tpu.memref_squeeze %dma_start3A_104 : memref<2x1x128xi32, #tpu.memory_space<hbm>> -> memref<2x128xi32, #tpu.memory_space<hbm>>
      tpu.enqueue_dma source(%dma_start3A_105 : memref<2x128xi32, #tpu.memory_space<hbm>>) target(%arg7 : memref<2x128xi32, #tpu.memory_space<vmem>>) target_semaphore(%arg23 : memref<!tpu.dma_semaphore, #tpu.memory_space<semaphore_mem>>)
      %gt3A_106 = arith.constant 0 : i32
      %gt3A_107 = arith.cmpi sgt, %add3A_73, %gt3A_106 : i32
      %convert_element_type3A_108 = arith.extui %gt3A_107 : i1 to i32
      %cond3A_109 = arith.constant 0 : i32
      %cond3A_110 = arith.cmpi ne, %convert_element_type3A_108, %cond3A_109 : i32
      scf.if %cond3A_110 {
        %dma_wait3A_446 = arith.constant 1 : i32
        %dma_wait3A_447 = arith.constant 0 : i32
        %dma_wait3A_448 = tpu.memref_slice %arg8[%dma_wait3A_446, %dma_wait3A_447] : memref<2x128xi32, #tpu.memory_space<vmem>> -> memref<1x128xi32, #tpu.memory_space<vmem>>
        %dma_wait3A_449 = tpu.memref_squeeze %dma_wait3A_448 : memref<1x128xi32, #tpu.memory_space<vmem>> -> memref<128xi32, #tpu.memory_space<vmem>>
        %dma_wait3A_450 = arith.constant 0 : i32
        %dma_wait3A_451 = arith.constant 0 : i32
        %dma_wait3A_452 = tpu.memref_slice %arg38[%dma_wait3A_450, %dma_wait3A_451] : memref<10240x8xf32, #tpu.memory_space<vmem_shared>> -> memref<10240x8xf32, #tpu.memory_space<vmem_shared>>
        tpu.wait_indirect_dma semaphore(%arg32 : memref<!tpu.dma_semaphore, #tpu.memory_space<semaphore_mem>>) src(%arg16 : memref<128x8xf32, #tpu.memory_space<vmem>>) dst(%dma_wait3A_452 : memref<10240x8xf32, #tpu.memory_space<vmem_shared>>)
      } else {
      }
      %mul3A_111 = arith.constant 80 : i32
      %mul3A_112 = arith.muli %add3A, %mul3A_111 : i32
      %add3A_113 = arith.addi %mul3A_112, %add3A_73 : i32
      %add3A_114 = arith.constant 2 : i32
      %add3A_115 = arith.addi %add3A_113, %add3A_114 : i32
      %dma_start3A_116 = arith.constant 0 : i32
      %dma_start3A_117 = arith.constant 0 : i32
      %dma_start3A_118 = tpu.memref_slice %arg2[%dma_start3A_116, %add3A_115, %dma_start3A_117] : memref<2x2560x128xi32, #tpu.memory_space<hbm>> -> memref<2x1x128xi32, #tpu.memory_space<hbm>>
      %dma_start3A_119 = tpu.memref_squeeze %dma_start3A_118 : memref<2x1x128xi32, #tpu.memory_space<hbm>> -> memref<2x128xi32, #tpu.memory_space<hbm>>
      %dma_start3A_120 = arith.constant 0 : i32
      %dma_start3A_121 = arith.constant 0 : i32
      %dma_start3A_122 = tpu.memref_slice %arg2[%dma_start3A_120, %add3A_115, %dma_start3A_121] : memref<2x2560x128xi32, #tpu.memory_space<hbm>> -> memref<2x1x128xi32, #tpu.memory_space<hbm>>
      %dma_start3A_123 = tpu.memref_squeeze %dma_start3A_122 : memref<2x1x128xi32, #tpu.memory_space<hbm>> -> memref<2x128xi32, #tpu.memory_space<hbm>>
      tpu.enqueue_dma source(%dma_start3A_123 : memref<2x128xi32, #tpu.memory_space<hbm>>) target(%arg8 : memref<2x128xi32, #tpu.memory_space<vmem>>) target_semaphore(%arg24 : memref<!tpu.dma_semaphore, #tpu.memory_space<semaphore_mem>>)
      %gt3A_124 = arith.constant 0 : i32
      %gt3A_125 = arith.cmpi sgt, %add3A_73, %gt3A_124 : i32
      %convert_element_type3A_126 = arith.extui %gt3A_125 : i1 to i32
      %cond3A_127 = arith.constant 0 : i32
      %cond3A_128 = arith.cmpi ne, %convert_element_type3A_126, %cond3A_127 : i32
      scf.if %cond3A_128 {
        %dma_wait3A_446 = arith.constant 1 : i32
        %dma_wait3A_447 = arith.constant 0 : i32
        %dma_wait3A_448 = tpu.memref_slice %arg9[%dma_wait3A_446, %dma_wait3A_447] : memref<2x128xi32, #tpu.memory_space<vmem>> -> memref<1x128xi32, #tpu.memory_space<vmem>>
        %dma_wait3A_449 = tpu.memref_squeeze %dma_wait3A_448 : memref<1x128xi32, #tpu.memory_space<vmem>> -> memref<128xi32, #tpu.memory_space<vmem>>
        %dma_wait3A_450 = arith.constant 0 : i32
        %dma_wait3A_451 = arith.constant 0 : i32
        %dma_wait3A_452 = tpu.memref_slice %arg38[%dma_wait3A_450, %dma_wait3A_451] : memref<10240x8xf32, #tpu.memory_space<vmem_shared>> -> memref<10240x8xf32, #tpu.memory_space<vmem_shared>>
        tpu.wait_indirect_dma semaphore(%arg33 : memref<!tpu.dma_semaphore, #tpu.memory_space<semaphore_mem>>) src(%arg17 : memref<128x8xf32, #tpu.memory_space<vmem>>) dst(%dma_wait3A_452 : memref<10240x8xf32, #tpu.memory_space<vmem_shared>>)
      } else {
      }
      %mul3A_129 = arith.constant 80 : i32
      %mul3A_130 = arith.muli %add3A, %mul3A_129 : i32
      %add3A_131 = arith.addi %mul3A_130, %add3A_73 : i32
      %add3A_132 = arith.constant 3 : i32
      %add3A_133 = arith.addi %add3A_131, %add3A_132 : i32
      %dma_start3A_134 = arith.constant 0 : i32
      %dma_start3A_135 = arith.constant 0 : i32
      %dma_start3A_136 = tpu.memref_slice %arg2[%dma_start3A_134, %add3A_133, %dma_start3A_135] : memref<2x2560x128xi32, #tpu.memory_space<hbm>> -> memref<2x1x128xi32, #tpu.memory_space<hbm>>
      %dma_start3A_137 = tpu.memref_squeeze %dma_start3A_136 : memref<2x1x128xi32, #tpu.memory_space<hbm>> -> memref<2x128xi32, #tpu.memory_space<hbm>>
      %dma_start3A_138 = arith.constant 0 : i32
      %dma_start3A_139 = arith.constant 0 : i32
      %dma_start3A_140 = tpu.memref_slice %arg2[%dma_start3A_138, %add3A_133, %dma_start3A_139] : memref<2x2560x128xi32, #tpu.memory_space<hbm>> -> memref<2x1x128xi32, #tpu.memory_space<hbm>>
      %dma_start3A_141 = tpu.memref_squeeze %dma_start3A_140 : memref<2x1x128xi32, #tpu.memory_space<hbm>> -> memref<2x128xi32, #tpu.memory_space<hbm>>
      tpu.enqueue_dma source(%dma_start3A_141 : memref<2x128xi32, #tpu.memory_space<hbm>>) target(%arg9 : memref<2x128xi32, #tpu.memory_space<vmem>>) target_semaphore(%arg25 : memref<!tpu.dma_semaphore, #tpu.memory_space<semaphore_mem>>)
      %gt3A_142 = arith.constant 0 : i32
      %gt3A_143 = arith.cmpi sgt, %add3A_73, %gt3A_142 : i32
      %convert_element_type3A_144 = arith.extui %gt3A_143 : i1 to i32
      %cond3A_145 = arith.constant 0 : i32
      %cond3A_146 = arith.cmpi ne, %convert_element_type3A_144, %cond3A_145 : i32
      scf.if %cond3A_146 {
        %dma_wait3A_446 = arith.constant 1 : i32
        %dma_wait3A_447 = arith.constant 0 : i32
        %dma_wait3A_448 = tpu.memref_slice %arg10[%dma_wait3A_446, %dma_wait3A_447] : memref<2x128xi32, #tpu.memory_space<vmem>> -> memref<1x128xi32, #tpu.memory_space<vmem>>
        %dma_wait3A_449 = tpu.memref_squeeze %dma_wait3A_448 : memref<1x128xi32, #tpu.memory_space<vmem>> -> memref<128xi32, #tpu.memory_space<vmem>>
        %dma_wait3A_450 = arith.constant 0 : i32
        %dma_wait3A_451 = arith.constant 0 : i32
        %dma_wait3A_452 = tpu.memref_slice %arg38[%dma_wait3A_450, %dma_wait3A_451] : memref<10240x8xf32, #tpu.memory_space<vmem_shared>> -> memref<10240x8xf32, #tpu.memory_space<vmem_shared>>
        tpu.wait_indirect_dma semaphore(%arg34 : memref<!tpu.dma_semaphore, #tpu.memory_space<semaphore_mem>>) src(%arg18 : memref<128x8xf32, #tpu.memory_space<vmem>>) dst(%dma_wait3A_452 : memref<10240x8xf32, #tpu.memory_space<vmem_shared>>)
      } else {
      }
      %mul3A_147 = arith.constant 80 : i32
      %mul3A_148 = arith.muli %add3A, %mul3A_147 : i32
      %add3A_149 = arith.addi %mul3A_148, %add3A_73 : i32
      %add3A_150 = arith.constant 4 : i32
      %add3A_151 = arith.addi %add3A_149, %add3A_150 : i32
      %dma_start3A_152 = arith.constant 0 : i32
      %dma_start3A_153 = arith.constant 0 : i32
      %dma_start3A_154 = tpu.memref_slice %arg2[%dma_start3A_152, %add3A_151, %dma_start3A_153] : memref<2x2560x128xi32, #tpu.memory_space<hbm>> -> memref<2x1x128xi32, #tpu.memory_space<hbm>>
      %dma_start3A_155 = tpu.memref_squeeze %dma_start3A_154 : memref<2x1x128xi32, #tpu.memory_space<hbm>> -> memref<2x128xi32, #tpu.memory_space<hbm>>
      %dma_start3A_156 = arith.constant 0 : i32
      %dma_start3A_157 = arith.constant 0 : i32
      %dma_start3A_158 = tpu.memref_slice %arg2[%dma_start3A_156, %add3A_151, %dma_start3A_157] : memref<2x2560x128xi32, #tpu.memory_space<hbm>> -> memref<2x1x128xi32, #tpu.memory_space<hbm>>
      %dma_start3A_159 = tpu.memref_squeeze %dma_start3A_158 : memref<2x1x128xi32, #tpu.memory_space<hbm>> -> memref<2x128xi32, #tpu.memory_space<hbm>>
      tpu.enqueue_dma source(%dma_start3A_159 : memref<2x128xi32, #tpu.memory_space<hbm>>) target(%arg10 : memref<2x128xi32, #tpu.memory_space<vmem>>) target_semaphore(%arg26 : memref<!tpu.dma_semaphore, #tpu.memory_space<semaphore_mem>>)
      %gt3A_160 = arith.constant 0 : i32
      %gt3A_161 = arith.cmpi sgt, %add3A_73, %gt3A_160 : i32
      %convert_element_type3A_162 = arith.extui %gt3A_161 : i1 to i32
      %cond3A_163 = arith.constant 0 : i32
      %cond3A_164 = arith.cmpi ne, %convert_element_type3A_162, %cond3A_163 : i32
      scf.if %cond3A_164 {
        %dma_wait3A_446 = arith.constant 1 : i32
        %dma_wait3A_447 = arith.constant 0 : i32
        %dma_wait3A_448 = tpu.memref_slice %arg11[%dma_wait3A_446, %dma_wait3A_447] : memref<2x128xi32, #tpu.memory_space<vmem>> -> memref<1x128xi32, #tpu.memory_space<vmem>>
        %dma_wait3A_449 = tpu.memref_squeeze %dma_wait3A_448 : memref<1x128xi32, #tpu.memory_space<vmem>> -> memref<128xi32, #tpu.memory_space<vmem>>
        %dma_wait3A_450 = arith.constant 0 : i32
        %dma_wait3A_451 = arith.constant 0 : i32
        %dma_wait3A_452 = tpu.memref_slice %arg38[%dma_wait3A_450, %dma_wait3A_451] : memref<10240x8xf32, #tpu.memory_space<vmem_shared>> -> memref<10240x8xf32, #tpu.memory_space<vmem_shared>>
        tpu.wait_indirect_dma semaphore(%arg35 : memref<!tpu.dma_semaphore, #tpu.memory_space<semaphore_mem>>) src(%arg19 : memref<128x8xf32, #tpu.memory_space<vmem>>) dst(%dma_wait3A_452 : memref<10240x8xf32, #tpu.memory_space<vmem_shared>>)
      } else {
      }
      %mul3A_165 = arith.constant 80 : i32
      %mul3A_166 = arith.muli %add3A, %mul3A_165 : i32
      %add3A_167 = arith.addi %mul3A_166, %add3A_73 : i32
      %add3A_168 = arith.constant 5 : i32
      %add3A_169 = arith.addi %add3A_167, %add3A_168 : i32
      %dma_start3A_170 = arith.constant 0 : i32
      %dma_start3A_171 = arith.constant 0 : i32
      %dma_start3A_172 = tpu.memref_slice %arg2[%dma_start3A_170, %add3A_169, %dma_start3A_171] : memref<2x2560x128xi32, #tpu.memory_space<hbm>> -> memref<2x1x128xi32, #tpu.memory_space<hbm>>
      %dma_start3A_173 = tpu.memref_squeeze %dma_start3A_172 : memref<2x1x128xi32, #tpu.memory_space<hbm>> -> memref<2x128xi32, #tpu.memory_space<hbm>>
      %dma_start3A_174 = arith.constant 0 : i32
      %dma_start3A_175 = arith.constant 0 : i32
      %dma_start3A_176 = tpu.memref_slice %arg2[%dma_start3A_174, %add3A_169, %dma_start3A_175] : memref<2x2560x128xi32, #tpu.memory_space<hbm>> -> memref<2x1x128xi32, #tpu.memory_space<hbm>>
      %dma_start3A_177 = tpu.memref_squeeze %dma_start3A_176 : memref<2x1x128xi32, #tpu.memory_space<hbm>> -> memref<2x128xi32, #tpu.memory_space<hbm>>
      tpu.enqueue_dma source(%dma_start3A_177 : memref<2x128xi32, #tpu.memory_space<hbm>>) target(%arg11 : memref<2x128xi32, #tpu.memory_space<vmem>>) target_semaphore(%arg27 : memref<!tpu.dma_semaphore, #tpu.memory_space<semaphore_mem>>)
      %gt3A_178 = arith.constant 0 : i32
      %gt3A_179 = arith.cmpi sgt, %add3A_73, %gt3A_178 : i32
      %convert_element_type3A_180 = arith.extui %gt3A_179 : i1 to i32
      %cond3A_181 = arith.constant 0 : i32
      %cond3A_182 = arith.cmpi ne, %convert_element_type3A_180, %cond3A_181 : i32
      scf.if %cond3A_182 {
        %dma_wait3A_446 = arith.constant 1 : i32
        %dma_wait3A_447 = arith.constant 0 : i32
        %dma_wait3A_448 = tpu.memref_slice %arg12[%dma_wait3A_446, %dma_wait3A_447] : memref<2x128xi32, #tpu.memory_space<vmem>> -> memref<1x128xi32, #tpu.memory_space<vmem>>
        %dma_wait3A_449 = tpu.memref_squeeze %dma_wait3A_448 : memref<1x128xi32, #tpu.memory_space<vmem>> -> memref<128xi32, #tpu.memory_space<vmem>>
        %dma_wait3A_450 = arith.constant 0 : i32
        %dma_wait3A_451 = arith.constant 0 : i32
        %dma_wait3A_452 = tpu.memref_slice %arg38[%dma_wait3A_450, %dma_wait3A_451] : memref<10240x8xf32, #tpu.memory_space<vmem_shared>> -> memref<10240x8xf32, #tpu.memory_space<vmem_shared>>
        tpu.wait_indirect_dma semaphore(%arg36 : memref<!tpu.dma_semaphore, #tpu.memory_space<semaphore_mem>>) src(%arg20 : memref<128x8xf32, #tpu.memory_space<vmem>>) dst(%dma_wait3A_452 : memref<10240x8xf32, #tpu.memory_space<vmem_shared>>)
      } else {
      }
      %mul3A_183 = arith.constant 80 : i32
      %mul3A_184 = arith.muli %add3A, %mul3A_183 : i32
      %add3A_185 = arith.addi %mul3A_184, %add3A_73 : i32
      %add3A_186 = arith.constant 6 : i32
      %add3A_187 = arith.addi %add3A_185, %add3A_186 : i32
      %dma_start3A_188 = arith.constant 0 : i32
      %dma_start3A_189 = arith.constant 0 : i32
      %dma_start3A_190 = tpu.memref_slice %arg2[%dma_start3A_188, %add3A_187, %dma_start3A_189] : memref<2x2560x128xi32, #tpu.memory_space<hbm>> -> memref<2x1x128xi32, #tpu.memory_space<hbm>>
      %dma_start3A_191 = tpu.memref_squeeze %dma_start3A_190 : memref<2x1x128xi32, #tpu.memory_space<hbm>> -> memref<2x128xi32, #tpu.memory_space<hbm>>
      %dma_start3A_192 = arith.constant 0 : i32
      %dma_start3A_193 = arith.constant 0 : i32
      %dma_start3A_194 = tpu.memref_slice %arg2[%dma_start3A_192, %add3A_187, %dma_start3A_193] : memref<2x2560x128xi32, #tpu.memory_space<hbm>> -> memref<2x1x128xi32, #tpu.memory_space<hbm>>
      %dma_start3A_195 = tpu.memref_squeeze %dma_start3A_194 : memref<2x1x128xi32, #tpu.memory_space<hbm>> -> memref<2x128xi32, #tpu.memory_space<hbm>>
      tpu.enqueue_dma source(%dma_start3A_195 : memref<2x128xi32, #tpu.memory_space<hbm>>) target(%arg12 : memref<2x128xi32, #tpu.memory_space<vmem>>) target_semaphore(%arg28 : memref<!tpu.dma_semaphore, #tpu.memory_space<semaphore_mem>>)
      %gt3A_196 = arith.constant 0 : i32
      %gt3A_197 = arith.cmpi sgt, %add3A_73, %gt3A_196 : i32
      %convert_element_type3A_198 = arith.extui %gt3A_197 : i1 to i32
      %cond3A_199 = arith.constant 0 : i32
      %cond3A_200 = arith.cmpi ne, %convert_element_type3A_198, %cond3A_199 : i32
      scf.if %cond3A_200 {
        %dma_wait3A_446 = arith.constant 1 : i32
        %dma_wait3A_447 = arith.constant 0 : i32
        %dma_wait3A_448 = tpu.memref_slice %arg13[%dma_wait3A_446, %dma_wait3A_447] : memref<2x128xi32, #tpu.memory_space<vmem>> -> memref<1x128xi32, #tpu.memory_space<vmem>>
        %dma_wait3A_449 = tpu.memref_squeeze %dma_wait3A_448 : memref<1x128xi32, #tpu.memory_space<vmem>> -> memref<128xi32, #tpu.memory_space<vmem>>
        %dma_wait3A_450 = arith.constant 0 : i32
        %dma_wait3A_451 = arith.constant 0 : i32
        %dma_wait3A_452 = tpu.memref_slice %arg38[%dma_wait3A_450, %dma_wait3A_451] : memref<10240x8xf32, #tpu.memory_space<vmem_shared>> -> memref<10240x8xf32, #tpu.memory_space<vmem_shared>>
        tpu.wait_indirect_dma semaphore(%arg37 : memref<!tpu.dma_semaphore, #tpu.memory_space<semaphore_mem>>) src(%arg21 : memref<128x8xf32, #tpu.memory_space<vmem>>) dst(%dma_wait3A_452 : memref<10240x8xf32, #tpu.memory_space<vmem_shared>>)
      } else {
      }
      %mul3A_201 = arith.constant 80 : i32
      %mul3A_202 = arith.muli %add3A, %mul3A_201 : i32
      %add3A_203 = arith.addi %mul3A_202, %add3A_73 : i32
      %add3A_204 = arith.constant 7 : i32
      %add3A_205 = arith.addi %add3A_203, %add3A_204 : i32
      %dma_start3A_206 = arith.constant 0 : i32
      %dma_start3A_207 = arith.constant 0 : i32
      %dma_start3A_208 = tpu.memref_slice %arg2[%dma_start3A_206, %add3A_205, %dma_start3A_207] : memref<2x2560x128xi32, #tpu.memory_space<hbm>> -> memref<2x1x128xi32, #tpu.memory_space<hbm>>
      %dma_start3A_209 = tpu.memref_squeeze %dma_start3A_208 : memref<2x1x128xi32, #tpu.memory_space<hbm>> -> memref<2x128xi32, #tpu.memory_space<hbm>>
      %dma_start3A_210 = arith.constant 0 : i32
      %dma_start3A_211 = arith.constant 0 : i32
      %dma_start3A_212 = tpu.memref_slice %arg2[%dma_start3A_210, %add3A_205, %dma_start3A_211] : memref<2x2560x128xi32, #tpu.memory_space<hbm>> -> memref<2x1x128xi32, #tpu.memory_space<hbm>>
      %dma_start3A_213 = tpu.memref_squeeze %dma_start3A_212 : memref<2x1x128xi32, #tpu.memory_space<hbm>> -> memref<2x128xi32, #tpu.memory_space<hbm>>
      tpu.enqueue_dma source(%dma_start3A_213 : memref<2x128xi32, #tpu.memory_space<hbm>>) target(%arg13 : memref<2x128xi32, #tpu.memory_space<vmem>>) target_semaphore(%arg29 : memref<!tpu.dma_semaphore, #tpu.memory_space<semaphore_mem>>)
      %dma_wait3A_214 = arith.constant 0 : i32
      %dma_wait3A_215 = arith.constant 0 : i32
      %dma_wait3A_216 = tpu.memref_slice %arg2[%dma_wait3A_214, %add3A_80, %dma_wait3A_215] : memref<2x2560x128xi32, #tpu.memory_space<hbm>> -> memref<2x1x128xi32, #tpu.memory_space<hbm>>
      %dma_wait3A_217 = tpu.memref_squeeze %dma_wait3A_216 : memref<2x1x128xi32, #tpu.memory_space<hbm>> -> memref<2x128xi32, #tpu.memory_space<hbm>>
      %dma_wait3A_218 = arith.constant 0 : i32
      %dma_wait3A_219 = arith.constant 0 : i32
      %dma_wait3A_220 = tpu.memref_slice %arg2[%dma_wait3A_218, %add3A_80, %dma_wait3A_219] : memref<2x2560x128xi32, #tpu.memory_space<hbm>> -> memref<2x1x128xi32, #tpu.memory_space<hbm>>
      %dma_wait3A_221 = tpu.memref_squeeze %dma_wait3A_220 : memref<2x1x128xi32, #tpu.memory_space<hbm>> -> memref<2x128xi32, #tpu.memory_space<hbm>>
      tpu.wait_dma2 semaphore(%arg22 : memref<!tpu.dma_semaphore, #tpu.memory_space<semaphore_mem>>) src(%dma_wait3A_221 : memref<2x128xi32, #tpu.memory_space<hbm>>) dst(%arg6 : memref<2x128xi32, #tpu.memory_space<vmem>>)
      %dma_start3A_222 = arith.constant 0 : i32
      %dma_start3A_223 = arith.constant 0 : i32
      %dma_start3A_224 = tpu.memref_slice %arg6[%dma_start3A_222, %dma_start3A_223] : memref<2x128xi32, #tpu.memory_space<vmem>> -> memref<1x128xi32, #tpu.memory_space<vmem>>
      %dma_start3A_225 = tpu.memref_squeeze %dma_start3A_224 : memref<1x128xi32, #tpu.memory_space<vmem>> -> memref<128xi32, #tpu.memory_space<vmem>>
      %dma_start3A_226 = arith.constant 0 : i32
      %dma_start3A_227 = arith.constant 0 : i32
      %dma_start3A_228 = tpu.memref_slice %arg3[%dma_start3A_226, %dma_start3A_227] : memref<10240x8xf32, #tpu.memory_space<hbm>> -> memref<10240x8xf32, #tpu.memory_space<hbm>>
      tpu.enqueue_indirect_dma source(%dma_start3A_228 : memref<10240x8xf32, #tpu.memory_space<hbm>>) target(%arg14 : memref<128x8xf32, #tpu.memory_space<vmem>>) offsets(%dma_start3A_225 : memref<128xi32, #tpu.memory_space<vmem>>) semaphore(%arg22 : memref<!tpu.dma_semaphore, #tpu.memory_space<semaphore_mem>>)
      %dma_wait3A_229 = arith.constant 0 : i32
      %dma_wait3A_230 = arith.constant 0 : i32
      %dma_wait3A_231 = tpu.memref_slice %arg2[%dma_wait3A_229, %add3A_97, %dma_wait3A_230] : memref<2x2560x128xi32, #tpu.memory_space<hbm>> -> memref<2x1x128xi32, #tpu.memory_space<hbm>>
      %dma_wait3A_232 = tpu.memref_squeeze %dma_wait3A_231 : memref<2x1x128xi32, #tpu.memory_space<hbm>> -> memref<2x128xi32, #tpu.memory_space<hbm>>
      %dma_wait3A_233 = arith.constant 0 : i32
      %dma_wait3A_234 = arith.constant 0 : i32
      %dma_wait3A_235 = tpu.memref_slice %arg2[%dma_wait3A_233, %add3A_97, %dma_wait3A_234] : memref<2x2560x128xi32, #tpu.memory_space<hbm>> -> memref<2x1x128xi32, #tpu.memory_space<hbm>>
      %dma_wait3A_236 = tpu.memref_squeeze %dma_wait3A_235 : memref<2x1x128xi32, #tpu.memory_space<hbm>> -> memref<2x128xi32, #tpu.memory_space<hbm>>
      tpu.wait_dma2 semaphore(%arg23 : memref<!tpu.dma_semaphore, #tpu.memory_space<semaphore_mem>>) src(%dma_wait3A_236 : memref<2x128xi32, #tpu.memory_space<hbm>>) dst(%arg7 : memref<2x128xi32, #tpu.memory_space<vmem>>)
      %dma_start3A_237 = arith.constant 0 : i32
      %dma_start3A_238 = arith.constant 0 : i32
      %dma_start3A_239 = tpu.memref_slice %arg7[%dma_start3A_237, %dma_start3A_238] : memref<2x128xi32, #tpu.memory_space<vmem>> -> memref<1x128xi32, #tpu.memory_space<vmem>>
      %dma_start3A_240 = tpu.memref_squeeze %dma_start3A_239 : memref<1x128xi32, #tpu.memory_space<vmem>> -> memref<128xi32, #tpu.memory_space<vmem>>
      %dma_start3A_241 = arith.constant 0 : i32
      %dma_start3A_242 = arith.constant 0 : i32
      %dma_start3A_243 = tpu.memref_slice %arg3[%dma_start3A_241, %dma_start3A_242] : memref<10240x8xf32, #tpu.memory_space<hbm>> -> memref<10240x8xf32, #tpu.memory_space<hbm>>
      tpu.enqueue_indirect_dma source(%dma_start3A_243 : memref<10240x8xf32, #tpu.memory_space<hbm>>) target(%arg15 : memref<128x8xf32, #tpu.memory_space<vmem>>) offsets(%dma_start3A_240 : memref<128xi32, #tpu.memory_space<vmem>>) semaphore(%arg23 : memref<!tpu.dma_semaphore, #tpu.memory_space<semaphore_mem>>)
      %dma_wait3A_244 = arith.constant 0 : i32
      %dma_wait3A_245 = arith.constant 0 : i32
      %dma_wait3A_246 = tpu.memref_slice %arg2[%dma_wait3A_244, %add3A_115, %dma_wait3A_245] : memref<2x2560x128xi32, #tpu.memory_space<hbm>> -> memref<2x1x128xi32, #tpu.memory_space<hbm>>
      %dma_wait3A_247 = tpu.memref_squeeze %dma_wait3A_246 : memref<2x1x128xi32, #tpu.memory_space<hbm>> -> memref<2x128xi32, #tpu.memory_space<hbm>>
      %dma_wait3A_248 = arith.constant 0 : i32
      %dma_wait3A_249 = arith.constant 0 : i32
      %dma_wait3A_250 = tpu.memref_slice %arg2[%dma_wait3A_248, %add3A_115, %dma_wait3A_249] : memref<2x2560x128xi32, #tpu.memory_space<hbm>> -> memref<2x1x128xi32, #tpu.memory_space<hbm>>
      %dma_wait3A_251 = tpu.memref_squeeze %dma_wait3A_250 : memref<2x1x128xi32, #tpu.memory_space<hbm>> -> memref<2x128xi32, #tpu.memory_space<hbm>>
      tpu.wait_dma2 semaphore(%arg24 : memref<!tpu.dma_semaphore, #tpu.memory_space<semaphore_mem>>) src(%dma_wait3A_251 : memref<2x128xi32, #tpu.memory_space<hbm>>) dst(%arg8 : memref<2x128xi32, #tpu.memory_space<vmem>>)
      %dma_start3A_252 = arith.constant 0 : i32
      %dma_start3A_253 = arith.constant 0 : i32
      %dma_start3A_254 = tpu.memref_slice %arg8[%dma_start3A_252, %dma_start3A_253] : memref<2x128xi32, #tpu.memory_space<vmem>> -> memref<1x128xi32, #tpu.memory_space<vmem>>
      %dma_start3A_255 = tpu.memref_squeeze %dma_start3A_254 : memref<1x128xi32, #tpu.memory_space<vmem>> -> memref<128xi32, #tpu.memory_space<vmem>>
      %dma_start3A_256 = arith.constant 0 : i32
      %dma_start3A_257 = arith.constant 0 : i32
      %dma_start3A_258 = tpu.memref_slice %arg3[%dma_start3A_256, %dma_start3A_257] : memref<10240x8xf32, #tpu.memory_space<hbm>> -> memref<10240x8xf32, #tpu.memory_space<hbm>>
      tpu.enqueue_indirect_dma source(%dma_start3A_258 : memref<10240x8xf32, #tpu.memory_space<hbm>>) target(%arg16 : memref<128x8xf32, #tpu.memory_space<vmem>>) offsets(%dma_start3A_255 : memref<128xi32, #tpu.memory_space<vmem>>) semaphore(%arg24 : memref<!tpu.dma_semaphore, #tpu.memory_space<semaphore_mem>>)
      %dma_wait3A_259 = arith.constant 0 : i32
      %dma_wait3A_260 = arith.constant 0 : i32
      %dma_wait3A_261 = tpu.memref_slice %arg2[%dma_wait3A_259, %add3A_133, %dma_wait3A_260] : memref<2x2560x128xi32, #tpu.memory_space<hbm>> -> memref<2x1x128xi32, #tpu.memory_space<hbm>>
      %dma_wait3A_262 = tpu.memref_squeeze %dma_wait3A_261 : memref<2x1x128xi32, #tpu.memory_space<hbm>> -> memref<2x128xi32, #tpu.memory_space<hbm>>
      %dma_wait3A_263 = arith.constant 0 : i32
      %dma_wait3A_264 = arith.constant 0 : i32
      %dma_wait3A_265 = tpu.memref_slice %arg2[%dma_wait3A_263, %add3A_133, %dma_wait3A_264] : memref<2x2560x128xi32, #tpu.memory_space<hbm>> -> memref<2x1x128xi32, #tpu.memory_space<hbm>>
      %dma_wait3A_266 = tpu.memref_squeeze %dma_wait3A_265 : memref<2x1x128xi32, #tpu.memory_space<hbm>> -> memref<2x128xi32, #tpu.memory_space<hbm>>
      tpu.wait_dma2 semaphore(%arg25 : memref<!tpu.dma_semaphore, #tpu.memory_space<semaphore_mem>>) src(%dma_wait3A_266 : memref<2x128xi32, #tpu.memory_space<hbm>>) dst(%arg9 : memref<2x128xi32, #tpu.memory_space<vmem>>)
      %dma_start3A_267 = arith.constant 0 : i32
      %dma_start3A_268 = arith.constant 0 : i32
      %dma_start3A_269 = tpu.memref_slice %arg9[%dma_start3A_267, %dma_start3A_268] : memref<2x128xi32, #tpu.memory_space<vmem>> -> memref<1x128xi32, #tpu.memory_space<vmem>>
      %dma_start3A_270 = tpu.memref_squeeze %dma_start3A_269 : memref<1x128xi32, #tpu.memory_space<vmem>> -> memref<128xi32, #tpu.memory_space<vmem>>
      %dma_start3A_271 = arith.constant 0 : i32
      %dma_start3A_272 = arith.constant 0 : i32
      %dma_start3A_273 = tpu.memref_slice %arg3[%dma_start3A_271, %dma_start3A_272] : memref<10240x8xf32, #tpu.memory_space<hbm>> -> memref<10240x8xf32, #tpu.memory_space<hbm>>
      tpu.enqueue_indirect_dma source(%dma_start3A_273 : memref<10240x8xf32, #tpu.memory_space<hbm>>) target(%arg17 : memref<128x8xf32, #tpu.memory_space<vmem>>) offsets(%dma_start3A_270 : memref<128xi32, #tpu.memory_space<vmem>>) semaphore(%arg25 : memref<!tpu.dma_semaphore, #tpu.memory_space<semaphore_mem>>)
      %dma_wait3A_274 = arith.constant 0 : i32
      %dma_wait3A_275 = arith.constant 0 : i32
      %dma_wait3A_276 = tpu.memref_slice %arg2[%dma_wait3A_274, %add3A_151, %dma_wait3A_275] : memref<2x2560x128xi32, #tpu.memory_space<hbm>> -> memref<2x1x128xi32, #tpu.memory_space<hbm>>
      %dma_wait3A_277 = tpu.memref_squeeze %dma_wait3A_276 : memref<2x1x128xi32, #tpu.memory_space<hbm>> -> memref<2x128xi32, #tpu.memory_space<hbm>>
      %dma_wait3A_278 = arith.constant 0 : i32
      %dma_wait3A_279 = arith.constant 0 : i32
      %dma_wait3A_280 = tpu.memref_slice %arg2[%dma_wait3A_278, %add3A_151, %dma_wait3A_279] : memref<2x2560x128xi32, #tpu.memory_space<hbm>> -> memref<2x1x128xi32, #tpu.memory_space<hbm>>
      %dma_wait3A_281 = tpu.memref_squeeze %dma_wait3A_280 : memref<2x1x128xi32, #tpu.memory_space<hbm>> -> memref<2x128xi32, #tpu.memory_space<hbm>>
      tpu.wait_dma2 semaphore(%arg26 : memref<!tpu.dma_semaphore, #tpu.memory_space<semaphore_mem>>) src(%dma_wait3A_281 : memref<2x128xi32, #tpu.memory_space<hbm>>) dst(%arg10 : memref<2x128xi32, #tpu.memory_space<vmem>>)
      %dma_start3A_282 = arith.constant 0 : i32
      %dma_start3A_283 = arith.constant 0 : i32
      %dma_start3A_284 = tpu.memref_slice %arg10[%dma_start3A_282, %dma_start3A_283] : memref<2x128xi32, #tpu.memory_space<vmem>> -> memref<1x128xi32, #tpu.memory_space<vmem>>
      %dma_start3A_285 = tpu.memref_squeeze %dma_start3A_284 : memref<1x128xi32, #tpu.memory_space<vmem>> -> memref<128xi32, #tpu.memory_space<vmem>>
      %dma_start3A_286 = arith.constant 0 : i32
      %dma_start3A_287 = arith.constant 0 : i32
      %dma_start3A_288 = tpu.memref_slice %arg3[%dma_start3A_286, %dma_start3A_287] : memref<10240x8xf32, #tpu.memory_space<hbm>> -> memref<10240x8xf32, #tpu.memory_space<hbm>>
      tpu.enqueue_indirect_dma source(%dma_start3A_288 : memref<10240x8xf32, #tpu.memory_space<hbm>>) target(%arg18 : memref<128x8xf32, #tpu.memory_space<vmem>>) offsets(%dma_start3A_285 : memref<128xi32, #tpu.memory_space<vmem>>) semaphore(%arg26 : memref<!tpu.dma_semaphore, #tpu.memory_space<semaphore_mem>>)
      %dma_wait3A_289 = arith.constant 0 : i32
      %dma_wait3A_290 = arith.constant 0 : i32
      %dma_wait3A_291 = tpu.memref_slice %arg2[%dma_wait3A_289, %add3A_169, %dma_wait3A_290] : memref<2x2560x128xi32, #tpu.memory_space<hbm>> -> memref<2x1x128xi32, #tpu.memory_space<hbm>>
      %dma_wait3A_292 = tpu.memref_squeeze %dma_wait3A_291 : memref<2x1x128xi32, #tpu.memory_space<hbm>> -> memref<2x128xi32, #tpu.memory_space<hbm>>
      %dma_wait3A_293 = arith.constant 0 : i32
      %dma_wait3A_294 = arith.constant 0 : i32
      %dma_wait3A_295 = tpu.memref_slice %arg2[%dma_wait3A_293, %add3A_169, %dma_wait3A_294] : memref<2x2560x128xi32, #tpu.memory_space<hbm>> -> memref<2x1x128xi32, #tpu.memory_space<hbm>>
      %dma_wait3A_296 = tpu.memref_squeeze %dma_wait3A_295 : memref<2x1x128xi32, #tpu.memory_space<hbm>> -> memref<2x128xi32, #tpu.memory_space<hbm>>
      tpu.wait_dma2 semaphore(%arg27 : memref<!tpu.dma_semaphore, #tpu.memory_space<semaphore_mem>>) src(%dma_wait3A_296 : memref<2x128xi32, #tpu.memory_space<hbm>>) dst(%arg11 : memref<2x128xi32, #tpu.memory_space<vmem>>)
      %dma_start3A_297 = arith.constant 0 : i32
      %dma_start3A_298 = arith.constant 0 : i32
      %dma_start3A_299 = tpu.memref_slice %arg11[%dma_start3A_297, %dma_start3A_298] : memref<2x128xi32, #tpu.memory_space<vmem>> -> memref<1x128xi32, #tpu.memory_space<vmem>>
      %dma_start3A_300 = tpu.memref_squeeze %dma_start3A_299 : memref<1x128xi32, #tpu.memory_space<vmem>> -> memref<128xi32, #tpu.memory_space<vmem>>
      %dma_start3A_301 = arith.constant 0 : i32
      %dma_start3A_302 = arith.constant 0 : i32
      %dma_start3A_303 = tpu.memref_slice %arg3[%dma_start3A_301, %dma_start3A_302] : memref<10240x8xf32, #tpu.memory_space<hbm>> -> memref<10240x8xf32, #tpu.memory_space<hbm>>
      tpu.enqueue_indirect_dma source(%dma_start3A_303 : memref<10240x8xf32, #tpu.memory_space<hbm>>) target(%arg19 : memref<128x8xf32, #tpu.memory_space<vmem>>) offsets(%dma_start3A_300 : memref<128xi32, #tpu.memory_space<vmem>>) semaphore(%arg27 : memref<!tpu.dma_semaphore, #tpu.memory_space<semaphore_mem>>)
      %dma_wait3A_304 = arith.constant 0 : i32
      %dma_wait3A_305 = arith.constant 0 : i32
      %dma_wait3A_306 = tpu.memref_slice %arg2[%dma_wait3A_304, %add3A_187, %dma_wait3A_305] : memref<2x2560x128xi32, #tpu.memory_space<hbm>> -> memref<2x1x128xi32, #tpu.memory_space<hbm>>
      %dma_wait3A_307 = tpu.memref_squeeze %dma_wait3A_306 : memref<2x1x128xi32, #tpu.memory_space<hbm>> -> memref<2x128xi32, #tpu.memory_space<hbm>>
      %dma_wait3A_308 = arith.constant 0 : i32
      %dma_wait3A_309 = arith.constant 0 : i32
      %dma_wait3A_310 = tpu.memref_slice %arg2[%dma_wait3A_308, %add3A_187, %dma_wait3A_309] : memref<2x2560x128xi32, #tpu.memory_space<hbm>> -> memref<2x1x128xi32, #tpu.memory_space<hbm>>
      %dma_wait3A_311 = tpu.memref_squeeze %dma_wait3A_310 : memref<2x1x128xi32, #tpu.memory_space<hbm>> -> memref<2x128xi32, #tpu.memory_space<hbm>>
      tpu.wait_dma2 semaphore(%arg28 : memref<!tpu.dma_semaphore, #tpu.memory_space<semaphore_mem>>) src(%dma_wait3A_311 : memref<2x128xi32, #tpu.memory_space<hbm>>) dst(%arg12 : memref<2x128xi32, #tpu.memory_space<vmem>>)
      %dma_start3A_312 = arith.constant 0 : i32
      %dma_start3A_313 = arith.constant 0 : i32
      %dma_start3A_314 = tpu.memref_slice %arg12[%dma_start3A_312, %dma_start3A_313] : memref<2x128xi32, #tpu.memory_space<vmem>> -> memref<1x128xi32, #tpu.memory_space<vmem>>
      %dma_start3A_315 = tpu.memref_squeeze %dma_start3A_314 : memref<1x128xi32, #tpu.memory_space<vmem>> -> memref<128xi32, #tpu.memory_space<vmem>>
      %dma_start3A_316 = arith.constant 0 : i32
      %dma_start3A_317 = arith.constant 0 : i32
      %dma_start3A_318 = tpu.memref_slice %arg3[%dma_start3A_316, %dma_start3A_317] : memref<10240x8xf32, #tpu.memory_space<hbm>> -> memref<10240x8xf32, #tpu.memory_space<hbm>>
      tpu.enqueue_indirect_dma source(%dma_start3A_318 : memref<10240x8xf32, #tpu.memory_space<hbm>>) target(%arg20 : memref<128x8xf32, #tpu.memory_space<vmem>>) offsets(%dma_start3A_315 : memref<128xi32, #tpu.memory_space<vmem>>) semaphore(%arg28 : memref<!tpu.dma_semaphore, #tpu.memory_space<semaphore_mem>>)
      %dma_wait3A_319 = arith.constant 0 : i32
      %dma_wait3A_320 = arith.constant 0 : i32
      %dma_wait3A_321 = tpu.memref_slice %arg2[%dma_wait3A_319, %add3A_205, %dma_wait3A_320] : memref<2x2560x128xi32, #tpu.memory_space<hbm>> -> memref<2x1x128xi32, #tpu.memory_space<hbm>>
      %dma_wait3A_322 = tpu.memref_squeeze %dma_wait3A_321 : memref<2x1x128xi32, #tpu.memory_space<hbm>> -> memref<2x128xi32, #tpu.memory_space<hbm>>
      %dma_wait3A_323 = arith.constant 0 : i32
      %dma_wait3A_324 = arith.constant 0 : i32
      %dma_wait3A_325 = tpu.memref_slice %arg2[%dma_wait3A_323, %add3A_205, %dma_wait3A_324] : memref<2x2560x128xi32, #tpu.memory_space<hbm>> -> memref<2x1x128xi32, #tpu.memory_space<hbm>>
      %dma_wait3A_326 = tpu.memref_squeeze %dma_wait3A_325 : memref<2x1x128xi32, #tpu.memory_space<hbm>> -> memref<2x128xi32, #tpu.memory_space<hbm>>
      tpu.wait_dma2 semaphore(%arg29 : memref<!tpu.dma_semaphore, #tpu.memory_space<semaphore_mem>>) src(%dma_wait3A_326 : memref<2x128xi32, #tpu.memory_space<hbm>>) dst(%arg13 : memref<2x128xi32, #tpu.memory_space<vmem>>)
      %dma_start3A_327 = arith.constant 0 : i32
      %dma_start3A_328 = arith.constant 0 : i32
      %dma_start3A_329 = tpu.memref_slice %arg13[%dma_start3A_327, %dma_start3A_328] : memref<2x128xi32, #tpu.memory_space<vmem>> -> memref<1x128xi32, #tpu.memory_space<vmem>>
      %dma_start3A_330 = tpu.memref_squeeze %dma_start3A_329 : memref<1x128xi32, #tpu.memory_space<vmem>> -> memref<128xi32, #tpu.memory_space<vmem>>
      %dma_start3A_331 = arith.constant 0 : i32
      %dma_start3A_332 = arith.constant 0 : i32
      %dma_start3A_333 = tpu.memref_slice %arg3[%dma_start3A_331, %dma_start3A_332] : memref<10240x8xf32, #tpu.memory_space<hbm>> -> memref<10240x8xf32, #tpu.memory_space<hbm>>
      tpu.enqueue_indirect_dma source(%dma_start3A_333 : memref<10240x8xf32, #tpu.memory_space<hbm>>) target(%arg21 : memref<128x8xf32, #tpu.memory_space<vmem>>) offsets(%dma_start3A_330 : memref<128xi32, #tpu.memory_space<vmem>>) semaphore(%arg29 : memref<!tpu.dma_semaphore, #tpu.memory_space<semaphore_mem>>)
      %dma_wait3A_334 = arith.constant 0 : i32
      %dma_wait3A_335 = arith.constant 0 : i32
      %dma_wait3A_336 = tpu.memref_slice %arg6[%dma_wait3A_334, %dma_wait3A_335] : memref<2x128xi32, #tpu.memory_space<vmem>> -> memref<1x128xi32, #tpu.memory_space<vmem>>
      %dma_wait3A_337 = tpu.memref_squeeze %dma_wait3A_336 : memref<1x128xi32, #tpu.memory_space<vmem>> -> memref<128xi32, #tpu.memory_space<vmem>>
      %dma_wait3A_338 = arith.constant 0 : i32
      %dma_wait3A_339 = arith.constant 0 : i32
      %dma_wait3A_340 = tpu.memref_slice %arg3[%dma_wait3A_338, %dma_wait3A_339] : memref<10240x8xf32, #tpu.memory_space<hbm>> -> memref<10240x8xf32, #tpu.memory_space<hbm>>
      tpu.wait_indirect_dma semaphore(%arg22 : memref<!tpu.dma_semaphore, #tpu.memory_space<semaphore_mem>>) src(%dma_wait3A_340 : memref<10240x8xf32, #tpu.memory_space<hbm>>) dst(%arg14 : memref<128x8xf32, #tpu.memory_space<vmem>>)
      %dma_start3A_341 = arith.constant 1 : i32
      %dma_start3A_342 = arith.constant 0 : i32
      %dma_start3A_343 = tpu.memref_slice %arg6[%dma_start3A_341, %dma_start3A_342] : memref<2x128xi32, #tpu.memory_space<vmem>> -> memref<1x128xi32, #tpu.memory_space<vmem>>
      %dma_start3A_344 = tpu.memref_squeeze %dma_start3A_343 : memref<1x128xi32, #tpu.memory_space<vmem>> -> memref<128xi32, #tpu.memory_space<vmem>>
      %dma_start3A_345 = arith.constant 0 : i32
      %dma_start3A_346 = arith.constant 0 : i32
      %dma_start3A_347 = tpu.memref_slice %arg38[%dma_start3A_345, %dma_start3A_346] : memref<10240x8xf32, #tpu.memory_space<vmem_shared>> -> memref<10240x8xf32, #tpu.memory_space<vmem_shared>>
      tpu.enqueue_indirect_dma source(%arg14 : memref<128x8xf32, #tpu.memory_space<vmem>>) target(%dma_start3A_347 : memref<10240x8xf32, #tpu.memory_space<vmem_shared>>) offsets(%dma_start3A_344 : memref<128xi32, #tpu.memory_space<vmem>>) semaphore(%arg30 : memref<!tpu.dma_semaphore, #tpu.memory_space<semaphore_mem>>) {add = true}
      %dma_wait3A_348 = arith.constant 0 : i32
      %dma_wait3A_349 = arith.constant 0 : i32
      %dma_wait3A_350 = tpu.memref_slice %arg7[%dma_wait3A_348, %dma_wait3A_349] : memref<2x128xi32, #tpu.memory_space<vmem>> -> memref<1x128xi32, #tpu.memory_space<vmem>>
      %dma_wait3A_351 = tpu.memref_squeeze %dma_wait3A_350 : memref<1x128xi32, #tpu.memory_space<vmem>> -> memref<128xi32, #tpu.memory_space<vmem>>
      %dma_wait3A_352 = arith.constant 0 : i32
      %dma_wait3A_353 = arith.constant 0 : i32
      %dma_wait3A_354 = tpu.memref_slice %arg3[%dma_wait3A_352, %dma_wait3A_353] : memref<10240x8xf32, #tpu.memory_space<hbm>> -> memref<10240x8xf32, #tpu.memory_space<hbm>>
      tpu.wait_indirect_dma semaphore(%arg23 : memref<!tpu.dma_semaphore, #tpu.memory_space<semaphore_mem>>) src(%dma_wait3A_354 : memref<10240x8xf32, #tpu.memory_space<hbm>>) dst(%arg15 : memref<128x8xf32, #tpu.memory_space<vmem>>)
      %dma_start3A_355 = arith.constant 1 : i32
      %dma_start3A_356 = arith.constant 0 : i32
      %dma_start3A_357 = tpu.memref_slice %arg7[%dma_start3A_355, %dma_start3A_356] : memref<2x128xi32, #tpu.memory_space<vmem>> -> memref<1x128xi32, #tpu.memory_space<vmem>>
      %dma_start3A_358 = tpu.memref_squeeze %dma_start3A_357 : memref<1x128xi32, #tpu.memory_space<vmem>> -> memref<128xi32, #tpu.memory_space<vmem>>
      %dma_start3A_359 = arith.constant 0 : i32
      %dma_start3A_360 = arith.constant 0 : i32
      %dma_start3A_361 = tpu.memref_slice %arg38[%dma_start3A_359, %dma_start3A_360] : memref<10240x8xf32, #tpu.memory_space<vmem_shared>> -> memref<10240x8xf32, #tpu.memory_space<vmem_shared>>
      tpu.enqueue_indirect_dma source(%arg15 : memref<128x8xf32, #tpu.memory_space<vmem>>) target(%dma_start3A_361 : memref<10240x8xf32, #tpu.memory_space<vmem_shared>>) offsets(%dma_start3A_358 : memref<128xi32, #tpu.memory_space<vmem>>) semaphore(%arg31 : memref<!tpu.dma_semaphore, #tpu.memory_space<semaphore_mem>>) {add = true}
      %dma_wait3A_362 = arith.constant 0 : i32
      %dma_wait3A_363 = arith.constant 0 : i32
      %dma_wait3A_364 = tpu.memref_slice %arg8[%dma_wait3A_362, %dma_wait3A_363] : memref<2x128xi32, #tpu.memory_space<vmem>> -> memref<1x128xi32, #tpu.memory_space<vmem>>
      %dma_wait3A_365 = tpu.memref_squeeze %dma_wait3A_364 : memref<1x128xi32, #tpu.memory_space<vmem>> -> memref<128xi32, #tpu.memory_space<vmem>>
      %dma_wait3A_366 = arith.constant 0 : i32
      %dma_wait3A_367 = arith.constant 0 : i32
      %dma_wait3A_368 = tpu.memref_slice %arg3[%dma_wait3A_366, %dma_wait3A_367] : memref<10240x8xf32, #tpu.memory_space<hbm>> -> memref<10240x8xf32, #tpu.memory_space<hbm>>
      tpu.wait_indirect_dma semaphore(%arg24 : memref<!tpu.dma_semaphore, #tpu.memory_space<semaphore_mem>>) src(%dma_wait3A_368 : memref<10240x8xf32, #tpu.memory_space<hbm>>) dst(%arg16 : memref<128x8xf32, #tpu.memory_space<vmem>>)
      %dma_start3A_369 = arith.constant 1 : i32
      %dma_start3A_370 = arith.constant 0 : i32
      %dma_start3A_371 = tpu.memref_slice %arg8[%dma_start3A_369, %dma_start3A_370] : memref<2x128xi32, #tpu.memory_space<vmem>> -> memref<1x128xi32, #tpu.memory_space<vmem>>
      %dma_start3A_372 = tpu.memref_squeeze %dma_start3A_371 : memref<1x128xi32, #tpu.memory_space<vmem>> -> memref<128xi32, #tpu.memory_space<vmem>>
      %dma_start3A_373 = arith.constant 0 : i32
      %dma_start3A_374 = arith.constant 0 : i32
      %dma_start3A_375 = tpu.memref_slice %arg38[%dma_start3A_373, %dma_start3A_374] : memref<10240x8xf32, #tpu.memory_space<vmem_shared>> -> memref<10240x8xf32, #tpu.memory_space<vmem_shared>>
      tpu.enqueue_indirect_dma source(%arg16 : memref<128x8xf32, #tpu.memory_space<vmem>>) target(%dma_start3A_375 : memref<10240x8xf32, #tpu.memory_space<vmem_shared>>) offsets(%dma_start3A_372 : memref<128xi32, #tpu.memory_space<vmem>>) semaphore(%arg32 : memref<!tpu.dma_semaphore, #tpu.memory_space<semaphore_mem>>) {add = true}
      %dma_wait3A_376 = arith.constant 0 : i32
      %dma_wait3A_377 = arith.constant 0 : i32
      %dma_wait3A_378 = tpu.memref_slice %arg9[%dma_wait3A_376, %dma_wait3A_377] : memref<2x128xi32, #tpu.memory_space<vmem>> -> memref<1x128xi32, #tpu.memory_space<vmem>>
      %dma_wait3A_379 = tpu.memref_squeeze %dma_wait3A_378 : memref<1x128xi32, #tpu.memory_space<vmem>> -> memref<128xi32, #tpu.memory_space<vmem>>
      %dma_wait3A_380 = arith.constant 0 : i32
      %dma_wait3A_381 = arith.constant 0 : i32
      %dma_wait3A_382 = tpu.memref_slice %arg3[%dma_wait3A_380, %dma_wait3A_381] : memref<10240x8xf32, #tpu.memory_space<hbm>> -> memref<10240x8xf32, #tpu.memory_space<hbm>>
      tpu.wait_indirect_dma semaphore(%arg25 : memref<!tpu.dma_semaphore, #tpu.memory_space<semaphore_mem>>) src(%dma_wait3A_382 : memref<10240x8xf32, #tpu.memory_space<hbm>>) dst(%arg17 : memref<128x8xf32, #tpu.memory_space<vmem>>)
      %dma_start3A_383 = arith.constant 1 : i32
      %dma_start3A_384 = arith.constant 0 : i32
      %dma_start3A_385 = tpu.memref_slice %arg9[%dma_start3A_383, %dma_start3A_384] : memref<2x128xi32, #tpu.memory_space<vmem>> -> memref<1x128xi32, #tpu.memory_space<vmem>>
      %dma_start3A_386 = tpu.memref_squeeze %dma_start3A_385 : memref<1x128xi32, #tpu.memory_space<vmem>> -> memref<128xi32, #tpu.memory_space<vmem>>
      %dma_start3A_387 = arith.constant 0 : i32
      %dma_start3A_388 = arith.constant 0 : i32
      %dma_start3A_389 = tpu.memref_slice %arg38[%dma_start3A_387, %dma_start3A_388] : memref<10240x8xf32, #tpu.memory_space<vmem_shared>> -> memref<10240x8xf32, #tpu.memory_space<vmem_shared>>
      tpu.enqueue_indirect_dma source(%arg17 : memref<128x8xf32, #tpu.memory_space<vmem>>) target(%dma_start3A_389 : memref<10240x8xf32, #tpu.memory_space<vmem_shared>>) offsets(%dma_start3A_386 : memref<128xi32, #tpu.memory_space<vmem>>) semaphore(%arg33 : memref<!tpu.dma_semaphore, #tpu.memory_space<semaphore_mem>>) {add = true}
      %dma_wait3A_390 = arith.constant 0 : i32
      %dma_wait3A_391 = arith.constant 0 : i32
      %dma_wait3A_392 = tpu.memref_slice %arg10[%dma_wait3A_390, %dma_wait3A_391] : memref<2x128xi32, #tpu.memory_space<vmem>> -> memref<1x128xi32, #tpu.memory_space<vmem>>
      %dma_wait3A_393 = tpu.memref_squeeze %dma_wait3A_392 : memref<1x128xi32, #tpu.memory_space<vmem>> -> memref<128xi32, #tpu.memory_space<vmem>>
      %dma_wait3A_394 = arith.constant 0 : i32
      %dma_wait3A_395 = arith.constant 0 : i32
      %dma_wait3A_396 = tpu.memref_slice %arg3[%dma_wait3A_394, %dma_wait3A_395] : memref<10240x8xf32, #tpu.memory_space<hbm>> -> memref<10240x8xf32, #tpu.memory_space<hbm>>
      tpu.wait_indirect_dma semaphore(%arg26 : memref<!tpu.dma_semaphore, #tpu.memory_space<semaphore_mem>>) src(%dma_wait3A_396 : memref<10240x8xf32, #tpu.memory_space<hbm>>) dst(%arg18 : memref<128x8xf32, #tpu.memory_space<vmem>>)
      %dma_start3A_397 = arith.constant 1 : i32
      %dma_start3A_398 = arith.constant 0 : i32
      %dma_start3A_399 = tpu.memref_slice %arg10[%dma_start3A_397, %dma_start3A_398] : memref<2x128xi32, #tpu.memory_space<vmem>> -> memref<1x128xi32, #tpu.memory_space<vmem>>
      %dma_start3A_400 = tpu.memref_squeeze %dma_start3A_399 : memref<1x128xi32, #tpu.memory_space<vmem>> -> memref<128xi32, #tpu.memory_space<vmem>>
      %dma_start3A_401 = arith.constant 0 : i32
      %dma_start3A_402 = arith.constant 0 : i32
      %dma_start3A_403 = tpu.memref_slice %arg38[%dma_start3A_401, %dma_start3A_402] : memref<10240x8xf32, #tpu.memory_space<vmem_shared>> -> memref<10240x8xf32, #tpu.memory_space<vmem_shared>>
      tpu.enqueue_indirect_dma source(%arg18 : memref<128x8xf32, #tpu.memory_space<vmem>>) target(%dma_start3A_403 : memref<10240x8xf32, #tpu.memory_space<vmem_shared>>) offsets(%dma_start3A_400 : memref<128xi32, #tpu.memory_space<vmem>>) semaphore(%arg34 : memref<!tpu.dma_semaphore, #tpu.memory_space<semaphore_mem>>) {add = true}
      %dma_wait3A_404 = arith.constant 0 : i32
      %dma_wait3A_405 = arith.constant 0 : i32
      %dma_wait3A_406 = tpu.memref_slice %arg11[%dma_wait3A_404, %dma_wait3A_405] : memref<2x128xi32, #tpu.memory_space<vmem>> -> memref<1x128xi32, #tpu.memory_space<vmem>>
      %dma_wait3A_407 = tpu.memref_squeeze %dma_wait3A_406 : memref<1x128xi32, #tpu.memory_space<vmem>> -> memref<128xi32, #tpu.memory_space<vmem>>
      %dma_wait3A_408 = arith.constant 0 : i32
      %dma_wait3A_409 = arith.constant 0 : i32
      %dma_wait3A_410 = tpu.memref_slice %arg3[%dma_wait3A_408, %dma_wait3A_409] : memref<10240x8xf32, #tpu.memory_space<hbm>> -> memref<10240x8xf32, #tpu.memory_space<hbm>>
      tpu.wait_indirect_dma semaphore(%arg27 : memref<!tpu.dma_semaphore, #tpu.memory_space<semaphore_mem>>) src(%dma_wait3A_410 : memref<10240x8xf32, #tpu.memory_space<hbm>>) dst(%arg19 : memref<128x8xf32, #tpu.memory_space<vmem>>)
      %dma_start3A_411 = arith.constant 1 : i32
      %dma_start3A_412 = arith.constant 0 : i32
      %dma_start3A_413 = tpu.memref_slice %arg11[%dma_start3A_411, %dma_start3A_412] : memref<2x128xi32, #tpu.memory_space<vmem>> -> memref<1x128xi32, #tpu.memory_space<vmem>>
      %dma_start3A_414 = tpu.memref_squeeze %dma_start3A_413 : memref<1x128xi32, #tpu.memory_space<vmem>> -> memref<128xi32, #tpu.memory_space<vmem>>
      %dma_start3A_415 = arith.constant 0 : i32
      %dma_start3A_416 = arith.constant 0 : i32
      %dma_start3A_417 = tpu.memref_slice %arg38[%dma_start3A_415, %dma_start3A_416] : memref<10240x8xf32, #tpu.memory_space<vmem_shared>> -> memref<10240x8xf32, #tpu.memory_space<vmem_shared>>
      tpu.enqueue_indirect_dma source(%arg19 : memref<128x8xf32, #tpu.memory_space<vmem>>) target(%dma_start3A_417 : memref<10240x8xf32, #tpu.memory_space<vmem_shared>>) offsets(%dma_start3A_414 : memref<128xi32, #tpu.memory_space<vmem>>) semaphore(%arg35 : memref<!tpu.dma_semaphore, #tpu.memory_space<semaphore_mem>>) {add = true}
      %dma_wait3A_418 = arith.constant 0 : i32
      %dma_wait3A_419 = arith.constant 0 : i32
      %dma_wait3A_420 = tpu.memref_slice %arg12[%dma_wait3A_418, %dma_wait3A_419] : memref<2x128xi32, #tpu.memory_space<vmem>> -> memref<1x128xi32, #tpu.memory_space<vmem>>
      %dma_wait3A_421 = tpu.memref_squeeze %dma_wait3A_420 : memref<1x128xi32, #tpu.memory_space<vmem>> -> memref<128xi32, #tpu.memory_space<vmem>>
      %dma_wait3A_422 = arith.constant 0 : i32
      %dma_wait3A_423 = arith.constant 0 : i32
      %dma_wait3A_424 = tpu.memref_slice %arg3[%dma_wait3A_422, %dma_wait3A_423] : memref<10240x8xf32, #tpu.memory_space<hbm>> -> memref<10240x8xf32, #tpu.memory_space<hbm>>
      tpu.wait_indirect_dma semaphore(%arg28 : memref<!tpu.dma_semaphore, #tpu.memory_space<semaphore_mem>>) src(%dma_wait3A_424 : memref<10240x8xf32, #tpu.memory_space<hbm>>) dst(%arg20 : memref<128x8xf32, #tpu.memory_space<vmem>>)
      %dma_start3A_425 = arith.constant 1 : i32
      %dma_start3A_426 = arith.constant 0 : i32
      %dma_start3A_427 = tpu.memref_slice %arg12[%dma_start3A_425, %dma_start3A_426] : memref<2x128xi32, #tpu.memory_space<vmem>> -> memref<1x128xi32, #tpu.memory_space<vmem>>
      %dma_start3A_428 = tpu.memref_squeeze %dma_start3A_427 : memref<1x128xi32, #tpu.memory_space<vmem>> -> memref<128xi32, #tpu.memory_space<vmem>>
      %dma_start3A_429 = arith.constant 0 : i32
      %dma_start3A_430 = arith.constant 0 : i32
      %dma_start3A_431 = tpu.memref_slice %arg38[%dma_start3A_429, %dma_start3A_430] : memref<10240x8xf32, #tpu.memory_space<vmem_shared>> -> memref<10240x8xf32, #tpu.memory_space<vmem_shared>>
      tpu.enqueue_indirect_dma source(%arg20 : memref<128x8xf32, #tpu.memory_space<vmem>>) target(%dma_start3A_431 : memref<10240x8xf32, #tpu.memory_space<vmem_shared>>) offsets(%dma_start3A_428 : memref<128xi32, #tpu.memory_space<vmem>>) semaphore(%arg36 : memref<!tpu.dma_semaphore, #tpu.memory_space<semaphore_mem>>) {add = true}
      %dma_wait3A_432 = arith.constant 0 : i32
      %dma_wait3A_433 = arith.constant 0 : i32
      %dma_wait3A_434 = tpu.memref_slice %arg13[%dma_wait3A_432, %dma_wait3A_433] : memref<2x128xi32, #tpu.memory_space<vmem>> -> memref<1x128xi32, #tpu.memory_space<vmem>>
      %dma_wait3A_435 = tpu.memref_squeeze %dma_wait3A_434 : memref<1x128xi32, #tpu.memory_space<vmem>> -> memref<128xi32, #tpu.memory_space<vmem>>
      %dma_wait3A_436 = arith.constant 0 : i32
      %dma_wait3A_437 = arith.constant 0 : i32
      %dma_wait3A_438 = tpu.memref_slice %arg3[%dma_wait3A_436, %dma_wait3A_437] : memref<10240x8xf32, #tpu.memory_space<hbm>> -> memref<10240x8xf32, #tpu.memory_space<hbm>>
      tpu.wait_indirect_dma semaphore(%arg29 : memref<!tpu.dma_semaphore, #tpu.memory_space<semaphore_mem>>) src(%dma_wait3A_438 : memref<10240x8xf32, #tpu.memory_space<hbm>>) dst(%arg21 : memref<128x8xf32, #tpu.memory_space<vmem>>)
      %dma_start3A_439 = arith.constant 1 : i32
      %dma_start3A_440 = arith.constant 0 : i32
      %dma_start3A_441 = tpu.memref_slice %arg13[%dma_start3A_439, %dma_start3A_440] : memref<2x128xi32, #tpu.memory_space<vmem>> -> memref<1x128xi32, #tpu.memory_space<vmem>>
      %dma_start3A_442 = tpu.memref_squeeze %dma_start3A_441 : memref<1x128xi32, #tpu.memory_space<vmem>> -> memref<128xi32, #tpu.memory_space<vmem>>
      %dma_start3A_443 = arith.constant 0 : i32
      %dma_start3A_444 = arith.constant 0 : i32
      %dma_start3A_445 = tpu.memref_slice %arg38[%dma_start3A_443, %dma_start3A_444] : memref<10240x8xf32, #tpu.memory_space<vmem_shared>> -> memref<10240x8xf32, #tpu.memory_space<vmem_shared>>
      tpu.enqueue_indirect_dma source(%arg21 : memref<128x8xf32, #tpu.memory_space<vmem>>) target(%dma_start3A_445 : memref<10240x8xf32, #tpu.memory_space<vmem_shared>>) offsets(%dma_start3A_442 : memref<128xi32, #tpu.memory_space<vmem>>) semaphore(%arg37 : memref<!tpu.dma_semaphore, #tpu.memory_space<semaphore_mem>>) {add = true}
    }
    %scan3A_8 = arith.constant 10 : i32
    %dma_wait3A = arith.constant 1 : i32
    %dma_wait3A_9 = arith.constant 0 : i32
    %dma_wait3A_10 = tpu.memref_slice %arg6[%dma_wait3A, %dma_wait3A_9] : memref<2x128xi32, #tpu.memory_space<vmem>> -> memref<1x128xi32, #tpu.memory_space<vmem>>
    %dma_wait3A_11 = tpu.memref_squeeze %dma_wait3A_10 : memref<1x128xi32, #tpu.memory_space<vmem>> -> memref<128xi32, #tpu.memory_space<vmem>>
    %dma_wait3A_12 = arith.constant 0 : i32
    %dma_wait3A_13 = arith.constant 0 : i32
    %dma_wait3A_14 = tpu.memref_slice %arg38[%dma_wait3A_12, %dma_wait3A_13] : memref<10240x8xf32, #tpu.memory_space<vmem_shared>> -> memref<10240x8xf32, #tpu.memory_space<vmem_shared>>
    tpu.wait_indirect_dma semaphore(%arg30 : memref<!tpu.dma_semaphore, #tpu.memory_space<semaphore_mem>>) src(%arg14 : memref<128x8xf32, #tpu.memory_space<vmem>>) dst(%dma_wait3A_14 : memref<10240x8xf32, #tpu.memory_space<vmem_shared>>)
    %dma_wait3A_15 = arith.constant 1 : i32
    %dma_wait3A_16 = arith.constant 0 : i32
    %dma_wait3A_17 = tpu.memref_slice %arg7[%dma_wait3A_15, %dma_wait3A_16] : memref<2x128xi32, #tpu.memory_space<vmem>> -> memref<1x128xi32, #tpu.memory_space<vmem>>
    %dma_wait3A_18 = tpu.memref_squeeze %dma_wait3A_17 : memref<1x128xi32, #tpu.memory_space<vmem>> -> memref<128xi32, #tpu.memory_space<vmem>>
    %dma_wait3A_19 = arith.constant 0 : i32
    %dma_wait3A_20 = arith.constant 0 : i32
    %dma_wait3A_21 = tpu.memref_slice %arg38[%dma_wait3A_19, %dma_wait3A_20] : memref<10240x8xf32, #tpu.memory_space<vmem_shared>> -> memref<10240x8xf32, #tpu.memory_space<vmem_shared>>
    tpu.wait_indirect_dma semaphore(%arg31 : memref<!tpu.dma_semaphore, #tpu.memory_space<semaphore_mem>>) src(%arg15 : memref<128x8xf32, #tpu.memory_space<vmem>>) dst(%dma_wait3A_21 : memref<10240x8xf32, #tpu.memory_space<vmem_shared>>)
    %dma_wait3A_22 = arith.constant 1 : i32
    %dma_wait3A_23 = arith.constant 0 : i32
    %dma_wait3A_24 = tpu.memref_slice %arg8[%dma_wait3A_22, %dma_wait3A_23] : memref<2x128xi32, #tpu.memory_space<vmem>> -> memref<1x128xi32, #tpu.memory_space<vmem>>
    %dma_wait3A_25 = tpu.memref_squeeze %dma_wait3A_24 : memref<1x128xi32, #tpu.memory_space<vmem>> -> memref<128xi32, #tpu.memory_space<vmem>>
    %dma_wait3A_26 = arith.constant 0 : i32
    %dma_wait3A_27 = arith.constant 0 : i32
    %dma_wait3A_28 = tpu.memref_slice %arg38[%dma_wait3A_26, %dma_wait3A_27] : memref<10240x8xf32, #tpu.memory_space<vmem_shared>> -> memref<10240x8xf32, #tpu.memory_space<vmem_shared>>
    tpu.wait_indirect_dma semaphore(%arg32 : memref<!tpu.dma_semaphore, #tpu.memory_space<semaphore_mem>>) src(%arg16 : memref<128x8xf32, #tpu.memory_space<vmem>>) dst(%dma_wait3A_28 : memref<10240x8xf32, #tpu.memory_space<vmem_shared>>)
    %dma_wait3A_29 = arith.constant 1 : i32
    %dma_wait3A_30 = arith.constant 0 : i32
    %dma_wait3A_31 = tpu.memref_slice %arg9[%dma_wait3A_29, %dma_wait3A_30] : memref<2x128xi32, #tpu.memory_space<vmem>> -> memref<1x128xi32, #tpu.memory_space<vmem>>
    %dma_wait3A_32 = tpu.memref_squeeze %dma_wait3A_31 : memref<1x128xi32, #tpu.memory_space<vmem>> -> memref<128xi32, #tpu.memory_space<vmem>>
    %dma_wait3A_33 = arith.constant 0 : i32
    %dma_wait3A_34 = arith.constant 0 : i32
    %dma_wait3A_35 = tpu.memref_slice %arg38[%dma_wait3A_33, %dma_wait3A_34] : memref<10240x8xf32, #tpu.memory_space<vmem_shared>> -> memref<10240x8xf32, #tpu.memory_space<vmem_shared>>
    tpu.wait_indirect_dma semaphore(%arg33 : memref<!tpu.dma_semaphore, #tpu.memory_space<semaphore_mem>>) src(%arg17 : memref<128x8xf32, #tpu.memory_space<vmem>>) dst(%dma_wait3A_35 : memref<10240x8xf32, #tpu.memory_space<vmem_shared>>)
    %dma_wait3A_36 = arith.constant 1 : i32
    %dma_wait3A_37 = arith.constant 0 : i32
    %dma_wait3A_38 = tpu.memref_slice %arg10[%dma_wait3A_36, %dma_wait3A_37] : memref<2x128xi32, #tpu.memory_space<vmem>> -> memref<1x128xi32, #tpu.memory_space<vmem>>
    %dma_wait3A_39 = tpu.memref_squeeze %dma_wait3A_38 : memref<1x128xi32, #tpu.memory_space<vmem>> -> memref<128xi32, #tpu.memory_space<vmem>>
    %dma_wait3A_40 = arith.constant 0 : i32
    %dma_wait3A_41 = arith.constant 0 : i32
    %dma_wait3A_42 = tpu.memref_slice %arg38[%dma_wait3A_40, %dma_wait3A_41] : memref<10240x8xf32, #tpu.memory_space<vmem_shared>> -> memref<10240x8xf32, #tpu.memory_space<vmem_shared>>
    tpu.wait_indirect_dma semaphore(%arg34 : memref<!tpu.dma_semaphore, #tpu.memory_space<semaphore_mem>>) src(%arg18 : memref<128x8xf32, #tpu.memory_space<vmem>>) dst(%dma_wait3A_42 : memref<10240x8xf32, #tpu.memory_space<vmem_shared>>)
    %dma_wait3A_43 = arith.constant 1 : i32
    %dma_wait3A_44 = arith.constant 0 : i32
    %dma_wait3A_45 = tpu.memref_slice %arg11[%dma_wait3A_43, %dma_wait3A_44] : memref<2x128xi32, #tpu.memory_space<vmem>> -> memref<1x128xi32, #tpu.memory_space<vmem>>
    %dma_wait3A_46 = tpu.memref_squeeze %dma_wait3A_45 : memref<1x128xi32, #tpu.memory_space<vmem>> -> memref<128xi32, #tpu.memory_space<vmem>>
    %dma_wait3A_47 = arith.constant 0 : i32
    %dma_wait3A_48 = arith.constant 0 : i32
    %dma_wait3A_49 = tpu.memref_slice %arg38[%dma_wait3A_47, %dma_wait3A_48] : memref<10240x8xf32, #tpu.memory_space<vmem_shared>> -> memref<10240x8xf32, #tpu.memory_space<vmem_shared>>
    tpu.wait_indirect_dma semaphore(%arg35 : memref<!tpu.dma_semaphore, #tpu.memory_space<semaphore_mem>>) src(%arg19 : memref<128x8xf32, #tpu.memory_space<vmem>>) dst(%dma_wait3A_49 : memref<10240x8xf32, #tpu.memory_space<vmem_shared>>)
    %dma_wait3A_50 = arith.constant 1 : i32
    %dma_wait3A_51 = arith.constant 0 : i32
    %dma_wait3A_52 = tpu.memref_slice %arg12[%dma_wait3A_50, %dma_wait3A_51] : memref<2x128xi32, #tpu.memory_space<vmem>> -> memref<1x128xi32, #tpu.memory_space<vmem>>
    %dma_wait3A_53 = tpu.memref_squeeze %dma_wait3A_52 : memref<1x128xi32, #tpu.memory_space<vmem>> -> memref<128xi32, #tpu.memory_space<vmem>>
    %dma_wait3A_54 = arith.constant 0 : i32
    %dma_wait3A_55 = arith.constant 0 : i32
    %dma_wait3A_56 = tpu.memref_slice %arg38[%dma_wait3A_54, %dma_wait3A_55] : memref<10240x8xf32, #tpu.memory_space<vmem_shared>> -> memref<10240x8xf32, #tpu.memory_space<vmem_shared>>
    tpu.wait_indirect_dma semaphore(%arg36 : memref<!tpu.dma_semaphore, #tpu.memory_space<semaphore_mem>>) src(%arg20 : memref<128x8xf32, #tpu.memory_space<vmem>>) dst(%dma_wait3A_56 : memref<10240x8xf32, #tpu.memory_space<vmem_shared>>)
    %dma_wait3A_57 = arith.constant 1 : i32
    %dma_wait3A_58 = arith.constant 0 : i32
    %dma_wait3A_59 = tpu.memref_slice %arg13[%dma_wait3A_57, %dma_wait3A_58] : memref<2x128xi32, #tpu.memory_space<vmem>> -> memref<1x128xi32, #tpu.memory_space<vmem>>
    %dma_wait3A_60 = tpu.memref_squeeze %dma_wait3A_59 : memref<1x128xi32, #tpu.memory_space<vmem>> -> memref<128xi32, #tpu.memory_space<vmem>>
    %dma_wait3A_61 = arith.constant 0 : i32
    %dma_wait3A_62 = arith.constant 0 : i32
    %dma_wait3A_63 = tpu.memref_slice %arg38[%dma_wait3A_61, %dma_wait3A_62] : memref<10240x8xf32, #tpu.memory_space<vmem_shared>> -> memref<10240x8xf32, #tpu.memory_space<vmem_shared>>
    tpu.wait_indirect_dma semaphore(%arg37 : memref<!tpu.dma_semaphore, #tpu.memory_space<semaphore_mem>>) src(%arg21 : memref<128x8xf32, #tpu.memory_space<vmem>>) dst(%dma_wait3A_63 : memref<10240x8xf32, #tpu.memory_space<vmem_shared>>)
    %barrier3A_64 = arith.constant 0 : index
    tpu.barrier barrier_id(%barrier3A_64)
    %mul3A_65 = arith.constant 640 : i32
    %mul3A_66 = arith.muli %arg1, %mul3A_65 : i32
    %mul3A_67 = arith.constant 640 : i32
    %mul3A_68 = arith.muli %arg1, %mul3A_67 : i32
    "tpu.region"() ({
      %run_scoped3A = tpu.sem_alloc : memref<!tpu.dma_semaphore, #tpu.memory_space<semaphore_mem>>
      %dma_start3A = arith.constant 0 : i32
      %dma_start3A_69 = tpu.memref_slice %arg5[%arg0, %mul3A_68, %dma_start3A] : memref<2x10240x8xf32, #tpu.memory_space<hbm>> -> memref<1x640x8xf32, #tpu.memory_space<hbm>>
      %dma_start3A_70 = tpu.memref_squeeze %dma_start3A_69 : memref<1x640x8xf32, #tpu.memory_space<hbm>> -> memref<640x8xf32, #tpu.memory_space<hbm>>
      %dma_start3A_71 = arith.constant 0 : i32
      %dma_start3A_72 = tpu.memref_slice %arg38[%mul3A_66, %dma_start3A_71] : memref<10240x8xf32, #tpu.memory_space<vmem_shared>> -> memref<640x8xf32, #tpu.memory_space<vmem_shared>>
      tpu.enqueue_dma source(%dma_start3A_72 : memref<640x8xf32, #tpu.memory_space<vmem_shared>>) target(%dma_start3A_70 : memref<640x8xf32, #tpu.memory_space<hbm>>) target_semaphore(%run_scoped3A : memref<!tpu.dma_semaphore, #tpu.memory_space<semaphore_mem>>)
      %dma_wait3A_73 = arith.constant 0 : i32
      %dma_wait3A_74 = tpu.memref_slice %arg5[%arg0, %mul3A_68, %dma_wait3A_73] : memref<2x10240x8xf32, #tpu.memory_space<hbm>> -> memref<1x640x8xf32, #tpu.memory_space<hbm>>
      %dma_wait3A_75 = tpu.memref_squeeze %dma_wait3A_74 : memref<1x640x8xf32, #tpu.memory_space<hbm>> -> memref<640x8xf32, #tpu.memory_space<hbm>>
      %dma_wait3A_76 = arith.constant 0 : i32
      %dma_wait3A_77 = tpu.memref_slice %arg38[%mul3A_66, %dma_wait3A_76] : memref<10240x8xf32, #tpu.memory_space<vmem_shared>> -> memref<640x8xf32, #tpu.memory_space<vmem_shared>>
      tpu.wait_dma2 semaphore(%run_scoped3A : memref<!tpu.dma_semaphore, #tpu.memory_space<semaphore_mem>>) src(%dma_wait3A_77 : memref<640x8xf32, #tpu.memory_space<vmem_shared>>) dst(%dma_wait3A_75 : memref<640x8xf32, #tpu.memory_space<hbm>>)
      tpu.yield
    }) : () -> ()
    return
  }
}

#map = affine_map<(d0, d1) -> (0, 0, 0)>
#map1 = affine_map<(d0, d1) -> (0, 0)>
module attributes {stable_mosaic.version = 14 : i64} {
  func.func @deg(%arg0: i32, %arg1: i32, %arg2: memref<2x2560x128xi32, #tpu.memory_space<hbm>>, %arg3: memref<128x8xf32, #tpu.memory_space<hbm>>, %arg4: memref<10240x8xf32, #tpu.memory_space<hbm>>, %arg5: memref<2x10240x8xf32, #tpu.memory_space<hbm>>, %arg6: memref<128xi32, #tpu.memory_space<vmem>>, %arg7: memref<128xi32, #tpu.memory_space<vmem>>, %arg8: memref<128xi32, #tpu.memory_space<vmem>>, %arg9: memref<128xi32, #tpu.memory_space<vmem>>, %arg10: memref<128xi32, #tpu.memory_space<vmem>>, %arg11: memref<128xi32, #tpu.memory_space<vmem>>, %arg12: memref<128xi32, #tpu.memory_space<vmem>>, %arg13: memref<128xi32, #tpu.memory_space<vmem>>, %arg14: memref<!tpu.dma_semaphore, #tpu.memory_space<semaphore_mem>>, %arg15: memref<!tpu.dma_semaphore, #tpu.memory_space<semaphore_mem>>, %arg16: memref<!tpu.dma_semaphore, #tpu.memory_space<semaphore_mem>>, %arg17: memref<!tpu.dma_semaphore, #tpu.memory_space<semaphore_mem>>, %arg18: memref<!tpu.dma_semaphore, #tpu.memory_space<semaphore_mem>>, %arg19: memref<!tpu.dma_semaphore, #tpu.memory_space<semaphore_mem>>, %arg20: memref<!tpu.dma_semaphore, #tpu.memory_space<semaphore_mem>>, %arg21: memref<!tpu.dma_semaphore, #tpu.memory_space<semaphore_mem>>, %arg22: memref<128x8xf32, #tpu.memory_space<vmem>>, %arg23: memref<10240x8xf32, #tpu.memory_space<vmem_shared>>) attributes {dimension_semantics = [#tpu.dimension_semantics<core_parallel>, #tpu.dimension_semantics<subcore_parallel>], iteration_bounds = array<i64: 2, 16>, scalar_prefetch = 0 : i64, scratch_operands = 18 : i64, tpu.core_type = #tpu.core_type<sc_vector_subcore>, window_params = [{transform_indices = #map}, {transform_indices = #map1}, {transform_indices = #map1}, {transform_indices = #map}]} {
    %mul3A = arith.constant 16 : i32
    %mul3A_0 = arith.muli %arg0, %mul3A : i32
    %add3A = arith.addi %mul3A_0, %arg1 : i32
    "tpu.region"() ({
      %run_scoped3A = tpu.sem_alloc : memref<!tpu.dma_semaphore, #tpu.memory_space<semaphore_mem>>
      tpu.enqueue_dma source(%arg3 : memref<128x8xf32, #tpu.memory_space<hbm>>) target(%arg22 : memref<128x8xf32, #tpu.memory_space<vmem>>) target_semaphore(%run_scoped3A : memref<!tpu.dma_semaphore, #tpu.memory_space<semaphore_mem>>)
      tpu.wait_dma2 semaphore(%run_scoped3A : memref<!tpu.dma_semaphore, #tpu.memory_space<semaphore_mem>>) src(%arg3 : memref<128x8xf32, #tpu.memory_space<hbm>>) dst(%arg22 : memref<128x8xf32, #tpu.memory_space<vmem>>)
      tpu.yield
    }) : () -> ()
    %mul3A_1 = arith.constant 640 : i32
    %mul3A_2 = arith.muli %arg1, %mul3A_1 : i32
    %mul3A_3 = arith.constant 640 : i32
    %mul3A_4 = arith.muli %arg1, %mul3A_3 : i32
    "tpu.region"() ({
      %run_scoped3A = tpu.sem_alloc : memref<!tpu.dma_semaphore, #tpu.memory_space<semaphore_mem>>
      %dma_start3A = arith.constant 0 : i32
      %dma_start3A_37 = tpu.memref_slice %arg23[%mul3A_4, %dma_start3A] : memref<10240x8xf32, #tpu.memory_space<vmem_shared>> -> memref<640x8xf32, #tpu.memory_space<vmem_shared>>
      %dma_start3A_38 = arith.constant 0 : i32
      %dma_start3A_39 = tpu.memref_slice %arg4[%mul3A_2, %dma_start3A_38] : memref<10240x8xf32, #tpu.memory_space<hbm>> -> memref<640x8xf32, #tpu.memory_space<hbm>>
      tpu.enqueue_dma source(%dma_start3A_39 : memref<640x8xf32, #tpu.memory_space<hbm>>) target(%dma_start3A_37 : memref<640x8xf32, #tpu.memory_space<vmem_shared>>) target_semaphore(%run_scoped3A : memref<!tpu.dma_semaphore, #tpu.memory_space<semaphore_mem>>)
      %dma_wait3A_40 = arith.constant 0 : i32
      %dma_wait3A_41 = tpu.memref_slice %arg23[%mul3A_4, %dma_wait3A_40] : memref<10240x8xf32, #tpu.memory_space<vmem_shared>> -> memref<640x8xf32, #tpu.memory_space<vmem_shared>>
      %dma_wait3A_42 = arith.constant 0 : i32
      %dma_wait3A_43 = tpu.memref_slice %arg4[%mul3A_2, %dma_wait3A_42] : memref<10240x8xf32, #tpu.memory_space<hbm>> -> memref<640x8xf32, #tpu.memory_space<hbm>>
      tpu.wait_dma2 semaphore(%run_scoped3A : memref<!tpu.dma_semaphore, #tpu.memory_space<semaphore_mem>>) src(%dma_wait3A_43 : memref<640x8xf32, #tpu.memory_space<hbm>>) dst(%dma_wait3A_41 : memref<640x8xf32, #tpu.memory_space<vmem_shared>>)
      tpu.yield
    }) : () -> ()
    %barrier3A = arith.constant 0 : index
    tpu.barrier barrier_id(%barrier3A)
    %scan3A = arith.constant 0 : i32
    %scan3A_5 = arith.constant 10 : i32
    %scan3A_6 = arith.addi %scan3A, %scan3A_5 : i32
    %scan3A_7 = arith.constant 1 : i32
    scf.for %scan3A_37 = %scan3A to %scan3A_6 step %scan3A_7  : i32 {
      %mul3A_38 = arith.constant 8 : i32
      %mul3A_39 = arith.muli %scan3A_37, %mul3A_38 : i32
      %add3A_40 = arith.constant 0 : i32
      %add3A_41 = arith.addi %add3A_40, %mul3A_39 : i32
      %gt3A = arith.constant 0 : i32
      %gt3A_42 = arith.cmpi sgt, %add3A_41, %gt3A : i32
      %convert_element_type3A = arith.extui %gt3A_42 : i1 to i32
      %cond3A = arith.constant 0 : i32
      %cond3A_43 = arith.cmpi ne, %convert_element_type3A, %cond3A : i32
      scf.if %cond3A_43 {
        %dma_wait3A_254 = arith.constant 0 : i32
        %dma_wait3A_255 = arith.constant 0 : i32
        %dma_wait3A_256 = tpu.memref_slice %arg23[%dma_wait3A_254, %dma_wait3A_255] : memref<10240x8xf32, #tpu.memory_space<vmem_shared>> -> memref<10240x8xf32, #tpu.memory_space<vmem_shared>>
        tpu.wait_indirect_dma semaphore(%arg14 : memref<!tpu.dma_semaphore, #tpu.memory_space<semaphore_mem>>) src(%arg22 : memref<128x8xf32, #tpu.memory_space<vmem>>) dst(%dma_wait3A_256 : memref<10240x8xf32, #tpu.memory_space<vmem_shared>>)
      } else {
      }
      %mul3A_44 = arith.constant 80 : i32
      %mul3A_45 = arith.muli %add3A, %mul3A_44 : i32
      %add3A_46 = arith.addi %mul3A_45, %add3A_41 : i32
      %add3A_47 = arith.constant 0 : i32
      %add3A_48 = arith.addi %add3A_46, %add3A_47 : i32
      %dma_start3A = arith.constant 1 : i32
      %dma_start3A_49 = arith.constant 0 : i32
      %dma_start3A_50 = tpu.memref_slice %arg2[%dma_start3A, %add3A_48, %dma_start3A_49] : memref<2x2560x128xi32, #tpu.memory_space<hbm>> -> memref<1x1x128xi32, #tpu.memory_space<hbm>>
      %dma_start3A_51 = tpu.memref_squeeze %dma_start3A_50 : memref<1x1x128xi32, #tpu.memory_space<hbm>> -> memref<128xi32, #tpu.memory_space<hbm>>
      %dma_start3A_52 = arith.constant 0 : i32
      %dma_start3A_53 = tpu.memref_slice %arg2[%dma_start3A, %add3A_48, %dma_start3A_52] : memref<2x2560x128xi32, #tpu.memory_space<hbm>> -> memref<1x1x128xi32, #tpu.memory_space<hbm>>
      %dma_start3A_54 = tpu.memref_squeeze %dma_start3A_53 : memref<1x1x128xi32, #tpu.memory_space<hbm>> -> memref<128xi32, #tpu.memory_space<hbm>>
      tpu.enqueue_dma source(%dma_start3A_54 : memref<128xi32, #tpu.memory_space<hbm>>) target(%arg6 : memref<128xi32, #tpu.memory_space<vmem>>) target_semaphore(%arg14 : memref<!tpu.dma_semaphore, #tpu.memory_space<semaphore_mem>>)
      %gt3A_55 = arith.constant 0 : i32
      %gt3A_56 = arith.cmpi sgt, %add3A_41, %gt3A_55 : i32
      %convert_element_type3A_57 = arith.extui %gt3A_56 : i1 to i32
      %cond3A_58 = arith.constant 0 : i32
      %cond3A_59 = arith.cmpi ne, %convert_element_type3A_57, %cond3A_58 : i32
      scf.if %cond3A_59 {
        %dma_wait3A_254 = arith.constant 0 : i32
        %dma_wait3A_255 = arith.constant 0 : i32
        %dma_wait3A_256 = tpu.memref_slice %arg23[%dma_wait3A_254, %dma_wait3A_255] : memref<10240x8xf32, #tpu.memory_space<vmem_shared>> -> memref<10240x8xf32, #tpu.memory_space<vmem_shared>>
        tpu.wait_indirect_dma semaphore(%arg15 : memref<!tpu.dma_semaphore, #tpu.memory_space<semaphore_mem>>) src(%arg22 : memref<128x8xf32, #tpu.memory_space<vmem>>) dst(%dma_wait3A_256 : memref<10240x8xf32, #tpu.memory_space<vmem_shared>>)
      } else {
      }
      %mul3A_60 = arith.constant 80 : i32
      %mul3A_61 = arith.muli %add3A, %mul3A_60 : i32
      %add3A_62 = arith.addi %mul3A_61, %add3A_41 : i32
      %add3A_63 = arith.constant 1 : i32
      %add3A_64 = arith.addi %add3A_62, %add3A_63 : i32
      %dma_start3A_65 = arith.constant 1 : i32
      %dma_start3A_66 = arith.constant 0 : i32
      %dma_start3A_67 = tpu.memref_slice %arg2[%dma_start3A_65, %add3A_64, %dma_start3A_66] : memref<2x2560x128xi32, #tpu.memory_space<hbm>> -> memref<1x1x128xi32, #tpu.memory_space<hbm>>
      %dma_start3A_68 = tpu.memref_squeeze %dma_start3A_67 : memref<1x1x128xi32, #tpu.memory_space<hbm>> -> memref<128xi32, #tpu.memory_space<hbm>>
      %dma_start3A_69 = arith.constant 0 : i32
      %dma_start3A_70 = tpu.memref_slice %arg2[%dma_start3A_65, %add3A_64, %dma_start3A_69] : memref<2x2560x128xi32, #tpu.memory_space<hbm>> -> memref<1x1x128xi32, #tpu.memory_space<hbm>>
      %dma_start3A_71 = tpu.memref_squeeze %dma_start3A_70 : memref<1x1x128xi32, #tpu.memory_space<hbm>> -> memref<128xi32, #tpu.memory_space<hbm>>
      tpu.enqueue_dma source(%dma_start3A_71 : memref<128xi32, #tpu.memory_space<hbm>>) target(%arg7 : memref<128xi32, #tpu.memory_space<vmem>>) target_semaphore(%arg15 : memref<!tpu.dma_semaphore, #tpu.memory_space<semaphore_mem>>)
      %gt3A_72 = arith.constant 0 : i32
      %gt3A_73 = arith.cmpi sgt, %add3A_41, %gt3A_72 : i32
      %convert_element_type3A_74 = arith.extui %gt3A_73 : i1 to i32
      %cond3A_75 = arith.constant 0 : i32
      %cond3A_76 = arith.cmpi ne, %convert_element_type3A_74, %cond3A_75 : i32
      scf.if %cond3A_76 {
        %dma_wait3A_254 = arith.constant 0 : i32
        %dma_wait3A_255 = arith.constant 0 : i32
        %dma_wait3A_256 = tpu.memref_slice %arg23[%dma_wait3A_254, %dma_wait3A_255] : memref<10240x8xf32, #tpu.memory_space<vmem_shared>> -> memref<10240x8xf32, #tpu.memory_space<vmem_shared>>
        tpu.wait_indirect_dma semaphore(%arg16 : memref<!tpu.dma_semaphore, #tpu.memory_space<semaphore_mem>>) src(%arg22 : memref<128x8xf32, #tpu.memory_space<vmem>>) dst(%dma_wait3A_256 : memref<10240x8xf32, #tpu.memory_space<vmem_shared>>)
      } else {
      }
      %mul3A_77 = arith.constant 80 : i32
      %mul3A_78 = arith.muli %add3A, %mul3A_77 : i32
      %add3A_79 = arith.addi %mul3A_78, %add3A_41 : i32
      %add3A_80 = arith.constant 2 : i32
      %add3A_81 = arith.addi %add3A_79, %add3A_80 : i32
      %dma_start3A_82 = arith.constant 1 : i32
      %dma_start3A_83 = arith.constant 0 : i32
      %dma_start3A_84 = tpu.memref_slice %arg2[%dma_start3A_82, %add3A_81, %dma_start3A_83] : memref<2x2560x128xi32, #tpu.memory_space<hbm>> -> memref<1x1x128xi32, #tpu.memory_space<hbm>>
      %dma_start3A_85 = tpu.memref_squeeze %dma_start3A_84 : memref<1x1x128xi32, #tpu.memory_space<hbm>> -> memref<128xi32, #tpu.memory_space<hbm>>
      %dma_start3A_86 = arith.constant 0 : i32
      %dma_start3A_87 = tpu.memref_slice %arg2[%dma_start3A_82, %add3A_81, %dma_start3A_86] : memref<2x2560x128xi32, #tpu.memory_space<hbm>> -> memref<1x1x128xi32, #tpu.memory_space<hbm>>
      %dma_start3A_88 = tpu.memref_squeeze %dma_start3A_87 : memref<1x1x128xi32, #tpu.memory_space<hbm>> -> memref<128xi32, #tpu.memory_space<hbm>>
      tpu.enqueue_dma source(%dma_start3A_88 : memref<128xi32, #tpu.memory_space<hbm>>) target(%arg8 : memref<128xi32, #tpu.memory_space<vmem>>) target_semaphore(%arg16 : memref<!tpu.dma_semaphore, #tpu.memory_space<semaphore_mem>>)
      %gt3A_89 = arith.constant 0 : i32
      %gt3A_90 = arith.cmpi sgt, %add3A_41, %gt3A_89 : i32
      %convert_element_type3A_91 = arith.extui %gt3A_90 : i1 to i32
      %cond3A_92 = arith.constant 0 : i32
      %cond3A_93 = arith.cmpi ne, %convert_element_type3A_91, %cond3A_92 : i32
      scf.if %cond3A_93 {
        %dma_wait3A_254 = arith.constant 0 : i32
        %dma_wait3A_255 = arith.constant 0 : i32
        %dma_wait3A_256 = tpu.memref_slice %arg23[%dma_wait3A_254, %dma_wait3A_255] : memref<10240x8xf32, #tpu.memory_space<vmem_shared>> -> memref<10240x8xf32, #tpu.memory_space<vmem_shared>>
        tpu.wait_indirect_dma semaphore(%arg17 : memref<!tpu.dma_semaphore, #tpu.memory_space<semaphore_mem>>) src(%arg22 : memref<128x8xf32, #tpu.memory_space<vmem>>) dst(%dma_wait3A_256 : memref<10240x8xf32, #tpu.memory_space<vmem_shared>>)
      } else {
      }
      %mul3A_94 = arith.constant 80 : i32
      %mul3A_95 = arith.muli %add3A, %mul3A_94 : i32
      %add3A_96 = arith.addi %mul3A_95, %add3A_41 : i32
      %add3A_97 = arith.constant 3 : i32
      %add3A_98 = arith.addi %add3A_96, %add3A_97 : i32
      %dma_start3A_99 = arith.constant 1 : i32
      %dma_start3A_100 = arith.constant 0 : i32
      %dma_start3A_101 = tpu.memref_slice %arg2[%dma_start3A_99, %add3A_98, %dma_start3A_100] : memref<2x2560x128xi32, #tpu.memory_space<hbm>> -> memref<1x1x128xi32, #tpu.memory_space<hbm>>
      %dma_start3A_102 = tpu.memref_squeeze %dma_start3A_101 : memref<1x1x128xi32, #tpu.memory_space<hbm>> -> memref<128xi32, #tpu.memory_space<hbm>>
      %dma_start3A_103 = arith.constant 0 : i32
      %dma_start3A_104 = tpu.memref_slice %arg2[%dma_start3A_99, %add3A_98, %dma_start3A_103] : memref<2x2560x128xi32, #tpu.memory_space<hbm>> -> memref<1x1x128xi32, #tpu.memory_space<hbm>>
      %dma_start3A_105 = tpu.memref_squeeze %dma_start3A_104 : memref<1x1x128xi32, #tpu.memory_space<hbm>> -> memref<128xi32, #tpu.memory_space<hbm>>
      tpu.enqueue_dma source(%dma_start3A_105 : memref<128xi32, #tpu.memory_space<hbm>>) target(%arg9 : memref<128xi32, #tpu.memory_space<vmem>>) target_semaphore(%arg17 : memref<!tpu.dma_semaphore, #tpu.memory_space<semaphore_mem>>)
      %gt3A_106 = arith.constant 0 : i32
      %gt3A_107 = arith.cmpi sgt, %add3A_41, %gt3A_106 : i32
      %convert_element_type3A_108 = arith.extui %gt3A_107 : i1 to i32
      %cond3A_109 = arith.constant 0 : i32
      %cond3A_110 = arith.cmpi ne, %convert_element_type3A_108, %cond3A_109 : i32
      scf.if %cond3A_110 {
        %dma_wait3A_254 = arith.constant 0 : i32
        %dma_wait3A_255 = arith.constant 0 : i32
        %dma_wait3A_256 = tpu.memref_slice %arg23[%dma_wait3A_254, %dma_wait3A_255] : memref<10240x8xf32, #tpu.memory_space<vmem_shared>> -> memref<10240x8xf32, #tpu.memory_space<vmem_shared>>
        tpu.wait_indirect_dma semaphore(%arg18 : memref<!tpu.dma_semaphore, #tpu.memory_space<semaphore_mem>>) src(%arg22 : memref<128x8xf32, #tpu.memory_space<vmem>>) dst(%dma_wait3A_256 : memref<10240x8xf32, #tpu.memory_space<vmem_shared>>)
      } else {
      }
      %mul3A_111 = arith.constant 80 : i32
      %mul3A_112 = arith.muli %add3A, %mul3A_111 : i32
      %add3A_113 = arith.addi %mul3A_112, %add3A_41 : i32
      %add3A_114 = arith.constant 4 : i32
      %add3A_115 = arith.addi %add3A_113, %add3A_114 : i32
      %dma_start3A_116 = arith.constant 1 : i32
      %dma_start3A_117 = arith.constant 0 : i32
      %dma_start3A_118 = tpu.memref_slice %arg2[%dma_start3A_116, %add3A_115, %dma_start3A_117] : memref<2x2560x128xi32, #tpu.memory_space<hbm>> -> memref<1x1x128xi32, #tpu.memory_space<hbm>>
      %dma_start3A_119 = tpu.memref_squeeze %dma_start3A_118 : memref<1x1x128xi32, #tpu.memory_space<hbm>> -> memref<128xi32, #tpu.memory_space<hbm>>
      %dma_start3A_120 = arith.constant 0 : i32
      %dma_start3A_121 = tpu.memref_slice %arg2[%dma_start3A_116, %add3A_115, %dma_start3A_120] : memref<2x2560x128xi32, #tpu.memory_space<hbm>> -> memref<1x1x128xi32, #tpu.memory_space<hbm>>
      %dma_start3A_122 = tpu.memref_squeeze %dma_start3A_121 : memref<1x1x128xi32, #tpu.memory_space<hbm>> -> memref<128xi32, #tpu.memory_space<hbm>>
      tpu.enqueue_dma source(%dma_start3A_122 : memref<128xi32, #tpu.memory_space<hbm>>) target(%arg10 : memref<128xi32, #tpu.memory_space<vmem>>) target_semaphore(%arg18 : memref<!tpu.dma_semaphore, #tpu.memory_space<semaphore_mem>>)
      %gt3A_123 = arith.constant 0 : i32
      %gt3A_124 = arith.cmpi sgt, %add3A_41, %gt3A_123 : i32
      %convert_element_type3A_125 = arith.extui %gt3A_124 : i1 to i32
      %cond3A_126 = arith.constant 0 : i32
      %cond3A_127 = arith.cmpi ne, %convert_element_type3A_125, %cond3A_126 : i32
      scf.if %cond3A_127 {
        %dma_wait3A_254 = arith.constant 0 : i32
        %dma_wait3A_255 = arith.constant 0 : i32
        %dma_wait3A_256 = tpu.memref_slice %arg23[%dma_wait3A_254, %dma_wait3A_255] : memref<10240x8xf32, #tpu.memory_space<vmem_shared>> -> memref<10240x8xf32, #tpu.memory_space<vmem_shared>>
        tpu.wait_indirect_dma semaphore(%arg19 : memref<!tpu.dma_semaphore, #tpu.memory_space<semaphore_mem>>) src(%arg22 : memref<128x8xf32, #tpu.memory_space<vmem>>) dst(%dma_wait3A_256 : memref<10240x8xf32, #tpu.memory_space<vmem_shared>>)
      } else {
      }
      %mul3A_128 = arith.constant 80 : i32
      %mul3A_129 = arith.muli %add3A, %mul3A_128 : i32
      %add3A_130 = arith.addi %mul3A_129, %add3A_41 : i32
      %add3A_131 = arith.constant 5 : i32
      %add3A_132 = arith.addi %add3A_130, %add3A_131 : i32
      %dma_start3A_133 = arith.constant 1 : i32
      %dma_start3A_134 = arith.constant 0 : i32
      %dma_start3A_135 = tpu.memref_slice %arg2[%dma_start3A_133, %add3A_132, %dma_start3A_134] : memref<2x2560x128xi32, #tpu.memory_space<hbm>> -> memref<1x1x128xi32, #tpu.memory_space<hbm>>
      %dma_start3A_136 = tpu.memref_squeeze %dma_start3A_135 : memref<1x1x128xi32, #tpu.memory_space<hbm>> -> memref<128xi32, #tpu.memory_space<hbm>>
      %dma_start3A_137 = arith.constant 0 : i32
      %dma_start3A_138 = tpu.memref_slice %arg2[%dma_start3A_133, %add3A_132, %dma_start3A_137] : memref<2x2560x128xi32, #tpu.memory_space<hbm>> -> memref<1x1x128xi32, #tpu.memory_space<hbm>>
      %dma_start3A_139 = tpu.memref_squeeze %dma_start3A_138 : memref<1x1x128xi32, #tpu.memory_space<hbm>> -> memref<128xi32, #tpu.memory_space<hbm>>
      tpu.enqueue_dma source(%dma_start3A_139 : memref<128xi32, #tpu.memory_space<hbm>>) target(%arg11 : memref<128xi32, #tpu.memory_space<vmem>>) target_semaphore(%arg19 : memref<!tpu.dma_semaphore, #tpu.memory_space<semaphore_mem>>)
      %gt3A_140 = arith.constant 0 : i32
      %gt3A_141 = arith.cmpi sgt, %add3A_41, %gt3A_140 : i32
      %convert_element_type3A_142 = arith.extui %gt3A_141 : i1 to i32
      %cond3A_143 = arith.constant 0 : i32
      %cond3A_144 = arith.cmpi ne, %convert_element_type3A_142, %cond3A_143 : i32
      scf.if %cond3A_144 {
        %dma_wait3A_254 = arith.constant 0 : i32
        %dma_wait3A_255 = arith.constant 0 : i32
        %dma_wait3A_256 = tpu.memref_slice %arg23[%dma_wait3A_254, %dma_wait3A_255] : memref<10240x8xf32, #tpu.memory_space<vmem_shared>> -> memref<10240x8xf32, #tpu.memory_space<vmem_shared>>
        tpu.wait_indirect_dma semaphore(%arg20 : memref<!tpu.dma_semaphore, #tpu.memory_space<semaphore_mem>>) src(%arg22 : memref<128x8xf32, #tpu.memory_space<vmem>>) dst(%dma_wait3A_256 : memref<10240x8xf32, #tpu.memory_space<vmem_shared>>)
      } else {
      }
      %mul3A_145 = arith.constant 80 : i32
      %mul3A_146 = arith.muli %add3A, %mul3A_145 : i32
      %add3A_147 = arith.addi %mul3A_146, %add3A_41 : i32
      %add3A_148 = arith.constant 6 : i32
      %add3A_149 = arith.addi %add3A_147, %add3A_148 : i32
      %dma_start3A_150 = arith.constant 1 : i32
      %dma_start3A_151 = arith.constant 0 : i32
      %dma_start3A_152 = tpu.memref_slice %arg2[%dma_start3A_150, %add3A_149, %dma_start3A_151] : memref<2x2560x128xi32, #tpu.memory_space<hbm>> -> memref<1x1x128xi32, #tpu.memory_space<hbm>>
      %dma_start3A_153 = tpu.memref_squeeze %dma_start3A_152 : memref<1x1x128xi32, #tpu.memory_space<hbm>> -> memref<128xi32, #tpu.memory_space<hbm>>
      %dma_start3A_154 = arith.constant 0 : i32
      %dma_start3A_155 = tpu.memref_slice %arg2[%dma_start3A_150, %add3A_149, %dma_start3A_154] : memref<2x2560x128xi32, #tpu.memory_space<hbm>> -> memref<1x1x128xi32, #tpu.memory_space<hbm>>
      %dma_start3A_156 = tpu.memref_squeeze %dma_start3A_155 : memref<1x1x128xi32, #tpu.memory_space<hbm>> -> memref<128xi32, #tpu.memory_space<hbm>>
      tpu.enqueue_dma source(%dma_start3A_156 : memref<128xi32, #tpu.memory_space<hbm>>) target(%arg12 : memref<128xi32, #tpu.memory_space<vmem>>) target_semaphore(%arg20 : memref<!tpu.dma_semaphore, #tpu.memory_space<semaphore_mem>>)
      %gt3A_157 = arith.constant 0 : i32
      %gt3A_158 = arith.cmpi sgt, %add3A_41, %gt3A_157 : i32
      %convert_element_type3A_159 = arith.extui %gt3A_158 : i1 to i32
      %cond3A_160 = arith.constant 0 : i32
      %cond3A_161 = arith.cmpi ne, %convert_element_type3A_159, %cond3A_160 : i32
      scf.if %cond3A_161 {
        %dma_wait3A_254 = arith.constant 0 : i32
        %dma_wait3A_255 = arith.constant 0 : i32
        %dma_wait3A_256 = tpu.memref_slice %arg23[%dma_wait3A_254, %dma_wait3A_255] : memref<10240x8xf32, #tpu.memory_space<vmem_shared>> -> memref<10240x8xf32, #tpu.memory_space<vmem_shared>>
        tpu.wait_indirect_dma semaphore(%arg21 : memref<!tpu.dma_semaphore, #tpu.memory_space<semaphore_mem>>) src(%arg22 : memref<128x8xf32, #tpu.memory_space<vmem>>) dst(%dma_wait3A_256 : memref<10240x8xf32, #tpu.memory_space<vmem_shared>>)
      } else {
      }
      %mul3A_162 = arith.constant 80 : i32
      %mul3A_163 = arith.muli %add3A, %mul3A_162 : i32
      %add3A_164 = arith.addi %mul3A_163, %add3A_41 : i32
      %add3A_165 = arith.constant 7 : i32
      %add3A_166 = arith.addi %add3A_164, %add3A_165 : i32
      %dma_start3A_167 = arith.constant 1 : i32
      %dma_start3A_168 = arith.constant 0 : i32
      %dma_start3A_169 = tpu.memref_slice %arg2[%dma_start3A_167, %add3A_166, %dma_start3A_168] : memref<2x2560x128xi32, #tpu.memory_space<hbm>> -> memref<1x1x128xi32, #tpu.memory_space<hbm>>
      %dma_start3A_170 = tpu.memref_squeeze %dma_start3A_169 : memref<1x1x128xi32, #tpu.memory_space<hbm>> -> memref<128xi32, #tpu.memory_space<hbm>>
      %dma_start3A_171 = arith.constant 0 : i32
      %dma_start3A_172 = tpu.memref_slice %arg2[%dma_start3A_167, %add3A_166, %dma_start3A_171] : memref<2x2560x128xi32, #tpu.memory_space<hbm>> -> memref<1x1x128xi32, #tpu.memory_space<hbm>>
      %dma_start3A_173 = tpu.memref_squeeze %dma_start3A_172 : memref<1x1x128xi32, #tpu.memory_space<hbm>> -> memref<128xi32, #tpu.memory_space<hbm>>
      tpu.enqueue_dma source(%dma_start3A_173 : memref<128xi32, #tpu.memory_space<hbm>>) target(%arg13 : memref<128xi32, #tpu.memory_space<vmem>>) target_semaphore(%arg21 : memref<!tpu.dma_semaphore, #tpu.memory_space<semaphore_mem>>)
      %dma_wait3A_174 = arith.constant 1 : i32
      %dma_wait3A_175 = arith.constant 0 : i32
      %dma_wait3A_176 = tpu.memref_slice %arg2[%dma_wait3A_174, %add3A_48, %dma_wait3A_175] : memref<2x2560x128xi32, #tpu.memory_space<hbm>> -> memref<1x1x128xi32, #tpu.memory_space<hbm>>
      %dma_wait3A_177 = tpu.memref_squeeze %dma_wait3A_176 : memref<1x1x128xi32, #tpu.memory_space<hbm>> -> memref<128xi32, #tpu.memory_space<hbm>>
      %dma_wait3A_178 = arith.constant 0 : i32
      %dma_wait3A_179 = tpu.memref_slice %arg2[%dma_wait3A_174, %add3A_48, %dma_wait3A_178] : memref<2x2560x128xi32, #tpu.memory_space<hbm>> -> memref<1x1x128xi32, #tpu.memory_space<hbm>>
      %dma_wait3A_180 = tpu.memref_squeeze %dma_wait3A_179 : memref<1x1x128xi32, #tpu.memory_space<hbm>> -> memref<128xi32, #tpu.memory_space<hbm>>
      tpu.wait_dma2 semaphore(%arg14 : memref<!tpu.dma_semaphore, #tpu.memory_space<semaphore_mem>>) src(%dma_wait3A_180 : memref<128xi32, #tpu.memory_space<hbm>>) dst(%arg6 : memref<128xi32, #tpu.memory_space<vmem>>)
      %dma_start3A_181 = arith.constant 0 : i32
      %dma_start3A_182 = arith.constant 0 : i32
      %dma_start3A_183 = tpu.memref_slice %arg23[%dma_start3A_181, %dma_start3A_182] : memref<10240x8xf32, #tpu.memory_space<vmem_shared>> -> memref<10240x8xf32, #tpu.memory_space<vmem_shared>>
      tpu.enqueue_indirect_dma source(%arg22 : memref<128x8xf32, #tpu.memory_space<vmem>>) target(%dma_start3A_183 : memref<10240x8xf32, #tpu.memory_space<vmem_shared>>) offsets(%arg6 : memref<128xi32, #tpu.memory_space<vmem>>) semaphore(%arg14 : memref<!tpu.dma_semaphore, #tpu.memory_space<semaphore_mem>>) {add = true}
      %dma_wait3A_184 = arith.constant 1 : i32
      %dma_wait3A_185 = arith.constant 0 : i32
      %dma_wait3A_186 = tpu.memref_slice %arg2[%dma_wait3A_184, %add3A_64, %dma_wait3A_185] : memref<2x2560x128xi32, #tpu.memory_space<hbm>> -> memref<1x1x128xi32, #tpu.memory_space<hbm>>
      %dma_wait3A_187 = tpu.memref_squeeze %dma_wait3A_186 : memref<1x1x128xi32, #tpu.memory_space<hbm>> -> memref<128xi32, #tpu.memory_space<hbm>>
      %dma_wait3A_188 = arith.constant 0 : i32
      %dma_wait3A_189 = tpu.memref_slice %arg2[%dma_wait3A_184, %add3A_64, %dma_wait3A_188] : memref<2x2560x128xi32, #tpu.memory_space<hbm>> -> memref<1x1x128xi32, #tpu.memory_space<hbm>>
      %dma_wait3A_190 = tpu.memref_squeeze %dma_wait3A_189 : memref<1x1x128xi32, #tpu.memory_space<hbm>> -> memref<128xi32, #tpu.memory_space<hbm>>
      tpu.wait_dma2 semaphore(%arg15 : memref<!tpu.dma_semaphore, #tpu.memory_space<semaphore_mem>>) src(%dma_wait3A_190 : memref<128xi32, #tpu.memory_space<hbm>>) dst(%arg7 : memref<128xi32, #tpu.memory_space<vmem>>)
      %dma_start3A_191 = arith.constant 0 : i32
      %dma_start3A_192 = arith.constant 0 : i32
      %dma_start3A_193 = tpu.memref_slice %arg23[%dma_start3A_191, %dma_start3A_192] : memref<10240x8xf32, #tpu.memory_space<vmem_shared>> -> memref<10240x8xf32, #tpu.memory_space<vmem_shared>>
      tpu.enqueue_indirect_dma source(%arg22 : memref<128x8xf32, #tpu.memory_space<vmem>>) target(%dma_start3A_193 : memref<10240x8xf32, #tpu.memory_space<vmem_shared>>) offsets(%arg7 : memref<128xi32, #tpu.memory_space<vmem>>) semaphore(%arg15 : memref<!tpu.dma_semaphore, #tpu.memory_space<semaphore_mem>>) {add = true}
      %dma_wait3A_194 = arith.constant 1 : i32
      %dma_wait3A_195 = arith.constant 0 : i32
      %dma_wait3A_196 = tpu.memref_slice %arg2[%dma_wait3A_194, %add3A_81, %dma_wait3A_195] : memref<2x2560x128xi32, #tpu.memory_space<hbm>> -> memref<1x1x128xi32, #tpu.memory_space<hbm>>
      %dma_wait3A_197 = tpu.memref_squeeze %dma_wait3A_196 : memref<1x1x128xi32, #tpu.memory_space<hbm>> -> memref<128xi32, #tpu.memory_space<hbm>>
      %dma_wait3A_198 = arith.constant 0 : i32
      %dma_wait3A_199 = tpu.memref_slice %arg2[%dma_wait3A_194, %add3A_81, %dma_wait3A_198] : memref<2x2560x128xi32, #tpu.memory_space<hbm>> -> memref<1x1x128xi32, #tpu.memory_space<hbm>>
      %dma_wait3A_200 = tpu.memref_squeeze %dma_wait3A_199 : memref<1x1x128xi32, #tpu.memory_space<hbm>> -> memref<128xi32, #tpu.memory_space<hbm>>
      tpu.wait_dma2 semaphore(%arg16 : memref<!tpu.dma_semaphore, #tpu.memory_space<semaphore_mem>>) src(%dma_wait3A_200 : memref<128xi32, #tpu.memory_space<hbm>>) dst(%arg8 : memref<128xi32, #tpu.memory_space<vmem>>)
      %dma_start3A_201 = arith.constant 0 : i32
      %dma_start3A_202 = arith.constant 0 : i32
      %dma_start3A_203 = tpu.memref_slice %arg23[%dma_start3A_201, %dma_start3A_202] : memref<10240x8xf32, #tpu.memory_space<vmem_shared>> -> memref<10240x8xf32, #tpu.memory_space<vmem_shared>>
      tpu.enqueue_indirect_dma source(%arg22 : memref<128x8xf32, #tpu.memory_space<vmem>>) target(%dma_start3A_203 : memref<10240x8xf32, #tpu.memory_space<vmem_shared>>) offsets(%arg8 : memref<128xi32, #tpu.memory_space<vmem>>) semaphore(%arg16 : memref<!tpu.dma_semaphore, #tpu.memory_space<semaphore_mem>>) {add = true}
      %dma_wait3A_204 = arith.constant 1 : i32
      %dma_wait3A_205 = arith.constant 0 : i32
      %dma_wait3A_206 = tpu.memref_slice %arg2[%dma_wait3A_204, %add3A_98, %dma_wait3A_205] : memref<2x2560x128xi32, #tpu.memory_space<hbm>> -> memref<1x1x128xi32, #tpu.memory_space<hbm>>
      %dma_wait3A_207 = tpu.memref_squeeze %dma_wait3A_206 : memref<1x1x128xi32, #tpu.memory_space<hbm>> -> memref<128xi32, #tpu.memory_space<hbm>>
      %dma_wait3A_208 = arith.constant 0 : i32
      %dma_wait3A_209 = tpu.memref_slice %arg2[%dma_wait3A_204, %add3A_98, %dma_wait3A_208] : memref<2x2560x128xi32, #tpu.memory_space<hbm>> -> memref<1x1x128xi32, #tpu.memory_space<hbm>>
      %dma_wait3A_210 = tpu.memref_squeeze %dma_wait3A_209 : memref<1x1x128xi32, #tpu.memory_space<hbm>> -> memref<128xi32, #tpu.memory_space<hbm>>
      tpu.wait_dma2 semaphore(%arg17 : memref<!tpu.dma_semaphore, #tpu.memory_space<semaphore_mem>>) src(%dma_wait3A_210 : memref<128xi32, #tpu.memory_space<hbm>>) dst(%arg9 : memref<128xi32, #tpu.memory_space<vmem>>)
      %dma_start3A_211 = arith.constant 0 : i32
      %dma_start3A_212 = arith.constant 0 : i32
      %dma_start3A_213 = tpu.memref_slice %arg23[%dma_start3A_211, %dma_start3A_212] : memref<10240x8xf32, #tpu.memory_space<vmem_shared>> -> memref<10240x8xf32, #tpu.memory_space<vmem_shared>>
      tpu.enqueue_indirect_dma source(%arg22 : memref<128x8xf32, #tpu.memory_space<vmem>>) target(%dma_start3A_213 : memref<10240x8xf32, #tpu.memory_space<vmem_shared>>) offsets(%arg9 : memref<128xi32, #tpu.memory_space<vmem>>) semaphore(%arg17 : memref<!tpu.dma_semaphore, #tpu.memory_space<semaphore_mem>>) {add = true}
      %dma_wait3A_214 = arith.constant 1 : i32
      %dma_wait3A_215 = arith.constant 0 : i32
      %dma_wait3A_216 = tpu.memref_slice %arg2[%dma_wait3A_214, %add3A_115, %dma_wait3A_215] : memref<2x2560x128xi32, #tpu.memory_space<hbm>> -> memref<1x1x128xi32, #tpu.memory_space<hbm>>
      %dma_wait3A_217 = tpu.memref_squeeze %dma_wait3A_216 : memref<1x1x128xi32, #tpu.memory_space<hbm>> -> memref<128xi32, #tpu.memory_space<hbm>>
      %dma_wait3A_218 = arith.constant 0 : i32
      %dma_wait3A_219 = tpu.memref_slice %arg2[%dma_wait3A_214, %add3A_115, %dma_wait3A_218] : memref<2x2560x128xi32, #tpu.memory_space<hbm>> -> memref<1x1x128xi32, #tpu.memory_space<hbm>>
      %dma_wait3A_220 = tpu.memref_squeeze %dma_wait3A_219 : memref<1x1x128xi32, #tpu.memory_space<hbm>> -> memref<128xi32, #tpu.memory_space<hbm>>
      tpu.wait_dma2 semaphore(%arg18 : memref<!tpu.dma_semaphore, #tpu.memory_space<semaphore_mem>>) src(%dma_wait3A_220 : memref<128xi32, #tpu.memory_space<hbm>>) dst(%arg10 : memref<128xi32, #tpu.memory_space<vmem>>)
      %dma_start3A_221 = arith.constant 0 : i32
      %dma_start3A_222 = arith.constant 0 : i32
      %dma_start3A_223 = tpu.memref_slice %arg23[%dma_start3A_221, %dma_start3A_222] : memref<10240x8xf32, #tpu.memory_space<vmem_shared>> -> memref<10240x8xf32, #tpu.memory_space<vmem_shared>>
      tpu.enqueue_indirect_dma source(%arg22 : memref<128x8xf32, #tpu.memory_space<vmem>>) target(%dma_start3A_223 : memref<10240x8xf32, #tpu.memory_space<vmem_shared>>) offsets(%arg10 : memref<128xi32, #tpu.memory_space<vmem>>) semaphore(%arg18 : memref<!tpu.dma_semaphore, #tpu.memory_space<semaphore_mem>>) {add = true}
      %dma_wait3A_224 = arith.constant 1 : i32
      %dma_wait3A_225 = arith.constant 0 : i32
      %dma_wait3A_226 = tpu.memref_slice %arg2[%dma_wait3A_224, %add3A_132, %dma_wait3A_225] : memref<2x2560x128xi32, #tpu.memory_space<hbm>> -> memref<1x1x128xi32, #tpu.memory_space<hbm>>
      %dma_wait3A_227 = tpu.memref_squeeze %dma_wait3A_226 : memref<1x1x128xi32, #tpu.memory_space<hbm>> -> memref<128xi32, #tpu.memory_space<hbm>>
      %dma_wait3A_228 = arith.constant 0 : i32
      %dma_wait3A_229 = tpu.memref_slice %arg2[%dma_wait3A_224, %add3A_132, %dma_wait3A_228] : memref<2x2560x128xi32, #tpu.memory_space<hbm>> -> memref<1x1x128xi32, #tpu.memory_space<hbm>>
      %dma_wait3A_230 = tpu.memref_squeeze %dma_wait3A_229 : memref<1x1x128xi32, #tpu.memory_space<hbm>> -> memref<128xi32, #tpu.memory_space<hbm>>
      tpu.wait_dma2 semaphore(%arg19 : memref<!tpu.dma_semaphore, #tpu.memory_space<semaphore_mem>>) src(%dma_wait3A_230 : memref<128xi32, #tpu.memory_space<hbm>>) dst(%arg11 : memref<128xi32, #tpu.memory_space<vmem>>)
      %dma_start3A_231 = arith.constant 0 : i32
      %dma_start3A_232 = arith.constant 0 : i32
      %dma_start3A_233 = tpu.memref_slice %arg23[%dma_start3A_231, %dma_start3A_232] : memref<10240x8xf32, #tpu.memory_space<vmem_shared>> -> memref<10240x8xf32, #tpu.memory_space<vmem_shared>>
      tpu.enqueue_indirect_dma source(%arg22 : memref<128x8xf32, #tpu.memory_space<vmem>>) target(%dma_start3A_233 : memref<10240x8xf32, #tpu.memory_space<vmem_shared>>) offsets(%arg11 : memref<128xi32, #tpu.memory_space<vmem>>) semaphore(%arg19 : memref<!tpu.dma_semaphore, #tpu.memory_space<semaphore_mem>>) {add = true}
      %dma_wait3A_234 = arith.constant 1 : i32
      %dma_wait3A_235 = arith.constant 0 : i32
      %dma_wait3A_236 = tpu.memref_slice %arg2[%dma_wait3A_234, %add3A_149, %dma_wait3A_235] : memref<2x2560x128xi32, #tpu.memory_space<hbm>> -> memref<1x1x128xi32, #tpu.memory_space<hbm>>
      %dma_wait3A_237 = tpu.memref_squeeze %dma_wait3A_236 : memref<1x1x128xi32, #tpu.memory_space<hbm>> -> memref<128xi32, #tpu.memory_space<hbm>>
      %dma_wait3A_238 = arith.constant 0 : i32
      %dma_wait3A_239 = tpu.memref_slice %arg2[%dma_wait3A_234, %add3A_149, %dma_wait3A_238] : memref<2x2560x128xi32, #tpu.memory_space<hbm>> -> memref<1x1x128xi32, #tpu.memory_space<hbm>>
      %dma_wait3A_240 = tpu.memref_squeeze %dma_wait3A_239 : memref<1x1x128xi32, #tpu.memory_space<hbm>> -> memref<128xi32, #tpu.memory_space<hbm>>
      tpu.wait_dma2 semaphore(%arg20 : memref<!tpu.dma_semaphore, #tpu.memory_space<semaphore_mem>>) src(%dma_wait3A_240 : memref<128xi32, #tpu.memory_space<hbm>>) dst(%arg12 : memref<128xi32, #tpu.memory_space<vmem>>)
      %dma_start3A_241 = arith.constant 0 : i32
      %dma_start3A_242 = arith.constant 0 : i32
      %dma_start3A_243 = tpu.memref_slice %arg23[%dma_start3A_241, %dma_start3A_242] : memref<10240x8xf32, #tpu.memory_space<vmem_shared>> -> memref<10240x8xf32, #tpu.memory_space<vmem_shared>>
      tpu.enqueue_indirect_dma source(%arg22 : memref<128x8xf32, #tpu.memory_space<vmem>>) target(%dma_start3A_243 : memref<10240x8xf32, #tpu.memory_space<vmem_shared>>) offsets(%arg12 : memref<128xi32, #tpu.memory_space<vmem>>) semaphore(%arg20 : memref<!tpu.dma_semaphore, #tpu.memory_space<semaphore_mem>>) {add = true}
      %dma_wait3A_244 = arith.constant 1 : i32
      %dma_wait3A_245 = arith.constant 0 : i32
      %dma_wait3A_246 = tpu.memref_slice %arg2[%dma_wait3A_244, %add3A_166, %dma_wait3A_245] : memref<2x2560x128xi32, #tpu.memory_space<hbm>> -> memref<1x1x128xi32, #tpu.memory_space<hbm>>
      %dma_wait3A_247 = tpu.memref_squeeze %dma_wait3A_246 : memref<1x1x128xi32, #tpu.memory_space<hbm>> -> memref<128xi32, #tpu.memory_space<hbm>>
      %dma_wait3A_248 = arith.constant 0 : i32
      %dma_wait3A_249 = tpu.memref_slice %arg2[%dma_wait3A_244, %add3A_166, %dma_wait3A_248] : memref<2x2560x128xi32, #tpu.memory_space<hbm>> -> memref<1x1x128xi32, #tpu.memory_space<hbm>>
      %dma_wait3A_250 = tpu.memref_squeeze %dma_wait3A_249 : memref<1x1x128xi32, #tpu.memory_space<hbm>> -> memref<128xi32, #tpu.memory_space<hbm>>
      tpu.wait_dma2 semaphore(%arg21 : memref<!tpu.dma_semaphore, #tpu.memory_space<semaphore_mem>>) src(%dma_wait3A_250 : memref<128xi32, #tpu.memory_space<hbm>>) dst(%arg13 : memref<128xi32, #tpu.memory_space<vmem>>)
      %dma_start3A_251 = arith.constant 0 : i32
      %dma_start3A_252 = arith.constant 0 : i32
      %dma_start3A_253 = tpu.memref_slice %arg23[%dma_start3A_251, %dma_start3A_252] : memref<10240x8xf32, #tpu.memory_space<vmem_shared>> -> memref<10240x8xf32, #tpu.memory_space<vmem_shared>>
      tpu.enqueue_indirect_dma source(%arg22 : memref<128x8xf32, #tpu.memory_space<vmem>>) target(%dma_start3A_253 : memref<10240x8xf32, #tpu.memory_space<vmem_shared>>) offsets(%arg13 : memref<128xi32, #tpu.memory_space<vmem>>) semaphore(%arg21 : memref<!tpu.dma_semaphore, #tpu.memory_space<semaphore_mem>>) {add = true}
    }
    %scan3A_8 = arith.constant 10 : i32
    %dma_wait3A = arith.constant 0 : i32
    %dma_wait3A_9 = arith.constant 0 : i32
    %dma_wait3A_10 = tpu.memref_slice %arg23[%dma_wait3A, %dma_wait3A_9] : memref<10240x8xf32, #tpu.memory_space<vmem_shared>> -> memref<10240x8xf32, #tpu.memory_space<vmem_shared>>
    tpu.wait_indirect_dma semaphore(%arg14 : memref<!tpu.dma_semaphore, #tpu.memory_space<semaphore_mem>>) src(%arg22 : memref<128x8xf32, #tpu.memory_space<vmem>>) dst(%dma_wait3A_10 : memref<10240x8xf32, #tpu.memory_space<vmem_shared>>)
    %dma_wait3A_11 = arith.constant 0 : i32
    %dma_wait3A_12 = arith.constant 0 : i32
    %dma_wait3A_13 = tpu.memref_slice %arg23[%dma_wait3A_11, %dma_wait3A_12] : memref<10240x8xf32, #tpu.memory_space<vmem_shared>> -> memref<10240x8xf32, #tpu.memory_space<vmem_shared>>
    tpu.wait_indirect_dma semaphore(%arg15 : memref<!tpu.dma_semaphore, #tpu.memory_space<semaphore_mem>>) src(%arg22 : memref<128x8xf32, #tpu.memory_space<vmem>>) dst(%dma_wait3A_13 : memref<10240x8xf32, #tpu.memory_space<vmem_shared>>)
    %dma_wait3A_14 = arith.constant 0 : i32
    %dma_wait3A_15 = arith.constant 0 : i32
    %dma_wait3A_16 = tpu.memref_slice %arg23[%dma_wait3A_14, %dma_wait3A_15] : memref<10240x8xf32, #tpu.memory_space<vmem_shared>> -> memref<10240x8xf32, #tpu.memory_space<vmem_shared>>
    tpu.wait_indirect_dma semaphore(%arg16 : memref<!tpu.dma_semaphore, #tpu.memory_space<semaphore_mem>>) src(%arg22 : memref<128x8xf32, #tpu.memory_space<vmem>>) dst(%dma_wait3A_16 : memref<10240x8xf32, #tpu.memory_space<vmem_shared>>)
    %dma_wait3A_17 = arith.constant 0 : i32
    %dma_wait3A_18 = arith.constant 0 : i32
    %dma_wait3A_19 = tpu.memref_slice %arg23[%dma_wait3A_17, %dma_wait3A_18] : memref<10240x8xf32, #tpu.memory_space<vmem_shared>> -> memref<10240x8xf32, #tpu.memory_space<vmem_shared>>
    tpu.wait_indirect_dma semaphore(%arg17 : memref<!tpu.dma_semaphore, #tpu.memory_space<semaphore_mem>>) src(%arg22 : memref<128x8xf32, #tpu.memory_space<vmem>>) dst(%dma_wait3A_19 : memref<10240x8xf32, #tpu.memory_space<vmem_shared>>)
    %dma_wait3A_20 = arith.constant 0 : i32
    %dma_wait3A_21 = arith.constant 0 : i32
    %dma_wait3A_22 = tpu.memref_slice %arg23[%dma_wait3A_20, %dma_wait3A_21] : memref<10240x8xf32, #tpu.memory_space<vmem_shared>> -> memref<10240x8xf32, #tpu.memory_space<vmem_shared>>
    tpu.wait_indirect_dma semaphore(%arg18 : memref<!tpu.dma_semaphore, #tpu.memory_space<semaphore_mem>>) src(%arg22 : memref<128x8xf32, #tpu.memory_space<vmem>>) dst(%dma_wait3A_22 : memref<10240x8xf32, #tpu.memory_space<vmem_shared>>)
    %dma_wait3A_23 = arith.constant 0 : i32
    %dma_wait3A_24 = arith.constant 0 : i32
    %dma_wait3A_25 = tpu.memref_slice %arg23[%dma_wait3A_23, %dma_wait3A_24] : memref<10240x8xf32, #tpu.memory_space<vmem_shared>> -> memref<10240x8xf32, #tpu.memory_space<vmem_shared>>
    tpu.wait_indirect_dma semaphore(%arg19 : memref<!tpu.dma_semaphore, #tpu.memory_space<semaphore_mem>>) src(%arg22 : memref<128x8xf32, #tpu.memory_space<vmem>>) dst(%dma_wait3A_25 : memref<10240x8xf32, #tpu.memory_space<vmem_shared>>)
    %dma_wait3A_26 = arith.constant 0 : i32
    %dma_wait3A_27 = arith.constant 0 : i32
    %dma_wait3A_28 = tpu.memref_slice %arg23[%dma_wait3A_26, %dma_wait3A_27] : memref<10240x8xf32, #tpu.memory_space<vmem_shared>> -> memref<10240x8xf32, #tpu.memory_space<vmem_shared>>
    tpu.wait_indirect_dma semaphore(%arg20 : memref<!tpu.dma_semaphore, #tpu.memory_space<semaphore_mem>>) src(%arg22 : memref<128x8xf32, #tpu.memory_space<vmem>>) dst(%dma_wait3A_28 : memref<10240x8xf32, #tpu.memory_space<vmem_shared>>)
    %dma_wait3A_29 = arith.constant 0 : i32
    %dma_wait3A_30 = arith.constant 0 : i32
    %dma_wait3A_31 = tpu.memref_slice %arg23[%dma_wait3A_29, %dma_wait3A_30] : memref<10240x8xf32, #tpu.memory_space<vmem_shared>> -> memref<10240x8xf32, #tpu.memory_space<vmem_shared>>
    tpu.wait_indirect_dma semaphore(%arg21 : memref<!tpu.dma_semaphore, #tpu.memory_space<semaphore_mem>>) src(%arg22 : memref<128x8xf32, #tpu.memory_space<vmem>>) dst(%dma_wait3A_31 : memref<10240x8xf32, #tpu.memory_space<vmem_shared>>)
    %barrier3A_32 = arith.constant 0 : index
    tpu.barrier barrier_id(%barrier3A_32)
    %mul3A_33 = arith.constant 640 : i32
    %mul3A_34 = arith.muli %arg1, %mul3A_33 : i32
    %mul3A_35 = arith.constant 640 : i32
    %mul3A_36 = arith.muli %arg1, %mul3A_35 : i32
    "tpu.region"() ({
      %run_scoped3A = tpu.sem_alloc : memref<!tpu.dma_semaphore, #tpu.memory_space<semaphore_mem>>
      %dma_start3A = arith.constant 0 : i32
      %dma_start3A_37 = tpu.memref_slice %arg5[%arg0, %mul3A_36, %dma_start3A] : memref<2x10240x8xf32, #tpu.memory_space<hbm>> -> memref<1x640x8xf32, #tpu.memory_space<hbm>>
      %dma_start3A_38 = tpu.memref_squeeze %dma_start3A_37 : memref<1x640x8xf32, #tpu.memory_space<hbm>> -> memref<640x8xf32, #tpu.memory_space<hbm>>
      %dma_start3A_39 = arith.constant 0 : i32
      %dma_start3A_40 = tpu.memref_slice %arg23[%mul3A_34, %dma_start3A_39] : memref<10240x8xf32, #tpu.memory_space<vmem_shared>> -> memref<640x8xf32, #tpu.memory_space<vmem_shared>>
      tpu.enqueue_dma source(%dma_start3A_40 : memref<640x8xf32, #tpu.memory_space<vmem_shared>>) target(%dma_start3A_38 : memref<640x8xf32, #tpu.memory_space<hbm>>) target_semaphore(%run_scoped3A : memref<!tpu.dma_semaphore, #tpu.memory_space<semaphore_mem>>)
      %dma_wait3A_41 = arith.constant 0 : i32
      %dma_wait3A_42 = tpu.memref_slice %arg5[%arg0, %mul3A_36, %dma_wait3A_41] : memref<2x10240x8xf32, #tpu.memory_space<hbm>> -> memref<1x640x8xf32, #tpu.memory_space<hbm>>
      %dma_wait3A_43 = tpu.memref_squeeze %dma_wait3A_42 : memref<1x640x8xf32, #tpu.memory_space<hbm>> -> memref<640x8xf32, #tpu.memory_space<hbm>>
      %dma_wait3A_44 = arith.constant 0 : i32
      %dma_wait3A_45 = tpu.memref_slice %arg23[%mul3A_34, %dma_wait3A_44] : memref<10240x8xf32, #tpu.memory_space<vmem_shared>> -> memref<640x8xf32, #tpu.memory_space<vmem_shared>>
      tpu.wait_dma2 semaphore(%run_scoped3A : memref<!tpu.dma_semaphore, #tpu.memory_space<semaphore_mem>>) src(%dma_wait3A_45 : memref<640x8xf32, #tpu.memory_space<vmem_shared>>) dst(%dma_wait3A_43 : memref<640x8xf32, #tpu.memory_space<hbm>>)
      tpu.yield
    }) : () -> ()
    return
  }
}

#map = affine_map<(d0, d1) -> (0, 0, 0)>
#map1 = affine_map<(d0, d1) -> (0, 0)>
module attributes {stable_mosaic.version = 14 : i64} {
  func.func @agg(%arg0: i32, %arg1: i32, %arg2: memref<2x2560x128xi32, #tpu.memory_space<hbm>>, %arg3: memref<10240x8xf32, #tpu.memory_space<hbm>>, %arg4: memref<10240x8xf32, #tpu.memory_space<hbm>>, %arg5: memref<2x10240x8xf32, #tpu.memory_space<hbm>>, %arg6: memref<2x128xi32, #tpu.memory_space<vmem>>, %arg7: memref<2x128xi32, #tpu.memory_space<vmem>>, %arg8: memref<2x128xi32, #tpu.memory_space<vmem>>, %arg9: memref<2x128xi32, #tpu.memory_space<vmem>>, %arg10: memref<2x128xi32, #tpu.memory_space<vmem>>, %arg11: memref<2x128xi32, #tpu.memory_space<vmem>>, %arg12: memref<2x128xi32, #tpu.memory_space<vmem>>, %arg13: memref<2x128xi32, #tpu.memory_space<vmem>>, %arg14: memref<128x8xf32, #tpu.memory_space<vmem>>, %arg15: memref<128x8xf32, #tpu.memory_space<vmem>>, %arg16: memref<128x8xf32, #tpu.memory_space<vmem>>, %arg17: memref<128x8xf32, #tpu.memory_space<vmem>>, %arg18: memref<128x8xf32, #tpu.memory_space<vmem>>, %arg19: memref<128x8xf32, #tpu.memory_space<vmem>>, %arg20: memref<128x8xf32, #tpu.memory_space<vmem>>, %arg21: memref<128x8xf32, #tpu.memory_space<vmem>>, %arg22: memref<!tpu.dma_semaphore, #tpu.memory_space<semaphore_mem>>, %arg23: memref<!tpu.dma_semaphore, #tpu.memory_space<semaphore_mem>>, %arg24: memref<!tpu.dma_semaphore, #tpu.memory_space<semaphore_mem>>, %arg25: memref<!tpu.dma_semaphore, #tpu.memory_space<semaphore_mem>>, %arg26: memref<!tpu.dma_semaphore, #tpu.memory_space<semaphore_mem>>, %arg27: memref<!tpu.dma_semaphore, #tpu.memory_space<semaphore_mem>>, %arg28: memref<!tpu.dma_semaphore, #tpu.memory_space<semaphore_mem>>, %arg29: memref<!tpu.dma_semaphore, #tpu.memory_space<semaphore_mem>>, %arg30: memref<!tpu.dma_semaphore, #tpu.memory_space<semaphore_mem>>, %arg31: memref<!tpu.dma_semaphore, #tpu.memory_space<semaphore_mem>>, %arg32: memref<!tpu.dma_semaphore, #tpu.memory_space<semaphore_mem>>, %arg33: memref<!tpu.dma_semaphore, #tpu.memory_space<semaphore_mem>>, %arg34: memref<!tpu.dma_semaphore, #tpu.memory_space<semaphore_mem>>, %arg35: memref<!tpu.dma_semaphore, #tpu.memory_space<semaphore_mem>>, %arg36: memref<!tpu.dma_semaphore, #tpu.memory_space<semaphore_mem>>, %arg37: memref<!tpu.dma_semaphore, #tpu.memory_space<semaphore_mem>>, %arg38: memref<10240x8xf32, #tpu.memory_space<vmem_shared>>) attributes {dimension_semantics = [#tpu.dimension_semantics<core_parallel>, #tpu.dimension_semantics<subcore_parallel>], iteration_bounds = array<i64: 2, 16>, scalar_prefetch = 0 : i64, scratch_operands = 33 : i64, tpu.core_type = #tpu.core_type<sc_vector_subcore>, window_params = [{transform_indices = #map}, {transform_indices = #map1}, {transform_indices = #map1}, {transform_indices = #map}]} {
    %mul3A = arith.constant 16 : i32
    %mul3A_0 = arith.muli %arg0, %mul3A : i32
    %add3A = arith.addi %mul3A_0, %arg1 : i32
    %mul3A_1 = arith.constant 640 : i32
    %mul3A_2 = arith.muli %arg1, %mul3A_1 : i32
    %mul3A_3 = arith.constant 640 : i32
    %mul3A_4 = arith.muli %arg1, %mul3A_3 : i32
    "tpu.region"() ({
      %run_scoped3A = tpu.sem_alloc : memref<!tpu.dma_semaphore, #tpu.memory_space<semaphore_mem>>
      %dma_start3A = arith.constant 0 : i32
      %dma_start3A_69 = tpu.memref_slice %arg38[%mul3A_4, %dma_start3A] : memref<10240x8xf32, #tpu.memory_space<vmem_shared>> -> memref<640x8xf32, #tpu.memory_space<vmem_shared>>
      %dma_start3A_70 = arith.constant 0 : i32
      %dma_start3A_71 = tpu.memref_slice %arg4[%mul3A_2, %dma_start3A_70] : memref<10240x8xf32, #tpu.memory_space<hbm>> -> memref<640x8xf32, #tpu.memory_space<hbm>>
      tpu.enqueue_dma source(%dma_start3A_71 : memref<640x8xf32, #tpu.memory_space<hbm>>) target(%dma_start3A_69 : memref<640x8xf32, #tpu.memory_space<vmem_shared>>) target_semaphore(%run_scoped3A : memref<!tpu.dma_semaphore, #tpu.memory_space<semaphore_mem>>)
      %dma_wait3A_72 = arith.constant 0 : i32
      %dma_wait3A_73 = tpu.memref_slice %arg38[%mul3A_4, %dma_wait3A_72] : memref<10240x8xf32, #tpu.memory_space<vmem_shared>> -> memref<640x8xf32, #tpu.memory_space<vmem_shared>>
      %dma_wait3A_74 = arith.constant 0 : i32
      %dma_wait3A_75 = tpu.memref_slice %arg4[%mul3A_2, %dma_wait3A_74] : memref<10240x8xf32, #tpu.memory_space<hbm>> -> memref<640x8xf32, #tpu.memory_space<hbm>>
      tpu.wait_dma2 semaphore(%run_scoped3A : memref<!tpu.dma_semaphore, #tpu.memory_space<semaphore_mem>>) src(%dma_wait3A_75 : memref<640x8xf32, #tpu.memory_space<hbm>>) dst(%dma_wait3A_73 : memref<640x8xf32, #tpu.memory_space<vmem_shared>>)
      tpu.yield
    }) : () -> ()
    %barrier3A = arith.constant 0 : index
    tpu.barrier barrier_id(%barrier3A)
    %scan3A = arith.constant 0 : i32
    %scan3A_5 = arith.constant 10 : i32
    %scan3A_6 = arith.addi %scan3A, %scan3A_5 : i32
    %scan3A_7 = arith.constant 1 : i32
    scf.for %scan3A_69 = %scan3A to %scan3A_6 step %scan3A_7  : i32 {
      %mul3A_70 = arith.constant 8 : i32
      %mul3A_71 = arith.muli %scan3A_69, %mul3A_70 : i32
      %add3A_72 = arith.constant 0 : i32
      %add3A_73 = arith.addi %add3A_72, %mul3A_71 : i32
      %gt3A = arith.constant 0 : i32
      %gt3A_74 = arith.cmpi sgt, %add3A_73, %gt3A : i32
      %convert_element_type3A = arith.extui %gt3A_74 : i1 to i32
      %cond3A = arith.constant 0 : i32
      %cond3A_75 = arith.cmpi ne, %convert_element_type3A, %cond3A : i32
      scf.if %cond3A_75 {
        %dma_wait3A_446 = arith.constant 1 : i32
        %dma_wait3A_447 = arith.constant 0 : i32
        %dma_wait3A_448 = tpu.memref_slice %arg6[%dma_wait3A_446, %dma_wait3A_447] : memref<2x128xi32, #tpu.memory_space<vmem>> -> memref<1x128xi32, #tpu.memory_space<vmem>>
        %dma_wait3A_449 = tpu.memref_squeeze %dma_wait3A_448 : memref<1x128xi32, #tpu.memory_space<vmem>> -> memref<128xi32, #tpu.memory_space<vmem>>
        %dma_wait3A_450 = arith.constant 0 : i32
        %dma_wait3A_451 = arith.constant 0 : i32
        %dma_wait3A_452 = tpu.memref_slice %arg38[%dma_wait3A_450, %dma_wait3A_451] : memref<10240x8xf32, #tpu.memory_space<vmem_shared>> -> memref<10240x8xf32, #tpu.memory_space<vmem_shared>>
        tpu.wait_indirect_dma semaphore(%arg30 : memref<!tpu.dma_semaphore, #tpu.memory_space<semaphore_mem>>) src(%arg14 : memref<128x8xf32, #tpu.memory_space<vmem>>) dst(%dma_wait3A_452 : memref<10240x8xf32, #tpu.memory_space<vmem_shared>>)
      } else {
      }
      %mul3A_76 = arith.constant 80 : i32
      %mul3A_77 = arith.muli %add3A, %mul3A_76 : i32
      %add3A_78 = arith.addi %mul3A_77, %add3A_73 : i32
      %add3A_79 = arith.constant 0 : i32
      %add3A_80 = arith.addi %add3A_78, %add3A_79 : i32
      %dma_start3A = arith.constant 0 : i32
      %dma_start3A_81 = arith.constant 0 : i32
      %dma_start3A_82 = tpu.memref_slice %arg2[%dma_start3A, %add3A_80, %dma_start3A_81] : memref<2x2560x128xi32, #tpu.memory_space<hbm>> -> memref<2x1x128xi32, #tpu.memory_space<hbm>>
      %dma_start3A_83 = tpu.memref_squeeze %dma_start3A_82 : memref<2x1x128xi32, #tpu.memory_space<hbm>> -> memref<2x128xi32, #tpu.memory_space<hbm>>
      %dma_start3A_84 = arith.constant 0 : i32
      %dma_start3A_85 = arith.constant 0 : i32
      %dma_start3A_86 = tpu.memref_slice %arg2[%dma_start3A_84, %add3A_80, %dma_start3A_85] : memref<2x2560x128xi32, #tpu.memory_space<hbm>> -> memref<2x1x128xi32, #tpu.memory_space<hbm>>
      %dma_start3A_87 = tpu.memref_squeeze %dma_start3A_86 : memref<2x1x128xi32, #tpu.memory_space<hbm>> -> memref<2x128xi32, #tpu.memory_space<hbm>>
      tpu.enqueue_dma source(%dma_start3A_87 : memref<2x128xi32, #tpu.memory_space<hbm>>) target(%arg6 : memref<2x128xi32, #tpu.memory_space<vmem>>) target_semaphore(%arg22 : memref<!tpu.dma_semaphore, #tpu.memory_space<semaphore_mem>>)
      %gt3A_88 = arith.constant 0 : i32
      %gt3A_89 = arith.cmpi sgt, %add3A_73, %gt3A_88 : i32
      %convert_element_type3A_90 = arith.extui %gt3A_89 : i1 to i32
      %cond3A_91 = arith.constant 0 : i32
      %cond3A_92 = arith.cmpi ne, %convert_element_type3A_90, %cond3A_91 : i32
      scf.if %cond3A_92 {
        %dma_wait3A_446 = arith.constant 1 : i32
        %dma_wait3A_447 = arith.constant 0 : i32
        %dma_wait3A_448 = tpu.memref_slice %arg7[%dma_wait3A_446, %dma_wait3A_447] : memref<2x128xi32, #tpu.memory_space<vmem>> -> memref<1x128xi32, #tpu.memory_space<vmem>>
        %dma_wait3A_449 = tpu.memref_squeeze %dma_wait3A_448 : memref<1x128xi32, #tpu.memory_space<vmem>> -> memref<128xi32, #tpu.memory_space<vmem>>
        %dma_wait3A_450 = arith.constant 0 : i32
        %dma_wait3A_451 = arith.constant 0 : i32
        %dma_wait3A_452 = tpu.memref_slice %arg38[%dma_wait3A_450, %dma_wait3A_451] : memref<10240x8xf32, #tpu.memory_space<vmem_shared>> -> memref<10240x8xf32, #tpu.memory_space<vmem_shared>>
        tpu.wait_indirect_dma semaphore(%arg31 : memref<!tpu.dma_semaphore, #tpu.memory_space<semaphore_mem>>) src(%arg15 : memref<128x8xf32, #tpu.memory_space<vmem>>) dst(%dma_wait3A_452 : memref<10240x8xf32, #tpu.memory_space<vmem_shared>>)
      } else {
      }
      %mul3A_93 = arith.constant 80 : i32
      %mul3A_94 = arith.muli %add3A, %mul3A_93 : i32
      %add3A_95 = arith.addi %mul3A_94, %add3A_73 : i32
      %add3A_96 = arith.constant 1 : i32
      %add3A_97 = arith.addi %add3A_95, %add3A_96 : i32
      %dma_start3A_98 = arith.constant 0 : i32
      %dma_start3A_99 = arith.constant 0 : i32
      %dma_start3A_100 = tpu.memref_slice %arg2[%dma_start3A_98, %add3A_97, %dma_start3A_99] : memref<2x2560x128xi32, #tpu.memory_space<hbm>> -> memref<2x1x128xi32, #tpu.memory_space<hbm>>
      %dma_start3A_101 = tpu.memref_squeeze %dma_start3A_100 : memref<2x1x128xi32, #tpu.memory_space<hbm>> -> memref<2x128xi32, #tpu.memory_space<hbm>>
      %dma_start3A_102 = arith.constant 0 : i32
      %dma_start3A_103 = arith.constant 0 : i32
      %dma_start3A_104 = tpu.memref_slice %arg2[%dma_start3A_102, %add3A_97, %dma_start3A_103] : memref<2x2560x128xi32, #tpu.memory_space<hbm>> -> memref<2x1x128xi32, #tpu.memory_space<hbm>>
      %dma_start3A_105 = tpu.memref_squeeze %dma_start3A_104 : memref<2x1x128xi32, #tpu.memory_space<hbm>> -> memref<2x128xi32, #tpu.memory_space<hbm>>
      tpu.enqueue_dma source(%dma_start3A_105 : memref<2x128xi32, #tpu.memory_space<hbm>>) target(%arg7 : memref<2x128xi32, #tpu.memory_space<vmem>>) target_semaphore(%arg23 : memref<!tpu.dma_semaphore, #tpu.memory_space<semaphore_mem>>)
      %gt3A_106 = arith.constant 0 : i32
      %gt3A_107 = arith.cmpi sgt, %add3A_73, %gt3A_106 : i32
      %convert_element_type3A_108 = arith.extui %gt3A_107 : i1 to i32
      %cond3A_109 = arith.constant 0 : i32
      %cond3A_110 = arith.cmpi ne, %convert_element_type3A_108, %cond3A_109 : i32
      scf.if %cond3A_110 {
        %dma_wait3A_446 = arith.constant 1 : i32
        %dma_wait3A_447 = arith.constant 0 : i32
        %dma_wait3A_448 = tpu.memref_slice %arg8[%dma_wait3A_446, %dma_wait3A_447] : memref<2x128xi32, #tpu.memory_space<vmem>> -> memref<1x128xi32, #tpu.memory_space<vmem>>
        %dma_wait3A_449 = tpu.memref_squeeze %dma_wait3A_448 : memref<1x128xi32, #tpu.memory_space<vmem>> -> memref<128xi32, #tpu.memory_space<vmem>>
        %dma_wait3A_450 = arith.constant 0 : i32
        %dma_wait3A_451 = arith.constant 0 : i32
        %dma_wait3A_452 = tpu.memref_slice %arg38[%dma_wait3A_450, %dma_wait3A_451] : memref<10240x8xf32, #tpu.memory_space<vmem_shared>> -> memref<10240x8xf32, #tpu.memory_space<vmem_shared>>
        tpu.wait_indirect_dma semaphore(%arg32 : memref<!tpu.dma_semaphore, #tpu.memory_space<semaphore_mem>>) src(%arg16 : memref<128x8xf32, #tpu.memory_space<vmem>>) dst(%dma_wait3A_452 : memref<10240x8xf32, #tpu.memory_space<vmem_shared>>)
      } else {
      }
      %mul3A_111 = arith.constant 80 : i32
      %mul3A_112 = arith.muli %add3A, %mul3A_111 : i32
      %add3A_113 = arith.addi %mul3A_112, %add3A_73 : i32
      %add3A_114 = arith.constant 2 : i32
      %add3A_115 = arith.addi %add3A_113, %add3A_114 : i32
      %dma_start3A_116 = arith.constant 0 : i32
      %dma_start3A_117 = arith.constant 0 : i32
      %dma_start3A_118 = tpu.memref_slice %arg2[%dma_start3A_116, %add3A_115, %dma_start3A_117] : memref<2x2560x128xi32, #tpu.memory_space<hbm>> -> memref<2x1x128xi32, #tpu.memory_space<hbm>>
      %dma_start3A_119 = tpu.memref_squeeze %dma_start3A_118 : memref<2x1x128xi32, #tpu.memory_space<hbm>> -> memref<2x128xi32, #tpu.memory_space<hbm>>
      %dma_start3A_120 = arith.constant 0 : i32
      %dma_start3A_121 = arith.constant 0 : i32
      %dma_start3A_122 = tpu.memref_slice %arg2[%dma_start3A_120, %add3A_115, %dma_start3A_121] : memref<2x2560x128xi32, #tpu.memory_space<hbm>> -> memref<2x1x128xi32, #tpu.memory_space<hbm>>
      %dma_start3A_123 = tpu.memref_squeeze %dma_start3A_122 : memref<2x1x128xi32, #tpu.memory_space<hbm>> -> memref<2x128xi32, #tpu.memory_space<hbm>>
      tpu.enqueue_dma source(%dma_start3A_123 : memref<2x128xi32, #tpu.memory_space<hbm>>) target(%arg8 : memref<2x128xi32, #tpu.memory_space<vmem>>) target_semaphore(%arg24 : memref<!tpu.dma_semaphore, #tpu.memory_space<semaphore_mem>>)
      %gt3A_124 = arith.constant 0 : i32
      %gt3A_125 = arith.cmpi sgt, %add3A_73, %gt3A_124 : i32
      %convert_element_type3A_126 = arith.extui %gt3A_125 : i1 to i32
      %cond3A_127 = arith.constant 0 : i32
      %cond3A_128 = arith.cmpi ne, %convert_element_type3A_126, %cond3A_127 : i32
      scf.if %cond3A_128 {
        %dma_wait3A_446 = arith.constant 1 : i32
        %dma_wait3A_447 = arith.constant 0 : i32
        %dma_wait3A_448 = tpu.memref_slice %arg9[%dma_wait3A_446, %dma_wait3A_447] : memref<2x128xi32, #tpu.memory_space<vmem>> -> memref<1x128xi32, #tpu.memory_space<vmem>>
        %dma_wait3A_449 = tpu.memref_squeeze %dma_wait3A_448 : memref<1x128xi32, #tpu.memory_space<vmem>> -> memref<128xi32, #tpu.memory_space<vmem>>
        %dma_wait3A_450 = arith.constant 0 : i32
        %dma_wait3A_451 = arith.constant 0 : i32
        %dma_wait3A_452 = tpu.memref_slice %arg38[%dma_wait3A_450, %dma_wait3A_451] : memref<10240x8xf32, #tpu.memory_space<vmem_shared>> -> memref<10240x8xf32, #tpu.memory_space<vmem_shared>>
        tpu.wait_indirect_dma semaphore(%arg33 : memref<!tpu.dma_semaphore, #tpu.memory_space<semaphore_mem>>) src(%arg17 : memref<128x8xf32, #tpu.memory_space<vmem>>) dst(%dma_wait3A_452 : memref<10240x8xf32, #tpu.memory_space<vmem_shared>>)
      } else {
      }
      %mul3A_129 = arith.constant 80 : i32
      %mul3A_130 = arith.muli %add3A, %mul3A_129 : i32
      %add3A_131 = arith.addi %mul3A_130, %add3A_73 : i32
      %add3A_132 = arith.constant 3 : i32
      %add3A_133 = arith.addi %add3A_131, %add3A_132 : i32
      %dma_start3A_134 = arith.constant 0 : i32
      %dma_start3A_135 = arith.constant 0 : i32
      %dma_start3A_136 = tpu.memref_slice %arg2[%dma_start3A_134, %add3A_133, %dma_start3A_135] : memref<2x2560x128xi32, #tpu.memory_space<hbm>> -> memref<2x1x128xi32, #tpu.memory_space<hbm>>
      %dma_start3A_137 = tpu.memref_squeeze %dma_start3A_136 : memref<2x1x128xi32, #tpu.memory_space<hbm>> -> memref<2x128xi32, #tpu.memory_space<hbm>>
      %dma_start3A_138 = arith.constant 0 : i32
      %dma_start3A_139 = arith.constant 0 : i32
      %dma_start3A_140 = tpu.memref_slice %arg2[%dma_start3A_138, %add3A_133, %dma_start3A_139] : memref<2x2560x128xi32, #tpu.memory_space<hbm>> -> memref<2x1x128xi32, #tpu.memory_space<hbm>>
      %dma_start3A_141 = tpu.memref_squeeze %dma_start3A_140 : memref<2x1x128xi32, #tpu.memory_space<hbm>> -> memref<2x128xi32, #tpu.memory_space<hbm>>
      tpu.enqueue_dma source(%dma_start3A_141 : memref<2x128xi32, #tpu.memory_space<hbm>>) target(%arg9 : memref<2x128xi32, #tpu.memory_space<vmem>>) target_semaphore(%arg25 : memref<!tpu.dma_semaphore, #tpu.memory_space<semaphore_mem>>)
      %gt3A_142 = arith.constant 0 : i32
      %gt3A_143 = arith.cmpi sgt, %add3A_73, %gt3A_142 : i32
      %convert_element_type3A_144 = arith.extui %gt3A_143 : i1 to i32
      %cond3A_145 = arith.constant 0 : i32
      %cond3A_146 = arith.cmpi ne, %convert_element_type3A_144, %cond3A_145 : i32
      scf.if %cond3A_146 {
        %dma_wait3A_446 = arith.constant 1 : i32
        %dma_wait3A_447 = arith.constant 0 : i32
        %dma_wait3A_448 = tpu.memref_slice %arg10[%dma_wait3A_446, %dma_wait3A_447] : memref<2x128xi32, #tpu.memory_space<vmem>> -> memref<1x128xi32, #tpu.memory_space<vmem>>
        %dma_wait3A_449 = tpu.memref_squeeze %dma_wait3A_448 : memref<1x128xi32, #tpu.memory_space<vmem>> -> memref<128xi32, #tpu.memory_space<vmem>>
        %dma_wait3A_450 = arith.constant 0 : i32
        %dma_wait3A_451 = arith.constant 0 : i32
        %dma_wait3A_452 = tpu.memref_slice %arg38[%dma_wait3A_450, %dma_wait3A_451] : memref<10240x8xf32, #tpu.memory_space<vmem_shared>> -> memref<10240x8xf32, #tpu.memory_space<vmem_shared>>
        tpu.wait_indirect_dma semaphore(%arg34 : memref<!tpu.dma_semaphore, #tpu.memory_space<semaphore_mem>>) src(%arg18 : memref<128x8xf32, #tpu.memory_space<vmem>>) dst(%dma_wait3A_452 : memref<10240x8xf32, #tpu.memory_space<vmem_shared>>)
      } else {
      }
      %mul3A_147 = arith.constant 80 : i32
      %mul3A_148 = arith.muli %add3A, %mul3A_147 : i32
      %add3A_149 = arith.addi %mul3A_148, %add3A_73 : i32
      %add3A_150 = arith.constant 4 : i32
      %add3A_151 = arith.addi %add3A_149, %add3A_150 : i32
      %dma_start3A_152 = arith.constant 0 : i32
      %dma_start3A_153 = arith.constant 0 : i32
      %dma_start3A_154 = tpu.memref_slice %arg2[%dma_start3A_152, %add3A_151, %dma_start3A_153] : memref<2x2560x128xi32, #tpu.memory_space<hbm>> -> memref<2x1x128xi32, #tpu.memory_space<hbm>>
      %dma_start3A_155 = tpu.memref_squeeze %dma_start3A_154 : memref<2x1x128xi32, #tpu.memory_space<hbm>> -> memref<2x128xi32, #tpu.memory_space<hbm>>
      %dma_start3A_156 = arith.constant 0 : i32
      %dma_start3A_157 = arith.constant 0 : i32
      %dma_start3A_158 = tpu.memref_slice %arg2[%dma_start3A_156, %add3A_151, %dma_start3A_157] : memref<2x2560x128xi32, #tpu.memory_space<hbm>> -> memref<2x1x128xi32, #tpu.memory_space<hbm>>
      %dma_start3A_159 = tpu.memref_squeeze %dma_start3A_158 : memref<2x1x128xi32, #tpu.memory_space<hbm>> -> memref<2x128xi32, #tpu.memory_space<hbm>>
      tpu.enqueue_dma source(%dma_start3A_159 : memref<2x128xi32, #tpu.memory_space<hbm>>) target(%arg10 : memref<2x128xi32, #tpu.memory_space<vmem>>) target_semaphore(%arg26 : memref<!tpu.dma_semaphore, #tpu.memory_space<semaphore_mem>>)
      %gt3A_160 = arith.constant 0 : i32
      %gt3A_161 = arith.cmpi sgt, %add3A_73, %gt3A_160 : i32
      %convert_element_type3A_162 = arith.extui %gt3A_161 : i1 to i32
      %cond3A_163 = arith.constant 0 : i32
      %cond3A_164 = arith.cmpi ne, %convert_element_type3A_162, %cond3A_163 : i32
      scf.if %cond3A_164 {
        %dma_wait3A_446 = arith.constant 1 : i32
        %dma_wait3A_447 = arith.constant 0 : i32
        %dma_wait3A_448 = tpu.memref_slice %arg11[%dma_wait3A_446, %dma_wait3A_447] : memref<2x128xi32, #tpu.memory_space<vmem>> -> memref<1x128xi32, #tpu.memory_space<vmem>>
        %dma_wait3A_449 = tpu.memref_squeeze %dma_wait3A_448 : memref<1x128xi32, #tpu.memory_space<vmem>> -> memref<128xi32, #tpu.memory_space<vmem>>
        %dma_wait3A_450 = arith.constant 0 : i32
        %dma_wait3A_451 = arith.constant 0 : i32
        %dma_wait3A_452 = tpu.memref_slice %arg38[%dma_wait3A_450, %dma_wait3A_451] : memref<10240x8xf32, #tpu.memory_space<vmem_shared>> -> memref<10240x8xf32, #tpu.memory_space<vmem_shared>>
        tpu.wait_indirect_dma semaphore(%arg35 : memref<!tpu.dma_semaphore, #tpu.memory_space<semaphore_mem>>) src(%arg19 : memref<128x8xf32, #tpu.memory_space<vmem>>) dst(%dma_wait3A_452 : memref<10240x8xf32, #tpu.memory_space<vmem_shared>>)
      } else {
      }
      %mul3A_165 = arith.constant 80 : i32
      %mul3A_166 = arith.muli %add3A, %mul3A_165 : i32
      %add3A_167 = arith.addi %mul3A_166, %add3A_73 : i32
      %add3A_168 = arith.constant 5 : i32
      %add3A_169 = arith.addi %add3A_167, %add3A_168 : i32
      %dma_start3A_170 = arith.constant 0 : i32
      %dma_start3A_171 = arith.constant 0 : i32
      %dma_start3A_172 = tpu.memref_slice %arg2[%dma_start3A_170, %add3A_169, %dma_start3A_171] : memref<2x2560x128xi32, #tpu.memory_space<hbm>> -> memref<2x1x128xi32, #tpu.memory_space<hbm>>
      %dma_start3A_173 = tpu.memref_squeeze %dma_start3A_172 : memref<2x1x128xi32, #tpu.memory_space<hbm>> -> memref<2x128xi32, #tpu.memory_space<hbm>>
      %dma_start3A_174 = arith.constant 0 : i32
      %dma_start3A_175 = arith.constant 0 : i32
      %dma_start3A_176 = tpu.memref_slice %arg2[%dma_start3A_174, %add3A_169, %dma_start3A_175] : memref<2x2560x128xi32, #tpu.memory_space<hbm>> -> memref<2x1x128xi32, #tpu.memory_space<hbm>>
      %dma_start3A_177 = tpu.memref_squeeze %dma_start3A_176 : memref<2x1x128xi32, #tpu.memory_space<hbm>> -> memref<2x128xi32, #tpu.memory_space<hbm>>
      tpu.enqueue_dma source(%dma_start3A_177 : memref<2x128xi32, #tpu.memory_space<hbm>>) target(%arg11 : memref<2x128xi32, #tpu.memory_space<vmem>>) target_semaphore(%arg27 : memref<!tpu.dma_semaphore, #tpu.memory_space<semaphore_mem>>)
      %gt3A_178 = arith.constant 0 : i32
      %gt3A_179 = arith.cmpi sgt, %add3A_73, %gt3A_178 : i32
      %convert_element_type3A_180 = arith.extui %gt3A_179 : i1 to i32
      %cond3A_181 = arith.constant 0 : i32
      %cond3A_182 = arith.cmpi ne, %convert_element_type3A_180, %cond3A_181 : i32
      scf.if %cond3A_182 {
        %dma_wait3A_446 = arith.constant 1 : i32
        %dma_wait3A_447 = arith.constant 0 : i32
        %dma_wait3A_448 = tpu.memref_slice %arg12[%dma_wait3A_446, %dma_wait3A_447] : memref<2x128xi32, #tpu.memory_space<vmem>> -> memref<1x128xi32, #tpu.memory_space<vmem>>
        %dma_wait3A_449 = tpu.memref_squeeze %dma_wait3A_448 : memref<1x128xi32, #tpu.memory_space<vmem>> -> memref<128xi32, #tpu.memory_space<vmem>>
        %dma_wait3A_450 = arith.constant 0 : i32
        %dma_wait3A_451 = arith.constant 0 : i32
        %dma_wait3A_452 = tpu.memref_slice %arg38[%dma_wait3A_450, %dma_wait3A_451] : memref<10240x8xf32, #tpu.memory_space<vmem_shared>> -> memref<10240x8xf32, #tpu.memory_space<vmem_shared>>
        tpu.wait_indirect_dma semaphore(%arg36 : memref<!tpu.dma_semaphore, #tpu.memory_space<semaphore_mem>>) src(%arg20 : memref<128x8xf32, #tpu.memory_space<vmem>>) dst(%dma_wait3A_452 : memref<10240x8xf32, #tpu.memory_space<vmem_shared>>)
      } else {
      }
      %mul3A_183 = arith.constant 80 : i32
      %mul3A_184 = arith.muli %add3A, %mul3A_183 : i32
      %add3A_185 = arith.addi %mul3A_184, %add3A_73 : i32
      %add3A_186 = arith.constant 6 : i32
      %add3A_187 = arith.addi %add3A_185, %add3A_186 : i32
      %dma_start3A_188 = arith.constant 0 : i32
      %dma_start3A_189 = arith.constant 0 : i32
      %dma_start3A_190 = tpu.memref_slice %arg2[%dma_start3A_188, %add3A_187, %dma_start3A_189] : memref<2x2560x128xi32, #tpu.memory_space<hbm>> -> memref<2x1x128xi32, #tpu.memory_space<hbm>>
      %dma_start3A_191 = tpu.memref_squeeze %dma_start3A_190 : memref<2x1x128xi32, #tpu.memory_space<hbm>> -> memref<2x128xi32, #tpu.memory_space<hbm>>
      %dma_start3A_192 = arith.constant 0 : i32
      %dma_start3A_193 = arith.constant 0 : i32
      %dma_start3A_194 = tpu.memref_slice %arg2[%dma_start3A_192, %add3A_187, %dma_start3A_193] : memref<2x2560x128xi32, #tpu.memory_space<hbm>> -> memref<2x1x128xi32, #tpu.memory_space<hbm>>
      %dma_start3A_195 = tpu.memref_squeeze %dma_start3A_194 : memref<2x1x128xi32, #tpu.memory_space<hbm>> -> memref<2x128xi32, #tpu.memory_space<hbm>>
      tpu.enqueue_dma source(%dma_start3A_195 : memref<2x128xi32, #tpu.memory_space<hbm>>) target(%arg12 : memref<2x128xi32, #tpu.memory_space<vmem>>) target_semaphore(%arg28 : memref<!tpu.dma_semaphore, #tpu.memory_space<semaphore_mem>>)
      %gt3A_196 = arith.constant 0 : i32
      %gt3A_197 = arith.cmpi sgt, %add3A_73, %gt3A_196 : i32
      %convert_element_type3A_198 = arith.extui %gt3A_197 : i1 to i32
      %cond3A_199 = arith.constant 0 : i32
      %cond3A_200 = arith.cmpi ne, %convert_element_type3A_198, %cond3A_199 : i32
      scf.if %cond3A_200 {
        %dma_wait3A_446 = arith.constant 1 : i32
        %dma_wait3A_447 = arith.constant 0 : i32
        %dma_wait3A_448 = tpu.memref_slice %arg13[%dma_wait3A_446, %dma_wait3A_447] : memref<2x128xi32, #tpu.memory_space<vmem>> -> memref<1x128xi32, #tpu.memory_space<vmem>>
        %dma_wait3A_449 = tpu.memref_squeeze %dma_wait3A_448 : memref<1x128xi32, #tpu.memory_space<vmem>> -> memref<128xi32, #tpu.memory_space<vmem>>
        %dma_wait3A_450 = arith.constant 0 : i32
        %dma_wait3A_451 = arith.constant 0 : i32
        %dma_wait3A_452 = tpu.memref_slice %arg38[%dma_wait3A_450, %dma_wait3A_451] : memref<10240x8xf32, #tpu.memory_space<vmem_shared>> -> memref<10240x8xf32, #tpu.memory_space<vmem_shared>>
        tpu.wait_indirect_dma semaphore(%arg37 : memref<!tpu.dma_semaphore, #tpu.memory_space<semaphore_mem>>) src(%arg21 : memref<128x8xf32, #tpu.memory_space<vmem>>) dst(%dma_wait3A_452 : memref<10240x8xf32, #tpu.memory_space<vmem_shared>>)
      } else {
      }
      %mul3A_201 = arith.constant 80 : i32
      %mul3A_202 = arith.muli %add3A, %mul3A_201 : i32
      %add3A_203 = arith.addi %mul3A_202, %add3A_73 : i32
      %add3A_204 = arith.constant 7 : i32
      %add3A_205 = arith.addi %add3A_203, %add3A_204 : i32
      %dma_start3A_206 = arith.constant 0 : i32
      %dma_start3A_207 = arith.constant 0 : i32
      %dma_start3A_208 = tpu.memref_slice %arg2[%dma_start3A_206, %add3A_205, %dma_start3A_207] : memref<2x2560x128xi32, #tpu.memory_space<hbm>> -> memref<2x1x128xi32, #tpu.memory_space<hbm>>
      %dma_start3A_209 = tpu.memref_squeeze %dma_start3A_208 : memref<2x1x128xi32, #tpu.memory_space<hbm>> -> memref<2x128xi32, #tpu.memory_space<hbm>>
      %dma_start3A_210 = arith.constant 0 : i32
      %dma_start3A_211 = arith.constant 0 : i32
      %dma_start3A_212 = tpu.memref_slice %arg2[%dma_start3A_210, %add3A_205, %dma_start3A_211] : memref<2x2560x128xi32, #tpu.memory_space<hbm>> -> memref<2x1x128xi32, #tpu.memory_space<hbm>>
      %dma_start3A_213 = tpu.memref_squeeze %dma_start3A_212 : memref<2x1x128xi32, #tpu.memory_space<hbm>> -> memref<2x128xi32, #tpu.memory_space<hbm>>
      tpu.enqueue_dma source(%dma_start3A_213 : memref<2x128xi32, #tpu.memory_space<hbm>>) target(%arg13 : memref<2x128xi32, #tpu.memory_space<vmem>>) target_semaphore(%arg29 : memref<!tpu.dma_semaphore, #tpu.memory_space<semaphore_mem>>)
      %dma_wait3A_214 = arith.constant 0 : i32
      %dma_wait3A_215 = arith.constant 0 : i32
      %dma_wait3A_216 = tpu.memref_slice %arg2[%dma_wait3A_214, %add3A_80, %dma_wait3A_215] : memref<2x2560x128xi32, #tpu.memory_space<hbm>> -> memref<2x1x128xi32, #tpu.memory_space<hbm>>
      %dma_wait3A_217 = tpu.memref_squeeze %dma_wait3A_216 : memref<2x1x128xi32, #tpu.memory_space<hbm>> -> memref<2x128xi32, #tpu.memory_space<hbm>>
      %dma_wait3A_218 = arith.constant 0 : i32
      %dma_wait3A_219 = arith.constant 0 : i32
      %dma_wait3A_220 = tpu.memref_slice %arg2[%dma_wait3A_218, %add3A_80, %dma_wait3A_219] : memref<2x2560x128xi32, #tpu.memory_space<hbm>> -> memref<2x1x128xi32, #tpu.memory_space<hbm>>
      %dma_wait3A_221 = tpu.memref_squeeze %dma_wait3A_220 : memref<2x1x128xi32, #tpu.memory_space<hbm>> -> memref<2x128xi32, #tpu.memory_space<hbm>>
      tpu.wait_dma2 semaphore(%arg22 : memref<!tpu.dma_semaphore, #tpu.memory_space<semaphore_mem>>) src(%dma_wait3A_221 : memref<2x128xi32, #tpu.memory_space<hbm>>) dst(%arg6 : memref<2x128xi32, #tpu.memory_space<vmem>>)
      %dma_start3A_222 = arith.constant 0 : i32
      %dma_start3A_223 = arith.constant 0 : i32
      %dma_start3A_224 = tpu.memref_slice %arg6[%dma_start3A_222, %dma_start3A_223] : memref<2x128xi32, #tpu.memory_space<vmem>> -> memref<1x128xi32, #tpu.memory_space<vmem>>
      %dma_start3A_225 = tpu.memref_squeeze %dma_start3A_224 : memref<1x128xi32, #tpu.memory_space<vmem>> -> memref<128xi32, #tpu.memory_space<vmem>>
      %dma_start3A_226 = arith.constant 0 : i32
      %dma_start3A_227 = arith.constant 0 : i32
      %dma_start3A_228 = tpu.memref_slice %arg3[%dma_start3A_226, %dma_start3A_227] : memref<10240x8xf32, #tpu.memory_space<hbm>> -> memref<10240x8xf32, #tpu.memory_space<hbm>>
      tpu.enqueue_indirect_dma source(%dma_start3A_228 : memref<10240x8xf32, #tpu.memory_space<hbm>>) target(%arg14 : memref<128x8xf32, #tpu.memory_space<vmem>>) offsets(%dma_start3A_225 : memref<128xi32, #tpu.memory_space<vmem>>) semaphore(%arg22 : memref<!tpu.dma_semaphore, #tpu.memory_space<semaphore_mem>>)
      %dma_wait3A_229 = arith.constant 0 : i32
      %dma_wait3A_230 = arith.constant 0 : i32
      %dma_wait3A_231 = tpu.memref_slice %arg2[%dma_wait3A_229, %add3A_97, %dma_wait3A_230] : memref<2x2560x128xi32, #tpu.memory_space<hbm>> -> memref<2x1x128xi32, #tpu.memory_space<hbm>>
      %dma_wait3A_232 = tpu.memref_squeeze %dma_wait3A_231 : memref<2x1x128xi32, #tpu.memory_space<hbm>> -> memref<2x128xi32, #tpu.memory_space<hbm>>
      %dma_wait3A_233 = arith.constant 0 : i32
      %dma_wait3A_234 = arith.constant 0 : i32
      %dma_wait3A_235 = tpu.memref_slice %arg2[%dma_wait3A_233, %add3A_97, %dma_wait3A_234] : memref<2x2560x128xi32, #tpu.memory_space<hbm>> -> memref<2x1x128xi32, #tpu.memory_space<hbm>>
      %dma_wait3A_236 = tpu.memref_squeeze %dma_wait3A_235 : memref<2x1x128xi32, #tpu.memory_space<hbm>> -> memref<2x128xi32, #tpu.memory_space<hbm>>
      tpu.wait_dma2 semaphore(%arg23 : memref<!tpu.dma_semaphore, #tpu.memory_space<semaphore_mem>>) src(%dma_wait3A_236 : memref<2x128xi32, #tpu.memory_space<hbm>>) dst(%arg7 : memref<2x128xi32, #tpu.memory_space<vmem>>)
      %dma_start3A_237 = arith.constant 0 : i32
      %dma_start3A_238 = arith.constant 0 : i32
      %dma_start3A_239 = tpu.memref_slice %arg7[%dma_start3A_237, %dma_start3A_238] : memref<2x128xi32, #tpu.memory_space<vmem>> -> memref<1x128xi32, #tpu.memory_space<vmem>>
      %dma_start3A_240 = tpu.memref_squeeze %dma_start3A_239 : memref<1x128xi32, #tpu.memory_space<vmem>> -> memref<128xi32, #tpu.memory_space<vmem>>
      %dma_start3A_241 = arith.constant 0 : i32
      %dma_start3A_242 = arith.constant 0 : i32
      %dma_start3A_243 = tpu.memref_slice %arg3[%dma_start3A_241, %dma_start3A_242] : memref<10240x8xf32, #tpu.memory_space<hbm>> -> memref<10240x8xf32, #tpu.memory_space<hbm>>
      tpu.enqueue_indirect_dma source(%dma_start3A_243 : memref<10240x8xf32, #tpu.memory_space<hbm>>) target(%arg15 : memref<128x8xf32, #tpu.memory_space<vmem>>) offsets(%dma_start3A_240 : memref<128xi32, #tpu.memory_space<vmem>>) semaphore(%arg23 : memref<!tpu.dma_semaphore, #tpu.memory_space<semaphore_mem>>)
      %dma_wait3A_244 = arith.constant 0 : i32
      %dma_wait3A_245 = arith.constant 0 : i32
      %dma_wait3A_246 = tpu.memref_slice %arg2[%dma_wait3A_244, %add3A_115, %dma_wait3A_245] : memref<2x2560x128xi32, #tpu.memory_space<hbm>> -> memref<2x1x128xi32, #tpu.memory_space<hbm>>
      %dma_wait3A_247 = tpu.memref_squeeze %dma_wait3A_246 : memref<2x1x128xi32, #tpu.memory_space<hbm>> -> memref<2x128xi32, #tpu.memory_space<hbm>>
      %dma_wait3A_248 = arith.constant 0 : i32
      %dma_wait3A_249 = arith.constant 0 : i32
      %dma_wait3A_250 = tpu.memref_slice %arg2[%dma_wait3A_248, %add3A_115, %dma_wait3A_249] : memref<2x2560x128xi32, #tpu.memory_space<hbm>> -> memref<2x1x128xi32, #tpu.memory_space<hbm>>
      %dma_wait3A_251 = tpu.memref_squeeze %dma_wait3A_250 : memref<2x1x128xi32, #tpu.memory_space<hbm>> -> memref<2x128xi32, #tpu.memory_space<hbm>>
      tpu.wait_dma2 semaphore(%arg24 : memref<!tpu.dma_semaphore, #tpu.memory_space<semaphore_mem>>) src(%dma_wait3A_251 : memref<2x128xi32, #tpu.memory_space<hbm>>) dst(%arg8 : memref<2x128xi32, #tpu.memory_space<vmem>>)
      %dma_start3A_252 = arith.constant 0 : i32
      %dma_start3A_253 = arith.constant 0 : i32
      %dma_start3A_254 = tpu.memref_slice %arg8[%dma_start3A_252, %dma_start3A_253] : memref<2x128xi32, #tpu.memory_space<vmem>> -> memref<1x128xi32, #tpu.memory_space<vmem>>
      %dma_start3A_255 = tpu.memref_squeeze %dma_start3A_254 : memref<1x128xi32, #tpu.memory_space<vmem>> -> memref<128xi32, #tpu.memory_space<vmem>>
      %dma_start3A_256 = arith.constant 0 : i32
      %dma_start3A_257 = arith.constant 0 : i32
      %dma_start3A_258 = tpu.memref_slice %arg3[%dma_start3A_256, %dma_start3A_257] : memref<10240x8xf32, #tpu.memory_space<hbm>> -> memref<10240x8xf32, #tpu.memory_space<hbm>>
      tpu.enqueue_indirect_dma source(%dma_start3A_258 : memref<10240x8xf32, #tpu.memory_space<hbm>>) target(%arg16 : memref<128x8xf32, #tpu.memory_space<vmem>>) offsets(%dma_start3A_255 : memref<128xi32, #tpu.memory_space<vmem>>) semaphore(%arg24 : memref<!tpu.dma_semaphore, #tpu.memory_space<semaphore_mem>>)
      %dma_wait3A_259 = arith.constant 0 : i32
      %dma_wait3A_260 = arith.constant 0 : i32
      %dma_wait3A_261 = tpu.memref_slice %arg2[%dma_wait3A_259, %add3A_133, %dma_wait3A_260] : memref<2x2560x128xi32, #tpu.memory_space<hbm>> -> memref<2x1x128xi32, #tpu.memory_space<hbm>>
      %dma_wait3A_262 = tpu.memref_squeeze %dma_wait3A_261 : memref<2x1x128xi32, #tpu.memory_space<hbm>> -> memref<2x128xi32, #tpu.memory_space<hbm>>
      %dma_wait3A_263 = arith.constant 0 : i32
      %dma_wait3A_264 = arith.constant 0 : i32
      %dma_wait3A_265 = tpu.memref_slice %arg2[%dma_wait3A_263, %add3A_133, %dma_wait3A_264] : memref<2x2560x128xi32, #tpu.memory_space<hbm>> -> memref<2x1x128xi32, #tpu.memory_space<hbm>>
      %dma_wait3A_266 = tpu.memref_squeeze %dma_wait3A_265 : memref<2x1x128xi32, #tpu.memory_space<hbm>> -> memref<2x128xi32, #tpu.memory_space<hbm>>
      tpu.wait_dma2 semaphore(%arg25 : memref<!tpu.dma_semaphore, #tpu.memory_space<semaphore_mem>>) src(%dma_wait3A_266 : memref<2x128xi32, #tpu.memory_space<hbm>>) dst(%arg9 : memref<2x128xi32, #tpu.memory_space<vmem>>)
      %dma_start3A_267 = arith.constant 0 : i32
      %dma_start3A_268 = arith.constant 0 : i32
      %dma_start3A_269 = tpu.memref_slice %arg9[%dma_start3A_267, %dma_start3A_268] : memref<2x128xi32, #tpu.memory_space<vmem>> -> memref<1x128xi32, #tpu.memory_space<vmem>>
      %dma_start3A_270 = tpu.memref_squeeze %dma_start3A_269 : memref<1x128xi32, #tpu.memory_space<vmem>> -> memref<128xi32, #tpu.memory_space<vmem>>
      %dma_start3A_271 = arith.constant 0 : i32
      %dma_start3A_272 = arith.constant 0 : i32
      %dma_start3A_273 = tpu.memref_slice %arg3[%dma_start3A_271, %dma_start3A_272] : memref<10240x8xf32, #tpu.memory_space<hbm>> -> memref<10240x8xf32, #tpu.memory_space<hbm>>
      tpu.enqueue_indirect_dma source(%dma_start3A_273 : memref<10240x8xf32, #tpu.memory_space<hbm>>) target(%arg17 : memref<128x8xf32, #tpu.memory_space<vmem>>) offsets(%dma_start3A_270 : memref<128xi32, #tpu.memory_space<vmem>>) semaphore(%arg25 : memref<!tpu.dma_semaphore, #tpu.memory_space<semaphore_mem>>)
      %dma_wait3A_274 = arith.constant 0 : i32
      %dma_wait3A_275 = arith.constant 0 : i32
      %dma_wait3A_276 = tpu.memref_slice %arg2[%dma_wait3A_274, %add3A_151, %dma_wait3A_275] : memref<2x2560x128xi32, #tpu.memory_space<hbm>> -> memref<2x1x128xi32, #tpu.memory_space<hbm>>
      %dma_wait3A_277 = tpu.memref_squeeze %dma_wait3A_276 : memref<2x1x128xi32, #tpu.memory_space<hbm>> -> memref<2x128xi32, #tpu.memory_space<hbm>>
      %dma_wait3A_278 = arith.constant 0 : i32
      %dma_wait3A_279 = arith.constant 0 : i32
      %dma_wait3A_280 = tpu.memref_slice %arg2[%dma_wait3A_278, %add3A_151, %dma_wait3A_279] : memref<2x2560x128xi32, #tpu.memory_space<hbm>> -> memref<2x1x128xi32, #tpu.memory_space<hbm>>
      %dma_wait3A_281 = tpu.memref_squeeze %dma_wait3A_280 : memref<2x1x128xi32, #tpu.memory_space<hbm>> -> memref<2x128xi32, #tpu.memory_space<hbm>>
      tpu.wait_dma2 semaphore(%arg26 : memref<!tpu.dma_semaphore, #tpu.memory_space<semaphore_mem>>) src(%dma_wait3A_281 : memref<2x128xi32, #tpu.memory_space<hbm>>) dst(%arg10 : memref<2x128xi32, #tpu.memory_space<vmem>>)
      %dma_start3A_282 = arith.constant 0 : i32
      %dma_start3A_283 = arith.constant 0 : i32
      %dma_start3A_284 = tpu.memref_slice %arg10[%dma_start3A_282, %dma_start3A_283] : memref<2x128xi32, #tpu.memory_space<vmem>> -> memref<1x128xi32, #tpu.memory_space<vmem>>
      %dma_start3A_285 = tpu.memref_squeeze %dma_start3A_284 : memref<1x128xi32, #tpu.memory_space<vmem>> -> memref<128xi32, #tpu.memory_space<vmem>>
      %dma_start3A_286 = arith.constant 0 : i32
      %dma_start3A_287 = arith.constant 0 : i32
      %dma_start3A_288 = tpu.memref_slice %arg3[%dma_start3A_286, %dma_start3A_287] : memref<10240x8xf32, #tpu.memory_space<hbm>> -> memref<10240x8xf32, #tpu.memory_space<hbm>>
      tpu.enqueue_indirect_dma source(%dma_start3A_288 : memref<10240x8xf32, #tpu.memory_space<hbm>>) target(%arg18 : memref<128x8xf32, #tpu.memory_space<vmem>>) offsets(%dma_start3A_285 : memref<128xi32, #tpu.memory_space<vmem>>) semaphore(%arg26 : memref<!tpu.dma_semaphore, #tpu.memory_space<semaphore_mem>>)
      %dma_wait3A_289 = arith.constant 0 : i32
      %dma_wait3A_290 = arith.constant 0 : i32
      %dma_wait3A_291 = tpu.memref_slice %arg2[%dma_wait3A_289, %add3A_169, %dma_wait3A_290] : memref<2x2560x128xi32, #tpu.memory_space<hbm>> -> memref<2x1x128xi32, #tpu.memory_space<hbm>>
      %dma_wait3A_292 = tpu.memref_squeeze %dma_wait3A_291 : memref<2x1x128xi32, #tpu.memory_space<hbm>> -> memref<2x128xi32, #tpu.memory_space<hbm>>
      %dma_wait3A_293 = arith.constant 0 : i32
      %dma_wait3A_294 = arith.constant 0 : i32
      %dma_wait3A_295 = tpu.memref_slice %arg2[%dma_wait3A_293, %add3A_169, %dma_wait3A_294] : memref<2x2560x128xi32, #tpu.memory_space<hbm>> -> memref<2x1x128xi32, #tpu.memory_space<hbm>>
      %dma_wait3A_296 = tpu.memref_squeeze %dma_wait3A_295 : memref<2x1x128xi32, #tpu.memory_space<hbm>> -> memref<2x128xi32, #tpu.memory_space<hbm>>
      tpu.wait_dma2 semaphore(%arg27 : memref<!tpu.dma_semaphore, #tpu.memory_space<semaphore_mem>>) src(%dma_wait3A_296 : memref<2x128xi32, #tpu.memory_space<hbm>>) dst(%arg11 : memref<2x128xi32, #tpu.memory_space<vmem>>)
      %dma_start3A_297 = arith.constant 0 : i32
      %dma_start3A_298 = arith.constant 0 : i32
      %dma_start3A_299 = tpu.memref_slice %arg11[%dma_start3A_297, %dma_start3A_298] : memref<2x128xi32, #tpu.memory_space<vmem>> -> memref<1x128xi32, #tpu.memory_space<vmem>>
      %dma_start3A_300 = tpu.memref_squeeze %dma_start3A_299 : memref<1x128xi32, #tpu.memory_space<vmem>> -> memref<128xi32, #tpu.memory_space<vmem>>
      %dma_start3A_301 = arith.constant 0 : i32
      %dma_start3A_302 = arith.constant 0 : i32
      %dma_start3A_303 = tpu.memref_slice %arg3[%dma_start3A_301, %dma_start3A_302] : memref<10240x8xf32, #tpu.memory_space<hbm>> -> memref<10240x8xf32, #tpu.memory_space<hbm>>
      tpu.enqueue_indirect_dma source(%dma_start3A_303 : memref<10240x8xf32, #tpu.memory_space<hbm>>) target(%arg19 : memref<128x8xf32, #tpu.memory_space<vmem>>) offsets(%dma_start3A_300 : memref<128xi32, #tpu.memory_space<vmem>>) semaphore(%arg27 : memref<!tpu.dma_semaphore, #tpu.memory_space<semaphore_mem>>)
      %dma_wait3A_304 = arith.constant 0 : i32
      %dma_wait3A_305 = arith.constant 0 : i32
      %dma_wait3A_306 = tpu.memref_slice %arg2[%dma_wait3A_304, %add3A_187, %dma_wait3A_305] : memref<2x2560x128xi32, #tpu.memory_space<hbm>> -> memref<2x1x128xi32, #tpu.memory_space<hbm>>
      %dma_wait3A_307 = tpu.memref_squeeze %dma_wait3A_306 : memref<2x1x128xi32, #tpu.memory_space<hbm>> -> memref<2x128xi32, #tpu.memory_space<hbm>>
      %dma_wait3A_308 = arith.constant 0 : i32
      %dma_wait3A_309 = arith.constant 0 : i32
      %dma_wait3A_310 = tpu.memref_slice %arg2[%dma_wait3A_308, %add3A_187, %dma_wait3A_309] : memref<2x2560x128xi32, #tpu.memory_space<hbm>> -> memref<2x1x128xi32, #tpu.memory_space<hbm>>
      %dma_wait3A_311 = tpu.memref_squeeze %dma_wait3A_310 : memref<2x1x128xi32, #tpu.memory_space<hbm>> -> memref<2x128xi32, #tpu.memory_space<hbm>>
      tpu.wait_dma2 semaphore(%arg28 : memref<!tpu.dma_semaphore, #tpu.memory_space<semaphore_mem>>) src(%dma_wait3A_311 : memref<2x128xi32, #tpu.memory_space<hbm>>) dst(%arg12 : memref<2x128xi32, #tpu.memory_space<vmem>>)
      %dma_start3A_312 = arith.constant 0 : i32
      %dma_start3A_313 = arith.constant 0 : i32
      %dma_start3A_314 = tpu.memref_slice %arg12[%dma_start3A_312, %dma_start3A_313] : memref<2x128xi32, #tpu.memory_space<vmem>> -> memref<1x128xi32, #tpu.memory_space<vmem>>
      %dma_start3A_315 = tpu.memref_squeeze %dma_start3A_314 : memref<1x128xi32, #tpu.memory_space<vmem>> -> memref<128xi32, #tpu.memory_space<vmem>>
      %dma_start3A_316 = arith.constant 0 : i32
      %dma_start3A_317 = arith.constant 0 : i32
      %dma_start3A_318 = tpu.memref_slice %arg3[%dma_start3A_316, %dma_start3A_317] : memref<10240x8xf32, #tpu.memory_space<hbm>> -> memref<10240x8xf32, #tpu.memory_space<hbm>>
      tpu.enqueue_indirect_dma source(%dma_start3A_318 : memref<10240x8xf32, #tpu.memory_space<hbm>>) target(%arg20 : memref<128x8xf32, #tpu.memory_space<vmem>>) offsets(%dma_start3A_315 : memref<128xi32, #tpu.memory_space<vmem>>) semaphore(%arg28 : memref<!tpu.dma_semaphore, #tpu.memory_space<semaphore_mem>>)
      %dma_wait3A_319 = arith.constant 0 : i32
      %dma_wait3A_320 = arith.constant 0 : i32
      %dma_wait3A_321 = tpu.memref_slice %arg2[%dma_wait3A_319, %add3A_205, %dma_wait3A_320] : memref<2x2560x128xi32, #tpu.memory_space<hbm>> -> memref<2x1x128xi32, #tpu.memory_space<hbm>>
      %dma_wait3A_322 = tpu.memref_squeeze %dma_wait3A_321 : memref<2x1x128xi32, #tpu.memory_space<hbm>> -> memref<2x128xi32, #tpu.memory_space<hbm>>
      %dma_wait3A_323 = arith.constant 0 : i32
      %dma_wait3A_324 = arith.constant 0 : i32
      %dma_wait3A_325 = tpu.memref_slice %arg2[%dma_wait3A_323, %add3A_205, %dma_wait3A_324] : memref<2x2560x128xi32, #tpu.memory_space<hbm>> -> memref<2x1x128xi32, #tpu.memory_space<hbm>>
      %dma_wait3A_326 = tpu.memref_squeeze %dma_wait3A_325 : memref<2x1x128xi32, #tpu.memory_space<hbm>> -> memref<2x128xi32, #tpu.memory_space<hbm>>
      tpu.wait_dma2 semaphore(%arg29 : memref<!tpu.dma_semaphore, #tpu.memory_space<semaphore_mem>>) src(%dma_wait3A_326 : memref<2x128xi32, #tpu.memory_space<hbm>>) dst(%arg13 : memref<2x128xi32, #tpu.memory_space<vmem>>)
      %dma_start3A_327 = arith.constant 0 : i32
      %dma_start3A_328 = arith.constant 0 : i32
      %dma_start3A_329 = tpu.memref_slice %arg13[%dma_start3A_327, %dma_start3A_328] : memref<2x128xi32, #tpu.memory_space<vmem>> -> memref<1x128xi32, #tpu.memory_space<vmem>>
      %dma_start3A_330 = tpu.memref_squeeze %dma_start3A_329 : memref<1x128xi32, #tpu.memory_space<vmem>> -> memref<128xi32, #tpu.memory_space<vmem>>
      %dma_start3A_331 = arith.constant 0 : i32
      %dma_start3A_332 = arith.constant 0 : i32
      %dma_start3A_333 = tpu.memref_slice %arg3[%dma_start3A_331, %dma_start3A_332] : memref<10240x8xf32, #tpu.memory_space<hbm>> -> memref<10240x8xf32, #tpu.memory_space<hbm>>
      tpu.enqueue_indirect_dma source(%dma_start3A_333 : memref<10240x8xf32, #tpu.memory_space<hbm>>) target(%arg21 : memref<128x8xf32, #tpu.memory_space<vmem>>) offsets(%dma_start3A_330 : memref<128xi32, #tpu.memory_space<vmem>>) semaphore(%arg29 : memref<!tpu.dma_semaphore, #tpu.memory_space<semaphore_mem>>)
      %dma_wait3A_334 = arith.constant 0 : i32
      %dma_wait3A_335 = arith.constant 0 : i32
      %dma_wait3A_336 = tpu.memref_slice %arg6[%dma_wait3A_334, %dma_wait3A_335] : memref<2x128xi32, #tpu.memory_space<vmem>> -> memref<1x128xi32, #tpu.memory_space<vmem>>
      %dma_wait3A_337 = tpu.memref_squeeze %dma_wait3A_336 : memref<1x128xi32, #tpu.memory_space<vmem>> -> memref<128xi32, #tpu.memory_space<vmem>>
      %dma_wait3A_338 = arith.constant 0 : i32
      %dma_wait3A_339 = arith.constant 0 : i32
      %dma_wait3A_340 = tpu.memref_slice %arg3[%dma_wait3A_338, %dma_wait3A_339] : memref<10240x8xf32, #tpu.memory_space<hbm>> -> memref<10240x8xf32, #tpu.memory_space<hbm>>
      tpu.wait_indirect_dma semaphore(%arg22 : memref<!tpu.dma_semaphore, #tpu.memory_space<semaphore_mem>>) src(%dma_wait3A_340 : memref<10240x8xf32, #tpu.memory_space<hbm>>) dst(%arg14 : memref<128x8xf32, #tpu.memory_space<vmem>>)
      %dma_start3A_341 = arith.constant 1 : i32
      %dma_start3A_342 = arith.constant 0 : i32
      %dma_start3A_343 = tpu.memref_slice %arg6[%dma_start3A_341, %dma_start3A_342] : memref<2x128xi32, #tpu.memory_space<vmem>> -> memref<1x128xi32, #tpu.memory_space<vmem>>
      %dma_start3A_344 = tpu.memref_squeeze %dma_start3A_343 : memref<1x128xi32, #tpu.memory_space<vmem>> -> memref<128xi32, #tpu.memory_space<vmem>>
      %dma_start3A_345 = arith.constant 0 : i32
      %dma_start3A_346 = arith.constant 0 : i32
      %dma_start3A_347 = tpu.memref_slice %arg38[%dma_start3A_345, %dma_start3A_346] : memref<10240x8xf32, #tpu.memory_space<vmem_shared>> -> memref<10240x8xf32, #tpu.memory_space<vmem_shared>>
      tpu.enqueue_indirect_dma source(%arg14 : memref<128x8xf32, #tpu.memory_space<vmem>>) target(%dma_start3A_347 : memref<10240x8xf32, #tpu.memory_space<vmem_shared>>) offsets(%dma_start3A_344 : memref<128xi32, #tpu.memory_space<vmem>>) semaphore(%arg30 : memref<!tpu.dma_semaphore, #tpu.memory_space<semaphore_mem>>) {add = true}
      %dma_wait3A_348 = arith.constant 0 : i32
      %dma_wait3A_349 = arith.constant 0 : i32
      %dma_wait3A_350 = tpu.memref_slice %arg7[%dma_wait3A_348, %dma_wait3A_349] : memref<2x128xi32, #tpu.memory_space<vmem>> -> memref<1x128xi32, #tpu.memory_space<vmem>>
      %dma_wait3A_351 = tpu.memref_squeeze %dma_wait3A_350 : memref<1x128xi32, #tpu.memory_space<vmem>> -> memref<128xi32, #tpu.memory_space<vmem>>
      %dma_wait3A_352 = arith.constant 0 : i32
      %dma_wait3A_353 = arith.constant 0 : i32
      %dma_wait3A_354 = tpu.memref_slice %arg3[%dma_wait3A_352, %dma_wait3A_353] : memref<10240x8xf32, #tpu.memory_space<hbm>> -> memref<10240x8xf32, #tpu.memory_space<hbm>>
      tpu.wait_indirect_dma semaphore(%arg23 : memref<!tpu.dma_semaphore, #tpu.memory_space<semaphore_mem>>) src(%dma_wait3A_354 : memref<10240x8xf32, #tpu.memory_space<hbm>>) dst(%arg15 : memref<128x8xf32, #tpu.memory_space<vmem>>)
      %dma_start3A_355 = arith.constant 1 : i32
      %dma_start3A_356 = arith.constant 0 : i32
      %dma_start3A_357 = tpu.memref_slice %arg7[%dma_start3A_355, %dma_start3A_356] : memref<2x128xi32, #tpu.memory_space<vmem>> -> memref<1x128xi32, #tpu.memory_space<vmem>>
      %dma_start3A_358 = tpu.memref_squeeze %dma_start3A_357 : memref<1x128xi32, #tpu.memory_space<vmem>> -> memref<128xi32, #tpu.memory_space<vmem>>
      %dma_start3A_359 = arith.constant 0 : i32
      %dma_start3A_360 = arith.constant 0 : i32
      %dma_start3A_361 = tpu.memref_slice %arg38[%dma_start3A_359, %dma_start3A_360] : memref<10240x8xf32, #tpu.memory_space<vmem_shared>> -> memref<10240x8xf32, #tpu.memory_space<vmem_shared>>
      tpu.enqueue_indirect_dma source(%arg15 : memref<128x8xf32, #tpu.memory_space<vmem>>) target(%dma_start3A_361 : memref<10240x8xf32, #tpu.memory_space<vmem_shared>>) offsets(%dma_start3A_358 : memref<128xi32, #tpu.memory_space<vmem>>) semaphore(%arg31 : memref<!tpu.dma_semaphore, #tpu.memory_space<semaphore_mem>>) {add = true}
      %dma_wait3A_362 = arith.constant 0 : i32
      %dma_wait3A_363 = arith.constant 0 : i32
      %dma_wait3A_364 = tpu.memref_slice %arg8[%dma_wait3A_362, %dma_wait3A_363] : memref<2x128xi32, #tpu.memory_space<vmem>> -> memref<1x128xi32, #tpu.memory_space<vmem>>
      %dma_wait3A_365 = tpu.memref_squeeze %dma_wait3A_364 : memref<1x128xi32, #tpu.memory_space<vmem>> -> memref<128xi32, #tpu.memory_space<vmem>>
      %dma_wait3A_366 = arith.constant 0 : i32
      %dma_wait3A_367 = arith.constant 0 : i32
      %dma_wait3A_368 = tpu.memref_slice %arg3[%dma_wait3A_366, %dma_wait3A_367] : memref<10240x8xf32, #tpu.memory_space<hbm>> -> memref<10240x8xf32, #tpu.memory_space<hbm>>
      tpu.wait_indirect_dma semaphore(%arg24 : memref<!tpu.dma_semaphore, #tpu.memory_space<semaphore_mem>>) src(%dma_wait3A_368 : memref<10240x8xf32, #tpu.memory_space<hbm>>) dst(%arg16 : memref<128x8xf32, #tpu.memory_space<vmem>>)
      %dma_start3A_369 = arith.constant 1 : i32
      %dma_start3A_370 = arith.constant 0 : i32
      %dma_start3A_371 = tpu.memref_slice %arg8[%dma_start3A_369, %dma_start3A_370] : memref<2x128xi32, #tpu.memory_space<vmem>> -> memref<1x128xi32, #tpu.memory_space<vmem>>
      %dma_start3A_372 = tpu.memref_squeeze %dma_start3A_371 : memref<1x128xi32, #tpu.memory_space<vmem>> -> memref<128xi32, #tpu.memory_space<vmem>>
      %dma_start3A_373 = arith.constant 0 : i32
      %dma_start3A_374 = arith.constant 0 : i32
      %dma_start3A_375 = tpu.memref_slice %arg38[%dma_start3A_373, %dma_start3A_374] : memref<10240x8xf32, #tpu.memory_space<vmem_shared>> -> memref<10240x8xf32, #tpu.memory_space<vmem_shared>>
      tpu.enqueue_indirect_dma source(%arg16 : memref<128x8xf32, #tpu.memory_space<vmem>>) target(%dma_start3A_375 : memref<10240x8xf32, #tpu.memory_space<vmem_shared>>) offsets(%dma_start3A_372 : memref<128xi32, #tpu.memory_space<vmem>>) semaphore(%arg32 : memref<!tpu.dma_semaphore, #tpu.memory_space<semaphore_mem>>) {add = true}
      %dma_wait3A_376 = arith.constant 0 : i32
      %dma_wait3A_377 = arith.constant 0 : i32
      %dma_wait3A_378 = tpu.memref_slice %arg9[%dma_wait3A_376, %dma_wait3A_377] : memref<2x128xi32, #tpu.memory_space<vmem>> -> memref<1x128xi32, #tpu.memory_space<vmem>>
      %dma_wait3A_379 = tpu.memref_squeeze %dma_wait3A_378 : memref<1x128xi32, #tpu.memory_space<vmem>> -> memref<128xi32, #tpu.memory_space<vmem>>
      %dma_wait3A_380 = arith.constant 0 : i32
      %dma_wait3A_381 = arith.constant 0 : i32
      %dma_wait3A_382 = tpu.memref_slice %arg3[%dma_wait3A_380, %dma_wait3A_381] : memref<10240x8xf32, #tpu.memory_space<hbm>> -> memref<10240x8xf32, #tpu.memory_space<hbm>>
      tpu.wait_indirect_dma semaphore(%arg25 : memref<!tpu.dma_semaphore, #tpu.memory_space<semaphore_mem>>) src(%dma_wait3A_382 : memref<10240x8xf32, #tpu.memory_space<hbm>>) dst(%arg17 : memref<128x8xf32, #tpu.memory_space<vmem>>)
      %dma_start3A_383 = arith.constant 1 : i32
      %dma_start3A_384 = arith.constant 0 : i32
      %dma_start3A_385 = tpu.memref_slice %arg9[%dma_start3A_383, %dma_start3A_384] : memref<2x128xi32, #tpu.memory_space<vmem>> -> memref<1x128xi32, #tpu.memory_space<vmem>>
      %dma_start3A_386 = tpu.memref_squeeze %dma_start3A_385 : memref<1x128xi32, #tpu.memory_space<vmem>> -> memref<128xi32, #tpu.memory_space<vmem>>
      %dma_start3A_387 = arith.constant 0 : i32
      %dma_start3A_388 = arith.constant 0 : i32
      %dma_start3A_389 = tpu.memref_slice %arg38[%dma_start3A_387, %dma_start3A_388] : memref<10240x8xf32, #tpu.memory_space<vmem_shared>> -> memref<10240x8xf32, #tpu.memory_space<vmem_shared>>
      tpu.enqueue_indirect_dma source(%arg17 : memref<128x8xf32, #tpu.memory_space<vmem>>) target(%dma_start3A_389 : memref<10240x8xf32, #tpu.memory_space<vmem_shared>>) offsets(%dma_start3A_386 : memref<128xi32, #tpu.memory_space<vmem>>) semaphore(%arg33 : memref<!tpu.dma_semaphore, #tpu.memory_space<semaphore_mem>>) {add = true}
      %dma_wait3A_390 = arith.constant 0 : i32
      %dma_wait3A_391 = arith.constant 0 : i32
      %dma_wait3A_392 = tpu.memref_slice %arg10[%dma_wait3A_390, %dma_wait3A_391] : memref<2x128xi32, #tpu.memory_space<vmem>> -> memref<1x128xi32, #tpu.memory_space<vmem>>
      %dma_wait3A_393 = tpu.memref_squeeze %dma_wait3A_392 : memref<1x128xi32, #tpu.memory_space<vmem>> -> memref<128xi32, #tpu.memory_space<vmem>>
      %dma_wait3A_394 = arith.constant 0 : i32
      %dma_wait3A_395 = arith.constant 0 : i32
      %dma_wait3A_396 = tpu.memref_slice %arg3[%dma_wait3A_394, %dma_wait3A_395] : memref<10240x8xf32, #tpu.memory_space<hbm>> -> memref<10240x8xf32, #tpu.memory_space<hbm>>
      tpu.wait_indirect_dma semaphore(%arg26 : memref<!tpu.dma_semaphore, #tpu.memory_space<semaphore_mem>>) src(%dma_wait3A_396 : memref<10240x8xf32, #tpu.memory_space<hbm>>) dst(%arg18 : memref<128x8xf32, #tpu.memory_space<vmem>>)
      %dma_start3A_397 = arith.constant 1 : i32
      %dma_start3A_398 = arith.constant 0 : i32
      %dma_start3A_399 = tpu.memref_slice %arg10[%dma_start3A_397, %dma_start3A_398] : memref<2x128xi32, #tpu.memory_space<vmem>> -> memref<1x128xi32, #tpu.memory_space<vmem>>
      %dma_start3A_400 = tpu.memref_squeeze %dma_start3A_399 : memref<1x128xi32, #tpu.memory_space<vmem>> -> memref<128xi32, #tpu.memory_space<vmem>>
      %dma_start3A_401 = arith.constant 0 : i32
      %dma_start3A_402 = arith.constant 0 : i32
      %dma_start3A_403 = tpu.memref_slice %arg38[%dma_start3A_401, %dma_start3A_402] : memref<10240x8xf32, #tpu.memory_space<vmem_shared>> -> memref<10240x8xf32, #tpu.memory_space<vmem_shared>>
      tpu.enqueue_indirect_dma source(%arg18 : memref<128x8xf32, #tpu.memory_space<vmem>>) target(%dma_start3A_403 : memref<10240x8xf32, #tpu.memory_space<vmem_shared>>) offsets(%dma_start3A_400 : memref<128xi32, #tpu.memory_space<vmem>>) semaphore(%arg34 : memref<!tpu.dma_semaphore, #tpu.memory_space<semaphore_mem>>) {add = true}
      %dma_wait3A_404 = arith.constant 0 : i32
      %dma_wait3A_405 = arith.constant 0 : i32
      %dma_wait3A_406 = tpu.memref_slice %arg11[%dma_wait3A_404, %dma_wait3A_405] : memref<2x128xi32, #tpu.memory_space<vmem>> -> memref<1x128xi32, #tpu.memory_space<vmem>>
      %dma_wait3A_407 = tpu.memref_squeeze %dma_wait3A_406 : memref<1x128xi32, #tpu.memory_space<vmem>> -> memref<128xi32, #tpu.memory_space<vmem>>
      %dma_wait3A_408 = arith.constant 0 : i32
      %dma_wait3A_409 = arith.constant 0 : i32
      %dma_wait3A_410 = tpu.memref_slice %arg3[%dma_wait3A_408, %dma_wait3A_409] : memref<10240x8xf32, #tpu.memory_space<hbm>> -> memref<10240x8xf32, #tpu.memory_space<hbm>>
      tpu.wait_indirect_dma semaphore(%arg27 : memref<!tpu.dma_semaphore, #tpu.memory_space<semaphore_mem>>) src(%dma_wait3A_410 : memref<10240x8xf32, #tpu.memory_space<hbm>>) dst(%arg19 : memref<128x8xf32, #tpu.memory_space<vmem>>)
      %dma_start3A_411 = arith.constant 1 : i32
      %dma_start3A_412 = arith.constant 0 : i32
      %dma_start3A_413 = tpu.memref_slice %arg11[%dma_start3A_411, %dma_start3A_412] : memref<2x128xi32, #tpu.memory_space<vmem>> -> memref<1x128xi32, #tpu.memory_space<vmem>>
      %dma_start3A_414 = tpu.memref_squeeze %dma_start3A_413 : memref<1x128xi32, #tpu.memory_space<vmem>> -> memref<128xi32, #tpu.memory_space<vmem>>
      %dma_start3A_415 = arith.constant 0 : i32
      %dma_start3A_416 = arith.constant 0 : i32
      %dma_start3A_417 = tpu.memref_slice %arg38[%dma_start3A_415, %dma_start3A_416] : memref<10240x8xf32, #tpu.memory_space<vmem_shared>> -> memref<10240x8xf32, #tpu.memory_space<vmem_shared>>
      tpu.enqueue_indirect_dma source(%arg19 : memref<128x8xf32, #tpu.memory_space<vmem>>) target(%dma_start3A_417 : memref<10240x8xf32, #tpu.memory_space<vmem_shared>>) offsets(%dma_start3A_414 : memref<128xi32, #tpu.memory_space<vmem>>) semaphore(%arg35 : memref<!tpu.dma_semaphore, #tpu.memory_space<semaphore_mem>>) {add = true}
      %dma_wait3A_418 = arith.constant 0 : i32
      %dma_wait3A_419 = arith.constant 0 : i32
      %dma_wait3A_420 = tpu.memref_slice %arg12[%dma_wait3A_418, %dma_wait3A_419] : memref<2x128xi32, #tpu.memory_space<vmem>> -> memref<1x128xi32, #tpu.memory_space<vmem>>
      %dma_wait3A_421 = tpu.memref_squeeze %dma_wait3A_420 : memref<1x128xi32, #tpu.memory_space<vmem>> -> memref<128xi32, #tpu.memory_space<vmem>>
      %dma_wait3A_422 = arith.constant 0 : i32
      %dma_wait3A_423 = arith.constant 0 : i32
      %dma_wait3A_424 = tpu.memref_slice %arg3[%dma_wait3A_422, %dma_wait3A_423] : memref<10240x8xf32, #tpu.memory_space<hbm>> -> memref<10240x8xf32, #tpu.memory_space<hbm>>
      tpu.wait_indirect_dma semaphore(%arg28 : memref<!tpu.dma_semaphore, #tpu.memory_space<semaphore_mem>>) src(%dma_wait3A_424 : memref<10240x8xf32, #tpu.memory_space<hbm>>) dst(%arg20 : memref<128x8xf32, #tpu.memory_space<vmem>>)
      %dma_start3A_425 = arith.constant 1 : i32
      %dma_start3A_426 = arith.constant 0 : i32
      %dma_start3A_427 = tpu.memref_slice %arg12[%dma_start3A_425, %dma_start3A_426] : memref<2x128xi32, #tpu.memory_space<vmem>> -> memref<1x128xi32, #tpu.memory_space<vmem>>
      %dma_start3A_428 = tpu.memref_squeeze %dma_start3A_427 : memref<1x128xi32, #tpu.memory_space<vmem>> -> memref<128xi32, #tpu.memory_space<vmem>>
      %dma_start3A_429 = arith.constant 0 : i32
      %dma_start3A_430 = arith.constant 0 : i32
      %dma_start3A_431 = tpu.memref_slice %arg38[%dma_start3A_429, %dma_start3A_430] : memref<10240x8xf32, #tpu.memory_space<vmem_shared>> -> memref<10240x8xf32, #tpu.memory_space<vmem_shared>>
      tpu.enqueue_indirect_dma source(%arg20 : memref<128x8xf32, #tpu.memory_space<vmem>>) target(%dma_start3A_431 : memref<10240x8xf32, #tpu.memory_space<vmem_shared>>) offsets(%dma_start3A_428 : memref<128xi32, #tpu.memory_space<vmem>>) semaphore(%arg36 : memref<!tpu.dma_semaphore, #tpu.memory_space<semaphore_mem>>) {add = true}
      %dma_wait3A_432 = arith.constant 0 : i32
      %dma_wait3A_433 = arith.constant 0 : i32
      %dma_wait3A_434 = tpu.memref_slice %arg13[%dma_wait3A_432, %dma_wait3A_433] : memref<2x128xi32, #tpu.memory_space<vmem>> -> memref<1x128xi32, #tpu.memory_space<vmem>>
      %dma_wait3A_435 = tpu.memref_squeeze %dma_wait3A_434 : memref<1x128xi32, #tpu.memory_space<vmem>> -> memref<128xi32, #tpu.memory_space<vmem>>
      %dma_wait3A_436 = arith.constant 0 : i32
      %dma_wait3A_437 = arith.constant 0 : i32
      %dma_wait3A_438 = tpu.memref_slice %arg3[%dma_wait3A_436, %dma_wait3A_437] : memref<10240x8xf32, #tpu.memory_space<hbm>> -> memref<10240x8xf32, #tpu.memory_space<hbm>>
      tpu.wait_indirect_dma semaphore(%arg29 : memref<!tpu.dma_semaphore, #tpu.memory_space<semaphore_mem>>) src(%dma_wait3A_438 : memref<10240x8xf32, #tpu.memory_space<hbm>>) dst(%arg21 : memref<128x8xf32, #tpu.memory_space<vmem>>)
      %dma_start3A_439 = arith.constant 1 : i32
      %dma_start3A_440 = arith.constant 0 : i32
      %dma_start3A_441 = tpu.memref_slice %arg13[%dma_start3A_439, %dma_start3A_440] : memref<2x128xi32, #tpu.memory_space<vmem>> -> memref<1x128xi32, #tpu.memory_space<vmem>>
      %dma_start3A_442 = tpu.memref_squeeze %dma_start3A_441 : memref<1x128xi32, #tpu.memory_space<vmem>> -> memref<128xi32, #tpu.memory_space<vmem>>
      %dma_start3A_443 = arith.constant 0 : i32
      %dma_start3A_444 = arith.constant 0 : i32
      %dma_start3A_445 = tpu.memref_slice %arg38[%dma_start3A_443, %dma_start3A_444] : memref<10240x8xf32, #tpu.memory_space<vmem_shared>> -> memref<10240x8xf32, #tpu.memory_space<vmem_shared>>
      tpu.enqueue_indirect_dma source(%arg21 : memref<128x8xf32, #tpu.memory_space<vmem>>) target(%dma_start3A_445 : memref<10240x8xf32, #tpu.memory_space<vmem_shared>>) offsets(%dma_start3A_442 : memref<128xi32, #tpu.memory_space<vmem>>) semaphore(%arg37 : memref<!tpu.dma_semaphore, #tpu.memory_space<semaphore_mem>>) {add = true}
    }
    %scan3A_8 = arith.constant 10 : i32
    %dma_wait3A = arith.constant 1 : i32
    %dma_wait3A_9 = arith.constant 0 : i32
    %dma_wait3A_10 = tpu.memref_slice %arg6[%dma_wait3A, %dma_wait3A_9] : memref<2x128xi32, #tpu.memory_space<vmem>> -> memref<1x128xi32, #tpu.memory_space<vmem>>
    %dma_wait3A_11 = tpu.memref_squeeze %dma_wait3A_10 : memref<1x128xi32, #tpu.memory_space<vmem>> -> memref<128xi32, #tpu.memory_space<vmem>>
    %dma_wait3A_12 = arith.constant 0 : i32
    %dma_wait3A_13 = arith.constant 0 : i32
    %dma_wait3A_14 = tpu.memref_slice %arg38[%dma_wait3A_12, %dma_wait3A_13] : memref<10240x8xf32, #tpu.memory_space<vmem_shared>> -> memref<10240x8xf32, #tpu.memory_space<vmem_shared>>
    tpu.wait_indirect_dma semaphore(%arg30 : memref<!tpu.dma_semaphore, #tpu.memory_space<semaphore_mem>>) src(%arg14 : memref<128x8xf32, #tpu.memory_space<vmem>>) dst(%dma_wait3A_14 : memref<10240x8xf32, #tpu.memory_space<vmem_shared>>)
    %dma_wait3A_15 = arith.constant 1 : i32
    %dma_wait3A_16 = arith.constant 0 : i32
    %dma_wait3A_17 = tpu.memref_slice %arg7[%dma_wait3A_15, %dma_wait3A_16] : memref<2x128xi32, #tpu.memory_space<vmem>> -> memref<1x128xi32, #tpu.memory_space<vmem>>
    %dma_wait3A_18 = tpu.memref_squeeze %dma_wait3A_17 : memref<1x128xi32, #tpu.memory_space<vmem>> -> memref<128xi32, #tpu.memory_space<vmem>>
    %dma_wait3A_19 = arith.constant 0 : i32
    %dma_wait3A_20 = arith.constant 0 : i32
    %dma_wait3A_21 = tpu.memref_slice %arg38[%dma_wait3A_19, %dma_wait3A_20] : memref<10240x8xf32, #tpu.memory_space<vmem_shared>> -> memref<10240x8xf32, #tpu.memory_space<vmem_shared>>
    tpu.wait_indirect_dma semaphore(%arg31 : memref<!tpu.dma_semaphore, #tpu.memory_space<semaphore_mem>>) src(%arg15 : memref<128x8xf32, #tpu.memory_space<vmem>>) dst(%dma_wait3A_21 : memref<10240x8xf32, #tpu.memory_space<vmem_shared>>)
    %dma_wait3A_22 = arith.constant 1 : i32
    %dma_wait3A_23 = arith.constant 0 : i32
    %dma_wait3A_24 = tpu.memref_slice %arg8[%dma_wait3A_22, %dma_wait3A_23] : memref<2x128xi32, #tpu.memory_space<vmem>> -> memref<1x128xi32, #tpu.memory_space<vmem>>
    %dma_wait3A_25 = tpu.memref_squeeze %dma_wait3A_24 : memref<1x128xi32, #tpu.memory_space<vmem>> -> memref<128xi32, #tpu.memory_space<vmem>>
    %dma_wait3A_26 = arith.constant 0 : i32
    %dma_wait3A_27 = arith.constant 0 : i32
    %dma_wait3A_28 = tpu.memref_slice %arg38[%dma_wait3A_26, %dma_wait3A_27] : memref<10240x8xf32, #tpu.memory_space<vmem_shared>> -> memref<10240x8xf32, #tpu.memory_space<vmem_shared>>
    tpu.wait_indirect_dma semaphore(%arg32 : memref<!tpu.dma_semaphore, #tpu.memory_space<semaphore_mem>>) src(%arg16 : memref<128x8xf32, #tpu.memory_space<vmem>>) dst(%dma_wait3A_28 : memref<10240x8xf32, #tpu.memory_space<vmem_shared>>)
    %dma_wait3A_29 = arith.constant 1 : i32
    %dma_wait3A_30 = arith.constant 0 : i32
    %dma_wait3A_31 = tpu.memref_slice %arg9[%dma_wait3A_29, %dma_wait3A_30] : memref<2x128xi32, #tpu.memory_space<vmem>> -> memref<1x128xi32, #tpu.memory_space<vmem>>
    %dma_wait3A_32 = tpu.memref_squeeze %dma_wait3A_31 : memref<1x128xi32, #tpu.memory_space<vmem>> -> memref<128xi32, #tpu.memory_space<vmem>>
    %dma_wait3A_33 = arith.constant 0 : i32
    %dma_wait3A_34 = arith.constant 0 : i32
    %dma_wait3A_35 = tpu.memref_slice %arg38[%dma_wait3A_33, %dma_wait3A_34] : memref<10240x8xf32, #tpu.memory_space<vmem_shared>> -> memref<10240x8xf32, #tpu.memory_space<vmem_shared>>
    tpu.wait_indirect_dma semaphore(%arg33 : memref<!tpu.dma_semaphore, #tpu.memory_space<semaphore_mem>>) src(%arg17 : memref<128x8xf32, #tpu.memory_space<vmem>>) dst(%dma_wait3A_35 : memref<10240x8xf32, #tpu.memory_space<vmem_shared>>)
    %dma_wait3A_36 = arith.constant 1 : i32
    %dma_wait3A_37 = arith.constant 0 : i32
    %dma_wait3A_38 = tpu.memref_slice %arg10[%dma_wait3A_36, %dma_wait3A_37] : memref<2x128xi32, #tpu.memory_space<vmem>> -> memref<1x128xi32, #tpu.memory_space<vmem>>
    %dma_wait3A_39 = tpu.memref_squeeze %dma_wait3A_38 : memref<1x128xi32, #tpu.memory_space<vmem>> -> memref<128xi32, #tpu.memory_space<vmem>>
    %dma_wait3A_40 = arith.constant 0 : i32
    %dma_wait3A_41 = arith.constant 0 : i32
    %dma_wait3A_42 = tpu.memref_slice %arg38[%dma_wait3A_40, %dma_wait3A_41] : memref<10240x8xf32, #tpu.memory_space<vmem_shared>> -> memref<10240x8xf32, #tpu.memory_space<vmem_shared>>
    tpu.wait_indirect_dma semaphore(%arg34 : memref<!tpu.dma_semaphore, #tpu.memory_space<semaphore_mem>>) src(%arg18 : memref<128x8xf32, #tpu.memory_space<vmem>>) dst(%dma_wait3A_42 : memref<10240x8xf32, #tpu.memory_space<vmem_shared>>)
    %dma_wait3A_43 = arith.constant 1 : i32
    %dma_wait3A_44 = arith.constant 0 : i32
    %dma_wait3A_45 = tpu.memref_slice %arg11[%dma_wait3A_43, %dma_wait3A_44] : memref<2x128xi32, #tpu.memory_space<vmem>> -> memref<1x128xi32, #tpu.memory_space<vmem>>
    %dma_wait3A_46 = tpu.memref_squeeze %dma_wait3A_45 : memref<1x128xi32, #tpu.memory_space<vmem>> -> memref<128xi32, #tpu.memory_space<vmem>>
    %dma_wait3A_47 = arith.constant 0 : i32
    %dma_wait3A_48 = arith.constant 0 : i32
    %dma_wait3A_49 = tpu.memref_slice %arg38[%dma_wait3A_47, %dma_wait3A_48] : memref<10240x8xf32, #tpu.memory_space<vmem_shared>> -> memref<10240x8xf32, #tpu.memory_space<vmem_shared>>
    tpu.wait_indirect_dma semaphore(%arg35 : memref<!tpu.dma_semaphore, #tpu.memory_space<semaphore_mem>>) src(%arg19 : memref<128x8xf32, #tpu.memory_space<vmem>>) dst(%dma_wait3A_49 : memref<10240x8xf32, #tpu.memory_space<vmem_shared>>)
    %dma_wait3A_50 = arith.constant 1 : i32
    %dma_wait3A_51 = arith.constant 0 : i32
    %dma_wait3A_52 = tpu.memref_slice %arg12[%dma_wait3A_50, %dma_wait3A_51] : memref<2x128xi32, #tpu.memory_space<vmem>> -> memref<1x128xi32, #tpu.memory_space<vmem>>
    %dma_wait3A_53 = tpu.memref_squeeze %dma_wait3A_52 : memref<1x128xi32, #tpu.memory_space<vmem>> -> memref<128xi32, #tpu.memory_space<vmem>>
    %dma_wait3A_54 = arith.constant 0 : i32
    %dma_wait3A_55 = arith.constant 0 : i32
    %dma_wait3A_56 = tpu.memref_slice %arg38[%dma_wait3A_54, %dma_wait3A_55] : memref<10240x8xf32, #tpu.memory_space<vmem_shared>> -> memref<10240x8xf32, #tpu.memory_space<vmem_shared>>
    tpu.wait_indirect_dma semaphore(%arg36 : memref<!tpu.dma_semaphore, #tpu.memory_space<semaphore_mem>>) src(%arg20 : memref<128x8xf32, #tpu.memory_space<vmem>>) dst(%dma_wait3A_56 : memref<10240x8xf32, #tpu.memory_space<vmem_shared>>)
    %dma_wait3A_57 = arith.constant 1 : i32
    %dma_wait3A_58 = arith.constant 0 : i32
    %dma_wait3A_59 = tpu.memref_slice %arg13[%dma_wait3A_57, %dma_wait3A_58] : memref<2x128xi32, #tpu.memory_space<vmem>> -> memref<1x128xi32, #tpu.memory_space<vmem>>
    %dma_wait3A_60 = tpu.memref_squeeze %dma_wait3A_59 : memref<1x128xi32, #tpu.memory_space<vmem>> -> memref<128xi32, #tpu.memory_space<vmem>>
    %dma_wait3A_61 = arith.constant 0 : i32
    %dma_wait3A_62 = arith.constant 0 : i32
    %dma_wait3A_63 = tpu.memref_slice %arg38[%dma_wait3A_61, %dma_wait3A_62] : memref<10240x8xf32, #tpu.memory_space<vmem_shared>> -> memref<10240x8xf32, #tpu.memory_space<vmem_shared>>
    tpu.wait_indirect_dma semaphore(%arg37 : memref<!tpu.dma_semaphore, #tpu.memory_space<semaphore_mem>>) src(%arg21 : memref<128x8xf32, #tpu.memory_space<vmem>>) dst(%dma_wait3A_63 : memref<10240x8xf32, #tpu.memory_space<vmem_shared>>)
    %barrier3A_64 = arith.constant 0 : index
    tpu.barrier barrier_id(%barrier3A_64)
    %mul3A_65 = arith.constant 640 : i32
    %mul3A_66 = arith.muli %arg1, %mul3A_65 : i32
    %mul3A_67 = arith.constant 640 : i32
    %mul3A_68 = arith.muli %arg1, %mul3A_67 : i32
    "tpu.region"() ({
      %run_scoped3A = tpu.sem_alloc : memref<!tpu.dma_semaphore, #tpu.memory_space<semaphore_mem>>
      %dma_start3A = arith.constant 0 : i32
      %dma_start3A_69 = tpu.memref_slice %arg5[%arg0, %mul3A_68, %dma_start3A] : memref<2x10240x8xf32, #tpu.memory_space<hbm>> -> memref<1x640x8xf32, #tpu.memory_space<hbm>>
      %dma_start3A_70 = tpu.memref_squeeze %dma_start3A_69 : memref<1x640x8xf32, #tpu.memory_space<hbm>> -> memref<640x8xf32, #tpu.memory_space<hbm>>
      %dma_start3A_71 = arith.constant 0 : i32
      %dma_start3A_72 = tpu.memref_slice %arg38[%mul3A_66, %dma_start3A_71] : memref<10240x8xf32, #tpu.memory_space<vmem_shared>> -> memref<640x8xf32, #tpu.memory_space<vmem_shared>>
      tpu.enqueue_dma source(%dma_start3A_72 : memref<640x8xf32, #tpu.memory_space<vmem_shared>>) target(%dma_start3A_70 : memref<640x8xf32, #tpu.memory_space<hbm>>) target_semaphore(%run_scoped3A : memref<!tpu.dma_semaphore, #tpu.memory_space<semaphore_mem>>)
      %dma_wait3A_73 = arith.constant 0 : i32
      %dma_wait3A_74 = tpu.memref_slice %arg5[%arg0, %mul3A_68, %dma_wait3A_73] : memref<2x10240x8xf32, #tpu.memory_space<hbm>> -> memref<1x640x8xf32, #tpu.memory_space<hbm>>
      %dma_wait3A_75 = tpu.memref_squeeze %dma_wait3A_74 : memref<1x640x8xf32, #tpu.memory_space<hbm>> -> memref<640x8xf32, #tpu.memory_space<hbm>>
      %dma_wait3A_76 = arith.constant 0 : i32
      %dma_wait3A_77 = tpu.memref_slice %arg38[%mul3A_66, %dma_wait3A_76] : memref<10240x8xf32, #tpu.memory_space<vmem_shared>> -> memref<640x8xf32, #tpu.memory_space<vmem_shared>>
      tpu.wait_dma2 semaphore(%run_scoped3A : memref<!tpu.dma_semaphore, #tpu.memory_space<semaphore_mem>>) src(%dma_wait3A_77 : memref<640x8xf32, #tpu.memory_space<vmem_shared>>) dst(%dma_wait3A_75 : memref<640x8xf32, #tpu.memory_space<hbm>>)
      tpu.yield
    }) : () -> ()
    return
  }
}

#map = affine_map<(d0, d1) -> (0, 0, 0)>
#map1 = affine_map<(d0, d1) -> (0, 0)>
module attributes {stable_mosaic.version = 14 : i64} {
  func.func @agg(%arg0: i32, %arg1: i32, %arg2: memref<2x2560x128xi32, #tpu.memory_space<hbm>>, %arg3: memref<10240x8xf32, #tpu.memory_space<hbm>>, %arg4: memref<10240x8xf32, #tpu.memory_space<hbm>>, %arg5: memref<2x10240x8xf32, #tpu.memory_space<hbm>>, %arg6: memref<2x128xi32, #tpu.memory_space<vmem>>, %arg7: memref<2x128xi32, #tpu.memory_space<vmem>>, %arg8: memref<2x128xi32, #tpu.memory_space<vmem>>, %arg9: memref<2x128xi32, #tpu.memory_space<vmem>>, %arg10: memref<2x128xi32, #tpu.memory_space<vmem>>, %arg11: memref<2x128xi32, #tpu.memory_space<vmem>>, %arg12: memref<2x128xi32, #tpu.memory_space<vmem>>, %arg13: memref<2x128xi32, #tpu.memory_space<vmem>>, %arg14: memref<128x8xf32, #tpu.memory_space<vmem>>, %arg15: memref<128x8xf32, #tpu.memory_space<vmem>>, %arg16: memref<128x8xf32, #tpu.memory_space<vmem>>, %arg17: memref<128x8xf32, #tpu.memory_space<vmem>>, %arg18: memref<128x8xf32, #tpu.memory_space<vmem>>, %arg19: memref<128x8xf32, #tpu.memory_space<vmem>>, %arg20: memref<128x8xf32, #tpu.memory_space<vmem>>, %arg21: memref<128x8xf32, #tpu.memory_space<vmem>>, %arg22: memref<!tpu.dma_semaphore, #tpu.memory_space<semaphore_mem>>, %arg23: memref<!tpu.dma_semaphore, #tpu.memory_space<semaphore_mem>>, %arg24: memref<!tpu.dma_semaphore, #tpu.memory_space<semaphore_mem>>, %arg25: memref<!tpu.dma_semaphore, #tpu.memory_space<semaphore_mem>>, %arg26: memref<!tpu.dma_semaphore, #tpu.memory_space<semaphore_mem>>, %arg27: memref<!tpu.dma_semaphore, #tpu.memory_space<semaphore_mem>>, %arg28: memref<!tpu.dma_semaphore, #tpu.memory_space<semaphore_mem>>, %arg29: memref<!tpu.dma_semaphore, #tpu.memory_space<semaphore_mem>>, %arg30: memref<!tpu.dma_semaphore, #tpu.memory_space<semaphore_mem>>, %arg31: memref<!tpu.dma_semaphore, #tpu.memory_space<semaphore_mem>>, %arg32: memref<!tpu.dma_semaphore, #tpu.memory_space<semaphore_mem>>, %arg33: memref<!tpu.dma_semaphore, #tpu.memory_space<semaphore_mem>>, %arg34: memref<!tpu.dma_semaphore, #tpu.memory_space<semaphore_mem>>, %arg35: memref<!tpu.dma_semaphore, #tpu.memory_space<semaphore_mem>>, %arg36: memref<!tpu.dma_semaphore, #tpu.memory_space<semaphore_mem>>, %arg37: memref<!tpu.dma_semaphore, #tpu.memory_space<semaphore_mem>>, %arg38: memref<10240x8xf32, #tpu.memory_space<vmem_shared>>) attributes {dimension_semantics = [#tpu.dimension_semantics<core_parallel>, #tpu.dimension_semantics<subcore_parallel>], iteration_bounds = array<i64: 2, 16>, scalar_prefetch = 0 : i64, scratch_operands = 33 : i64, tpu.core_type = #tpu.core_type<sc_vector_subcore>, window_params = [{transform_indices = #map}, {transform_indices = #map1}, {transform_indices = #map1}, {transform_indices = #map}]} {
    %mul3A = arith.constant 16 : i32
    %mul3A_0 = arith.muli %arg0, %mul3A : i32
    %add3A = arith.addi %mul3A_0, %arg1 : i32
    %mul3A_1 = arith.constant 640 : i32
    %mul3A_2 = arith.muli %arg1, %mul3A_1 : i32
    %mul3A_3 = arith.constant 640 : i32
    %mul3A_4 = arith.muli %arg1, %mul3A_3 : i32
    "tpu.region"() ({
      %run_scoped3A = tpu.sem_alloc : memref<!tpu.dma_semaphore, #tpu.memory_space<semaphore_mem>>
      %dma_start3A = arith.constant 0 : i32
      %dma_start3A_69 = tpu.memref_slice %arg38[%mul3A_4, %dma_start3A] : memref<10240x8xf32, #tpu.memory_space<vmem_shared>> -> memref<640x8xf32, #tpu.memory_space<vmem_shared>>
      %dma_start3A_70 = arith.constant 0 : i32
      %dma_start3A_71 = tpu.memref_slice %arg4[%mul3A_2, %dma_start3A_70] : memref<10240x8xf32, #tpu.memory_space<hbm>> -> memref<640x8xf32, #tpu.memory_space<hbm>>
      tpu.enqueue_dma source(%dma_start3A_71 : memref<640x8xf32, #tpu.memory_space<hbm>>) target(%dma_start3A_69 : memref<640x8xf32, #tpu.memory_space<vmem_shared>>) target_semaphore(%run_scoped3A : memref<!tpu.dma_semaphore, #tpu.memory_space<semaphore_mem>>)
      %dma_wait3A_72 = arith.constant 0 : i32
      %dma_wait3A_73 = tpu.memref_slice %arg38[%mul3A_4, %dma_wait3A_72] : memref<10240x8xf32, #tpu.memory_space<vmem_shared>> -> memref<640x8xf32, #tpu.memory_space<vmem_shared>>
      %dma_wait3A_74 = arith.constant 0 : i32
      %dma_wait3A_75 = tpu.memref_slice %arg4[%mul3A_2, %dma_wait3A_74] : memref<10240x8xf32, #tpu.memory_space<hbm>> -> memref<640x8xf32, #tpu.memory_space<hbm>>
      tpu.wait_dma2 semaphore(%run_scoped3A : memref<!tpu.dma_semaphore, #tpu.memory_space<semaphore_mem>>) src(%dma_wait3A_75 : memref<640x8xf32, #tpu.memory_space<hbm>>) dst(%dma_wait3A_73 : memref<640x8xf32, #tpu.memory_space<vmem_shared>>)
      tpu.yield
    }) : () -> ()
    %barrier3A = arith.constant 0 : index
    tpu.barrier barrier_id(%barrier3A)
    %scan3A = arith.constant 0 : i32
    %scan3A_5 = arith.constant 10 : i32
    %scan3A_6 = arith.addi %scan3A, %scan3A_5 : i32
    %scan3A_7 = arith.constant 1 : i32
    scf.for %scan3A_69 = %scan3A to %scan3A_6 step %scan3A_7  : i32 {
      %mul3A_70 = arith.constant 8 : i32
      %mul3A_71 = arith.muli %scan3A_69, %mul3A_70 : i32
      %add3A_72 = arith.constant 0 : i32
      %add3A_73 = arith.addi %add3A_72, %mul3A_71 : i32
      %gt3A = arith.constant 0 : i32
      %gt3A_74 = arith.cmpi sgt, %add3A_73, %gt3A : i32
      %convert_element_type3A = arith.extui %gt3A_74 : i1 to i32
      %cond3A = arith.constant 0 : i32
      %cond3A_75 = arith.cmpi ne, %convert_element_type3A, %cond3A : i32
      scf.if %cond3A_75 {
        %dma_wait3A_446 = arith.constant 1 : i32
        %dma_wait3A_447 = arith.constant 0 : i32
        %dma_wait3A_448 = tpu.memref_slice %arg6[%dma_wait3A_446, %dma_wait3A_447] : memref<2x128xi32, #tpu.memory_space<vmem>> -> memref<1x128xi32, #tpu.memory_space<vmem>>
        %dma_wait3A_449 = tpu.memref_squeeze %dma_wait3A_448 : memref<1x128xi32, #tpu.memory_space<vmem>> -> memref<128xi32, #tpu.memory_space<vmem>>
        %dma_wait3A_450 = arith.constant 0 : i32
        %dma_wait3A_451 = arith.constant 0 : i32
        %dma_wait3A_452 = tpu.memref_slice %arg38[%dma_wait3A_450, %dma_wait3A_451] : memref<10240x8xf32, #tpu.memory_space<vmem_shared>> -> memref<10240x8xf32, #tpu.memory_space<vmem_shared>>
        tpu.wait_indirect_dma semaphore(%arg30 : memref<!tpu.dma_semaphore, #tpu.memory_space<semaphore_mem>>) src(%arg14 : memref<128x8xf32, #tpu.memory_space<vmem>>) dst(%dma_wait3A_452 : memref<10240x8xf32, #tpu.memory_space<vmem_shared>>)
      } else {
      }
      %mul3A_76 = arith.constant 80 : i32
      %mul3A_77 = arith.muli %add3A, %mul3A_76 : i32
      %add3A_78 = arith.addi %mul3A_77, %add3A_73 : i32
      %add3A_79 = arith.constant 0 : i32
      %add3A_80 = arith.addi %add3A_78, %add3A_79 : i32
      %dma_start3A = arith.constant 0 : i32
      %dma_start3A_81 = arith.constant 0 : i32
      %dma_start3A_82 = tpu.memref_slice %arg2[%dma_start3A, %add3A_80, %dma_start3A_81] : memref<2x2560x128xi32, #tpu.memory_space<hbm>> -> memref<2x1x128xi32, #tpu.memory_space<hbm>>
      %dma_start3A_83 = tpu.memref_squeeze %dma_start3A_82 : memref<2x1x128xi32, #tpu.memory_space<hbm>> -> memref<2x128xi32, #tpu.memory_space<hbm>>
      %dma_start3A_84 = arith.constant 0 : i32
      %dma_start3A_85 = arith.constant 0 : i32
      %dma_start3A_86 = tpu.memref_slice %arg2[%dma_start3A_84, %add3A_80, %dma_start3A_85] : memref<2x2560x128xi32, #tpu.memory_space<hbm>> -> memref<2x1x128xi32, #tpu.memory_space<hbm>>
      %dma_start3A_87 = tpu.memref_squeeze %dma_start3A_86 : memref<2x1x128xi32, #tpu.memory_space<hbm>> -> memref<2x128xi32, #tpu.memory_space<hbm>>
      tpu.enqueue_dma source(%dma_start3A_87 : memref<2x128xi32, #tpu.memory_space<hbm>>) target(%arg6 : memref<2x128xi32, #tpu.memory_space<vmem>>) target_semaphore(%arg22 : memref<!tpu.dma_semaphore, #tpu.memory_space<semaphore_mem>>)
      %gt3A_88 = arith.constant 0 : i32
      %gt3A_89 = arith.cmpi sgt, %add3A_73, %gt3A_88 : i32
      %convert_element_type3A_90 = arith.extui %gt3A_89 : i1 to i32
      %cond3A_91 = arith.constant 0 : i32
      %cond3A_92 = arith.cmpi ne, %convert_element_type3A_90, %cond3A_91 : i32
      scf.if %cond3A_92 {
        %dma_wait3A_446 = arith.constant 1 : i32
        %dma_wait3A_447 = arith.constant 0 : i32
        %dma_wait3A_448 = tpu.memref_slice %arg7[%dma_wait3A_446, %dma_wait3A_447] : memref<2x128xi32, #tpu.memory_space<vmem>> -> memref<1x128xi32, #tpu.memory_space<vmem>>
        %dma_wait3A_449 = tpu.memref_squeeze %dma_wait3A_448 : memref<1x128xi32, #tpu.memory_space<vmem>> -> memref<128xi32, #tpu.memory_space<vmem>>
        %dma_wait3A_450 = arith.constant 0 : i32
        %dma_wait3A_451 = arith.constant 0 : i32
        %dma_wait3A_452 = tpu.memref_slice %arg38[%dma_wait3A_450, %dma_wait3A_451] : memref<10240x8xf32, #tpu.memory_space<vmem_shared>> -> memref<10240x8xf32, #tpu.memory_space<vmem_shared>>
        tpu.wait_indirect_dma semaphore(%arg31 : memref<!tpu.dma_semaphore, #tpu.memory_space<semaphore_mem>>) src(%arg15 : memref<128x8xf32, #tpu.memory_space<vmem>>) dst(%dma_wait3A_452 : memref<10240x8xf32, #tpu.memory_space<vmem_shared>>)
      } else {
      }
      %mul3A_93 = arith.constant 80 : i32
      %mul3A_94 = arith.muli %add3A, %mul3A_93 : i32
      %add3A_95 = arith.addi %mul3A_94, %add3A_73 : i32
      %add3A_96 = arith.constant 1 : i32
      %add3A_97 = arith.addi %add3A_95, %add3A_96 : i32
      %dma_start3A_98 = arith.constant 0 : i32
      %dma_start3A_99 = arith.constant 0 : i32
      %dma_start3A_100 = tpu.memref_slice %arg2[%dma_start3A_98, %add3A_97, %dma_start3A_99] : memref<2x2560x128xi32, #tpu.memory_space<hbm>> -> memref<2x1x128xi32, #tpu.memory_space<hbm>>
      %dma_start3A_101 = tpu.memref_squeeze %dma_start3A_100 : memref<2x1x128xi32, #tpu.memory_space<hbm>> -> memref<2x128xi32, #tpu.memory_space<hbm>>
      %dma_start3A_102 = arith.constant 0 : i32
      %dma_start3A_103 = arith.constant 0 : i32
      %dma_start3A_104 = tpu.memref_slice %arg2[%dma_start3A_102, %add3A_97, %dma_start3A_103] : memref<2x2560x128xi32, #tpu.memory_space<hbm>> -> memref<2x1x128xi32, #tpu.memory_space<hbm>>
      %dma_start3A_105 = tpu.memref_squeeze %dma_start3A_104 : memref<2x1x128xi32, #tpu.memory_space<hbm>> -> memref<2x128xi32, #tpu.memory_space<hbm>>
      tpu.enqueue_dma source(%dma_start3A_105 : memref<2x128xi32, #tpu.memory_space<hbm>>) target(%arg7 : memref<2x128xi32, #tpu.memory_space<vmem>>) target_semaphore(%arg23 : memref<!tpu.dma_semaphore, #tpu.memory_space<semaphore_mem>>)
      %gt3A_106 = arith.constant 0 : i32
      %gt3A_107 = arith.cmpi sgt, %add3A_73, %gt3A_106 : i32
      %convert_element_type3A_108 = arith.extui %gt3A_107 : i1 to i32
      %cond3A_109 = arith.constant 0 : i32
      %cond3A_110 = arith.cmpi ne, %convert_element_type3A_108, %cond3A_109 : i32
      scf.if %cond3A_110 {
        %dma_wait3A_446 = arith.constant 1 : i32
        %dma_wait3A_447 = arith.constant 0 : i32
        %dma_wait3A_448 = tpu.memref_slice %arg8[%dma_wait3A_446, %dma_wait3A_447] : memref<2x128xi32, #tpu.memory_space<vmem>> -> memref<1x128xi32, #tpu.memory_space<vmem>>
        %dma_wait3A_449 = tpu.memref_squeeze %dma_wait3A_448 : memref<1x128xi32, #tpu.memory_space<vmem>> -> memref<128xi32, #tpu.memory_space<vmem>>
        %dma_wait3A_450 = arith.constant 0 : i32
        %dma_wait3A_451 = arith.constant 0 : i32
        %dma_wait3A_452 = tpu.memref_slice %arg38[%dma_wait3A_450, %dma_wait3A_451] : memref<10240x8xf32, #tpu.memory_space<vmem_shared>> -> memref<10240x8xf32, #tpu.memory_space<vmem_shared>>
        tpu.wait_indirect_dma semaphore(%arg32 : memref<!tpu.dma_semaphore, #tpu.memory_space<semaphore_mem>>) src(%arg16 : memref<128x8xf32, #tpu.memory_space<vmem>>) dst(%dma_wait3A_452 : memref<10240x8xf32, #tpu.memory_space<vmem_shared>>)
      } else {
      }
      %mul3A_111 = arith.constant 80 : i32
      %mul3A_112 = arith.muli %add3A, %mul3A_111 : i32
      %add3A_113 = arith.addi %mul3A_112, %add3A_73 : i32
      %add3A_114 = arith.constant 2 : i32
      %add3A_115 = arith.addi %add3A_113, %add3A_114 : i32
      %dma_start3A_116 = arith.constant 0 : i32
      %dma_start3A_117 = arith.constant 0 : i32
      %dma_start3A_118 = tpu.memref_slice %arg2[%dma_start3A_116, %add3A_115, %dma_start3A_117] : memref<2x2560x128xi32, #tpu.memory_space<hbm>> -> memref<2x1x128xi32, #tpu.memory_space<hbm>>
      %dma_start3A_119 = tpu.memref_squeeze %dma_start3A_118 : memref<2x1x128xi32, #tpu.memory_space<hbm>> -> memref<2x128xi32, #tpu.memory_space<hbm>>
      %dma_start3A_120 = arith.constant 0 : i32
      %dma_start3A_121 = arith.constant 0 : i32
      %dma_start3A_122 = tpu.memref_slice %arg2[%dma_start3A_120, %add3A_115, %dma_start3A_121] : memref<2x2560x128xi32, #tpu.memory_space<hbm>> -> memref<2x1x128xi32, #tpu.memory_space<hbm>>
      %dma_start3A_123 = tpu.memref_squeeze %dma_start3A_122 : memref<2x1x128xi32, #tpu.memory_space<hbm>> -> memref<2x128xi32, #tpu.memory_space<hbm>>
      tpu.enqueue_dma source(%dma_start3A_123 : memref<2x128xi32, #tpu.memory_space<hbm>>) target(%arg8 : memref<2x128xi32, #tpu.memory_space<vmem>>) target_semaphore(%arg24 : memref<!tpu.dma_semaphore, #tpu.memory_space<semaphore_mem>>)
      %gt3A_124 = arith.constant 0 : i32
      %gt3A_125 = arith.cmpi sgt, %add3A_73, %gt3A_124 : i32
      %convert_element_type3A_126 = arith.extui %gt3A_125 : i1 to i32
      %cond3A_127 = arith.constant 0 : i32
      %cond3A_128 = arith.cmpi ne, %convert_element_type3A_126, %cond3A_127 : i32
      scf.if %cond3A_128 {
        %dma_wait3A_446 = arith.constant 1 : i32
        %dma_wait3A_447 = arith.constant 0 : i32
        %dma_wait3A_448 = tpu.memref_slice %arg9[%dma_wait3A_446, %dma_wait3A_447] : memref<2x128xi32, #tpu.memory_space<vmem>> -> memref<1x128xi32, #tpu.memory_space<vmem>>
        %dma_wait3A_449 = tpu.memref_squeeze %dma_wait3A_448 : memref<1x128xi32, #tpu.memory_space<vmem>> -> memref<128xi32, #tpu.memory_space<vmem>>
        %dma_wait3A_450 = arith.constant 0 : i32
        %dma_wait3A_451 = arith.constant 0 : i32
        %dma_wait3A_452 = tpu.memref_slice %arg38[%dma_wait3A_450, %dma_wait3A_451] : memref<10240x8xf32, #tpu.memory_space<vmem_shared>> -> memref<10240x8xf32, #tpu.memory_space<vmem_shared>>
        tpu.wait_indirect_dma semaphore(%arg33 : memref<!tpu.dma_semaphore, #tpu.memory_space<semaphore_mem>>) src(%arg17 : memref<128x8xf32, #tpu.memory_space<vmem>>) dst(%dma_wait3A_452 : memref<10240x8xf32, #tpu.memory_space<vmem_shared>>)
      } else {
      }
      %mul3A_129 = arith.constant 80 : i32
      %mul3A_130 = arith.muli %add3A, %mul3A_129 : i32
      %add3A_131 = arith.addi %mul3A_130, %add3A_73 : i32
      %add3A_132 = arith.constant 3 : i32
      %add3A_133 = arith.addi %add3A_131, %add3A_132 : i32
      %dma_start3A_134 = arith.constant 0 : i32
      %dma_start3A_135 = arith.constant 0 : i32
      %dma_start3A_136 = tpu.memref_slice %arg2[%dma_start3A_134, %add3A_133, %dma_start3A_135] : memref<2x2560x128xi32, #tpu.memory_space<hbm>> -> memref<2x1x128xi32, #tpu.memory_space<hbm>>
      %dma_start3A_137 = tpu.memref_squeeze %dma_start3A_136 : memref<2x1x128xi32, #tpu.memory_space<hbm>> -> memref<2x128xi32, #tpu.memory_space<hbm>>
      %dma_start3A_138 = arith.constant 0 : i32
      %dma_start3A_139 = arith.constant 0 : i32
      %dma_start3A_140 = tpu.memref_slice %arg2[%dma_start3A_138, %add3A_133, %dma_start3A_139] : memref<2x2560x128xi32, #tpu.memory_space<hbm>> -> memref<2x1x128xi32, #tpu.memory_space<hbm>>
      %dma_start3A_141 = tpu.memref_squeeze %dma_start3A_140 : memref<2x1x128xi32, #tpu.memory_space<hbm>> -> memref<2x128xi32, #tpu.memory_space<hbm>>
      tpu.enqueue_dma source(%dma_start3A_141 : memref<2x128xi32, #tpu.memory_space<hbm>>) target(%arg9 : memref<2x128xi32, #tpu.memory_space<vmem>>) target_semaphore(%arg25 : memref<!tpu.dma_semaphore, #tpu.memory_space<semaphore_mem>>)
      %gt3A_142 = arith.constant 0 : i32
      %gt3A_143 = arith.cmpi sgt, %add3A_73, %gt3A_142 : i32
      %convert_element_type3A_144 = arith.extui %gt3A_143 : i1 to i32
      %cond3A_145 = arith.constant 0 : i32
      %cond3A_146 = arith.cmpi ne, %convert_element_type3A_144, %cond3A_145 : i32
      scf.if %cond3A_146 {
        %dma_wait3A_446 = arith.constant 1 : i32
        %dma_wait3A_447 = arith.constant 0 : i32
        %dma_wait3A_448 = tpu.memref_slice %arg10[%dma_wait3A_446, %dma_wait3A_447] : memref<2x128xi32, #tpu.memory_space<vmem>> -> memref<1x128xi32, #tpu.memory_space<vmem>>
        %dma_wait3A_449 = tpu.memref_squeeze %dma_wait3A_448 : memref<1x128xi32, #tpu.memory_space<vmem>> -> memref<128xi32, #tpu.memory_space<vmem>>
        %dma_wait3A_450 = arith.constant 0 : i32
        %dma_wait3A_451 = arith.constant 0 : i32
        %dma_wait3A_452 = tpu.memref_slice %arg38[%dma_wait3A_450, %dma_wait3A_451] : memref<10240x8xf32, #tpu.memory_space<vmem_shared>> -> memref<10240x8xf32, #tpu.memory_space<vmem_shared>>
        tpu.wait_indirect_dma semaphore(%arg34 : memref<!tpu.dma_semaphore, #tpu.memory_space<semaphore_mem>>) src(%arg18 : memref<128x8xf32, #tpu.memory_space<vmem>>) dst(%dma_wait3A_452 : memref<10240x8xf32, #tpu.memory_space<vmem_shared>>)
      } else {
      }
      %mul3A_147 = arith.constant 80 : i32
      %mul3A_148 = arith.muli %add3A, %mul3A_147 : i32
      %add3A_149 = arith.addi %mul3A_148, %add3A_73 : i32
      %add3A_150 = arith.constant 4 : i32
      %add3A_151 = arith.addi %add3A_149, %add3A_150 : i32
      %dma_start3A_152 = arith.constant 0 : i32
      %dma_start3A_153 = arith.constant 0 : i32
      %dma_start3A_154 = tpu.memref_slice %arg2[%dma_start3A_152, %add3A_151, %dma_start3A_153] : memref<2x2560x128xi32, #tpu.memory_space<hbm>> -> memref<2x1x128xi32, #tpu.memory_space<hbm>>
      %dma_start3A_155 = tpu.memref_squeeze %dma_start3A_154 : memref<2x1x128xi32, #tpu.memory_space<hbm>> -> memref<2x128xi32, #tpu.memory_space<hbm>>
      %dma_start3A_156 = arith.constant 0 : i32
      %dma_start3A_157 = arith.constant 0 : i32
      %dma_start3A_158 = tpu.memref_slice %arg2[%dma_start3A_156, %add3A_151, %dma_start3A_157] : memref<2x2560x128xi32, #tpu.memory_space<hbm>> -> memref<2x1x128xi32, #tpu.memory_space<hbm>>
      %dma_start3A_159 = tpu.memref_squeeze %dma_start3A_158 : memref<2x1x128xi32, #tpu.memory_space<hbm>> -> memref<2x128xi32, #tpu.memory_space<hbm>>
      tpu.enqueue_dma source(%dma_start3A_159 : memref<2x128xi32, #tpu.memory_space<hbm>>) target(%arg10 : memref<2x128xi32, #tpu.memory_space<vmem>>) target_semaphore(%arg26 : memref<!tpu.dma_semaphore, #tpu.memory_space<semaphore_mem>>)
      %gt3A_160 = arith.constant 0 : i32
      %gt3A_161 = arith.cmpi sgt, %add3A_73, %gt3A_160 : i32
      %convert_element_type3A_162 = arith.extui %gt3A_161 : i1 to i32
      %cond3A_163 = arith.constant 0 : i32
      %cond3A_164 = arith.cmpi ne, %convert_element_type3A_162, %cond3A_163 : i32
      scf.if %cond3A_164 {
        %dma_wait3A_446 = arith.constant 1 : i32
        %dma_wait3A_447 = arith.constant 0 : i32
        %dma_wait3A_448 = tpu.memref_slice %arg11[%dma_wait3A_446, %dma_wait3A_447] : memref<2x128xi32, #tpu.memory_space<vmem>> -> memref<1x128xi32, #tpu.memory_space<vmem>>
        %dma_wait3A_449 = tpu.memref_squeeze %dma_wait3A_448 : memref<1x128xi32, #tpu.memory_space<vmem>> -> memref<128xi32, #tpu.memory_space<vmem>>
        %dma_wait3A_450 = arith.constant 0 : i32
        %dma_wait3A_451 = arith.constant 0 : i32
        %dma_wait3A_452 = tpu.memref_slice %arg38[%dma_wait3A_450, %dma_wait3A_451] : memref<10240x8xf32, #tpu.memory_space<vmem_shared>> -> memref<10240x8xf32, #tpu.memory_space<vmem_shared>>
        tpu.wait_indirect_dma semaphore(%arg35 : memref<!tpu.dma_semaphore, #tpu.memory_space<semaphore_mem>>) src(%arg19 : memref<128x8xf32, #tpu.memory_space<vmem>>) dst(%dma_wait3A_452 : memref<10240x8xf32, #tpu.memory_space<vmem_shared>>)
      } else {
      }
      %mul3A_165 = arith.constant 80 : i32
      %mul3A_166 = arith.muli %add3A, %mul3A_165 : i32
      %add3A_167 = arith.addi %mul3A_166, %add3A_73 : i32
      %add3A_168 = arith.constant 5 : i32
      %add3A_169 = arith.addi %add3A_167, %add3A_168 : i32
      %dma_start3A_170 = arith.constant 0 : i32
      %dma_start3A_171 = arith.constant 0 : i32
      %dma_start3A_172 = tpu.memref_slice %arg2[%dma_start3A_170, %add3A_169, %dma_start3A_171] : memref<2x2560x128xi32, #tpu.memory_space<hbm>> -> memref<2x1x128xi32, #tpu.memory_space<hbm>>
      %dma_start3A_173 = tpu.memref_squeeze %dma_start3A_172 : memref<2x1x128xi32, #tpu.memory_space<hbm>> -> memref<2x128xi32, #tpu.memory_space<hbm>>
      %dma_start3A_174 = arith.constant 0 : i32
      %dma_start3A_175 = arith.constant 0 : i32
      %dma_start3A_176 = tpu.memref_slice %arg2[%dma_start3A_174, %add3A_169, %dma_start3A_175] : memref<2x2560x128xi32, #tpu.memory_space<hbm>> -> memref<2x1x128xi32, #tpu.memory_space<hbm>>
      %dma_start3A_177 = tpu.memref_squeeze %dma_start3A_176 : memref<2x1x128xi32, #tpu.memory_space<hbm>> -> memref<2x128xi32, #tpu.memory_space<hbm>>
      tpu.enqueue_dma source(%dma_start3A_177 : memref<2x128xi32, #tpu.memory_space<hbm>>) target(%arg11 : memref<2x128xi32, #tpu.memory_space<vmem>>) target_semaphore(%arg27 : memref<!tpu.dma_semaphore, #tpu.memory_space<semaphore_mem>>)
      %gt3A_178 = arith.constant 0 : i32
      %gt3A_179 = arith.cmpi sgt, %add3A_73, %gt3A_178 : i32
      %convert_element_type3A_180 = arith.extui %gt3A_179 : i1 to i32
      %cond3A_181 = arith.constant 0 : i32
      %cond3A_182 = arith.cmpi ne, %convert_element_type3A_180, %cond3A_181 : i32
      scf.if %cond3A_182 {
        %dma_wait3A_446 = arith.constant 1 : i32
        %dma_wait3A_447 = arith.constant 0 : i32
        %dma_wait3A_448 = tpu.memref_slice %arg12[%dma_wait3A_446, %dma_wait3A_447] : memref<2x128xi32, #tpu.memory_space<vmem>> -> memref<1x128xi32, #tpu.memory_space<vmem>>
        %dma_wait3A_449 = tpu.memref_squeeze %dma_wait3A_448 : memref<1x128xi32, #tpu.memory_space<vmem>> -> memref<128xi32, #tpu.memory_space<vmem>>
        %dma_wait3A_450 = arith.constant 0 : i32
        %dma_wait3A_451 = arith.constant 0 : i32
        %dma_wait3A_452 = tpu.memref_slice %arg38[%dma_wait3A_450, %dma_wait3A_451] : memref<10240x8xf32, #tpu.memory_space<vmem_shared>> -> memref<10240x8xf32, #tpu.memory_space<vmem_shared>>
        tpu.wait_indirect_dma semaphore(%arg36 : memref<!tpu.dma_semaphore, #tpu.memory_space<semaphore_mem>>) src(%arg20 : memref<128x8xf32, #tpu.memory_space<vmem>>) dst(%dma_wait3A_452 : memref<10240x8xf32, #tpu.memory_space<vmem_shared>>)
      } else {
      }
      %mul3A_183 = arith.constant 80 : i32
      %mul3A_184 = arith.muli %add3A, %mul3A_183 : i32
      %add3A_185 = arith.addi %mul3A_184, %add3A_73 : i32
      %add3A_186 = arith.constant 6 : i32
      %add3A_187 = arith.addi %add3A_185, %add3A_186 : i32
      %dma_start3A_188 = arith.constant 0 : i32
      %dma_start3A_189 = arith.constant 0 : i32
      %dma_start3A_190 = tpu.memref_slice %arg2[%dma_start3A_188, %add3A_187, %dma_start3A_189] : memref<2x2560x128xi32, #tpu.memory_space<hbm>> -> memref<2x1x128xi32, #tpu.memory_space<hbm>>
      %dma_start3A_191 = tpu.memref_squeeze %dma_start3A_190 : memref<2x1x128xi32, #tpu.memory_space<hbm>> -> memref<2x128xi32, #tpu.memory_space<hbm>>
      %dma_start3A_192 = arith.constant 0 : i32
      %dma_start3A_193 = arith.constant 0 : i32
      %dma_start3A_194 = tpu.memref_slice %arg2[%dma_start3A_192, %add3A_187, %dma_start3A_193] : memref<2x2560x128xi32, #tpu.memory_space<hbm>> -> memref<2x1x128xi32, #tpu.memory_space<hbm>>
      %dma_start3A_195 = tpu.memref_squeeze %dma_start3A_194 : memref<2x1x128xi32, #tpu.memory_space<hbm>> -> memref<2x128xi32, #tpu.memory_space<hbm>>
      tpu.enqueue_dma source(%dma_start3A_195 : memref<2x128xi32, #tpu.memory_space<hbm>>) target(%arg12 : memref<2x128xi32, #tpu.memory_space<vmem>>) target_semaphore(%arg28 : memref<!tpu.dma_semaphore, #tpu.memory_space<semaphore_mem>>)
      %gt3A_196 = arith.constant 0 : i32
      %gt3A_197 = arith.cmpi sgt, %add3A_73, %gt3A_196 : i32
      %convert_element_type3A_198 = arith.extui %gt3A_197 : i1 to i32
      %cond3A_199 = arith.constant 0 : i32
      %cond3A_200 = arith.cmpi ne, %convert_element_type3A_198, %cond3A_199 : i32
      scf.if %cond3A_200 {
        %dma_wait3A_446 = arith.constant 1 : i32
        %dma_wait3A_447 = arith.constant 0 : i32
        %dma_wait3A_448 = tpu.memref_slice %arg13[%dma_wait3A_446, %dma_wait3A_447] : memref<2x128xi32, #tpu.memory_space<vmem>> -> memref<1x128xi32, #tpu.memory_space<vmem>>
        %dma_wait3A_449 = tpu.memref_squeeze %dma_wait3A_448 : memref<1x128xi32, #tpu.memory_space<vmem>> -> memref<128xi32, #tpu.memory_space<vmem>>
        %dma_wait3A_450 = arith.constant 0 : i32
        %dma_wait3A_451 = arith.constant 0 : i32
        %dma_wait3A_452 = tpu.memref_slice %arg38[%dma_wait3A_450, %dma_wait3A_451] : memref<10240x8xf32, #tpu.memory_space<vmem_shared>> -> memref<10240x8xf32, #tpu.memory_space<vmem_shared>>
        tpu.wait_indirect_dma semaphore(%arg37 : memref<!tpu.dma_semaphore, #tpu.memory_space<semaphore_mem>>) src(%arg21 : memref<128x8xf32, #tpu.memory_space<vmem>>) dst(%dma_wait3A_452 : memref<10240x8xf32, #tpu.memory_space<vmem_shared>>)
      } else {
      }
      %mul3A_201 = arith.constant 80 : i32
      %mul3A_202 = arith.muli %add3A, %mul3A_201 : i32
      %add3A_203 = arith.addi %mul3A_202, %add3A_73 : i32
      %add3A_204 = arith.constant 7 : i32
      %add3A_205 = arith.addi %add3A_203, %add3A_204 : i32
      %dma_start3A_206 = arith.constant 0 : i32
      %dma_start3A_207 = arith.constant 0 : i32
      %dma_start3A_208 = tpu.memref_slice %arg2[%dma_start3A_206, %add3A_205, %dma_start3A_207] : memref<2x2560x128xi32, #tpu.memory_space<hbm>> -> memref<2x1x128xi32, #tpu.memory_space<hbm>>
      %dma_start3A_209 = tpu.memref_squeeze %dma_start3A_208 : memref<2x1x128xi32, #tpu.memory_space<hbm>> -> memref<2x128xi32, #tpu.memory_space<hbm>>
      %dma_start3A_210 = arith.constant 0 : i32
      %dma_start3A_211 = arith.constant 0 : i32
      %dma_start3A_212 = tpu.memref_slice %arg2[%dma_start3A_210, %add3A_205, %dma_start3A_211] : memref<2x2560x128xi32, #tpu.memory_space<hbm>> -> memref<2x1x128xi32, #tpu.memory_space<hbm>>
      %dma_start3A_213 = tpu.memref_squeeze %dma_start3A_212 : memref<2x1x128xi32, #tpu.memory_space<hbm>> -> memref<2x128xi32, #tpu.memory_space<hbm>>
      tpu.enqueue_dma source(%dma_start3A_213 : memref<2x128xi32, #tpu.memory_space<hbm>>) target(%arg13 : memref<2x128xi32, #tpu.memory_space<vmem>>) target_semaphore(%arg29 : memref<!tpu.dma_semaphore, #tpu.memory_space<semaphore_mem>>)
      %dma_wait3A_214 = arith.constant 0 : i32
      %dma_wait3A_215 = arith.constant 0 : i32
      %dma_wait3A_216 = tpu.memref_slice %arg2[%dma_wait3A_214, %add3A_80, %dma_wait3A_215] : memref<2x2560x128xi32, #tpu.memory_space<hbm>> -> memref<2x1x128xi32, #tpu.memory_space<hbm>>
      %dma_wait3A_217 = tpu.memref_squeeze %dma_wait3A_216 : memref<2x1x128xi32, #tpu.memory_space<hbm>> -> memref<2x128xi32, #tpu.memory_space<hbm>>
      %dma_wait3A_218 = arith.constant 0 : i32
      %dma_wait3A_219 = arith.constant 0 : i32
      %dma_wait3A_220 = tpu.memref_slice %arg2[%dma_wait3A_218, %add3A_80, %dma_wait3A_219] : memref<2x2560x128xi32, #tpu.memory_space<hbm>> -> memref<2x1x128xi32, #tpu.memory_space<hbm>>
      %dma_wait3A_221 = tpu.memref_squeeze %dma_wait3A_220 : memref<2x1x128xi32, #tpu.memory_space<hbm>> -> memref<2x128xi32, #tpu.memory_space<hbm>>
      tpu.wait_dma2 semaphore(%arg22 : memref<!tpu.dma_semaphore, #tpu.memory_space<semaphore_mem>>) src(%dma_wait3A_221 : memref<2x128xi32, #tpu.memory_space<hbm>>) dst(%arg6 : memref<2x128xi32, #tpu.memory_space<vmem>>)
      %dma_start3A_222 = arith.constant 0 : i32
      %dma_start3A_223 = arith.constant 0 : i32
      %dma_start3A_224 = tpu.memref_slice %arg6[%dma_start3A_222, %dma_start3A_223] : memref<2x128xi32, #tpu.memory_space<vmem>> -> memref<1x128xi32, #tpu.memory_space<vmem>>
      %dma_start3A_225 = tpu.memref_squeeze %dma_start3A_224 : memref<1x128xi32, #tpu.memory_space<vmem>> -> memref<128xi32, #tpu.memory_space<vmem>>
      %dma_start3A_226 = arith.constant 0 : i32
      %dma_start3A_227 = arith.constant 0 : i32
      %dma_start3A_228 = tpu.memref_slice %arg3[%dma_start3A_226, %dma_start3A_227] : memref<10240x8xf32, #tpu.memory_space<hbm>> -> memref<10240x8xf32, #tpu.memory_space<hbm>>
      tpu.enqueue_indirect_dma source(%dma_start3A_228 : memref<10240x8xf32, #tpu.memory_space<hbm>>) target(%arg14 : memref<128x8xf32, #tpu.memory_space<vmem>>) offsets(%dma_start3A_225 : memref<128xi32, #tpu.memory_space<vmem>>) semaphore(%arg22 : memref<!tpu.dma_semaphore, #tpu.memory_space<semaphore_mem>>)
      %dma_wait3A_229 = arith.constant 0 : i32
      %dma_wait3A_230 = arith.constant 0 : i32
      %dma_wait3A_231 = tpu.memref_slice %arg2[%dma_wait3A_229, %add3A_97, %dma_wait3A_230] : memref<2x2560x128xi32, #tpu.memory_space<hbm>> -> memref<2x1x128xi32, #tpu.memory_space<hbm>>
      %dma_wait3A_232 = tpu.memref_squeeze %dma_wait3A_231 : memref<2x1x128xi32, #tpu.memory_space<hbm>> -> memref<2x128xi32, #tpu.memory_space<hbm>>
      %dma_wait3A_233 = arith.constant 0 : i32
      %dma_wait3A_234 = arith.constant 0 : i32
      %dma_wait3A_235 = tpu.memref_slice %arg2[%dma_wait3A_233, %add3A_97, %dma_wait3A_234] : memref<2x2560x128xi32, #tpu.memory_space<hbm>> -> memref<2x1x128xi32, #tpu.memory_space<hbm>>
      %dma_wait3A_236 = tpu.memref_squeeze %dma_wait3A_235 : memref<2x1x128xi32, #tpu.memory_space<hbm>> -> memref<2x128xi32, #tpu.memory_space<hbm>>
      tpu.wait_dma2 semaphore(%arg23 : memref<!tpu.dma_semaphore, #tpu.memory_space<semaphore_mem>>) src(%dma_wait3A_236 : memref<2x128xi32, #tpu.memory_space<hbm>>) dst(%arg7 : memref<2x128xi32, #tpu.memory_space<vmem>>)
      %dma_start3A_237 = arith.constant 0 : i32
      %dma_start3A_238 = arith.constant 0 : i32
      %dma_start3A_239 = tpu.memref_slice %arg7[%dma_start3A_237, %dma_start3A_238] : memref<2x128xi32, #tpu.memory_space<vmem>> -> memref<1x128xi32, #tpu.memory_space<vmem>>
      %dma_start3A_240 = tpu.memref_squeeze %dma_start3A_239 : memref<1x128xi32, #tpu.memory_space<vmem>> -> memref<128xi32, #tpu.memory_space<vmem>>
      %dma_start3A_241 = arith.constant 0 : i32
      %dma_start3A_242 = arith.constant 0 : i32
      %dma_start3A_243 = tpu.memref_slice %arg3[%dma_start3A_241, %dma_start3A_242] : memref<10240x8xf32, #tpu.memory_space<hbm>> -> memref<10240x8xf32, #tpu.memory_space<hbm>>
      tpu.enqueue_indirect_dma source(%dma_start3A_243 : memref<10240x8xf32, #tpu.memory_space<hbm>>) target(%arg15 : memref<128x8xf32, #tpu.memory_space<vmem>>) offsets(%dma_start3A_240 : memref<128xi32, #tpu.memory_space<vmem>>) semaphore(%arg23 : memref<!tpu.dma_semaphore, #tpu.memory_space<semaphore_mem>>)
      %dma_wait3A_244 = arith.constant 0 : i32
      %dma_wait3A_245 = arith.constant 0 : i32
      %dma_wait3A_246 = tpu.memref_slice %arg2[%dma_wait3A_244, %add3A_115, %dma_wait3A_245] : memref<2x2560x128xi32, #tpu.memory_space<hbm>> -> memref<2x1x128xi32, #tpu.memory_space<hbm>>
      %dma_wait3A_247 = tpu.memref_squeeze %dma_wait3A_246 : memref<2x1x128xi32, #tpu.memory_space<hbm>> -> memref<2x128xi32, #tpu.memory_space<hbm>>
      %dma_wait3A_248 = arith.constant 0 : i32
      %dma_wait3A_249 = arith.constant 0 : i32
      %dma_wait3A_250 = tpu.memref_slice %arg2[%dma_wait3A_248, %add3A_115, %dma_wait3A_249] : memref<2x2560x128xi32, #tpu.memory_space<hbm>> -> memref<2x1x128xi32, #tpu.memory_space<hbm>>
      %dma_wait3A_251 = tpu.memref_squeeze %dma_wait3A_250 : memref<2x1x128xi32, #tpu.memory_space<hbm>> -> memref<2x128xi32, #tpu.memory_space<hbm>>
      tpu.wait_dma2 semaphore(%arg24 : memref<!tpu.dma_semaphore, #tpu.memory_space<semaphore_mem>>) src(%dma_wait3A_251 : memref<2x128xi32, #tpu.memory_space<hbm>>) dst(%arg8 : memref<2x128xi32, #tpu.memory_space<vmem>>)
      %dma_start3A_252 = arith.constant 0 : i32
      %dma_start3A_253 = arith.constant 0 : i32
      %dma_start3A_254 = tpu.memref_slice %arg8[%dma_start3A_252, %dma_start3A_253] : memref<2x128xi32, #tpu.memory_space<vmem>> -> memref<1x128xi32, #tpu.memory_space<vmem>>
      %dma_start3A_255 = tpu.memref_squeeze %dma_start3A_254 : memref<1x128xi32, #tpu.memory_space<vmem>> -> memref<128xi32, #tpu.memory_space<vmem>>
      %dma_start3A_256 = arith.constant 0 : i32
      %dma_start3A_257 = arith.constant 0 : i32
      %dma_start3A_258 = tpu.memref_slice %arg3[%dma_start3A_256, %dma_start3A_257] : memref<10240x8xf32, #tpu.memory_space<hbm>> -> memref<10240x8xf32, #tpu.memory_space<hbm>>
      tpu.enqueue_indirect_dma source(%dma_start3A_258 : memref<10240x8xf32, #tpu.memory_space<hbm>>) target(%arg16 : memref<128x8xf32, #tpu.memory_space<vmem>>) offsets(%dma_start3A_255 : memref<128xi32, #tpu.memory_space<vmem>>) semaphore(%arg24 : memref<!tpu.dma_semaphore, #tpu.memory_space<semaphore_mem>>)
      %dma_wait3A_259 = arith.constant 0 : i32
      %dma_wait3A_260 = arith.constant 0 : i32
      %dma_wait3A_261 = tpu.memref_slice %arg2[%dma_wait3A_259, %add3A_133, %dma_wait3A_260] : memref<2x2560x128xi32, #tpu.memory_space<hbm>> -> memref<2x1x128xi32, #tpu.memory_space<hbm>>
      %dma_wait3A_262 = tpu.memref_squeeze %dma_wait3A_261 : memref<2x1x128xi32, #tpu.memory_space<hbm>> -> memref<2x128xi32, #tpu.memory_space<hbm>>
      %dma_wait3A_263 = arith.constant 0 : i32
      %dma_wait3A_264 = arith.constant 0 : i32
      %dma_wait3A_265 = tpu.memref_slice %arg2[%dma_wait3A_263, %add3A_133, %dma_wait3A_264] : memref<2x2560x128xi32, #tpu.memory_space<hbm>> -> memref<2x1x128xi32, #tpu.memory_space<hbm>>
      %dma_wait3A_266 = tpu.memref_squeeze %dma_wait3A_265 : memref<2x1x128xi32, #tpu.memory_space<hbm>> -> memref<2x128xi32, #tpu.memory_space<hbm>>
      tpu.wait_dma2 semaphore(%arg25 : memref<!tpu.dma_semaphore, #tpu.memory_space<semaphore_mem>>) src(%dma_wait3A_266 : memref<2x128xi32, #tpu.memory_space<hbm>>) dst(%arg9 : memref<2x128xi32, #tpu.memory_space<vmem>>)
      %dma_start3A_267 = arith.constant 0 : i32
      %dma_start3A_268 = arith.constant 0 : i32
      %dma_start3A_269 = tpu.memref_slice %arg9[%dma_start3A_267, %dma_start3A_268] : memref<2x128xi32, #tpu.memory_space<vmem>> -> memref<1x128xi32, #tpu.memory_space<vmem>>
      %dma_start3A_270 = tpu.memref_squeeze %dma_start3A_269 : memref<1x128xi32, #tpu.memory_space<vmem>> -> memref<128xi32, #tpu.memory_space<vmem>>
      %dma_start3A_271 = arith.constant 0 : i32
      %dma_start3A_272 = arith.constant 0 : i32
      %dma_start3A_273 = tpu.memref_slice %arg3[%dma_start3A_271, %dma_start3A_272] : memref<10240x8xf32, #tpu.memory_space<hbm>> -> memref<10240x8xf32, #tpu.memory_space<hbm>>
      tpu.enqueue_indirect_dma source(%dma_start3A_273 : memref<10240x8xf32, #tpu.memory_space<hbm>>) target(%arg17 : memref<128x8xf32, #tpu.memory_space<vmem>>) offsets(%dma_start3A_270 : memref<128xi32, #tpu.memory_space<vmem>>) semaphore(%arg25 : memref<!tpu.dma_semaphore, #tpu.memory_space<semaphore_mem>>)
      %dma_wait3A_274 = arith.constant 0 : i32
      %dma_wait3A_275 = arith.constant 0 : i32
      %dma_wait3A_276 = tpu.memref_slice %arg2[%dma_wait3A_274, %add3A_151, %dma_wait3A_275] : memref<2x2560x128xi32, #tpu.memory_space<hbm>> -> memref<2x1x128xi32, #tpu.memory_space<hbm>>
      %dma_wait3A_277 = tpu.memref_squeeze %dma_wait3A_276 : memref<2x1x128xi32, #tpu.memory_space<hbm>> -> memref<2x128xi32, #tpu.memory_space<hbm>>
      %dma_wait3A_278 = arith.constant 0 : i32
      %dma_wait3A_279 = arith.constant 0 : i32
      %dma_wait3A_280 = tpu.memref_slice %arg2[%dma_wait3A_278, %add3A_151, %dma_wait3A_279] : memref<2x2560x128xi32, #tpu.memory_space<hbm>> -> memref<2x1x128xi32, #tpu.memory_space<hbm>>
      %dma_wait3A_281 = tpu.memref_squeeze %dma_wait3A_280 : memref<2x1x128xi32, #tpu.memory_space<hbm>> -> memref<2x128xi32, #tpu.memory_space<hbm>>
      tpu.wait_dma2 semaphore(%arg26 : memref<!tpu.dma_semaphore, #tpu.memory_space<semaphore_mem>>) src(%dma_wait3A_281 : memref<2x128xi32, #tpu.memory_space<hbm>>) dst(%arg10 : memref<2x128xi32, #tpu.memory_space<vmem>>)
      %dma_start3A_282 = arith.constant 0 : i32
      %dma_start3A_283 = arith.constant 0 : i32
      %dma_start3A_284 = tpu.memref_slice %arg10[%dma_start3A_282, %dma_start3A_283] : memref<2x128xi32, #tpu.memory_space<vmem>> -> memref<1x128xi32, #tpu.memory_space<vmem>>
      %dma_start3A_285 = tpu.memref_squeeze %dma_start3A_284 : memref<1x128xi32, #tpu.memory_space<vmem>> -> memref<128xi32, #tpu.memory_space<vmem>>
      %dma_start3A_286 = arith.constant 0 : i32
      %dma_start3A_287 = arith.constant 0 : i32
      %dma_start3A_288 = tpu.memref_slice %arg3[%dma_start3A_286, %dma_start3A_287] : memref<10240x8xf32, #tpu.memory_space<hbm>> -> memref<10240x8xf32, #tpu.memory_space<hbm>>
      tpu.enqueue_indirect_dma source(%dma_start3A_288 : memref<10240x8xf32, #tpu.memory_space<hbm>>) target(%arg18 : memref<128x8xf32, #tpu.memory_space<vmem>>) offsets(%dma_start3A_285 : memref<128xi32, #tpu.memory_space<vmem>>) semaphore(%arg26 : memref<!tpu.dma_semaphore, #tpu.memory_space<semaphore_mem>>)
      %dma_wait3A_289 = arith.constant 0 : i32
      %dma_wait3A_290 = arith.constant 0 : i32
      %dma_wait3A_291 = tpu.memref_slice %arg2[%dma_wait3A_289, %add3A_169, %dma_wait3A_290] : memref<2x2560x128xi32, #tpu.memory_space<hbm>> -> memref<2x1x128xi32, #tpu.memory_space<hbm>>
      %dma_wait3A_292 = tpu.memref_squeeze %dma_wait3A_291 : memref<2x1x128xi32, #tpu.memory_space<hbm>> -> memref<2x128xi32, #tpu.memory_space<hbm>>
      %dma_wait3A_293 = arith.constant 0 : i32
      %dma_wait3A_294 = arith.constant 0 : i32
      %dma_wait3A_295 = tpu.memref_slice %arg2[%dma_wait3A_293, %add3A_169, %dma_wait3A_294] : memref<2x2560x128xi32, #tpu.memory_space<hbm>> -> memref<2x1x128xi32, #tpu.memory_space<hbm>>
      %dma_wait3A_296 = tpu.memref_squeeze %dma_wait3A_295 : memref<2x1x128xi32, #tpu.memory_space<hbm>> -> memref<2x128xi32, #tpu.memory_space<hbm>>
      tpu.wait_dma2 semaphore(%arg27 : memref<!tpu.dma_semaphore, #tpu.memory_space<semaphore_mem>>) src(%dma_wait3A_296 : memref<2x128xi32, #tpu.memory_space<hbm>>) dst(%arg11 : memref<2x128xi32, #tpu.memory_space<vmem>>)
      %dma_start3A_297 = arith.constant 0 : i32
      %dma_start3A_298 = arith.constant 0 : i32
      %dma_start3A_299 = tpu.memref_slice %arg11[%dma_start3A_297, %dma_start3A_298] : memref<2x128xi32, #tpu.memory_space<vmem>> -> memref<1x128xi32, #tpu.memory_space<vmem>>
      %dma_start3A_300 = tpu.memref_squeeze %dma_start3A_299 : memref<1x128xi32, #tpu.memory_space<vmem>> -> memref<128xi32, #tpu.memory_space<vmem>>
      %dma_start3A_301 = arith.constant 0 : i32
      %dma_start3A_302 = arith.constant 0 : i32
      %dma_start3A_303 = tpu.memref_slice %arg3[%dma_start3A_301, %dma_start3A_302] : memref<10240x8xf32, #tpu.memory_space<hbm>> -> memref<10240x8xf32, #tpu.memory_space<hbm>>
      tpu.enqueue_indirect_dma source(%dma_start3A_303 : memref<10240x8xf32, #tpu.memory_space<hbm>>) target(%arg19 : memref<128x8xf32, #tpu.memory_space<vmem>>) offsets(%dma_start3A_300 : memref<128xi32, #tpu.memory_space<vmem>>) semaphore(%arg27 : memref<!tpu.dma_semaphore, #tpu.memory_space<semaphore_mem>>)
      %dma_wait3A_304 = arith.constant 0 : i32
      %dma_wait3A_305 = arith.constant 0 : i32
      %dma_wait3A_306 = tpu.memref_slice %arg2[%dma_wait3A_304, %add3A_187, %dma_wait3A_305] : memref<2x2560x128xi32, #tpu.memory_space<hbm>> -> memref<2x1x128xi32, #tpu.memory_space<hbm>>
      %dma_wait3A_307 = tpu.memref_squeeze %dma_wait3A_306 : memref<2x1x128xi32, #tpu.memory_space<hbm>> -> memref<2x128xi32, #tpu.memory_space<hbm>>
      %dma_wait3A_308 = arith.constant 0 : i32
      %dma_wait3A_309 = arith.constant 0 : i32
      %dma_wait3A_310 = tpu.memref_slice %arg2[%dma_wait3A_308, %add3A_187, %dma_wait3A_309] : memref<2x2560x128xi32, #tpu.memory_space<hbm>> -> memref<2x1x128xi32, #tpu.memory_space<hbm>>
      %dma_wait3A_311 = tpu.memref_squeeze %dma_wait3A_310 : memref<2x1x128xi32, #tpu.memory_space<hbm>> -> memref<2x128xi32, #tpu.memory_space<hbm>>
      tpu.wait_dma2 semaphore(%arg28 : memref<!tpu.dma_semaphore, #tpu.memory_space<semaphore_mem>>) src(%dma_wait3A_311 : memref<2x128xi32, #tpu.memory_space<hbm>>) dst(%arg12 : memref<2x128xi32, #tpu.memory_space<vmem>>)
      %dma_start3A_312 = arith.constant 0 : i32
      %dma_start3A_313 = arith.constant 0 : i32
      %dma_start3A_314 = tpu.memref_slice %arg12[%dma_start3A_312, %dma_start3A_313] : memref<2x128xi32, #tpu.memory_space<vmem>> -> memref<1x128xi32, #tpu.memory_space<vmem>>
      %dma_start3A_315 = tpu.memref_squeeze %dma_start3A_314 : memref<1x128xi32, #tpu.memory_space<vmem>> -> memref<128xi32, #tpu.memory_space<vmem>>
      %dma_start3A_316 = arith.constant 0 : i32
      %dma_start3A_317 = arith.constant 0 : i32
      %dma_start3A_318 = tpu.memref_slice %arg3[%dma_start3A_316, %dma_start3A_317] : memref<10240x8xf32, #tpu.memory_space<hbm>> -> memref<10240x8xf32, #tpu.memory_space<hbm>>
      tpu.enqueue_indirect_dma source(%dma_start3A_318 : memref<10240x8xf32, #tpu.memory_space<hbm>>) target(%arg20 : memref<128x8xf32, #tpu.memory_space<vmem>>) offsets(%dma_start3A_315 : memref<128xi32, #tpu.memory_space<vmem>>) semaphore(%arg28 : memref<!tpu.dma_semaphore, #tpu.memory_space<semaphore_mem>>)
      %dma_wait3A_319 = arith.constant 0 : i32
      %dma_wait3A_320 = arith.constant 0 : i32
      %dma_wait3A_321 = tpu.memref_slice %arg2[%dma_wait3A_319, %add3A_205, %dma_wait3A_320] : memref<2x2560x128xi32, #tpu.memory_space<hbm>> -> memref<2x1x128xi32, #tpu.memory_space<hbm>>
      %dma_wait3A_322 = tpu.memref_squeeze %dma_wait3A_321 : memref<2x1x128xi32, #tpu.memory_space<hbm>> -> memref<2x128xi32, #tpu.memory_space<hbm>>
      %dma_wait3A_323 = arith.constant 0 : i32
      %dma_wait3A_324 = arith.constant 0 : i32
      %dma_wait3A_325 = tpu.memref_slice %arg2[%dma_wait3A_323, %add3A_205, %dma_wait3A_324] : memref<2x2560x128xi32, #tpu.memory_space<hbm>> -> memref<2x1x128xi32, #tpu.memory_space<hbm>>
      %dma_wait3A_326 = tpu.memref_squeeze %dma_wait3A_325 : memref<2x1x128xi32, #tpu.memory_space<hbm>> -> memref<2x128xi32, #tpu.memory_space<hbm>>
      tpu.wait_dma2 semaphore(%arg29 : memref<!tpu.dma_semaphore, #tpu.memory_space<semaphore_mem>>) src(%dma_wait3A_326 : memref<2x128xi32, #tpu.memory_space<hbm>>) dst(%arg13 : memref<2x128xi32, #tpu.memory_space<vmem>>)
      %dma_start3A_327 = arith.constant 0 : i32
      %dma_start3A_328 = arith.constant 0 : i32
      %dma_start3A_329 = tpu.memref_slice %arg13[%dma_start3A_327, %dma_start3A_328] : memref<2x128xi32, #tpu.memory_space<vmem>> -> memref<1x128xi32, #tpu.memory_space<vmem>>
      %dma_start3A_330 = tpu.memref_squeeze %dma_start3A_329 : memref<1x128xi32, #tpu.memory_space<vmem>> -> memref<128xi32, #tpu.memory_space<vmem>>
      %dma_start3A_331 = arith.constant 0 : i32
      %dma_start3A_332 = arith.constant 0 : i32
      %dma_start3A_333 = tpu.memref_slice %arg3[%dma_start3A_331, %dma_start3A_332] : memref<10240x8xf32, #tpu.memory_space<hbm>> -> memref<10240x8xf32, #tpu.memory_space<hbm>>
      tpu.enqueue_indirect_dma source(%dma_start3A_333 : memref<10240x8xf32, #tpu.memory_space<hbm>>) target(%arg21 : memref<128x8xf32, #tpu.memory_space<vmem>>) offsets(%dma_start3A_330 : memref<128xi32, #tpu.memory_space<vmem>>) semaphore(%arg29 : memref<!tpu.dma_semaphore, #tpu.memory_space<semaphore_mem>>)
      %dma_wait3A_334 = arith.constant 0 : i32
      %dma_wait3A_335 = arith.constant 0 : i32
      %dma_wait3A_336 = tpu.memref_slice %arg6[%dma_wait3A_334, %dma_wait3A_335] : memref<2x128xi32, #tpu.memory_space<vmem>> -> memref<1x128xi32, #tpu.memory_space<vmem>>
      %dma_wait3A_337 = tpu.memref_squeeze %dma_wait3A_336 : memref<1x128xi32, #tpu.memory_space<vmem>> -> memref<128xi32, #tpu.memory_space<vmem>>
      %dma_wait3A_338 = arith.constant 0 : i32
      %dma_wait3A_339 = arith.constant 0 : i32
      %dma_wait3A_340 = tpu.memref_slice %arg3[%dma_wait3A_338, %dma_wait3A_339] : memref<10240x8xf32, #tpu.memory_space<hbm>> -> memref<10240x8xf32, #tpu.memory_space<hbm>>
      tpu.wait_indirect_dma semaphore(%arg22 : memref<!tpu.dma_semaphore, #tpu.memory_space<semaphore_mem>>) src(%dma_wait3A_340 : memref<10240x8xf32, #tpu.memory_space<hbm>>) dst(%arg14 : memref<128x8xf32, #tpu.memory_space<vmem>>)
      %dma_start3A_341 = arith.constant 1 : i32
      %dma_start3A_342 = arith.constant 0 : i32
      %dma_start3A_343 = tpu.memref_slice %arg6[%dma_start3A_341, %dma_start3A_342] : memref<2x128xi32, #tpu.memory_space<vmem>> -> memref<1x128xi32, #tpu.memory_space<vmem>>
      %dma_start3A_344 = tpu.memref_squeeze %dma_start3A_343 : memref<1x128xi32, #tpu.memory_space<vmem>> -> memref<128xi32, #tpu.memory_space<vmem>>
      %dma_start3A_345 = arith.constant 0 : i32
      %dma_start3A_346 = arith.constant 0 : i32
      %dma_start3A_347 = tpu.memref_slice %arg38[%dma_start3A_345, %dma_start3A_346] : memref<10240x8xf32, #tpu.memory_space<vmem_shared>> -> memref<10240x8xf32, #tpu.memory_space<vmem_shared>>
      tpu.enqueue_indirect_dma source(%arg14 : memref<128x8xf32, #tpu.memory_space<vmem>>) target(%dma_start3A_347 : memref<10240x8xf32, #tpu.memory_space<vmem_shared>>) offsets(%dma_start3A_344 : memref<128xi32, #tpu.memory_space<vmem>>) semaphore(%arg30 : memref<!tpu.dma_semaphore, #tpu.memory_space<semaphore_mem>>) {add = true}
      %dma_wait3A_348 = arith.constant 0 : i32
      %dma_wait3A_349 = arith.constant 0 : i32
      %dma_wait3A_350 = tpu.memref_slice %arg7[%dma_wait3A_348, %dma_wait3A_349] : memref<2x128xi32, #tpu.memory_space<vmem>> -> memref<1x128xi32, #tpu.memory_space<vmem>>
      %dma_wait3A_351 = tpu.memref_squeeze %dma_wait3A_350 : memref<1x128xi32, #tpu.memory_space<vmem>> -> memref<128xi32, #tpu.memory_space<vmem>>
      %dma_wait3A_352 = arith.constant 0 : i32
      %dma_wait3A_353 = arith.constant 0 : i32
      %dma_wait3A_354 = tpu.memref_slice %arg3[%dma_wait3A_352, %dma_wait3A_353] : memref<10240x8xf32, #tpu.memory_space<hbm>> -> memref<10240x8xf32, #tpu.memory_space<hbm>>
      tpu.wait_indirect_dma semaphore(%arg23 : memref<!tpu.dma_semaphore, #tpu.memory_space<semaphore_mem>>) src(%dma_wait3A_354 : memref<10240x8xf32, #tpu.memory_space<hbm>>) dst(%arg15 : memref<128x8xf32, #tpu.memory_space<vmem>>)
      %dma_start3A_355 = arith.constant 1 : i32
      %dma_start3A_356 = arith.constant 0 : i32
      %dma_start3A_357 = tpu.memref_slice %arg7[%dma_start3A_355, %dma_start3A_356] : memref<2x128xi32, #tpu.memory_space<vmem>> -> memref<1x128xi32, #tpu.memory_space<vmem>>
      %dma_start3A_358 = tpu.memref_squeeze %dma_start3A_357 : memref<1x128xi32, #tpu.memory_space<vmem>> -> memref<128xi32, #tpu.memory_space<vmem>>
      %dma_start3A_359 = arith.constant 0 : i32
      %dma_start3A_360 = arith.constant 0 : i32
      %dma_start3A_361 = tpu.memref_slice %arg38[%dma_start3A_359, %dma_start3A_360] : memref<10240x8xf32, #tpu.memory_space<vmem_shared>> -> memref<10240x8xf32, #tpu.memory_space<vmem_shared>>
      tpu.enqueue_indirect_dma source(%arg15 : memref<128x8xf32, #tpu.memory_space<vmem>>) target(%dma_start3A_361 : memref<10240x8xf32, #tpu.memory_space<vmem_shared>>) offsets(%dma_start3A_358 : memref<128xi32, #tpu.memory_space<vmem>>) semaphore(%arg31 : memref<!tpu.dma_semaphore, #tpu.memory_space<semaphore_mem>>) {add = true}
      %dma_wait3A_362 = arith.constant 0 : i32
      %dma_wait3A_363 = arith.constant 0 : i32
      %dma_wait3A_364 = tpu.memref_slice %arg8[%dma_wait3A_362, %dma_wait3A_363] : memref<2x128xi32, #tpu.memory_space<vmem>> -> memref<1x128xi32, #tpu.memory_space<vmem>>
      %dma_wait3A_365 = tpu.memref_squeeze %dma_wait3A_364 : memref<1x128xi32, #tpu.memory_space<vmem>> -> memref<128xi32, #tpu.memory_space<vmem>>
      %dma_wait3A_366 = arith.constant 0 : i32
      %dma_wait3A_367 = arith.constant 0 : i32
      %dma_wait3A_368 = tpu.memref_slice %arg3[%dma_wait3A_366, %dma_wait3A_367] : memref<10240x8xf32, #tpu.memory_space<hbm>> -> memref<10240x8xf32, #tpu.memory_space<hbm>>
      tpu.wait_indirect_dma semaphore(%arg24 : memref<!tpu.dma_semaphore, #tpu.memory_space<semaphore_mem>>) src(%dma_wait3A_368 : memref<10240x8xf32, #tpu.memory_space<hbm>>) dst(%arg16 : memref<128x8xf32, #tpu.memory_space<vmem>>)
      %dma_start3A_369 = arith.constant 1 : i32
      %dma_start3A_370 = arith.constant 0 : i32
      %dma_start3A_371 = tpu.memref_slice %arg8[%dma_start3A_369, %dma_start3A_370] : memref<2x128xi32, #tpu.memory_space<vmem>> -> memref<1x128xi32, #tpu.memory_space<vmem>>
      %dma_start3A_372 = tpu.memref_squeeze %dma_start3A_371 : memref<1x128xi32, #tpu.memory_space<vmem>> -> memref<128xi32, #tpu.memory_space<vmem>>
      %dma_start3A_373 = arith.constant 0 : i32
      %dma_start3A_374 = arith.constant 0 : i32
      %dma_start3A_375 = tpu.memref_slice %arg38[%dma_start3A_373, %dma_start3A_374] : memref<10240x8xf32, #tpu.memory_space<vmem_shared>> -> memref<10240x8xf32, #tpu.memory_space<vmem_shared>>
      tpu.enqueue_indirect_dma source(%arg16 : memref<128x8xf32, #tpu.memory_space<vmem>>) target(%dma_start3A_375 : memref<10240x8xf32, #tpu.memory_space<vmem_shared>>) offsets(%dma_start3A_372 : memref<128xi32, #tpu.memory_space<vmem>>) semaphore(%arg32 : memref<!tpu.dma_semaphore, #tpu.memory_space<semaphore_mem>>) {add = true}
      %dma_wait3A_376 = arith.constant 0 : i32
      %dma_wait3A_377 = arith.constant 0 : i32
      %dma_wait3A_378 = tpu.memref_slice %arg9[%dma_wait3A_376, %dma_wait3A_377] : memref<2x128xi32, #tpu.memory_space<vmem>> -> memref<1x128xi32, #tpu.memory_space<vmem>>
      %dma_wait3A_379 = tpu.memref_squeeze %dma_wait3A_378 : memref<1x128xi32, #tpu.memory_space<vmem>> -> memref<128xi32, #tpu.memory_space<vmem>>
      %dma_wait3A_380 = arith.constant 0 : i32
      %dma_wait3A_381 = arith.constant 0 : i32
      %dma_wait3A_382 = tpu.memref_slice %arg3[%dma_wait3A_380, %dma_wait3A_381] : memref<10240x8xf32, #tpu.memory_space<hbm>> -> memref<10240x8xf32, #tpu.memory_space<hbm>>
      tpu.wait_indirect_dma semaphore(%arg25 : memref<!tpu.dma_semaphore, #tpu.memory_space<semaphore_mem>>) src(%dma_wait3A_382 : memref<10240x8xf32, #tpu.memory_space<hbm>>) dst(%arg17 : memref<128x8xf32, #tpu.memory_space<vmem>>)
      %dma_start3A_383 = arith.constant 1 : i32
      %dma_start3A_384 = arith.constant 0 : i32
      %dma_start3A_385 = tpu.memref_slice %arg9[%dma_start3A_383, %dma_start3A_384] : memref<2x128xi32, #tpu.memory_space<vmem>> -> memref<1x128xi32, #tpu.memory_space<vmem>>
      %dma_start3A_386 = tpu.memref_squeeze %dma_start3A_385 : memref<1x128xi32, #tpu.memory_space<vmem>> -> memref<128xi32, #tpu.memory_space<vmem>>
      %dma_start3A_387 = arith.constant 0 : i32
      %dma_start3A_388 = arith.constant 0 : i32
      %dma_start3A_389 = tpu.memref_slice %arg38[%dma_start3A_387, %dma_start3A_388] : memref<10240x8xf32, #tpu.memory_space<vmem_shared>> -> memref<10240x8xf32, #tpu.memory_space<vmem_shared>>
      tpu.enqueue_indirect_dma source(%arg17 : memref<128x8xf32, #tpu.memory_space<vmem>>) target(%dma_start3A_389 : memref<10240x8xf32, #tpu.memory_space<vmem_shared>>) offsets(%dma_start3A_386 : memref<128xi32, #tpu.memory_space<vmem>>) semaphore(%arg33 : memref<!tpu.dma_semaphore, #tpu.memory_space<semaphore_mem>>) {add = true}
      %dma_wait3A_390 = arith.constant 0 : i32
      %dma_wait3A_391 = arith.constant 0 : i32
      %dma_wait3A_392 = tpu.memref_slice %arg10[%dma_wait3A_390, %dma_wait3A_391] : memref<2x128xi32, #tpu.memory_space<vmem>> -> memref<1x128xi32, #tpu.memory_space<vmem>>
      %dma_wait3A_393 = tpu.memref_squeeze %dma_wait3A_392 : memref<1x128xi32, #tpu.memory_space<vmem>> -> memref<128xi32, #tpu.memory_space<vmem>>
      %dma_wait3A_394 = arith.constant 0 : i32
      %dma_wait3A_395 = arith.constant 0 : i32
      %dma_wait3A_396 = tpu.memref_slice %arg3[%dma_wait3A_394, %dma_wait3A_395] : memref<10240x8xf32, #tpu.memory_space<hbm>> -> memref<10240x8xf32, #tpu.memory_space<hbm>>
      tpu.wait_indirect_dma semaphore(%arg26 : memref<!tpu.dma_semaphore, #tpu.memory_space<semaphore_mem>>) src(%dma_wait3A_396 : memref<10240x8xf32, #tpu.memory_space<hbm>>) dst(%arg18 : memref<128x8xf32, #tpu.memory_space<vmem>>)
      %dma_start3A_397 = arith.constant 1 : i32
      %dma_start3A_398 = arith.constant 0 : i32
      %dma_start3A_399 = tpu.memref_slice %arg10[%dma_start3A_397, %dma_start3A_398] : memref<2x128xi32, #tpu.memory_space<vmem>> -> memref<1x128xi32, #tpu.memory_space<vmem>>
      %dma_start3A_400 = tpu.memref_squeeze %dma_start3A_399 : memref<1x128xi32, #tpu.memory_space<vmem>> -> memref<128xi32, #tpu.memory_space<vmem>>
      %dma_start3A_401 = arith.constant 0 : i32
      %dma_start3A_402 = arith.constant 0 : i32
      %dma_start3A_403 = tpu.memref_slice %arg38[%dma_start3A_401, %dma_start3A_402] : memref<10240x8xf32, #tpu.memory_space<vmem_shared>> -> memref<10240x8xf32, #tpu.memory_space<vmem_shared>>
      tpu.enqueue_indirect_dma source(%arg18 : memref<128x8xf32, #tpu.memory_space<vmem>>) target(%dma_start3A_403 : memref<10240x8xf32, #tpu.memory_space<vmem_shared>>) offsets(%dma_start3A_400 : memref<128xi32, #tpu.memory_space<vmem>>) semaphore(%arg34 : memref<!tpu.dma_semaphore, #tpu.memory_space<semaphore_mem>>) {add = true}
      %dma_wait3A_404 = arith.constant 0 : i32
      %dma_wait3A_405 = arith.constant 0 : i32
      %dma_wait3A_406 = tpu.memref_slice %arg11[%dma_wait3A_404, %dma_wait3A_405] : memref<2x128xi32, #tpu.memory_space<vmem>> -> memref<1x128xi32, #tpu.memory_space<vmem>>
      %dma_wait3A_407 = tpu.memref_squeeze %dma_wait3A_406 : memref<1x128xi32, #tpu.memory_space<vmem>> -> memref<128xi32, #tpu.memory_space<vmem>>
      %dma_wait3A_408 = arith.constant 0 : i32
      %dma_wait3A_409 = arith.constant 0 : i32
      %dma_wait3A_410 = tpu.memref_slice %arg3[%dma_wait3A_408, %dma_wait3A_409] : memref<10240x8xf32, #tpu.memory_space<hbm>> -> memref<10240x8xf32, #tpu.memory_space<hbm>>
      tpu.wait_indirect_dma semaphore(%arg27 : memref<!tpu.dma_semaphore, #tpu.memory_space<semaphore_mem>>) src(%dma_wait3A_410 : memref<10240x8xf32, #tpu.memory_space<hbm>>) dst(%arg19 : memref<128x8xf32, #tpu.memory_space<vmem>>)
      %dma_start3A_411 = arith.constant 1 : i32
      %dma_start3A_412 = arith.constant 0 : i32
      %dma_start3A_413 = tpu.memref_slice %arg11[%dma_start3A_411, %dma_start3A_412] : memref<2x128xi32, #tpu.memory_space<vmem>> -> memref<1x128xi32, #tpu.memory_space<vmem>>
      %dma_start3A_414 = tpu.memref_squeeze %dma_start3A_413 : memref<1x128xi32, #tpu.memory_space<vmem>> -> memref<128xi32, #tpu.memory_space<vmem>>
      %dma_start3A_415 = arith.constant 0 : i32
      %dma_start3A_416 = arith.constant 0 : i32
      %dma_start3A_417 = tpu.memref_slice %arg38[%dma_start3A_415, %dma_start3A_416] : memref<10240x8xf32, #tpu.memory_space<vmem_shared>> -> memref<10240x8xf32, #tpu.memory_space<vmem_shared>>
      tpu.enqueue_indirect_dma source(%arg19 : memref<128x8xf32, #tpu.memory_space<vmem>>) target(%dma_start3A_417 : memref<10240x8xf32, #tpu.memory_space<vmem_shared>>) offsets(%dma_start3A_414 : memref<128xi32, #tpu.memory_space<vmem>>) semaphore(%arg35 : memref<!tpu.dma_semaphore, #tpu.memory_space<semaphore_mem>>) {add = true}
      %dma_wait3A_418 = arith.constant 0 : i32
      %dma_wait3A_419 = arith.constant 0 : i32
      %dma_wait3A_420 = tpu.memref_slice %arg12[%dma_wait3A_418, %dma_wait3A_419] : memref<2x128xi32, #tpu.memory_space<vmem>> -> memref<1x128xi32, #tpu.memory_space<vmem>>
      %dma_wait3A_421 = tpu.memref_squeeze %dma_wait3A_420 : memref<1x128xi32, #tpu.memory_space<vmem>> -> memref<128xi32, #tpu.memory_space<vmem>>
      %dma_wait3A_422 = arith.constant 0 : i32
      %dma_wait3A_423 = arith.constant 0 : i32
      %dma_wait3A_424 = tpu.memref_slice %arg3[%dma_wait3A_422, %dma_wait3A_423] : memref<10240x8xf32, #tpu.memory_space<hbm>> -> memref<10240x8xf32, #tpu.memory_space<hbm>>
      tpu.wait_indirect_dma semaphore(%arg28 : memref<!tpu.dma_semaphore, #tpu.memory_space<semaphore_mem>>) src(%dma_wait3A_424 : memref<10240x8xf32, #tpu.memory_space<hbm>>) dst(%arg20 : memref<128x8xf32, #tpu.memory_space<vmem>>)
      %dma_start3A_425 = arith.constant 1 : i32
      %dma_start3A_426 = arith.constant 0 : i32
      %dma_start3A_427 = tpu.memref_slice %arg12[%dma_start3A_425, %dma_start3A_426] : memref<2x128xi32, #tpu.memory_space<vmem>> -> memref<1x128xi32, #tpu.memory_space<vmem>>
      %dma_start3A_428 = tpu.memref_squeeze %dma_start3A_427 : memref<1x128xi32, #tpu.memory_space<vmem>> -> memref<128xi32, #tpu.memory_space<vmem>>
      %dma_start3A_429 = arith.constant 0 : i32
      %dma_start3A_430 = arith.constant 0 : i32
      %dma_start3A_431 = tpu.memref_slice %arg38[%dma_start3A_429, %dma_start3A_430] : memref<10240x8xf32, #tpu.memory_space<vmem_shared>> -> memref<10240x8xf32, #tpu.memory_space<vmem_shared>>
      tpu.enqueue_indirect_dma source(%arg20 : memref<128x8xf32, #tpu.memory_space<vmem>>) target(%dma_start3A_431 : memref<10240x8xf32, #tpu.memory_space<vmem_shared>>) offsets(%dma_start3A_428 : memref<128xi32, #tpu.memory_space<vmem>>) semaphore(%arg36 : memref<!tpu.dma_semaphore, #tpu.memory_space<semaphore_mem>>) {add = true}
      %dma_wait3A_432 = arith.constant 0 : i32
      %dma_wait3A_433 = arith.constant 0 : i32
      %dma_wait3A_434 = tpu.memref_slice %arg13[%dma_wait3A_432, %dma_wait3A_433] : memref<2x128xi32, #tpu.memory_space<vmem>> -> memref<1x128xi32, #tpu.memory_space<vmem>>
      %dma_wait3A_435 = tpu.memref_squeeze %dma_wait3A_434 : memref<1x128xi32, #tpu.memory_space<vmem>> -> memref<128xi32, #tpu.memory_space<vmem>>
      %dma_wait3A_436 = arith.constant 0 : i32
      %dma_wait3A_437 = arith.constant 0 : i32
      %dma_wait3A_438 = tpu.memref_slice %arg3[%dma_wait3A_436, %dma_wait3A_437] : memref<10240x8xf32, #tpu.memory_space<hbm>> -> memref<10240x8xf32, #tpu.memory_space<hbm>>
      tpu.wait_indirect_dma semaphore(%arg29 : memref<!tpu.dma_semaphore, #tpu.memory_space<semaphore_mem>>) src(%dma_wait3A_438 : memref<10240x8xf32, #tpu.memory_space<hbm>>) dst(%arg21 : memref<128x8xf32, #tpu.memory_space<vmem>>)
      %dma_start3A_439 = arith.constant 1 : i32
      %dma_start3A_440 = arith.constant 0 : i32
      %dma_start3A_441 = tpu.memref_slice %arg13[%dma_start3A_439, %dma_start3A_440] : memref<2x128xi32, #tpu.memory_space<vmem>> -> memref<1x128xi32, #tpu.memory_space<vmem>>
      %dma_start3A_442 = tpu.memref_squeeze %dma_start3A_441 : memref<1x128xi32, #tpu.memory_space<vmem>> -> memref<128xi32, #tpu.memory_space<vmem>>
      %dma_start3A_443 = arith.constant 0 : i32
      %dma_start3A_444 = arith.constant 0 : i32
      %dma_start3A_445 = tpu.memref_slice %arg38[%dma_start3A_443, %dma_start3A_444] : memref<10240x8xf32, #tpu.memory_space<vmem_shared>> -> memref<10240x8xf32, #tpu.memory_space<vmem_shared>>
      tpu.enqueue_indirect_dma source(%arg21 : memref<128x8xf32, #tpu.memory_space<vmem>>) target(%dma_start3A_445 : memref<10240x8xf32, #tpu.memory_space<vmem_shared>>) offsets(%dma_start3A_442 : memref<128xi32, #tpu.memory_space<vmem>>) semaphore(%arg37 : memref<!tpu.dma_semaphore, #tpu.memory_space<semaphore_mem>>) {add = true}
    }
    %scan3A_8 = arith.constant 10 : i32
    %dma_wait3A = arith.constant 1 : i32
    %dma_wait3A_9 = arith.constant 0 : i32
    %dma_wait3A_10 = tpu.memref_slice %arg6[%dma_wait3A, %dma_wait3A_9] : memref<2x128xi32, #tpu.memory_space<vmem>> -> memref<1x128xi32, #tpu.memory_space<vmem>>
    %dma_wait3A_11 = tpu.memref_squeeze %dma_wait3A_10 : memref<1x128xi32, #tpu.memory_space<vmem>> -> memref<128xi32, #tpu.memory_space<vmem>>
    %dma_wait3A_12 = arith.constant 0 : i32
    %dma_wait3A_13 = arith.constant 0 : i32
    %dma_wait3A_14 = tpu.memref_slice %arg38[%dma_wait3A_12, %dma_wait3A_13] : memref<10240x8xf32, #tpu.memory_space<vmem_shared>> -> memref<10240x8xf32, #tpu.memory_space<vmem_shared>>
    tpu.wait_indirect_dma semaphore(%arg30 : memref<!tpu.dma_semaphore, #tpu.memory_space<semaphore_mem>>) src(%arg14 : memref<128x8xf32, #tpu.memory_space<vmem>>) dst(%dma_wait3A_14 : memref<10240x8xf32, #tpu.memory_space<vmem_shared>>)
    %dma_wait3A_15 = arith.constant 1 : i32
    %dma_wait3A_16 = arith.constant 0 : i32
    %dma_wait3A_17 = tpu.memref_slice %arg7[%dma_wait3A_15, %dma_wait3A_16] : memref<2x128xi32, #tpu.memory_space<vmem>> -> memref<1x128xi32, #tpu.memory_space<vmem>>
    %dma_wait3A_18 = tpu.memref_squeeze %dma_wait3A_17 : memref<1x128xi32, #tpu.memory_space<vmem>> -> memref<128xi32, #tpu.memory_space<vmem>>
    %dma_wait3A_19 = arith.constant 0 : i32
    %dma_wait3A_20 = arith.constant 0 : i32
    %dma_wait3A_21 = tpu.memref_slice %arg38[%dma_wait3A_19, %dma_wait3A_20] : memref<10240x8xf32, #tpu.memory_space<vmem_shared>> -> memref<10240x8xf32, #tpu.memory_space<vmem_shared>>
    tpu.wait_indirect_dma semaphore(%arg31 : memref<!tpu.dma_semaphore, #tpu.memory_space<semaphore_mem>>) src(%arg15 : memref<128x8xf32, #tpu.memory_space<vmem>>) dst(%dma_wait3A_21 : memref<10240x8xf32, #tpu.memory_space<vmem_shared>>)
    %dma_wait3A_22 = arith.constant 1 : i32
    %dma_wait3A_23 = arith.constant 0 : i32
    %dma_wait3A_24 = tpu.memref_slice %arg8[%dma_wait3A_22, %dma_wait3A_23] : memref<2x128xi32, #tpu.memory_space<vmem>> -> memref<1x128xi32, #tpu.memory_space<vmem>>
    %dma_wait3A_25 = tpu.memref_squeeze %dma_wait3A_24 : memref<1x128xi32, #tpu.memory_space<vmem>> -> memref<128xi32, #tpu.memory_space<vmem>>
    %dma_wait3A_26 = arith.constant 0 : i32
    %dma_wait3A_27 = arith.constant 0 : i32
    %dma_wait3A_28 = tpu.memref_slice %arg38[%dma_wait3A_26, %dma_wait3A_27] : memref<10240x8xf32, #tpu.memory_space<vmem_shared>> -> memref<10240x8xf32, #tpu.memory_space<vmem_shared>>
    tpu.wait_indirect_dma semaphore(%arg32 : memref<!tpu.dma_semaphore, #tpu.memory_space<semaphore_mem>>) src(%arg16 : memref<128x8xf32, #tpu.memory_space<vmem>>) dst(%dma_wait3A_28 : memref<10240x8xf32, #tpu.memory_space<vmem_shared>>)
    %dma_wait3A_29 = arith.constant 1 : i32
    %dma_wait3A_30 = arith.constant 0 : i32
    %dma_wait3A_31 = tpu.memref_slice %arg9[%dma_wait3A_29, %dma_wait3A_30] : memref<2x128xi32, #tpu.memory_space<vmem>> -> memref<1x128xi32, #tpu.memory_space<vmem>>
    %dma_wait3A_32 = tpu.memref_squeeze %dma_wait3A_31 : memref<1x128xi32, #tpu.memory_space<vmem>> -> memref<128xi32, #tpu.memory_space<vmem>>
    %dma_wait3A_33 = arith.constant 0 : i32
    %dma_wait3A_34 = arith.constant 0 : i32
    %dma_wait3A_35 = tpu.memref_slice %arg38[%dma_wait3A_33, %dma_wait3A_34] : memref<10240x8xf32, #tpu.memory_space<vmem_shared>> -> memref<10240x8xf32, #tpu.memory_space<vmem_shared>>
    tpu.wait_indirect_dma semaphore(%arg33 : memref<!tpu.dma_semaphore, #tpu.memory_space<semaphore_mem>>) src(%arg17 : memref<128x8xf32, #tpu.memory_space<vmem>>) dst(%dma_wait3A_35 : memref<10240x8xf32, #tpu.memory_space<vmem_shared>>)
    %dma_wait3A_36 = arith.constant 1 : i32
    %dma_wait3A_37 = arith.constant 0 : i32
    %dma_wait3A_38 = tpu.memref_slice %arg10[%dma_wait3A_36, %dma_wait3A_37] : memref<2x128xi32, #tpu.memory_space<vmem>> -> memref<1x128xi32, #tpu.memory_space<vmem>>
    %dma_wait3A_39 = tpu.memref_squeeze %dma_wait3A_38 : memref<1x128xi32, #tpu.memory_space<vmem>> -> memref<128xi32, #tpu.memory_space<vmem>>
    %dma_wait3A_40 = arith.constant 0 : i32
    %dma_wait3A_41 = arith.constant 0 : i32
    %dma_wait3A_42 = tpu.memref_slice %arg38[%dma_wait3A_40, %dma_wait3A_41] : memref<10240x8xf32, #tpu.memory_space<vmem_shared>> -> memref<10240x8xf32, #tpu.memory_space<vmem_shared>>
    tpu.wait_indirect_dma semaphore(%arg34 : memref<!tpu.dma_semaphore, #tpu.memory_space<semaphore_mem>>) src(%arg18 : memref<128x8xf32, #tpu.memory_space<vmem>>) dst(%dma_wait3A_42 : memref<10240x8xf32, #tpu.memory_space<vmem_shared>>)
    %dma_wait3A_43 = arith.constant 1 : i32
    %dma_wait3A_44 = arith.constant 0 : i32
    %dma_wait3A_45 = tpu.memref_slice %arg11[%dma_wait3A_43, %dma_wait3A_44] : memref<2x128xi32, #tpu.memory_space<vmem>> -> memref<1x128xi32, #tpu.memory_space<vmem>>
    %dma_wait3A_46 = tpu.memref_squeeze %dma_wait3A_45 : memref<1x128xi32, #tpu.memory_space<vmem>> -> memref<128xi32, #tpu.memory_space<vmem>>
    %dma_wait3A_47 = arith.constant 0 : i32
    %dma_wait3A_48 = arith.constant 0 : i32
    %dma_wait3A_49 = tpu.memref_slice %arg38[%dma_wait3A_47, %dma_wait3A_48] : memref<10240x8xf32, #tpu.memory_space<vmem_shared>> -> memref<10240x8xf32, #tpu.memory_space<vmem_shared>>
    tpu.wait_indirect_dma semaphore(%arg35 : memref<!tpu.dma_semaphore, #tpu.memory_space<semaphore_mem>>) src(%arg19 : memref<128x8xf32, #tpu.memory_space<vmem>>) dst(%dma_wait3A_49 : memref<10240x8xf32, #tpu.memory_space<vmem_shared>>)
    %dma_wait3A_50 = arith.constant 1 : i32
    %dma_wait3A_51 = arith.constant 0 : i32
    %dma_wait3A_52 = tpu.memref_slice %arg12[%dma_wait3A_50, %dma_wait3A_51] : memref<2x128xi32, #tpu.memory_space<vmem>> -> memref<1x128xi32, #tpu.memory_space<vmem>>
    %dma_wait3A_53 = tpu.memref_squeeze %dma_wait3A_52 : memref<1x128xi32, #tpu.memory_space<vmem>> -> memref<128xi32, #tpu.memory_space<vmem>>
    %dma_wait3A_54 = arith.constant 0 : i32
    %dma_wait3A_55 = arith.constant 0 : i32
    %dma_wait3A_56 = tpu.memref_slice %arg38[%dma_wait3A_54, %dma_wait3A_55] : memref<10240x8xf32, #tpu.memory_space<vmem_shared>> -> memref<10240x8xf32, #tpu.memory_space<vmem_shared>>
    tpu.wait_indirect_dma semaphore(%arg36 : memref<!tpu.dma_semaphore, #tpu.memory_space<semaphore_mem>>) src(%arg20 : memref<128x8xf32, #tpu.memory_space<vmem>>) dst(%dma_wait3A_56 : memref<10240x8xf32, #tpu.memory_space<vmem_shared>>)
    %dma_wait3A_57 = arith.constant 1 : i32
    %dma_wait3A_58 = arith.constant 0 : i32
    %dma_wait3A_59 = tpu.memref_slice %arg13[%dma_wait3A_57, %dma_wait3A_58] : memref<2x128xi32, #tpu.memory_space<vmem>> -> memref<1x128xi32, #tpu.memory_space<vmem>>
    %dma_wait3A_60 = tpu.memref_squeeze %dma_wait3A_59 : memref<1x128xi32, #tpu.memory_space<vmem>> -> memref<128xi32, #tpu.memory_space<vmem>>
    %dma_wait3A_61 = arith.constant 0 : i32
    %dma_wait3A_62 = arith.constant 0 : i32
    %dma_wait3A_63 = tpu.memref_slice %arg38[%dma_wait3A_61, %dma_wait3A_62] : memref<10240x8xf32, #tpu.memory_space<vmem_shared>> -> memref<10240x8xf32, #tpu.memory_space<vmem_shared>>
    tpu.wait_indirect_dma semaphore(%arg37 : memref<!tpu.dma_semaphore, #tpu.memory_space<semaphore_mem>>) src(%arg21 : memref<128x8xf32, #tpu.memory_space<vmem>>) dst(%dma_wait3A_63 : memref<10240x8xf32, #tpu.memory_space<vmem_shared>>)
    %barrier3A_64 = arith.constant 0 : index
    tpu.barrier barrier_id(%barrier3A_64)
    %mul3A_65 = arith.constant 640 : i32
    %mul3A_66 = arith.muli %arg1, %mul3A_65 : i32
    %mul3A_67 = arith.constant 640 : i32
    %mul3A_68 = arith.muli %arg1, %mul3A_67 : i32
    "tpu.region"() ({
      %run_scoped3A = tpu.sem_alloc : memref<!tpu.dma_semaphore, #tpu.memory_space<semaphore_mem>>
      %dma_start3A = arith.constant 0 : i32
      %dma_start3A_69 = tpu.memref_slice %arg5[%arg0, %mul3A_68, %dma_start3A] : memref<2x10240x8xf32, #tpu.memory_space<hbm>> -> memref<1x640x8xf32, #tpu.memory_space<hbm>>
      %dma_start3A_70 = tpu.memref_squeeze %dma_start3A_69 : memref<1x640x8xf32, #tpu.memory_space<hbm>> -> memref<640x8xf32, #tpu.memory_space<hbm>>
      %dma_start3A_71 = arith.constant 0 : i32
      %dma_start3A_72 = tpu.memref_slice %arg38[%mul3A_66, %dma_start3A_71] : memref<10240x8xf32, #tpu.memory_space<vmem_shared>> -> memref<640x8xf32, #tpu.memory_space<vmem_shared>>
      tpu.enqueue_dma source(%dma_start3A_72 : memref<640x8xf32, #tpu.memory_space<vmem_shared>>) target(%dma_start3A_70 : memref<640x8xf32, #tpu.memory_space<hbm>>) target_semaphore(%run_scoped3A : memref<!tpu.dma_semaphore, #tpu.memory_space<semaphore_mem>>)
      %dma_wait3A_73 = arith.constant 0 : i32
      %dma_wait3A_74 = tpu.memref_slice %arg5[%arg0, %mul3A_68, %dma_wait3A_73] : memref<2x10240x8xf32, #tpu.memory_space<hbm>> -> memref<1x640x8xf32, #tpu.memory_space<hbm>>
      %dma_wait3A_75 = tpu.memref_squeeze %dma_wait3A_74 : memref<1x640x8xf32, #tpu.memory_space<hbm>> -> memref<640x8xf32, #tpu.memory_space<hbm>>
      %dma_wait3A_76 = arith.constant 0 : i32
      %dma_wait3A_77 = tpu.memref_slice %arg38[%mul3A_66, %dma_wait3A_76] : memref<10240x8xf32, #tpu.memory_space<vmem_shared>> -> memref<640x8xf32, #tpu.memory_space<vmem_shared>>
      tpu.wait_dma2 semaphore(%run_scoped3A : memref<!tpu.dma_semaphore, #tpu.memory_space<semaphore_mem>>) src(%dma_wait3A_77 : memref<640x8xf32, #tpu.memory_space<vmem_shared>>) dst(%dma_wait3A_75 : memref<640x8xf32, #tpu.memory_space<hbm>>)
      tpu.yield
    }) : () -> ()
    return
  }
}

module attributes {stable_mosaic.version = 14 : i64} {
  func.func @body(%arg0: i32, %arg1: memref<1000x128xf32, #tpu.memory_space<vmem>>, %arg2: memref<128x4xf32, #tpu.memory_space<vmem>>, %arg3: memref<1000x4xf32, #tpu.memory_space<vmem>>) attributes {dimension_semantics = [#tpu.dimension_semantics<arbitrary>], iteration_bounds = array<i64: 10>, scalar_prefetch = 0 : i64, scratch_operands = 0 : i64, tpu.core_type = #tpu.core_type<tc>, window_params = [{transform_indices = @transform_0, window_bounds = array<i64: 1000, 128>}, {pipeline_mode = #tpu.pipeline_mode<synchronous>, transform_indices = @transform_1, window_bounds = array<i64: 128, 4>}, {transform_indices = @transform_2, window_bounds = array<i64: 1000, 4>}]} {
    %get3A = arith.constant 0 : index
    %get3A_0 = arith.constant 0 : index
    %get3A_1 = vector.load %arg1[%get3A, %get3A_0] : memref<1000x128xf32, #tpu.memory_space<vmem>>, vector<1000x128xf32>
    %get3A_2 = arith.constant 0 : index
    %get3A_3 = arith.constant 0 : index
    %get3A_4 = vector.load %arg2[%get3A_2, %get3A_3] : memref<128x4xf32, #tpu.memory_space<vmem>>, vector<128x4xf32>
    %dot_general3A = arith.constant dense<0.000000e+00> : vector<1000x4xf32>
    %dot_general3A_5 = tpu.matmul %get3A_1, %get3A_4, %dot_general3A {dimension_numbers = #tpu.dot_dimension_numbers<[1], [0], [0], [1], [0, 0, 1, 1], [], []>, transpose_lhs_hint = false} : vector<1000x128xf32>, vector<128x4xf32>, vector<1000x4xf32> -> vector<1000x4xf32>
    %swap3A = arith.constant 0 : index
    %swap3A_6 = arith.constant 0 : index
    %swap3A_7 = vector.load %arg3[%swap3A, %swap3A_6] : memref<1000x4xf32, #tpu.memory_space<vmem>>, vector<1000x4xf32>
    tpu.vector_store %arg3[%swap3A, %swap3A_6], %dot_general3A_5 {strides = array<i32>} : memref<1000x4xf32, #tpu.memory_space<vmem>>, vector<1000x4xf32>,
    return
  }
  func.func @transform_0(%arg0: i32) -> (i32, i32) {
    %c0_i32 = arith.constant 0 : i32
    %c0_i32_0 = arith.constant 0 : i32
    return %arg0, %c0_i32 : i32, i32
  }
  func.func @transform_1(%arg0: i32) -> (i32, i32) {
    %c0_i32 = arith.constant 0 : i32
    %c0_i32_0 = arith.constant 0 : i32
    %c0_i32_1 = arith.constant 0 : i32
    return %c0_i32, %c0_i32_0 : i32, i32
  }
  func.func @transform_2(%arg0: i32) -> (i32, i32) {
    %c0_i32 = arith.constant 0 : i32
    %c0_i32_0 = arith.constant 0 : i32
    return %arg0, %c0_i32 : i32, i32
  }
}

module attributes {stable_mosaic.version = 14 : i64} {
  func.func @body(%arg0: memref<10000x4xf32, #tpu.memory_space<vmem>>, %arg1: memref<2x10240x8xf32, #tpu.memory_space<vmem>>, %arg2: memref<10240x8xf32, #tpu.memory_space<vmem>>, %arg3: memref<10240x1xf32, #tpu.memory_space<vmem>>) attributes {dimension_semantics = [], scalar_prefetch = 0 : i64, scratch_operands = 0 : i64, tpu.core_type = #tpu.core_type<tc>} {
    %get3A = arith.constant 0 : index
    %get3A_0 = arith.constant 0 : index
    %get3A_1 = arith.constant 0 : index
    %get3A_2 = vector.load %arg1[%get3A, %get3A_0, %get3A_1] : memref<2x10240x8xf32, #tpu.memory_space<vmem>>, vector<1x10240x1xf32>
    %get3A_3 = vector.shape_cast %get3A_2 : vector<1x10240x1xf32> to vector<10240x1xf32>
    %get3A_4 = arith.constant 1 : index
    %get3A_5 = arith.constant 0 : index
    %get3A_6 = arith.constant 0 : index
    %get3A_7 = vector.load %arg1[%get3A_4, %get3A_5, %get3A_6] : memref<2x10240x8xf32, #tpu.memory_space<vmem>>, vector<1x10240x1xf32>
    %get3A_8 = vector.shape_cast %get3A_7 : vector<1x10240x1xf32> to vector<10240x1xf32>
    %add3A = arith.addf %get3A_3, %get3A_8 : vector<10240x1xf32>
    %add3A_9 = arith.constant 1.000000e+00 : f32
    %add3A_10 = vector.broadcast %add3A_9 : f32 to vector<10240x1xf32>
    %add3A_11 = arith.addf %add3A, %add3A_10 : vector<10240x1xf32>
    %rsqrt3A = math.rsqrt %add3A_11 : vector<10240x1xf32>
    %get3A_12 = arith.constant 0 : index
    %get3A_13 = arith.constant 0 : index
    %get3A_14 = vector.load %arg0[%get3A_12, %get3A_13] : memref<10000x4xf32, #tpu.memory_space<vmem>>, vector<10000x4xf32>
    %slice3A = vector.extract_strided_slice %rsqrt3A {offsets = [0, 0], sizes = [10000, 1], strides = [1, 1]} : vector<10240x1xf32> to vector<10000x1xf32>
    %mul3A = vector.broadcast %slice3A : vector<10000x1xf32> to vector<10000x4xf32>
    %mul3A_15 = arith.mulf %get3A_14, %mul3A : vector<10000x4xf32>
    %broadcast_in_dim3A = arith.constant 0.000000e+00 : f32
    %broadcast_in_dim3A_16 = vector.broadcast %broadcast_in_dim3A : f32 to vector<240x4xf32>
    %concatenate3A = tpu.concatenate %mul3A_15, %broadcast_in_dim3A_16 in 0 : vector<10000x4xf32>, vector<240x4xf32> -> vector<10240x4xf32>
    %broadcast_in_dim3A_17 = arith.constant 0.000000e+00 : f32
    %broadcast_in_dim3A_18 = vector.broadcast %broadcast_in_dim3A_17 : f32 to vector<10240x4xf32>
    %concatenate3A_19 = tpu.concatenate %concatenate3A, %broadcast_in_dim3A_18 in 1 : vector<10240x4xf32>, vector<10240x4xf32> -> vector<10240x8xf32>
    %swap3A = arith.constant 0 : index
    %swap3A_20 = arith.constant 0 : index
    %swap3A_21 = vector.load %arg2[%swap3A, %swap3A_20] : memref<10240x8xf32, #tpu.memory_space<vmem>>, vector<10240x8xf32>
    tpu.vector_store %arg2[%swap3A, %swap3A_20], %concatenate3A_19 {strides = array<i32>} : memref<10240x8xf32, #tpu.memory_space<vmem>>, vector<10240x8xf32>,
    %swap3A_22 = arith.constant 0 : index
    %swap3A_23 = arith.constant 0 : index
    %swap3A_24 = vector.load %arg3[%swap3A_22, %swap3A_23] : memref<10240x1xf32, #tpu.memory_space<vmem>>, vector<10240x1xf32>
    tpu.vector_store %arg3[%swap3A_22, %swap3A_23], %rsqrt3A {strides = array<i32>} : memref<10240x1xf32, #tpu.memory_space<vmem>>, vector<10240x1xf32>,
    return
  }
}

module attributes {stable_mosaic.version = 14 : i64} {
  func.func @body(%arg0: memref<2x10240x8xf32, #tpu.memory_space<vmem>>, %arg1: memref<10240x8xf32, #tpu.memory_space<vmem>>, %arg2: memref<10240x1xf32, #tpu.memory_space<vmem>>, %arg3: memref<1x4xf32, #tpu.memory_space<vmem>>, %arg4: memref<4x4xf32, #tpu.memory_space<vmem>>, %arg5: memref<10240x8xf32, #tpu.memory_space<vmem>>) attributes {dimension_semantics = [], scalar_prefetch = 0 : i64, scratch_operands = 0 : i64, tpu.core_type = #tpu.core_type<tc>} {
    %get3A = arith.constant 0 : index
    %get3A_0 = arith.constant 0 : index
    %get3A_1 = vector.load %arg2[%get3A, %get3A_0] : memref<10240x1xf32, #tpu.memory_space<vmem>>, vector<10240x1xf32>
    %get3A_2 = arith.constant 0 : index
    %get3A_3 = arith.constant 0 : index
    %get3A_4 = arith.constant 0 : index
    %get3A_5 = vector.load %arg0[%get3A_2, %get3A_3, %get3A_4] : memref<2x10240x8xf32, #tpu.memory_space<vmem>>, vector<1x10240x4xf32>
    %get3A_6 = vector.shape_cast %get3A_5 : vector<1x10240x4xf32> to vector<10240x4xf32>
    %get3A_7 = arith.constant 1 : index
    %get3A_8 = arith.constant 0 : index
    %get3A_9 = arith.constant 0 : index
    %get3A_10 = vector.load %arg0[%get3A_7, %get3A_8, %get3A_9] : memref<2x10240x8xf32, #tpu.memory_space<vmem>>, vector<1x10240x4xf32>
    %get3A_11 = vector.shape_cast %get3A_10 : vector<1x10240x4xf32> to vector<10240x4xf32>
    %add3A = arith.addf %get3A_6, %get3A_11 : vector<10240x4xf32>
    %get3A_12 = arith.constant 0 : index
    %get3A_13 = arith.constant 0 : index
    %get3A_14 = vector.load %arg1[%get3A_12, %get3A_13] : memref<10240x8xf32, #tpu.memory_space<vmem>>, vector<10240x4xf32>
    %add3A_15 = arith.addf %add3A, %get3A_14 : vector<10240x4xf32>
    %mul3A = vector.broadcast %get3A_1 : vector<10240x1xf32> to vector<10240x4xf32>
    %mul3A_16 = arith.mulf %add3A_15, %mul3A : vector<10240x4xf32>
    %get3A_17 = arith.constant 0 : index
    %get3A_18 = arith.constant 0 : index
    %get3A_19 = vector.load %arg3[%get3A_17, %get3A_18] : memref<1x4xf32, #tpu.memory_space<vmem>>, vector<1x4xf32>
    %add3A_20 = vector.broadcast %get3A_19 : vector<1x4xf32> to vector<10240x4xf32>
    %add3A_21 = arith.addf %mul3A_16, %add3A_20 : vector<10240x4xf32>
    %tanh3A = math.tanh %add3A_21 : vector<10240x4xf32>
    %get3A_22 = arith.constant 0 : index
    %get3A_23 = arith.constant 0 : index
    %get3A_24 = vector.load %arg4[%get3A_22, %get3A_23] : memref<4x4xf32, #tpu.memory_space<vmem>>, vector<4x4xf32>
    %dot_general3A = arith.constant dense<0.000000e+00> : vector<10240x4xf32>
    %dot_general3A_25 = tpu.matmul %tanh3A, %get3A_24, %dot_general3A {dimension_numbers = #tpu.dot_dimension_numbers<[1], [0], [0], [1], [0, 0, 1, 1], [], []>, transpose_lhs_hint = false} : vector<10240x4xf32>, vector<4x4xf32>, vector<10240x4xf32> -> vector<10240x4xf32>
    %mul3A_26 = vector.broadcast %get3A_1 : vector<10240x1xf32> to vector<10240x4xf32>
    %mul3A_27 = arith.mulf %dot_general3A_25, %mul3A_26 : vector<10240x4xf32>
    %broadcast_in_dim3A = arith.constant 0.000000e+00 : f32
    %broadcast_in_dim3A_28 = vector.broadcast %broadcast_in_dim3A : f32 to vector<10240x4xf32>
    %concatenate3A = tpu.concatenate %mul3A_27, %broadcast_in_dim3A_28 in 1 : vector<10240x4xf32>, vector<10240x4xf32> -> vector<10240x8xf32>
    %swap3A = arith.constant 0 : index
    %swap3A_29 = arith.constant 0 : index
    %swap3A_30 = vector.load %arg5[%swap3A, %swap3A_29] : memref<10240x8xf32, #tpu.memory_space<vmem>>, vector<10240x8xf32>
    tpu.vector_store %arg5[%swap3A, %swap3A_29], %concatenate3A {strides = array<i32>} : memref<10240x8xf32, #tpu.memory_space<vmem>>, vector<10240x8xf32>,
    return
  }
}

module attributes {stable_mosaic.version = 14 : i64} {
  func.func @body(%arg0: memref<2x10240x8xf32, #tpu.memory_space<vmem>>, %arg1: memref<10240x8xf32, #tpu.memory_space<vmem>>, %arg2: memref<10240x1xf32, #tpu.memory_space<vmem>>, %arg3: memref<1x4xf32, #tpu.memory_space<vmem>>, %arg4: memref<4x2xf32, #tpu.memory_space<vmem>>, %arg5: memref<10240x8xf32, #tpu.memory_space<vmem>>) attributes {dimension_semantics = [], scalar_prefetch = 0 : i64, scratch_operands = 0 : i64, tpu.core_type = #tpu.core_type<tc>} {
    %get3A = arith.constant 0 : index
    %get3A_0 = arith.constant 0 : index
    %get3A_1 = vector.load %arg2[%get3A, %get3A_0] : memref<10240x1xf32, #tpu.memory_space<vmem>>, vector<10240x1xf32>
    %get3A_2 = arith.constant 0 : index
    %get3A_3 = arith.constant 0 : index
    %get3A_4 = arith.constant 0 : index
    %get3A_5 = vector.load %arg0[%get3A_2, %get3A_3, %get3A_4] : memref<2x10240x8xf32, #tpu.memory_space<vmem>>, vector<1x10240x4xf32>
    %get3A_6 = vector.shape_cast %get3A_5 : vector<1x10240x4xf32> to vector<10240x4xf32>
    %get3A_7 = arith.constant 1 : index
    %get3A_8 = arith.constant 0 : index
    %get3A_9 = arith.constant 0 : index
    %get3A_10 = vector.load %arg0[%get3A_7, %get3A_8, %get3A_9] : memref<2x10240x8xf32, #tpu.memory_space<vmem>>, vector<1x10240x4xf32>
    %get3A_11 = vector.shape_cast %get3A_10 : vector<1x10240x4xf32> to vector<10240x4xf32>
    %add3A = arith.addf %get3A_6, %get3A_11 : vector<10240x4xf32>
    %get3A_12 = arith.constant 0 : index
    %get3A_13 = arith.constant 0 : index
    %get3A_14 = vector.load %arg1[%get3A_12, %get3A_13] : memref<10240x8xf32, #tpu.memory_space<vmem>>, vector<10240x4xf32>
    %add3A_15 = arith.addf %add3A, %get3A_14 : vector<10240x4xf32>
    %mul3A = vector.broadcast %get3A_1 : vector<10240x1xf32> to vector<10240x4xf32>
    %mul3A_16 = arith.mulf %add3A_15, %mul3A : vector<10240x4xf32>
    %get3A_17 = arith.constant 0 : index
    %get3A_18 = arith.constant 0 : index
    %get3A_19 = vector.load %arg3[%get3A_17, %get3A_18] : memref<1x4xf32, #tpu.memory_space<vmem>>, vector<1x4xf32>
    %add3A_20 = vector.broadcast %get3A_19 : vector<1x4xf32> to vector<10240x4xf32>
    %add3A_21 = arith.addf %mul3A_16, %add3A_20 : vector<10240x4xf32>
    %tanh3A = math.tanh %add3A_21 : vector<10240x4xf32>
    %get3A_22 = arith.constant 0 : index
    %get3A_23 = arith.constant 0 : index
    %get3A_24 = vector.load %arg4[%get3A_22, %get3A_23] : memref<4x2xf32, #tpu.memory_space<vmem>>, vector<4x2xf32>
    %dot_general3A = arith.constant dense<0.000000e+00> : vector<10240x2xf32>
    %dot_general3A_25 = tpu.matmul %tanh3A, %get3A_24, %dot_general3A {dimension_numbers = #tpu.dot_dimension_numbers<[1], [0], [0], [1], [0, 0, 1, 1], [], []>, transpose_lhs_hint = false} : vector<10240x4xf32>, vector<4x2xf32>, vector<10240x2xf32> -> vector<10240x2xf32>
    %mul3A_26 = vector.broadcast %get3A_1 : vector<10240x1xf32> to vector<10240x2xf32>
    %mul3A_27 = arith.mulf %dot_general3A_25, %mul3A_26 : vector<10240x2xf32>
    %broadcast_in_dim3A = arith.constant 0.000000e+00 : f32
    %broadcast_in_dim3A_28 = vector.broadcast %broadcast_in_dim3A : f32 to vector<10240x6xf32>
    %concatenate3A = tpu.concatenate %mul3A_27, %broadcast_in_dim3A_28 in 1 : vector<10240x2xf32>, vector<10240x6xf32> -> vector<10240x8xf32>
    %swap3A = arith.constant 0 : index
    %swap3A_29 = arith.constant 0 : index
    %swap3A_30 = vector.load %arg5[%swap3A, %swap3A_29] : memref<10240x8xf32, #tpu.memory_space<vmem>>, vector<10240x8xf32>
    tpu.vector_store %arg5[%swap3A, %swap3A_29], %concatenate3A {strides = array<i32>} : memref<10240x8xf32, #tpu.memory_space<vmem>>, vector<10240x8xf32>,
    return
  }
}

module attributes {stable_mosaic.version = 14 : i64} {
  func.func @body(%arg0: i32, %arg1: memref<2x1000x8xf32, #tpu.memory_space<vmem>>, %arg2: memref<1000x8xf32, #tpu.memory_space<vmem>>, %arg3: memref<1000x1xf32, #tpu.memory_space<vmem>>, %arg4: memref<1x2xf32, #tpu.memory_space<vmem>>, %arg5: memref<2x4xf32, #tpu.memory_space<vmem>>, %arg6: memref<1x4xf32, #tpu.memory_space<vmem>>, %arg7: memref<1000x4xf32, #tpu.memory_space<vmem>>, %arg8: memref<1000x2xf32, #tpu.memory_space<vmem>>) attributes {dimension_semantics = [#tpu.dimension_semantics<arbitrary>], iteration_bounds = array<i64: 10>, scalar_prefetch = 0 : i64, scratch_operands = 0 : i64, tpu.core_type = #tpu.core_type<tc>, window_params = [{transform_indices = @transform_0, window_bounds = array<i64: 2, 1000, 8>}, {transform_indices = @transform_1, window_bounds = array<i64: 1000, 8>}, {transform_indices = @transform_2, window_bounds = array<i64: 1000, 1>}, {pipeline_mode = #tpu.pipeline_mode<synchronous>, transform_indices = @transform_3, window_bounds = array<i64: 1, 2>}, {pipeline_mode = #tpu.pipeline_mode<synchronous>, transform_indices = @transform_4, window_bounds = array<i64: 2, 4>}, {pipeline_mode = #tpu.pipeline_mode<synchronous>, transform_indices = @transform_5, window_bounds = array<i64: 1, 4>}, {transform_indices = @transform_6, window_bounds = array<i64: 1000, 4>}, {transform_indices = @transform_7, window_bounds = array<i64: 1000, 2>}]} {
    %get3A = arith.constant 0 : index
    %get3A_0 = arith.constant 0 : index
    %get3A_1 = vector.load %arg3[%get3A, %get3A_0] : memref<1000x1xf32, #tpu.memory_space<vmem>>, vector<1000x1xf32>
    %get3A_2 = arith.constant 0 : index
    %get3A_3 = arith.constant 0 : index
    %get3A_4 = arith.constant 0 : index
    %get3A_5 = vector.load %arg1[%get3A_2, %get3A_3, %get3A_4] : memref<2x1000x8xf32, #tpu.memory_space<vmem>>, vector<1x1000x2xf32>
    %get3A_6 = vector.shape_cast %get3A_5 : vector<1x1000x2xf32> to vector<1000x2xf32>
    %get3A_7 = arith.constant 1 : index
    %get3A_8 = arith.constant 0 : index
    %get3A_9 = arith.constant 0 : index
    %get3A_10 = vector.load %arg1[%get3A_7, %get3A_8, %get3A_9] : memref<2x1000x8xf32, #tpu.memory_space<vmem>>, vector<1x1000x2xf32>
    %get3A_11 = vector.shape_cast %get3A_10 : vector<1x1000x2xf32> to vector<1000x2xf32>
    %add3A = arith.addf %get3A_6, %get3A_11 : vector<1000x2xf32>
    %get3A_12 = arith.constant 0 : index
    %get3A_13 = arith.constant 0 : index
    %get3A_14 = vector.load %arg2[%get3A_12, %get3A_13] : memref<1000x8xf32, #tpu.memory_space<vmem>>, vector<1000x2xf32>
    %add3A_15 = arith.addf %add3A, %get3A_14 : vector<1000x2xf32>
    %mul3A = vector.broadcast %get3A_1 : vector<1000x1xf32> to vector<1000x2xf32>
    %mul3A_16 = arith.mulf %add3A_15, %mul3A : vector<1000x2xf32>
    %get3A_17 = arith.constant 0 : index
    %get3A_18 = arith.constant 0 : index
    %get3A_19 = vector.load %arg4[%get3A_17, %get3A_18] : memref<1x2xf32, #tpu.memory_space<vmem>>, vector<1x2xf32>
    %add3A_20 = vector.broadcast %get3A_19 : vector<1x2xf32> to vector<1000x2xf32>
    %add3A_21 = arith.addf %mul3A_16, %add3A_20 : vector<1000x2xf32>
    %tanh3A = math.tanh %add3A_21 : vector<1000x2xf32>
    %get3A_22 = arith.constant 0 : index
    %get3A_23 = arith.constant 0 : index
    %get3A_24 = vector.load %arg5[%get3A_22, %get3A_23] : memref<2x4xf32, #tpu.memory_space<vmem>>, vector<2x4xf32>
    %dot_general3A = arith.constant dense<0.000000e+00> : vector<1000x4xf32>
    %dot_general3A_25 = tpu.matmul %tanh3A, %get3A_24, %dot_general3A {dimension_numbers = #tpu.dot_dimension_numbers<[1], [0], [0], [1], [0, 0, 1, 1], [], []>, transpose_lhs_hint = false} : vector<1000x2xf32>, vector<2x4xf32>, vector<1000x4xf32> -> vector<1000x4xf32>
    %get3A_26 = arith.constant 0 : index
    %get3A_27 = arith.constant 0 : index
    %get3A_28 = vector.load %arg6[%get3A_26, %get3A_27] : memref<1x4xf32, #tpu.memory_space<vmem>>, vector<1x4xf32>
    %add3A_29 = vector.broadcast %get3A_28 : vector<1x4xf32> to vector<1000x4xf32>
    %add3A_30 = arith.addf %dot_general3A_25, %add3A_29 : vector<1000x4xf32>
    %swap3A = arith.constant 0 : index
    %swap3A_31 = arith.constant 0 : index
    %swap3A_32 = vector.load %arg7[%swap3A, %swap3A_31] : memref<1000x4xf32, #tpu.memory_space<vmem>>, vector<1000x4xf32>
    tpu.vector_store %arg7[%swap3A, %swap3A_31], %add3A_30 {strides = array<i32>} : memref<1000x4xf32, #tpu.memory_space<vmem>>, vector<1000x4xf32>,
    %swap3A_33 = arith.constant 0 : index
    %swap3A_34 = arith.constant 0 : index
    %swap3A_35 = vector.load %arg8[%swap3A_33, %swap3A_34] : memref<1000x2xf32, #tpu.memory_space<vmem>>, vector<1000x2xf32>
    tpu.vector_store %arg8[%swap3A_33, %swap3A_34], %tanh3A {strides = array<i32>} : memref<1000x2xf32, #tpu.memory_space<vmem>>, vector<1000x2xf32>,
    return
  }
  func.func @transform_0(%arg0: i32) -> (i32, i32, i32) {
    %c0_i32 = arith.constant 0 : i32
    %c0_i32_0 = arith.constant 0 : i32
    %c0_i32_1 = arith.constant 0 : i32
    return %c0_i32, %arg0, %c0_i32_0 : i32, i32, i32
  }
  func.func @transform_1(%arg0: i32) -> (i32, i32) {
    %c0_i32 = arith.constant 0 : i32
    %c0_i32_0 = arith.constant 0 : i32
    return %arg0, %c0_i32 : i32, i32
  }
  func.func @transform_2(%arg0: i32) -> (i32, i32) {
    %c0_i32 = arith.constant 0 : i32
    %c0_i32_0 = arith.constant 0 : i32
    return %arg0, %c0_i32 : i32, i32
  }
  func.func @transform_3(%arg0: i32) -> (i32, i32) {
    %c0_i32 = arith.constant 0 : i32
    %c0_i32_0 = arith.constant 0 : i32
    %c0_i32_1 = arith.constant 0 : i32
    return %c0_i32, %c0_i32_0 : i32, i32
  }
  func.func @transform_4(%arg0: i32) -> (i32, i32) {
    %c0_i32 = arith.constant 0 : i32
    %c0_i32_0 = arith.constant 0 : i32
    %c0_i32_1 = arith.constant 0 : i32
    return %c0_i32, %c0_i32_0 : i32, i32
  }
  func.func @transform_5(%arg0: i32) -> (i32, i32) {
    %c0_i32 = arith.constant 0 : i32
    %c0_i32_0 = arith.constant 0 : i32
    %c0_i32_1 = arith.constant 0 : i32
    return %c0_i32, %c0_i32_0 : i32, i32
  }
  func.func @transform_6(%arg0: i32) -> (i32, i32) {
    %c0_i32 = arith.constant 0 : i32
    %c0_i32_0 = arith.constant 0 : i32
    return %arg0, %c0_i32 : i32, i32
  }
  func.func @transform_7(%arg0: i32) -> (i32, i32) {
    %c0_i32 = arith.constant 0 : i32
    %c0_i32_0 = arith.constant 0 : i32
    return %arg0, %c0_i32 : i32, i32
  }
}

</mosaic_0001>

<sc_bundles>
// kernel: kernel.11.cloned.1.call-start
scs
__scs_entry_jumppad:
0x0: {  	(pc) =	sbr.rel $0x88, $3  }
0x1: {  	(tag) =	ssettag $0x0;
	lr =	simm.s32 $0x1  }
0x2: {  	[smem:$0x3F97] =	sst lr;
	_ =	strace $0xD0000000  }
0x3: {  	_ = 	snop  }
0x4: {  	_ = 	snop  }
0x5: {  	_ = 	snop  }
0x6: {  	_ = 	snop  }
0x7: {  	_ = 	snop  }
__scs_overlays_trampoline_lowered:
0x8: {  	[smem:$0x3FA6] =	sst s0  }
0x9: {  	[smem:$0x3FA7] =	sst s1  }
0xa: {  	[smem:$0x3FA8] =	sst s2  }
0xb: {  	[smem:$0x3FA9] =	sst s3  }
0xc: {  	[smem:$0x3FAA] =	sst s4  }
0xd: {  	[smem:$0x3FAB] =	sst s5  }
0xe: {  	[smem:$0x3FAC] =	sst s6  }
0xf: {  	[smem:$0x3FAD] =	sst s7  }
0x10: {  	[smem:$0x3FAE] =	sst s8  }
0x11: {  	[smem:$0x3FAF] =	sst s9;
	s0 =	simm.s32 @!p0 $0x0  }
0x12: {  	s1 =	sld [smem:$0x3F95];
	s0 =	simm.s32 @p0 $0x1  }
0x13: {  	[smem:$0x3FB0] =	sst s0;
	s0 =	simm.s32 @!p1 $0x0  }
0x14: {  	s2 =	sld [smem:$0x3F94];
	s0 =	simm.s32 @p1 $0x1  }
0x15: {  	[smem:$0x3FB1] =	sst s0;
	s0 =	simm.s32 @!p2 $0x0  }
0x16: {  	s3 =	sld [smem:$0x3FDB];
	s0 =	simm.s32 @p2 $0x1  }
0x17: {  	s4 =	simm.s32 $0x1BF5;
	[smem:$0x3FB3] =	sst s0  }
0x18: {  	s0 =	sld [smem:$0x3F96];
	_ =	swait.ge [sflag:s4], $0x0  }
0x19: {  	s7 =	sld [smem:$0x3F97]  }
0x1a: {  	s8 =	sadd.s32 $0xFFFFE003, lr  }
0x1b: {  	s9 =	sadd.s32 $0xFFFFFEF7, lr;
	s5 =	simm.s32 $0xFFFFFFFF;
	p2 =	slt.u32 s8, $0xFFFFF086  }
0x1c: {  	p1 =	slt.u32 s9, $0xF7A;
	s5 =	simm.s32 @!p2 $0x0  }
0x1d: {  	s5 =	simm.s32 @p1 $0x1;
	p0 =	seq.s32 s7, s2  }
0x1e: {  	s7 =	smul.u32 @!p0 $0xF7A, s2;
	p2 =	seq.s32 @!p0 s5, $0x0  }
0x1f: {  	s9 =	smul.u32 $0xF7A, s1;
	s8 =	simm.s32 @!p0 $0x1BF5;
	p2 =	por !p2, p0  }
0x20: {  	[sflag:s8] =	ssyncset.s32 @!p0 $0xFFFFF086;
	s6 =	sadd.s32 @!p0 s3, s7;
	s7 =	simm.s32 @!p0 $0x108  }
0x21: {  	s3 =	sadd.s32 s3, s9;
	s6 =	sadd.s32 @!p0 $0x88, s6;
	s7 =	simm.s32 @p2 $0x1082  }
0x22: {  	[simem:s7], [sflag:s8] =	dma.local @!p0 [hbm:s6], $0xF7A  }
0x23: {  	s9 =	sor.u32 $0xD0000000, s2;
	s6 =	simm.s32 $0x108;
	_ =	swait.ge @!p0 [sflag:s8], $0x0  }
0x24: {  	s3 =	sadd.s32 $0x88, s3;
	s6 =	simm.s32 @!p1 $0x1082;
	[sflag:s4] =	ssyncset.s32 $0xFFFFF086  }
0x25: {  	[simem:s6], [sflag:s4] =	dma.local [hbm:s3], $0xF7A  }
0x26: {  	[smem:$0x3F97] =	sst s1;
	(tag) =	ssettag s2;
	_ =	strace s9  }
0x27: {  	s1 =	sld [smem:$0x3FA7]  }
0x28: {  	s2 =	sld [smem:$0x3FA8]  }
0x29: {  	s4 =	sld [smem:$0x3FAA]  }
0x2a: {  	p0 =	seq.s32 s5, $0x0;
	s5 =	sld [smem:$0x3FAB]  }
0x2b: {  	s6 =	sld [smem:$0x3FAC]  }
0x2c: {  	s7 =	sld [smem:$0x3FAD]  }
0x2d: {  	s3 =	simm.s32 $0x108;
	s8 =	sld [smem:$0x3FAE]  }
0x2e: {  	s3 =	simm.s32 @!p0 $0x1082;
	s9 =	sld [smem:$0x3FAF]  }
0x2f: {  	lr =	sadd.s32 s0, s3;
	s0 =	sld [smem:$0x3FA6]  }
0x30: {  	s3 =	sld [smem:$0x3FA9]  }
0x31: {  	[smem:$0x3FB2] =	sst s10  }
0x32: {  	s10 =	sld [smem:$0x3FB0];
	_ =	sdelay $0x3  }
0x33: {  	p0 =	seq.s32 s10, $0x1;
	s10 =	sld [smem:$0x3FB2];
	_ =	sdelay $0x3  }
0x34: {  	[smem:$0x3FB2] =	sst s10  }
0x35: {  	s10 =	sld [smem:$0x3FB1];
	_ =	sdelay $0x3  }
0x36: {  	p1 =	seq.s32 s10, $0x1;
	s10 =	sld [smem:$0x3FB2];
	_ =	sdelay $0x3  }
0x37: {  	[smem:$0x3FB2] =	sst s10  }
0x38: {  	s10 =	sld [smem:$0x3FB3]  }
0x39: {  	_ = 	snop;
	(pc) =	sbr.ind lr, $3  }
0x3a: {  	_ = 	snop  }
0x3b: {  	_ = 	snop  }
0x3c: {  	p2 =	seq.s32 s10, $0x1;
	s10 =	sld [smem:$0x3FB2]  }
0x3d: {  	_ =	shalt  }
0x3e: {  	_ =	shalt  }
0x3f: {  	_ =	shalt  }
0x40: {  	_ =	shalt  }
0x41: {  	_ =	shalt  }
0x42: {  	_ =	shalt  }
0x43: {  	_ =	shalt  }
0x44: {  	_ =	shalt  }
0x45: {  	_ =	shalt  }
0x46: {  	_ =	shalt  }
0x47: {  	_ =	shalt  }
0x48: {  	_ =	shalt  }
0x49: {  	_ =	shalt  }
0x4a: {  	_ =	shalt  }
0x4b: {  	_ =	shalt  }
0x4c: {  	_ =	shalt  }
0x4d: {  	_ =	shalt  }
0x4e: {  	_ =	shalt  }
0x4f: {  	_ =	shalt  }
0x50: {  	_ =	shalt  }
0x51: {  	_ =	shalt  }
0x52: {  	_ =	shalt  }
0x53: {  	_ =	shalt  }
0x54: {  	_ =	shalt  }
0x55: {  	_ =	shalt  }
0x56: {  	_ =	shalt  }
0x57: {  	_ =	shalt  }
0x58: {  	_ =	shalt  }
0x59: {  	_ =	shalt  }
0x5a: {  	_ =	shalt  }
0x5b: {  	_ =	shalt  }
0x5c: {  	_ =	shalt  }
0x5d: {  	_ =	shalt  }
0x5e: {  	_ =	shalt  }
0x5f: {  	_ =	shalt  }
0x60: {  	_ =	shalt  }
0x61: {  	_ =	shalt  }
0x62: {  	_ =	shalt  }
0x63: {  	_ =	shalt  }
0x64: {  	_ =	shalt  }
0x65: {  	_ =	shalt  }
0x66: {  	_ =	shalt  }
0x67: {  	_ =	shalt  }
0x68: {  	_ =	shalt  }
0x69: {  	_ =	shalt  }
0x6a: {  	_ =	shalt  }
0x6b: {  	_ =	shalt  }
0x6c: {  	_ =	shalt  }
0x6d: {  	_ =	shalt  }
0x6e: {  	_ =	shalt  }
0x6f: {  	_ =	shalt  }
0x70: {  	_ =	shalt  }
0x71: {  	_ =	shalt  }
0x72: {  	_ =	shalt  }
0x73: {  	_ =	shalt  }
0x74: {  	_ =	shalt  }
0x75: {  	_ =	shalt  }
0x76: {  	_ =	shalt  }
0x77: {  	_ =	shalt  }
0x78: {  	_ =	shalt  }
0x79: {  	_ =	shalt  }
0x7a: {  	_ =	shalt  }
0x7b: {  	_ =	shalt  }
0x7c: {  	_ =	shalt  }
0x7d: {  	_ =	shalt  }
0x7e: {  	_ =	shalt  }
0x7f: {  	_ =	shalt  }
0x80: {  	_ =	shalt  }
0x81: {  	_ =	shalt  }
0x82: {  	_ =	shalt  }
0x83: {  	_ =	shalt  }
0x84: {  	_ =	shalt  }
0x85: {  	_ =	shalt  }
0x86: {  	_ =	shalt  }
0x87: {  	_ =	shalt  }
.Lfunc_end0:
.L_simem_size_0:
called_computation_lowered:
.L_overlay_start_0:
0x88: {  	s2 =	sld [smem:$0x3FD9]  }
0x89: {  	s3 =	sld [smem:$0x3FFE];
	_ =	sdelay $0x1  }
0x8a: {  	s1 =	srdreg.scid  }
0x8b: {  	s0 =	sand.u32 $0x1, s1  }
0x8c: {  	s14 =	sshll.u32 s0, $0xA;
	s2 =	sadd.s32 s3, s2  }
0x8d: {  	s2 =	sadd.s32 s2, s14  }
0x8e: {  	[smem:$0x3FBE] =	sst s2  }
0x8f: {  	_ = 	snop  }
0x90: {  	s2 =	sld [smem:$0x3FD0];
	_ =	sdelay $0x2  }
0x91: {  	s15 =	simm.s32 $0xA;
	s4 =	simm.s32 $0x10  }
0x92: {  	[smem:s4], [sflag:s15] =	dma.local [hbm:s2], $0x1  }
0x93: {  	_ =	swait.eq [sflag:s15], $0x1  }
0x94: {  	[sflag:s15] =	ssyncset.done $0x0  }
0x95: {  	[sflag:s15] =	ssyncadd.s32 $0xFFFFFFFF  }
0x96: {  	s16 =	sld [smem:$0x11];
	(tm) =	ssettm $0x1  }
0x97: {  	s17 =	sld [smem:$0x3FFB];
	_ =	sdelay $0x3  }
0x98: {  	_ =	strace s17  }
0x99: {  	s3 =	sld [smem:$0x3FFC];
	_ =	sdelay $0x3  }
0x9a: {  	_ =	strace s3  }
0x9b: {  	s3 =	sld [smem:$0x3FFD];
	_ =	sdelay $0x3  }
0x9c: {  	_ =	strace s3  }
0x9d: {  	_ =	strace $0x8FFFFFFF  }
0x9e: {  	s18 =	sld [smem:$0x3FDB];
	_ =	sdelay $0x1  }
0x9f: {  	s19 =	simm.s32 $_scs_section_size  }
0xa0: {  	s5 =	simm.s32 $_size__tile_overlayer_lowered;
	s6 =	simm.s32 $_tile_overlayer_lowered  }
0xa1: {  	s22 =	simm.s32 $0x1BFF;
	s21 =	sshll.u32 s6, $0x1;
	s3 =	sadd.s32 s19, s18  }
0xa2: {  	s7 =	simm.s32 $0x0;
	s20 =	sshll.u32 s5, $0x1;
	s5 =	sadd.s32 s21, s3  }
0xa3: {  	[timem:s7], [sflag:s22] =	dma.local [hbm:s5], s20  }
0xa4: {  	_ =	swait.ge [sflag:s22], s20  }
0xa5: {  	s4 =	ssub.s32 $0x0, s20;
	[sflag:s22] =	ssyncset.done $0x0  }
0xa6: {  	[sflag:s22] =	ssyncadd.s32 s4;
	_ =	sdelay $0x1  }
0xa7: {  	s23 =	simm.s32 $0x1B8B  }
0xa8: {  	_ =	swait.ge [sflag:s23], $0x1  }
0xa9: {  	[sflag:s23] =	ssyncset.done $0x0  }
0xaa: {  	s25 =	simm.s32 $0x1B8E;
	s24 =	sld [smem:$0x3FFE];
	[sflag:s23] =	ssyncadd.s32 $0xFFFFFFFF  }
0xab: {  	s26 =	simm.s32 $execute0_lowered;
	[smem:$0x3FD2] =	sst s25  }
0xac: {  	s5 =	sshll.u32 s26, $0x1;
	_ =	strace $0x80000046;
	[dreg:$0x1] =	wrdreg $0xFFFFFFFF  }
0xad: {  	s28 =	simm.s32 $_size_execute0_lowered;
	s3 =	sadd.s32 s3, s5;
	[dreg:$0x0] =	wrdreg $0x0  }
0xae: {  	s5 =	sshll.u32 s28, $0x1;
	[dreg:$0x2] =	wrdreg s3  }
0xaf: {  	[dreg:$0x3] =	wrdreg s5  }
0xb0: {  	[dreg:$0x4] =	wrdreg $0xC0  }
0xb1: {  	_ =	task [dreg:s7], $0x5FFFF  }
0xb2: {  	[dreg:$0x1] =	wrdreg $0xFFFFFFFF  }
0xb3: {  	[dreg:$0x0] =	wrdreg $0x60  }
0xb4: {  	[dreg:$0x2] =	wrdreg s24  }
0xb5: {  	[dreg:$0x3] =	wrdreg s16  }
0xb6: {  	[dreg:$0x4] =	wrdreg $0x8000  }
0xb7: {  	[dreg:$0x5] =	wrdreg $0x9  }
0xb8: {  	_ =	task.clear_ibuf [dreg:s7], $0x6FFFF;
	_ =	strace $0x90000046  }
0xb9: {  	s29 =	simm.s32 $0x9;
	_ =	strace $0x80000048  }
0xba: {  	_ =	swait.ge [sflag:s29], $0x1  }
0xbb: {  	[sflag:s29] =	ssyncadd.s32 $0xFFFFFFFF  }
0xbc: {  	_ =	strace $0x90000048  }
0xbd: {  	_ =	sfence  }
0xbe: {  	s30 =	sld [smem:$0x0];
	_ =	sdelay $0x2  }
0xbf: {  	s31 =	sshll.u32 s1, $0xD;
	s1 =	sshrl.u32 s1, $0x2  }
0xc0: {  	s3 =	sand.u32 $0x4000, s31;
	s1 =	sadd.s32 s1, s30  }
0xc1: {  	s0 =	sor.u32 s3, s0;
	s1 =	sshll.u32 s1, $0x11  }
0xc2: {  	s0 =	sor.u32 s1, s0  }
0xc3: {  	s0 =	sadd.s32 $0x8F2B, s0  }
0xc4: {  	[sflag:s0] =	ssyncadd.remote.s32 $0x1  }
0xc5: {  	_ =	sfence.sel $0xFFFF  }
0xc6: {  	[dreg:$0x0] =	wrdreg $0xFFFFFFFF;
	(pc) =	sbr.abs _section_cstart, $3  }
0xc7: {  	[dreg:$0x1] =	wrdreg $0xFFFFFFFF  }
0xc8: {  	_ =	task.clear_ibuf [dreg:s7], $0x2FFFF;
	_ =	strace $0x9FFFFFFF  }
0xc9: {  	(tm) =	ssettm $0x7FFFFFFF  }
tec
execute0_lowered:
.L_overlay_start_1:
0x0: {  	(tag) =	ssettag $0x1  }
0x1: {  	s5 =	rddreg [dreg:$0x0]  }
0x2: {  	s0 =	srdreg.scid;
	s3 =	rddreg [dreg:$0x2]  }
0x3: {  	s24 =	stileid.u32;
	s4 =	simm.s32 $0x0;
	s14 =	simm.s32 $0x200  }
0x4: {  	s15 =	simm.s32 $0x300;
	s16 =	simm.s32 $0x380;
	s17 =	simm.s32 $0x1  }
0x5: {  	s18 =	simm.s32 $0x80;
	s19 =	simm.s32 $0x2;
	s20 =	simm.s32 $0x3  }
0x6: {  	s22 =	simm.s32 $0x180;
	s21 =	simm.s32 $0x4;
	s8 =	smul.u32 $0x1400, s24  }
0x7: {  	s23 =	simm.s32 $0x6;
	s6 =	sand.u32 $0x1, s0;
	s11 =	smul.u32 $0x500, s24  }
0x8: {  	[smem:$0x7FF] =	sst s4;
	s31 =	sshll.u32 s24, $0x6;
	s7 =	smul.u32 $0x5000, s6  }
0x9: {  	s24 =	simm.s32 $0x280;
	s9 =	smul.u32 $0x14000, s6;
	_ =	strace $0x80000047  }
0xa: {  	s6 =	ssub.s32 $0x2, s6;
	[dreg:$0x4] =	wrdreg s22;
	s22 =	simm.s32 $0x5  }
0xb: {  	[dreg:$0x5] =	wrdreg s24;
	s24 =	simm.s32 $0x7;
	s25 =	sshrl.u32 s8, $0x3  }
0xc: {  	s26 =	sshrl.u32 s6, $0x1;
	s13 =	sadd.s32 s8, s3;
	s10 =	sadd.s32 s7, s5  }
0xd: {  	s9 =	sadd.s32 s8, s9;
	s7 =	sadd.s32 s25, s5;
	s12 =	ssub.s32 s6, s26  }
0xe: {  	s2 =	sshrl.u32 s13, $0x3;
	s13 =	simm.s32 $0x100;
	s25 =	simm.s32 $0x8  }
0xf: {  	s26 =	simm.s32 $0x0;
	s9 =	sshrl.u32 s9, $0x3;
	s1 =	sadd.s32 $0x16E00, s7  }
0x10: {  	s29 =	smax.u32 s12, $0x1;
	s30 =	sadd.s32 s11, s10;
	[dreg:$0x9] =	wrdreg s2  }
0x11: {  	s10 =	simm.s32 $0x9;
	s9 =	sadd.s32 s9, s5;
	[dreg:$0x6] =	wrdreg s1  }
0x12: {  	[dreg:$0x8] =	wrdreg s29;
	s8 =	sadd.s32 $0x2E00, s30;
	s28 =	sadd.s32 $0x19600, s9  }
0x13: {  	s1 =	sor.u32 $0x1C09, s31;
	s9 =	simm.s32 $0x400;
	[dreg:$0x7] =	wrdreg s28  }
.LBB2_1:
0x14: {  	s0 =	rddreg [dreg:$0x1]  }
0x15: {  	[tilespmem:s9], [sflag:$0x9] =	stream.linear.gather [hbm4b:s0+s4], $0x400, $0x38;
	[tilespmem:$0x1C00] =	vst v63  }
0x16: {  	_ =	swait.ge [sflag:s10], $0x400  }
0x17: {  	[sflag:s10] =	ssyncset.done $0x0  }
0x18: {  	s6 =	rddreg [dreg:$0x6];
	[sflag:s10] =	ssyncadd.s32 $0xFFFFFC00  }
0x19: {  	[spmem:s2], [sflag:s1] =	dma.local [hbm:s6], $0x280  }
0x1a: {  	_ =	swait.ge [sflag:s10], $0x280  }
0x1b: {  	[sflag:s10] =	ssyncset.done $0x0  }
0x1c: {  	p0 =	por $0x1, $0x1;
	[sflag:s10] =	ssyncadd.s32 $0xFFFFFD80  }
0x1d: {  	s28 =	simm.s32 @!p0 $0x1;
	[bflag:$0x0] =	sbarrier.arrive $0xFFFF  }
0x1e: {  	_ =	swait.ge @!p0 [sflag:s28], $0x400  }
0x1f: {  	s29 =	sadd.s32 $0x0, s8;
	s30 =	simm.s32 @!p0 $0x2;
	[sflag:s28] =	ssyncset.done @!p0 $0x0  }
0x20: {  	s31 =	sadd.s32 @p0 $0x0, s8;
	[sflag:s28] =	ssyncadd.s32 @!p0 $0xFFFFFC00;
	s28 =	sadd.s32 $0xA000, s29  }
0x21: {  	[tilespmem:s4], [sflag:$0x1] =	stream.linear.gather [hbm4b:s28+s4], $0x80, $0x38;
	[tilespmem:$0x1C00] =	vst v63  }
0x22: {  	s0 =	simm.s32 @p0 $0x0;
	s2 =	simm.s32 @p0 $0x80;
	s28 =	sadd.s32 @p0 $0xA010, s31  }
0x23: {  	[tilespmem:s2], [sflag:$0x2] =	stream.linear.gather @p0 [hbm4b:s28+s0], $0x80, $0x38;
	[tilespmem:$0x1C00] =	vst v63  }
0x24: {  	s12 =	smov.u32 s1;
	_ =	swait.ge @!p0 [sflag:s30], $0x400  }
0x25: {  	s1 =	simm.s32 @!p0 $0x0;
	s2 =	sadd.s32 @!p0 $0x0, s8;
	[sflag:s30] =	ssyncset.done @!p0 $0x0  }
0x26: {  	s28 =	simm.s32 @!p0 $0x80;
	[sflag:s30] =	ssyncadd.s32 @!p0 $0xFFFFFC00;
	s30 =	sadd.s32 @!p0 $0xA010, s2  }
0x27: {  	[tilespmem:s28], [sflag:$0x2] =	stream.linear.gather @!p0 [hbm4b:s30+s1], $0x80, $0x38;
	[tilespmem:$0x1C00] =	vst v63  }
0x28: {  	s28 =	simm.s32 @!p0 $0x3  }
0x29: {  	_ =	swait.ge @!p0 [sflag:s28], $0x400  }
0x2a: {  	[sflag:s28] =	ssyncset.done @!p0 $0x0  }
0x2b: {  	[sflag:s28] =	ssyncadd.s32 @!p0 $0xFFFFFC00;
	s28 =	sadd.s32 $0xA020, s29  }
0x2c: {  	[tilespmem:s13], [sflag:$0x3] =	stream.linear.gather [hbm4b:s28+s4], $0x80, $0x38;
	[tilespmem:$0x1C00] =	vst v63  }
0x2d: {  	s30 =	simm.s32 @p0 $0x180;
	s28 =	sadd.s32 @p0 $0xA030, s31  }
0x2e: {  	[tilespmem:s30], [sflag:$0x4] =	stream.linear.gather @p0 [hbm4b:s28+s0], $0x80, $0x38;
	[tilespmem:$0x1C00] =	vst v63  }
0x2f: {  	s28 =	simm.s32 @!p0 $0x4  }
0x30: {  	_ =	swait.ge @!p0 [sflag:s28], $0x400  }
0x31: {  	[sflag:s28] =	ssyncset.done @!p0 $0x0  }
0x32: {  	s30 =	sadd.s32 @!p0 $0xA030, s2;
	[sflag:s28] =	ssyncadd.s32 @!p0 $0xFFFFFC00;
	s28 =	simm.s32 @!p0 $0x180  }
0x33: {  	[tilespmem:s28], [sflag:$0x4] =	stream.linear.gather @!p0 [hbm4b:s30+s1], $0x80, $0x38;
	[tilespmem:$0x1C00] =	vst v63  }
0x34: {  	s28 =	simm.s32 @!p0 $0x5  }
0x35: {  	_ =	swait.ge @!p0 [sflag:s28], $0x400  }
0x36: {  	[sflag:s28] =	ssyncset.done @!p0 $0x0  }
0x37: {  	[sflag:s28] =	ssyncadd.s32 @!p0 $0xFFFFFC00;
	s28 =	sadd.s32 $0xA040, s29  }
0x38: {  	[tilespmem:s14], [sflag:$0x5] =	stream.linear.gather [hbm4b:s28+s4], $0x80, $0x38;
	[tilespmem:$0x1C00] =	vst v63  }
0x39: {  	s30 =	simm.s32 @p0 $0x280;
	s28 =	sadd.s32 @p0 $0xA050, s31  }
0x3a: {  	[tilespmem:s30], [sflag:$0x6] =	stream.linear.gather @p0 [hbm4b:s28+s0], $0x80, $0x38;
	[tilespmem:$0x1C00] =	vst v63  }
0x3b: {  	s0 =	simm.s32 @!p0 $0x6  }
0x3c: {  	_ =	swait.ge @!p0 [sflag:s0], $0x400  }
0x3d: {  	[sflag:s0] =	ssyncset.done @!p0 $0x0  }
0x3e: {  	s2 =	sadd.s32 @!p0 $0xA050, s2;
	[sflag:s0] =	ssyncadd.s32 @!p0 $0xFFFFFC00;
	s0 =	simm.s32 @!p0 $0x280  }
0x3f: {  	[tilespmem:s0], [sflag:$0x6] =	stream.linear.gather @!p0 [hbm4b:s2+s1], $0x80, $0x38;
	[tilespmem:$0x1C00] =	vst v63  }
0x40: {  	s0 =	simm.s32 @!p0 $0x7  }
0x41: {  	_ =	swait.ge @!p0 [sflag:s0], $0x400  }
0x42: {  	[sflag:s0] =	ssyncset.done @!p0 $0x0  }
0x43: {  	s7 =	sadd.s32 $0xA060, s29;
	[sflag:s0] =	ssyncadd.s32 @!p0 $0xFFFFFC00;
	s0 =	simm.s32 @!p0 $0x8  }
0x44: {  	[tilespmem:s15], [sflag:$0x7] =	stream.linear.gather [hbm4b:s7+s4], $0x80, $0x38;
	[tilespmem:$0x1C00] =	vst v63  }
0x45: {  	_ =	swait.ge @!p0 [sflag:s0], $0x400  }
0x46: {  	[sflag:s0] =	ssyncset.done @!p0 $0x0  }
0x47: {  	s11 =	sadd.s32 $0xA070, s29;
	[sflag:s0] =	ssyncadd.s32 @!p0 $0xFFFFFC00  }
0x48: {  	[tilespmem:s16], [sflag:$0x8] =	stream.linear.gather [hbm4b:s11+s4], $0x80, $0x38;
	[tilespmem:$0x1C00] =	vst v63  }
0x49: {  	_ =	swait.ge [sflag:s17], $0x80  }
0x4a: {  	[sflag:s17] =	ssyncset.done $0x0  }
0x4b: {  	[sflag:s17] =	ssyncadd.s32 $0xFFFFFF80  }
0x4c: {  	[spmem:s3] =	stream.indirect.scatter.add.f32 [tilespmem:s9], [sflag:$0x1], $0x8, s4, s18, $0xb8;
	[tilespmem:$0x1C00] =	vst v63  }
0x4d: {  	_ =	swait.ge [sflag:s19], $0x80  }
0x4e: {  	[sflag:s19] =	ssyncset.done $0x0  }
0x4f: {  	[sflag:s19] =	ssyncadd.s32 $0xFFFFFF80  }
0x50: {  	[spmem:s3] =	stream.indirect.scatter.add.f32 [tilespmem:s9], [sflag:$0x2], $0x8, s18, s18, $0xb8;
	[tilespmem:$0x1C00] =	vst v63  }
0x51: {  	_ =	swait.ge [sflag:s20], $0x80  }
0x52: {  	[sflag:s20] =	ssyncset.done $0x0  }
0x53: {  	[sflag:s20] =	ssyncadd.s32 $0xFFFFFF80  }
0x54: {  	[spmem:s3] =	stream.indirect.scatter.add.f32 [tilespmem:s9], [sflag:$0x3], $0x8, s13, s18, $0xb8;
	[tilespmem:$0x1C00] =	vst v63  }
0x55: {  	_ =	swait.ge [sflag:s21], $0x80  }
0x56: {  	[sflag:s21] =	ssyncset.done $0x0  }
0x57: {  	s30 =	rddreg [dreg:$0x4];
	[sflag:s21] =	ssyncadd.s32 $0xFFFFFF80  }
0x58: {  	[spmem:s3] =	stream.indirect.scatter.add.f32 [tilespmem:s9], [sflag:$0x4], $0x8, s30, s18, $0xb8;
	[tilespmem:$0x1C00] =	vst v63  }
0x59: {  	_ =	swait.ge [sflag:s22], $0x80  }
0x5a: {  	[sflag:s22] =	ssyncset.done $0x0  }
0x5b: {  	[sflag:s22] =	ssyncadd.s32 $0xFFFFFF80  }
0x5c: {  	[spmem:s3] =	stream.indirect.scatter.add.f32 [tilespmem:s9], [sflag:$0x5], $0x8, s14, s18, $0xb8;
	[tilespmem:$0x1C00] =	vst v63  }
0x5d: {  	_ =	swait.ge [sflag:s23], $0x80  }
0x5e: {  	[sflag:s23] =	ssyncset.done $0x0  }
0x5f: {  	s31 =	rddreg [dreg:$0x5];
	[sflag:s23] =	ssyncadd.s32 $0xFFFFFF80  }
0x60: {  	[spmem:s3] =	stream.indirect.scatter.add.f32 [tilespmem:s9], [sflag:$0x6], $0x8, s31, s18, $0xb8;
	[tilespmem:$0x1C00] =	vst v63  }
0x61: {  	_ =	swait.ge [sflag:s24], $0x80  }
0x62: {  	[sflag:s24] =	ssyncset.done $0x0  }
0x63: {  	[sflag:s24] =	ssyncadd.s32 $0xFFFFFF80  }
0x64: {  	[spmem:s3] =	stream.indirect.scatter.add.f32 [tilespmem:s9], [sflag:$0x7], $0x8, s15, s18, $0xb8;
	[tilespmem:$0x1C00] =	vst v63  }
0x65: {  	s29 =	simm.s32 $0x100;
	_ =	swait.ge [sflag:s25], $0x80  }
0x66: {  	s28 =	simm.s32 $0x80;
	p0 =	por $0x0, $0x0;
	[sflag:s25] =	ssyncset.done $0x0  }
.LBB2_2:
0x67: {  	s0 =	simm.s32 @!p0 $0x1;
	[sflag:s25] =	ssyncadd.s32 $0xFFFFFF80  }
0x68: {  	[spmem:s3] =	stream.indirect.scatter.add.f32 [tilespmem:s9], [sflag:$0x8], $0x8, s16, s18, $0xb8;
	[tilespmem:$0x1C00] =	vst v63  }
0x69: {  	_ =	swait.ge @!p0 [sflag:s0], $0x400  }
0x6a: {  	s30 =	sadd.s32 s28, s8;
	s2 =	simm.s32 @!p0 $0x2;
	[sflag:s0] =	ssyncset.done @!p0 $0x0  }
0x6b: {  	s31 =	sadd.s32 @p0 s28, s8;
	s11 =	sadd.s32 $0xA000, s30;
	[sflag:s0] =	ssyncadd.s32 @!p0 $0xFFFFFC00  }
0x6c: {  	[tilespmem:s4], [sflag:$0x1] =	stream.linear.gather [hbm4b:s11+s4], $0x80, $0x38;
	[tilespmem:$0x1C00] =	vst v63  }
0x6d: {  	s5 =	simm.s32 @p0 $0x0;
	s6 =	simm.s32 @p0 $0x80;
	s0 =	sadd.s32 @p0 $0xA010, s31  }
0x6e: {  	[tilespmem:s6], [sflag:$0x2] =	stream.linear.gather @p0 [hbm4b:s0+s5], $0x80, $0x38;
	[tilespmem:$0x1C00] =	vst v63  }
0x6f: {  	s1 =	smov.u32 s29;
	s28 =	sadd.s32 @!p0 s28, s8;
	_ =	swait.ge @!p0 [sflag:s2], $0x400  }
0x70: {  	s7 =	simm.s32 @!p0 $0x80;
	s11 =	simm.s32 @!p0 $0x0;
	[sflag:s2] =	ssyncset.done @!p0 $0x0  }
0x71: {  	s0 =	simm.s32 @!p0 $0x3;
	[sflag:s2] =	ssyncadd.s32 @!p0 $0xFFFFFC00;
	s2 =	sadd.s32 @!p0 $0xA010, s28  }
0x72: {  	[tilespmem:s7], [sflag:$0x2] =	stream.linear.gather @!p0 [hbm4b:s2+s11], $0x80, $0x38;
	[tilespmem:$0x1C00] =	vst v63  }
0x73: {  	s6 =	sadd.s32 @p0 $0xA030, s31;
	s2 =	sadd.s32 @!p0 $0xA030, s28;
	_ =	swait.ge @!p0 [sflag:s0], $0x400  }
0x74: {  	s7 =	sadd.s32 @p0 $0xA050, s31;
	s31 =	sadd.s32 @!p0 $0xA050, s28;
	[sflag:s0] =	ssyncset.done @!p0 $0x0  }
0x75: {  	s28 =	smov.u32 s1;
	s1 =	sadd.s32 $0xA020, s30;
	[sflag:s0] =	ssyncadd.s32 @!p0 $0xFFFFFC00  }
0x76: {  	[tilespmem:s13], [sflag:$0x3] =	stream.linear.gather [hbm4b:s1+s4], $0x80, $0x38;
	[tilespmem:$0x1C00] =	vst v63  }
0x77: {  	s0 =	simm.s32 @p0 $0x180;
	s1 =	simm.s32 @!p0 $0x4  }
0x78: {  	[tilespmem:s0], [sflag:$0x4] =	stream.linear.gather @p0 [hbm4b:s6+s5], $0x80, $0x38;
	[tilespmem:$0x1C00] =	vst v63  }
0x79: {  	_ =	swait.ge @!p0 [sflag:s1], $0x400  }
0x7a: {  	[sflag:s1] =	ssyncset.done @!p0 $0x0  }
0x7b: {  	s0 =	simm.s32 @!p0 $0x180;
	[sflag:s1] =	ssyncadd.s32 @!p0 $0xFFFFFC00;
	s1 =	simm.s32 @!p0 $0x5  }
0x7c: {  	[tilespmem:s0], [sflag:$0x4] =	stream.linear.gather @!p0 [hbm4b:s2+s11], $0x80, $0x38;
	[tilespmem:$0x1C00] =	vst v63  }
0x7d: {  	_ =	swait.ge @!p0 [sflag:s1], $0x400  }
0x7e: {  	[sflag:s1] =	ssyncset.done @!p0 $0x0  }
0x7f: {  	s6 =	sadd.s32 $0xA040, s30;
	[sflag:s1] =	ssyncadd.s32 @!p0 $0xFFFFFC00  }
0x80: {  	[tilespmem:s14], [sflag:$0x5] =	stream.linear.gather [hbm4b:s6+s4], $0x80, $0x38;
	[tilespmem:$0x1C00] =	vst v63  }
0x81: {  	s0 =	simm.s32 @p0 $0x280;
	s1 =	simm.s32 @!p0 $0x6  }
0x82: {  	[tilespmem:s0], [sflag:$0x6] =	stream.linear.gather @p0 [hbm4b:s7+s5], $0x80, $0x38;
	[tilespmem:$0x1C00] =	vst v63  }
0x83: {  	_ =	swait.ge @!p0 [sflag:s1], $0x400  }
0x84: {  	[sflag:s1] =	ssyncset.done @!p0 $0x0  }
0x85: {  	s0 =	simm.s32 @!p0 $0x280;
	[sflag:s1] =	ssyncadd.s32 @!p0 $0xFFFFFC00;
	s1 =	simm.s32 @!p0 $0x7  }
0x86: {  	[tilespmem:s0], [sflag:$0x6] =	stream.linear.gather @!p0 [hbm4b:s31+s11], $0x80, $0x38;
	[tilespmem:$0x1C00] =	vst v63  }
0x87: {  	_ =	swait.ge @!p0 [sflag:s1], $0x400  }
0x88: {  	[sflag:s1] =	ssyncset.done @!p0 $0x0  }
0x89: {  	s7 =	sadd.s32 $0xA060, s30;
	[sflag:s1] =	ssyncadd.s32 @!p0 $0xFFFFFC00;
	s1 =	simm.s32 @!p0 $0x8  }
0x8a: {  	[tilespmem:s15], [sflag:$0x7] =	stream.linear.gather [hbm4b:s7+s4], $0x80, $0x38;
	[tilespmem:$0x1C00] =	vst v63  }
0x8b: {  	_ =	swait.ge @!p0 [sflag:s1], $0x400  }
0x8c: {  	[sflag:s1] =	ssyncset.done @!p0 $0x0  }
0x8d: {  	s11 =	sadd.s32 $0xA070, s30;
	[sflag:s1] =	ssyncadd.s32 @!p0 $0xFFFFFC00  }
0x8e: {  	[tilespmem:s16], [sflag:$0x8] =	stream.linear.gather [hbm4b:s11+s4], $0x80, $0x38;
	[tilespmem:$0x1C00] =	vst v63  }
0x8f: {  	_ =	swait.ge [sflag:s17], $0x80  }
0x90: {  	[sflag:s17] =	ssyncset.done $0x0  }
0x91: {  	[sflag:s17] =	ssyncadd.s32 $0xFFFFFF80  }
0x92: {  	[spmem:s3] =	stream.indirect.scatter.add.f32 [tilespmem:s9], [sflag:$0x1], $0x8, s4, s18, $0xb8;
	[tilespmem:$0x1C00] =	vst v63  }
0x93: {  	_ =	swait.ge [sflag:s19], $0x80  }
0x94: {  	[sflag:s19] =	ssyncset.done $0x0  }
0x95: {  	[sflag:s19] =	ssyncadd.s32 $0xFFFFFF80  }
0x96: {  	[spmem:s3] =	stream.indirect.scatter.add.f32 [tilespmem:s9], [sflag:$0x2], $0x8, s18, s18, $0xb8;
	[tilespmem:$0x1C00] =	vst v63  }
0x97: {  	_ =	swait.ge [sflag:s20], $0x80  }
0x98: {  	[sflag:s20] =	ssyncset.done $0x0  }
0x99: {  	[sflag:s20] =	ssyncadd.s32 $0xFFFFFF80  }
0x9a: {  	[spmem:s3] =	stream.indirect.scatter.add.f32 [tilespmem:s9], [sflag:$0x3], $0x8, s13, s18, $0xb8;
	[tilespmem:$0x1C00] =	vst v63  }
0x9b: {  	_ =	swait.ge [sflag:s21], $0x80  }
0x9c: {  	[sflag:s21] =	ssyncset.done $0x0  }
0x9d: {  	s30 =	rddreg [dreg:$0x4];
	[sflag:s21] =	ssyncadd.s32 $0xFFFFFF80  }
0x9e: {  	[spmem:s3] =	stream.indirect.scatter.add.f32 [tilespmem:s9], [sflag:$0x4], $0x8, s30, s18, $0xb8;
	[tilespmem:$0x1C00] =	vst v63  }
0x9f: {  	_ =	swait.ge [sflag:s22], $0x80  }
0xa0: {  	[sflag:s22] =	ssyncset.done $0x0  }
0xa1: {  	[sflag:s22] =	ssyncadd.s32 $0xFFFFFF80  }
0xa2: {  	[spmem:s3] =	stream.indirect.scatter.add.f32 [tilespmem:s9], [sflag:$0x5], $0x8, s14, s18, $0xb8;
	[tilespmem:$0x1C00] =	vst v63  }
0xa3: {  	_ =	swait.ge [sflag:s23], $0x80  }
0xa4: {  	[sflag:s23] =	ssyncset.done $0x0  }
0xa5: {  	s29 =	sadd.s32 $0x80, s29;
	s31 =	rddreg [dreg:$0x5];
	[sflag:s23] =	ssyncadd.s32 $0xFFFFFF80  }
0xa6: {  	[spmem:s3] =	stream.indirect.scatter.add.f32 [tilespmem:s9], [sflag:$0x6], $0x8, s31, s18, $0xb8;
	[tilespmem:$0x1C00] =	vst v63  }
0xa7: {  	p1 =	sne.s32 s29, $0x500;
	_ =	swait.ge [sflag:s24], $0x80  }
.Ltmp0:
0xa8: {  	[sflag:s24] =	ssyncset.done $0x0;
	(pc) =	sbr.rel @p1 .LBB2_2-.Ltmp0, $4  }
0xa9: {  	[sflag:s24] =	ssyncadd.s32 $0xFFFFFF80  }
0xaa: {  	[spmem:s3] =	stream.indirect.scatter.add.f32 [tilespmem:s9], [sflag:$0x7], $0x8, s15, s18, $0xb8;
	[tilespmem:$0x1C00] =	vst v63  }
0xab: {  	_ =	swait.ge [sflag:s25], $0x80  }
0xac: {  	p0 =	seq.s32 s28, $0x0;
	[sflag:s25] =	ssyncset.done $0x0  }
0xad: {  	s0 =	simm.s32 @!p0 $0x1;
	[sflag:s25] =	ssyncadd.s32 $0xFFFFFF80  }
0xae: {  	[spmem:s3] =	stream.indirect.scatter.add.f32 [tilespmem:s9], [sflag:$0x8], $0x8, s16, s18, $0xb8;
	[tilespmem:$0x1C00] =	vst v63  }
0xaf: {  	_ =	swait.ge @!p0 [sflag:s0], $0x400  }
0xb0: {  	s1 =	sadd.s32 s28, s8;
	s2 =	simm.s32 @!p0 $0x2;
	[sflag:s0] =	ssyncset.done @!p0 $0x0  }
0xb1: {  	s5 =	sadd.s32 @p0 s28, s8;
	s29 =	sadd.s32 $0xA000, s1;
	[sflag:s0] =	ssyncadd.s32 @!p0 $0xFFFFFC00  }
0xb2: {  	[tilespmem:s4], [sflag:$0x1] =	stream.linear.gather [hbm4b:s29+s4], $0x80, $0x38;
	[tilespmem:$0x1C00] =	vst v63  }
0xb3: {  	s6 =	simm.s32 @p0 $0x0;
	s7 =	simm.s32 @p0 $0x80;
	s0 =	sadd.s32 @p0 $0xA010, s5  }
0xb4: {  	[tilespmem:s7], [sflag:$0x2] =	stream.linear.gather @p0 [hbm4b:s0+s6], $0x80, $0x38;
	[tilespmem:$0x1C00] =	vst v63  }
0xb5: {  	_ =	swait.ge @!p0 [sflag:s2], $0x400  }
0xb6: {  	s11 =	simm.s32 @!p0 $0x0;
	s0 =	sadd.s32 @!p0 s28, s8;
	[sflag:s2] =	ssyncset.done @!p0 $0x0  }
0xb7: {  	s7 =	simm.s32 @!p0 $0x80;
	[sflag:s2] =	ssyncadd.s32 @!p0 $0xFFFFFC00;
	s2 =	sadd.s32 @!p0 $0xA010, s0  }
0xb8: {  	[tilespmem:s7], [sflag:$0x2] =	stream.linear.gather @!p0 [hbm4b:s2+s11], $0x80, $0x38;
	[tilespmem:$0x1C00] =	vst v63  }
0xb9: {  	s2 =	simm.s32 @!p0 $0x3  }
0xba: {  	_ =	swait.ge @!p0 [sflag:s2], $0x400  }
0xbb: {  	[sflag:s2] =	ssyncset.done @!p0 $0x0  }
0xbc: {  	s30 =	sadd.s32 $0xA020, s1;
	[sflag:s2] =	ssyncadd.s32 @!p0 $0xFFFFFC00  }
0xbd: {  	[tilespmem:s13], [sflag:$0x3] =	stream.linear.gather [hbm4b:s30+s4], $0x80, $0x38;
	[tilespmem:$0x1C00] =	vst v63  }
0xbe: {  	s7 =	simm.s32 @p0 $0x180;
	s2 =	sadd.s32 @p0 $0xA030, s5  }
0xbf: {  	[tilespmem:s7], [sflag:$0x4] =	stream.linear.gather @p0 [hbm4b:s2+s6], $0x80, $0x38;
	[tilespmem:$0x1C00] =	vst v63  }
0xc0: {  	s2 =	simm.s32 @!p0 $0x4  }
0xc1: {  	_ =	swait.ge @!p0 [sflag:s2], $0x400  }
0xc2: {  	[sflag:s2] =	ssyncset.done @!p0 $0x0  }
0xc3: {  	s7 =	sadd.s32 @!p0 $0xA030, s0;
	[sflag:s2] =	ssyncadd.s32 @!p0 $0xFFFFFC00;
	s2 =	simm.s32 @!p0 $0x180  }
0xc4: {  	[tilespmem:s2], [sflag:$0x4] =	stream.linear.gather @!p0 [hbm4b:s7+s11], $0x80, $0x38;
	[tilespmem:$0x1C00] =	vst v63  }
0xc5: {  	s2 =	simm.s32 @!p0 $0x5  }
0xc6: {  	_ =	swait.ge @!p0 [sflag:s2], $0x400  }
0xc7: {  	[sflag:s2] =	ssyncset.done @!p0 $0x0  }
0xc8: {  	s31 =	sadd.s32 $0xA040, s1;
	[sflag:s2] =	ssyncadd.s32 @!p0 $0xFFFFFC00  }
0xc9: {  	[tilespmem:s14], [sflag:$0x5] =	stream.linear.gather [hbm4b:s31+s4], $0x80, $0x38;
	[tilespmem:$0x1C00] =	vst v63  }
0xca: {  	s2 =	sadd.s32 @p0 $0xA050, s5;
	s5 =	simm.s32 @p0 $0x280  }
0xcb: {  	[tilespmem:s5], [sflag:$0x6] =	stream.linear.gather @p0 [hbm4b:s2+s6], $0x80, $0x38;
	[tilespmem:$0x1C00] =	vst v63  }
0xcc: {  	s2 =	simm.s32 @!p0 $0x6  }
0xcd: {  	_ =	swait.ge @!p0 [sflag:s2], $0x400  }
0xce: {  	[sflag:s2] =	ssyncset.done @!p0 $0x0  }
0xcf: {  	s0 =	sadd.s32 @!p0 $0xA050, s0;
	[sflag:s2] =	ssyncadd.s32 @!p0 $0xFFFFFC00;
	s2 =	simm.s32 @!p0 $0x280  }
0xd0: {  	[tilespmem:s2], [sflag:$0x6] =	stream.linear.gather @!p0 [hbm4b:s0+s11], $0x80, $0x38;
	[tilespmem:$0x1C00] =	vst v63  }
0xd1: {  	s0 =	simm.s32 @!p0 $0x7  }
0xd2: {  	_ =	swait.ge @!p0 [sflag:s0], $0x400  }
0xd3: {  	[sflag:s0] =	ssyncset.done @!p0 $0x0  }
0xd4: {  	s7 =	sadd.s32 $0xA060, s1;
	[sflag:s0] =	ssyncadd.s32 @!p0 $0xFFFFFC00;
	s0 =	simm.s32 @!p0 $0x8  }
0xd5: {  	[tilespmem:s15], [sflag:$0x7] =	stream.linear.gather [hbm4b:s7+s4], $0x80, $0x38;
	[tilespmem:$0x1C00] =	vst v63  }
0xd6: {  	_ =	swait.ge @!p0 [sflag:s0], $0x400  }
0xd7: {  	[sflag:s0] =	ssyncset.done @!p0 $0x0  }
0xd8: {  	s11 =	sadd.s32 $0xA070, s1;
	[sflag:s0] =	ssyncadd.s32 @!p0 $0xFFFFFC00  }
0xd9: {  	[tilespmem:s16], [sflag:$0x8] =	stream.linear.gather [hbm4b:s11+s4], $0x80, $0x38;
	[tilespmem:$0x1C00] =	vst v63  }
0xda: {  	_ =	swait.ge [sflag:s17], $0x80  }
0xdb: {  	[sflag:s17] =	ssyncset.done $0x0  }
0xdc: {  	[sflag:s17] =	ssyncadd.s32 $0xFFFFFF80  }
0xdd: {  	[spmem:s3] =	stream.indirect.scatter.add.f32 [tilespmem:s9], [sflag:$0x1], $0x8, s4, s18, $0xb8;
	[tilespmem:$0x1C00] =	vst v63  }
0xde: {  	_ =	swait.ge [sflag:s19], $0x80  }
0xdf: {  	[sflag:s19] =	ssyncset.done $0x0  }
0xe0: {  	[sflag:s19] =	ssyncadd.s32 $0xFFFFFF80  }
0xe1: {  	[spmem:s3] =	stream.indirect.scatter.add.f32 [tilespmem:s9], [sflag:$0x2], $0x8, s18, s18, $0xb8;
	[tilespmem:$0x1C00] =	vst v63  }
0xe2: {  	_ =	swait.ge [sflag:s20], $0x80  }
0xe3: {  	[sflag:s20] =	ssyncset.done $0x0  }
0xe4: {  	[sflag:s20] =	ssyncadd.s32 $0xFFFFFF80  }
0xe5: {  	[spmem:s3] =	stream.indirect.scatter.add.f32 [tilespmem:s9], [sflag:$0x3], $0x8, s13, s18, $0xb8;
	[tilespmem:$0x1C00] =	vst v63  }
0xe6: {  	_ =	swait.ge [sflag:s21], $0x80  }
0xe7: {  	[sflag:s21] =	ssyncset.done $0x0  }
0xe8: {  	s28 =	rddreg [dreg:$0x4];
	[sflag:s21] =	ssyncadd.s32 $0xFFFFFF80  }
0xe9: {  	[spmem:s3] =	stream.indirect.scatter.add.f32 [tilespmem:s9], [sflag:$0x4], $0x8, s28, s18, $0xb8;
	[tilespmem:$0x1C00] =	vst v63  }
0xea: {  	_ =	swait.ge [sflag:s22], $0x80  }
0xeb: {  	[sflag:s22] =	ssyncset.done $0x0  }
0xec: {  	[sflag:s22] =	ssyncadd.s32 $0xFFFFFF80  }
0xed: {  	[spmem:s3] =	stream.indirect.scatter.add.f32 [tilespmem:s9], [sflag:$0x5], $0x8, s14, s18, $0xb8;
	[tilespmem:$0x1C00] =	vst v63  }
0xee: {  	_ =	swait.ge [sflag:s23], $0x80  }
0xef: {  	[sflag:s23] =	ssyncset.done $0x0  }
0xf0: {  	s29 =	rddreg [dreg:$0x5];
	[sflag:s23] =	ssyncadd.s32 $0xFFFFFF80  }
0xf1: {  	[spmem:s3] =	stream.indirect.scatter.add.f32 [tilespmem:s9], [sflag:$0x6], $0x8, s29, s18, $0xb8;
	[tilespmem:$0x1C00] =	vst v63  }
0xf2: {  	_ =	swait.ge [sflag:s24], $0x80  }
0xf3: {  	[sflag:s24] =	ssyncset.done $0x0  }
0xf4: {  	[sflag:s24] =	ssyncadd.s32 $0xFFFFFF80  }
0xf5: {  	[spmem:s3] =	stream.indirect.scatter.add.f32 [tilespmem:s9], [sflag:$0x7], $0x8, s15, s18, $0xb8;
	[tilespmem:$0x1C00] =	vst v63  }
0xf6: {  	_ =	swait.ge [sflag:s25], $0x80  }
0xf7: {  	[sflag:s25] =	ssyncset.done $0x0  }
0xf8: {  	[sflag:s25] =	ssyncadd.s32 $0xFFFFFF80  }
0xf9: {  	[spmem:s3] =	stream.indirect.scatter.add.f32 [tilespmem:s9], [sflag:$0x8], $0x8, s16, s18, $0xb8;
	[tilespmem:$0x1C00] =	vst v63  }
0xfa: {  	_ =	swait.ge [sflag:s17], $0x400  }
0xfb: {  	[sflag:s17] =	ssyncset.done $0x0  }
0xfc: {  	[sflag:s17] =	ssyncadd.s32 $0xFFFFFC00  }
0xfd: {  	_ =	swait.ge [sflag:s19], $0x400  }
0xfe: {  	[sflag:s19] =	ssyncset.done $0x0  }
0xff: {  	[sflag:s19] =	ssyncadd.s32 $0xFFFFFC00  }
0x100: {  	_ =	swait.ge [sflag:s20], $0x400  }
0x101: {  	[sflag:s20] =	ssyncset.done $0x0  }
0x102: {  	[sflag:s20] =	ssyncadd.s32 $0xFFFFFC00  }
0x103: {  	_ =	swait.ge [sflag:s21], $0x400  }
0x104: {  	[sflag:s21] =	ssyncset.done $0x0  }
0x105: {  	[sflag:s21] =	ssyncadd.s32 $0xFFFFFC00  }
0x106: {  	_ =	swait.ge [sflag:s22], $0x400  }
0x107: {  	[sflag:s22] =	ssyncset.done $0x0  }
0x108: {  	[sflag:s22] =	ssyncadd.s32 $0xFFFFFC00  }
0x109: {  	_ =	swait.ge [sflag:s23], $0x400  }
0x10a: {  	[sflag:s23] =	ssyncset.done $0x0  }
0x10b: {  	[sflag:s23] =	ssyncadd.s32 $0xFFFFFC00  }
0x10c: {  	_ =	swait.ge [sflag:s24], $0x400  }
0x10d: {  	[sflag:s24] =	ssyncset.done $0x0  }
0x10e: {  	[sflag:s24] =	ssyncadd.s32 $0xFFFFFC00  }
0x10f: {  	_ =	swait.ge [sflag:s25], $0x400  }
0x110: {  	[sflag:s25] =	ssyncset.done $0x0  }
0x111: {  	[sflag:s25] =	ssyncadd.s32 $0xFFFFFC00  }
0x112: {  	[bflag:$0x0] =	sbarrier.arrive $0xFFFF  }
0x113: {  	s30 =	rddreg [dreg:$0x7]  }
0x114: {  	s2 =	rddreg [dreg:$0x9]  }
0x115: {  	[hbm:s30], [sflag:s12] =	dma.local [spmem:s2], $0x280  }
0x116: {  	_ =	swait.ge [sflag:s10], $0x280  }
0x117: {  	s26 =	sadd.s32 $0x1, s26;
	s31 =	rddreg [dreg:$0x8]  }
0x118: {  	p0 =	sne.s32 s26, s31  }
.Ltmp1:
0x119: {  	_ = 	snop;
	(pc) =	sbr.rel @p0 .LBB2_1-.Ltmp1, $3  }
0x11a: {  	_ =	sdelay $0x1  }
0x11b: {  	[sflag:s10] =	ssyncset.done $0x0  }
0x11c: {  	s1 =	smov.u32 s12;
	[sflag:s10] =	ssyncadd.s32 $0xFFFFFD80  }
0x11d: {  	_ =	sfence.sel $0x180000  }
0x11e: {  	[bflag:$0x0] =	sbarrier.arrive $0xFFFF  }
0x11f: {  	_ =	strace $0x90000047  }
0x120: {  	s0 =	stileid.u32;
	[bflag:$0x2] =	sbarrier.arrive $0xFFFF  }
0x121: {  	p0 =	sne.s32 s0, $0x0;
	s0 =	rddreg [dreg:$0x3]  }
0x122: {  	s0 =	sadd.s32 @!p0 $0x100000, s0  }
0x123: {  	[sflag:s0] =	ssyncadd.tile.s32 @!p0 $0x1;
	_ =	shalt  }
.Lfunc_end2:
_tile_overlayer_lowered:
.L_overlay_start_2:
0x124: {  	(tag) =	ssettag $0x2  }
0x125: {  	s0 =	rddreg [dreg:$0x0];
	s2 =	stileid.u32  }
0x126: {  	s1 =	rddreg [dreg:$0x1];
	p0 =	sne.s32 s2, $0x0  }
0x127: {  	s3 =	rddreg [dreg:$0x2];
	[bflag:$0x3] =	sbarrier.arrive $0xFFFF;
	s2 =	simm.s32 @!p0 $0x1C09  }
0x128: {  	[timem:s3], [sflag:s2] =	dma.local @!p0 [hbm:s0], s1  }
0x129: {  	s0 =	simm.s32 @!p0 $0x9  }
0x12a: {  	_ =	swait.ge @!p0 [sflag:s0], s1  }
0x12b: {  	s1 =	ssub.s32 @!p0 $0x0, s1;
	[sflag:s0] =	ssyncset.done @!p0 $0x0  }
0x12c: {  	[sflag:s0] =	ssyncadd.s32 @!p0 s1  }
0x12d: {  	[bflag:$0x3] =	sbarrier.arrive $0xFFFF  }
0x12e: {  	_ =	shalt  }

// kernel: kernel.14.cloned.1.call-start
scs
__scs_entry_jumppad:
0x0: {  	(pc) =	sbr.rel $0x88, $3  }
0x1: {  	(tag) =	ssettag $0x0;
	lr =	simm.s32 $0x1  }
0x2: {  	[smem:$0x3F97] =	sst lr;
	_ =	strace $0xD0000000  }
0x3: {  	_ = 	snop  }
0x4: {  	_ = 	snop  }
0x5: {  	_ = 	snop  }
0x6: {  	_ = 	snop  }
0x7: {  	_ = 	snop  }
__scs_overlays_trampoline_lowered:
0x8: {  	[smem:$0x3FA6] =	sst s0  }
0x9: {  	[smem:$0x3FA7] =	sst s1  }
0xa: {  	[smem:$0x3FA8] =	sst s2  }
0xb: {  	[smem:$0x3FA9] =	sst s3  }
0xc: {  	[smem:$0x3FAA] =	sst s4  }
0xd: {  	[smem:$0x3FAB] =	sst s5  }
0xe: {  	[smem:$0x3FAC] =	sst s6  }
0xf: {  	[smem:$0x3FAD] =	sst s7  }
0x10: {  	[smem:$0x3FAE] =	sst s8  }
0x11: {  	[smem:$0x3FAF] =	sst s9;
	s0 =	simm.s32 @!p0 $0x0  }
0x12: {  	s1 =	sld [smem:$0x3F95];
	s0 =	simm.s32 @p0 $0x1  }
0x13: {  	[smem:$0x3FB0] =	sst s0;
	s0 =	simm.s32 @!p1 $0x0  }
0x14: {  	s2 =	sld [smem:$0x3F94];
	s0 =	simm.s32 @p1 $0x1  }
0x15: {  	[smem:$0x3FB1] =	sst s0;
	s0 =	simm.s32 @!p2 $0x0  }
0x16: {  	s3 =	sld [smem:$0x3FDB];
	s0 =	simm.s32 @p2 $0x1  }
0x17: {  	s4 =	simm.s32 $0x1BF5;
	[smem:$0x3FB3] =	sst s0  }
0x18: {  	s0 =	sld [smem:$0x3F96];
	_ =	swait.ge [sflag:s4], $0x0  }
0x19: {  	s7 =	sld [smem:$0x3F97]  }
0x1a: {  	s8 =	sadd.s32 $0xFFFFE003, lr  }
0x1b: {  	s9 =	sadd.s32 $0xFFFFFEF7, lr;
	s5 =	simm.s32 $0xFFFFFFFF;
	p2 =	slt.u32 s8, $0xFFFFF086  }
0x1c: {  	p1 =	slt.u32 s9, $0xF7A;
	s5 =	simm.s32 @!p2 $0x0  }
0x1d: {  	s5 =	simm.s32 @p1 $0x1;
	p0 =	seq.s32 s7, s2  }
0x1e: {  	s7 =	smul.u32 @!p0 $0xF7A, s2;
	p2 =	seq.s32 @!p0 s5, $0x0  }
0x1f: {  	s9 =	smul.u32 $0xF7A, s1;
	s8 =	simm.s32 @!p0 $0x1BF5;
	p2 =	por !p2, p0  }
0x20: {  	[sflag:s8] =	ssyncset.s32 @!p0 $0xFFFFF086;
	s6 =	sadd.s32 @!p0 s3, s7;
	s7 =	simm.s32 @!p0 $0x108  }
0x21: {  	s3 =	sadd.s32 s3, s9;
	s6 =	sadd.s32 @!p0 $0x88, s6;
	s7 =	simm.s32 @p2 $0x1082  }
0x22: {  	[simem:s7], [sflag:s8] =	dma.local @!p0 [hbm:s6], $0xF7A  }
0x23: {  	s9 =	sor.u32 $0xD0000000, s2;
	s6 =	simm.s32 $0x108;
	_ =	swait.ge @!p0 [sflag:s8], $0x0  }
0x24: {  	s3 =	sadd.s32 $0x88, s3;
	s6 =	simm.s32 @!p1 $0x1082;
	[sflag:s4] =	ssyncset.s32 $0xFFFFF086  }
0x25: {  	[simem:s6], [sflag:s4] =	dma.local [hbm:s3], $0xF7A  }
0x26: {  	[smem:$0x3F97] =	sst s1;
	(tag) =	ssettag s2;
	_ =	strace s9  }
0x27: {  	s1 =	sld [smem:$0x3FA7]  }
0x28: {  	s2 =	sld [smem:$0x3FA8]  }
0x29: {  	s4 =	sld [smem:$0x3FAA]  }
0x2a: {  	p0 =	seq.s32 s5, $0x0;
	s5 =	sld [smem:$0x3FAB]  }
0x2b: {  	s6 =	sld [smem:$0x3FAC]  }
0x2c: {  	s7 =	sld [smem:$0x3FAD]  }
0x2d: {  	s3 =	simm.s32 $0x108;
	s8 =	sld [smem:$0x3FAE]  }
0x2e: {  	s3 =	simm.s32 @!p0 $0x1082;
	s9 =	sld [smem:$0x3FAF]  }
0x2f: {  	lr =	sadd.s32 s0, s3;
	s0 =	sld [smem:$0x3FA6]  }
0x30: {  	s3 =	sld [smem:$0x3FA9]  }
0x31: {  	[smem:$0x3FB2] =	sst s10  }
0x32: {  	s10 =	sld [smem:$0x3FB0];
	_ =	sdelay $0x3  }
0x33: {  	p0 =	seq.s32 s10, $0x1;
	s10 =	sld [smem:$0x3FB2];
	_ =	sdelay $0x3  }
0x34: {  	[smem:$0x3FB2] =	sst s10  }
0x35: {  	s10 =	sld [smem:$0x3FB1];
	_ =	sdelay $0x3  }
0x36: {  	p1 =	seq.s32 s10, $0x1;
	s10 =	sld [smem:$0x3FB2];
	_ =	sdelay $0x3  }
0x37: {  	[smem:$0x3FB2] =	sst s10  }
0x38: {  	s10 =	sld [smem:$0x3FB3]  }
0x39: {  	_ = 	snop;
	(pc) =	sbr.ind lr, $3  }
0x3a: {  	_ = 	snop  }
0x3b: {  	_ = 	snop  }
0x3c: {  	p2 =	seq.s32 s10, $0x1;
	s10 =	sld [smem:$0x3FB2]  }
0x3d: {  	_ =	shalt  }
0x3e: {  	_ =	shalt  }
0x3f: {  	_ =	shalt  }
0x40: {  	_ =	shalt  }
0x41: {  	_ =	shalt  }
0x42: {  	_ =	shalt  }
0x43: {  	_ =	shalt  }
0x44: {  	_ =	shalt  }
0x45: {  	_ =	shalt  }
0x46: {  	_ =	shalt  }
0x47: {  	_ =	shalt  }
0x48: {  	_ =	shalt  }
0x49: {  	_ =	shalt  }
0x4a: {  	_ =	shalt  }
0x4b: {  	_ =	shalt  }
0x4c: {  	_ =	shalt  }
0x4d: {  	_ =	shalt  }
0x4e: {  	_ =	shalt  }
0x4f: {  	_ =	shalt  }
0x50: {  	_ =	shalt  }
0x51: {  	_ =	shalt  }
0x52: {  	_ =	shalt  }
0x53: {  	_ =	shalt  }
0x54: {  	_ =	shalt  }
0x55: {  	_ =	shalt  }
0x56: {  	_ =	shalt  }
0x57: {  	_ =	shalt  }
0x58: {  	_ =	shalt  }
0x59: {  	_ =	shalt  }
0x5a: {  	_ =	shalt  }
0x5b: {  	_ =	shalt  }
0x5c: {  	_ =	shalt  }
0x5d: {  	_ =	shalt  }
0x5e: {  	_ =	shalt  }
0x5f: {  	_ =	shalt  }
0x60: {  	_ =	shalt  }
0x61: {  	_ =	shalt  }
0x62: {  	_ =	shalt  }
0x63: {  	_ =	shalt  }
0x64: {  	_ =	shalt  }
0x65: {  	_ =	shalt  }
0x66: {  	_ =	shalt  }
0x67: {  	_ =	shalt  }
0x68: {  	_ =	shalt  }
0x69: {  	_ =	shalt  }
0x6a: {  	_ =	shalt  }
0x6b: {  	_ =	shalt  }
0x6c: {  	_ =	shalt  }
0x6d: {  	_ =	shalt  }
0x6e: {  	_ =	shalt  }
0x6f: {  	_ =	shalt  }
0x70: {  	_ =	shalt  }
0x71: {  	_ =	shalt  }
0x72: {  	_ =	shalt  }
0x73: {  	_ =	shalt  }
0x74: {  	_ =	shalt  }
0x75: {  	_ =	shalt  }
0x76: {  	_ =	shalt  }
0x77: {  	_ =	shalt  }
0x78: {  	_ =	shalt  }
0x79: {  	_ =	shalt  }
0x7a: {  	_ =	shalt  }
0x7b: {  	_ =	shalt  }
0x7c: {  	_ =	shalt  }
0x7d: {  	_ =	shalt  }
0x7e: {  	_ =	shalt  }
0x7f: {  	_ =	shalt  }
0x80: {  	_ =	shalt  }
0x81: {  	_ =	shalt  }
0x82: {  	_ =	shalt  }
0x83: {  	_ =	shalt  }
0x84: {  	_ =	shalt  }
0x85: {  	_ =	shalt  }
0x86: {  	_ =	shalt  }
0x87: {  	_ =	shalt  }
.Lfunc_end0:
.L_simem_size_0:
called_computation.1_lowered:
.L_overlay_start_0:
0x88: {  	s2 =	sld [smem:$0x3FD9]  }
0x89: {  	s3 =	sld [smem:$0x3FFE];
	_ =	sdelay $0x1  }
0x8a: {  	s1 =	srdreg.scid  }
0x8b: {  	s0 =	sand.u32 $0x1, s1  }
0x8c: {  	s16 =	sshll.u32 s0, $0xA;
	s2 =	sadd.s32 s3, s2  }
0x8d: {  	s2 =	sadd.s32 s2, s16  }
0x8e: {  	[smem:$0x3FBE] =	sst s2  }
0x8f: {  	_ = 	snop  }
0x90: {  	(tm) =	ssettm $0x1  }
0x91: {  	s17 =	sld [smem:$0x3FFB];
	_ =	sdelay $0x3  }
0x92: {  	_ =	strace s17  }
0x93: {  	s2 =	sld [smem:$0x3FFC];
	_ =	sdelay $0x3  }
0x94: {  	_ =	strace s2  }
0x95: {  	s2 =	sld [smem:$0x3FFD];
	_ =	sdelay $0x3  }
0x96: {  	_ =	strace s2  }
0x97: {  	_ =	strace $0x8FFFFFFF  }
0x98: {  	s18 =	sld [smem:$0x3FDB];
	_ =	sdelay $0x1  }
0x99: {  	s19 =	simm.s32 $_scs_section_size  }
0x9a: {  	s4 =	simm.s32 $_size__tile_overlayer_lowered;
	s5 =	simm.s32 $_tile_overlayer_lowered  }
0x9b: {  	s22 =	simm.s32 $0x1BFF;
	s21 =	sshll.u32 s5, $0x1;
	s2 =	sadd.s32 s19, s18  }
0x9c: {  	s6 =	simm.s32 $0x0;
	s20 =	sshll.u32 s4, $0x1;
	s4 =	sadd.s32 s21, s2  }
0x9d: {  	[timem:s6], [sflag:s22] =	dma.local [hbm:s4], s20  }
0x9e: {  	_ =	swait.ge [sflag:s22], s20  }
0x9f: {  	s3 =	ssub.s32 $0x0, s20;
	[sflag:s22] =	ssyncset.done $0x0  }
0xa0: {  	[sflag:s22] =	ssyncadd.s32 s3;
	_ =	sdelay $0x1  }
0xa1: {  	s23 =	simm.s32 $0x1B8B  }
0xa2: {  	_ =	swait.ge [sflag:s23], $0x1  }
0xa3: {  	[sflag:s23] =	ssyncset.done $0x0  }
0xa4: {  	s25 =	simm.s32 $0x1B8E;
	s24 =	sld [smem:$0x3FFE];
	[sflag:s23] =	ssyncadd.s32 $0xFFFFFFFF  }
0xa5: {  	s26 =	simm.s32 $execute0_lowered;
	[smem:$0x3FD2] =	sst s25  }
0xa6: {  	s4 =	sshll.u32 s26, $0x1;
	_ =	strace $0x80000049;
	[dreg:$0x1] =	wrdreg $0xFFFFFFFF  }
0xa7: {  	s28 =	simm.s32 $_size_execute0_lowered;
	s2 =	sadd.s32 s2, s4;
	[dreg:$0x0] =	wrdreg $0x0  }
0xa8: {  	s4 =	sshll.u32 s28, $0x1;
	[dreg:$0x2] =	wrdreg s2  }
0xa9: {  	[dreg:$0x3] =	wrdreg s4  }
0xaa: {  	[dreg:$0x4] =	wrdreg $0xC0  }
0xab: {  	_ =	task [dreg:s6], $0x5FFFF  }
0xac: {  	[dreg:$0x1] =	wrdreg $0xFFFFFFFF  }
0xad: {  	[dreg:$0x0] =	wrdreg $0x60  }
0xae: {  	[dreg:$0x2] =	wrdreg s24  }
0xaf: {  	[dreg:$0x3] =	wrdreg $0x28000  }
0xb0: {  	[dreg:$0x4] =	wrdreg $0x9  }
0xb1: {  	_ =	task.clear_ibuf [dreg:s6], $0x5FFFF;
	_ =	strace $0x90000049  }
0xb2: {  	s29 =	simm.s32 $0x9;
	_ =	strace $0x8000004B  }
0xb3: {  	_ =	swait.ge [sflag:s29], $0x1  }
0xb4: {  	[sflag:s29] =	ssyncadd.s32 $0xFFFFFFFF  }
0xb5: {  	_ =	strace $0x9000004B  }
0xb6: {  	_ =	sfence  }
0xb7: {  	s30 =	sld [smem:$0x0];
	_ =	sdelay $0x2  }
0xb8: {  	s31 =	sshll.u32 s1, $0xD;
	s1 =	sshrl.u32 s1, $0x2  }
0xb9: {  	s3 =	sand.u32 $0x4000, s31;
	s1 =	sadd.s32 s1, s30  }
0xba: {  	s0 =	sor.u32 s3, s0;
	s1 =	sshll.u32 s1, $0x11  }
0xbb: {  	s0 =	sor.u32 s1, s0  }
0xbc: {  	s0 =	sadd.s32 $0x8F2B, s0  }
0xbd: {  	[sflag:s0] =	ssyncadd.remote.s32 $0x1  }
0xbe: {  	_ =	sfence.sel $0xFFFF  }
0xbf: {  	[dreg:$0x0] =	wrdreg $0xFFFFFFFF;
	(pc) =	sbr.abs _section_cstart, $3  }
0xc0: {  	[dreg:$0x1] =	wrdreg $0xFFFFFFFF  }
0xc1: {  	_ =	task.clear_ibuf [dreg:s6], $0x2FFFF;
	_ =	strace $0x9FFFFFFF  }
0xc2: {  	(tm) =	ssettm $0x7FFFFFFF  }
0xc3: {  	_ =	shalt  }
tec
execute0_lowered:
.L_overlay_start_1:
0x0: {  	(tag) =	ssettag $0x1  }
0x1: {  	s0 =	rddreg [dreg:$0x0]  }
0x2: {  	s2 =	rddreg [dreg:$0x1]  }
0x3: {  	s1 =	simm.s32 $0x0;
	s11 =	stileid.u32;
	s9 =	srdreg.scid  }
0x4: {  	s18 =	simm.s32 $0x100;
	s19 =	simm.s32 $0x300;
	s20 =	simm.s32 $0x500  }
0x5: {  	s21 =	simm.s32 $0x180;
	s22 =	simm.s32 $0x280;
	s23 =	simm.s32 $0x380  }
0x6: {  	s24 =	simm.s32 $0x480;
	s25 =	simm.s32 $0x580;
	[smem:$0x7FF] =	sst s1  }
0x7: {  	s26 =	simm.s32 $0x680;
	_ =	strace $0x8000004A;
	[dreg:$0x6] =	wrdreg s18  }
0x8: {  	s28 =	simm.s32 $0x780;
	s29 =	simm.s32 $0x6;
	[dreg:$0x7] =	wrdreg s19  }
0x9: {  	s31 =	simm.s32 $0x7;
	s30 =	simm.s32 $0x0;
	[dreg:$0x8] =	wrdreg s20  }
0xa: {  	s3 =	smul.u32 $0x1400, s11;
	s1 =	sand.u32 $0x1, s9;
	[dreg:$0x9] =	wrdreg s21  }
0xb: {  	s5 =	sadd.s32 $0x2E00, s0;
	s4 =	sadd.s32 $0x19600, s0;
	[dreg:$0xa] =	wrdreg s22  }
0xc: {  	s13 =	sshll.u32 s11, $0x6;
	s15 =	smul.u32 $0x500, s11;
	[dreg:$0xb] =	wrdreg s23  }
0xd: {  	s6 =	smul.u32 $0x14000, s1;
	s7 =	sshll.u32 s1, $0x4;
	[dreg:$0xc] =	wrdreg s24  }
0xe: {  	s9 =	ssub.s32 $0x2, s1;
	s1 =	smul.u32 $0x5000, s1;
	[dreg:$0xd] =	wrdreg s25  }
0xf: {  	s18 =	simm.s32 $0x1;
	s20 =	simm.s32 $0x2;
	[dreg:$0xe] =	wrdreg s26  }
0x10: {  	s22 =	simm.s32 $0x3;
	s24 =	simm.s32 $0x4;
	[dreg:$0xf] =	wrdreg s28  }
0x11: {  	s8 =	sshrl.u32 s3, $0x3;
	s7 =	sor.u32 s11, s7;
	s10 =	sshrl.u32 s9, $0x1  }
0x12: {  	s6 =	sadd.s32 s3, s6;
	s7 =	smul.u32 $0x500, s7;
	s8 =	sadd.s32 s8, s0  }
0x13: {  	s10 =	ssub.s32 s9, s10;
	s3 =	sadd.s32 s3, s2;
	s8 =	sadd.s32 $0x16E00, s8  }
0x14: {  	s6 =	sshrl.u32 s6, $0x3;
	s16 =	smax.u32 s10, $0x1;
	[dreg:$0x10] =	wrdreg s8  }
0x15: {  	s0 =	sadd.s32 s6, s0;
	s8 =	sor.u32 $0x1C11, s13;
	[dreg:$0x13] =	wrdreg s16  }
0x16: {  	s7 =	sadd.s32 s7, s5;
	s6 =	sshrl.u32 s3, $0x3;
	[dreg:$0x11] =	wrdreg s8  }
0x17: {  	s26 =	simm.s32 $0x5;
	s12 =	sadd.s32 $0x10, s7;
	[dreg:$0x14] =	wrdreg s6  }
0x18: {  	s17 =	sadd.s32 s1, s5;
	s14 =	sadd.s32 $0x30, s7;
	[dreg:$0x3] =	wrdreg s12  }
0x19: {  	s1 =	simm.s32 $0x8;
	s7 =	sadd.s32 $0x50, s7;
	[dreg:$0x4] =	wrdreg s14  }
0x1a: {  	s9 =	sadd.s32 s15, s17;
	s0 =	sadd.s32 $0x1BE00, s0;
	[dreg:$0x5] =	wrdreg s7  }
0x1b: {  	s13 =	simm.s32 $0x50000;
	s5 =	simm.s32 $0x2400;
	[dreg:$0x12] =	wrdreg s0  }
0x1c: {  	s7 =	simm.s32 $0x11;
	s12 =	simm.s32 $0x80;
	s0 =	simm.s32 $0x0  }
.LBB2_1:
0x1d: {  	[dreg:$0x15] =	wrdreg s0  }
0x1e: {  	s3 =	rddreg [dreg:$0x10]  }
0x1f: {  	[spmem:s6], [sflag:s8] =	dma.local [hbm:s3], $0x280  }
0x20: {  	_ =	swait.ge [sflag:s7], $0x280  }
0x21: {  	p1 =	por $0x1, $0x1;
	[sflag:s7] =	ssyncset.done $0x0  }
0x22: {  	p0 =	por p1, p1;
	[sflag:s7] =	ssyncadd.s32 $0xFFFFFD80  }
0x23: {  	s3 =	simm.s32 @!p0 $0x9;
	[bflag:$0x0] =	sbarrier.arrive $0xFFFF  }
0x24: {  	_ =	swait.ge @!p0 [sflag:s3], $0x400  }
0x25: {  	s21 =	sadd.s32 $0x0, s9;
	s15 =	simm.s32 $0x0;
	[sflag:s3] =	ssyncset.done @!p0 $0x0  }
0x26: {  	s6 =	simm.s32 @!p0 $0xA;
	s17 =	simm.s32 @p0 $0x80;
	[sflag:s3] =	ssyncadd.s32 @!p0 $0xFFFFFC00  }
0x27: {  	[tilespmem:s15], [sflag:$0x1] =	stream.strided.gather [hbm4b:s21+s12], $0x100, s13, s12, $0x38;
	[tilespmem:$0x3C00] =	vst v63  }
0x28: {  	s10 =	simm.s32 @p0 $0x50000;
	s11 =	simm.s32 @p0 $0x100;
	s7 =	rddreg [dreg:$0x3]  }
0x29: {  	[tilespmem:s11], [sflag:$0x2] =	stream.strided.gather @p0 [hbm4b:s7+s17], $0x100, s10, s17, $0x38;
	[tilespmem:$0x3C00] =	vst v63  }
0x2a: {  	s14 =	simm.s32 @!p0 $0x100;
	_ =	swait.ge @!p0 [sflag:s6], $0x400  }
0x2b: {  	s8 =	simm.s32 @!p0 $0x80;
	s7 =	sadd.s32 @!p1 $0x0, s9;
	[sflag:s6] =	ssyncset.done @!p0 $0x0  }
0x2c: {  	s11 =	sadd.s32 @!p1 $0x10, s7;
	[sflag:s6] =	ssyncadd.s32 @!p0 $0xFFFFFC00;
	s6 =	simm.s32 @!p0 $0x50000  }
0x2d: {  	[tilespmem:s14], [sflag:$0x2] =	stream.strided.gather @!p0 [hbm4b:s11+s8], $0x100, s6, s8, $0x38;
	[tilespmem:$0x3C00] =	vst v63  }
0x2e: {  	s11 =	simm.s32 @!p0 $0xB  }
0x2f: {  	_ =	swait.ge @!p0 [sflag:s11], $0x400  }
0x30: {  	[sflag:s11] =	ssyncset.done @!p0 $0x0  }
0x31: {  	s25 =	simm.s32 $0x200;
	s23 =	sadd.s32 $0x20, s21;
	[sflag:s11] =	ssyncadd.s32 @!p0 $0xFFFFFC00  }
0x32: {  	[tilespmem:s25], [sflag:$0x3] =	stream.strided.gather [hbm4b:s23+s12], $0x100, s13, s12, $0x38;
	[tilespmem:$0x3C00] =	vst v63  }
0x33: {  	s14 =	rddreg [dreg:$0x4];
	s11 =	simm.s32 @p0 $0x300  }
0x34: {  	[tilespmem:s11], [sflag:$0x4] =	stream.strided.gather @p0 [hbm4b:s14+s17], $0x100, s10, s17, $0x38;
	[tilespmem:$0x3C00] =	vst v63  }
0x35: {  	s11 =	simm.s32 @!p0 $0xC  }
0x36: {  	_ =	swait.ge @!p0 [sflag:s11], $0x400  }
0x37: {  	[sflag:s11] =	ssyncset.done @!p0 $0x0  }
0x38: {  	s14 =	sadd.s32 @!p1 $0x30, s7;
	[sflag:s11] =	ssyncadd.s32 @!p0 $0xFFFFFC00;
	s11 =	simm.s32 @!p0 $0x300  }
0x39: {  	[tilespmem:s11], [sflag:$0x4] =	stream.strided.gather @!p0 [hbm4b:s14+s8], $0x100, s6, s8, $0x38;
	[tilespmem:$0x3C00] =	vst v63  }
0x3a: {  	s11 =	simm.s32 @!p0 $0xD  }
0x3b: {  	_ =	swait.ge @!p0 [sflag:s11], $0x400  }
0x3c: {  	[sflag:s11] =	ssyncset.done @!p0 $0x0  }
0x3d: {  	s16 =	simm.s32 $0x400;
	s28 =	sadd.s32 $0x40, s21;
	[sflag:s11] =	ssyncadd.s32 @!p0 $0xFFFFFC00  }
0x3e: {  	[tilespmem:s16], [sflag:$0x5] =	stream.strided.gather [hbm4b:s28+s12], $0x100, s13, s12, $0x38;
	[tilespmem:$0x3C00] =	vst v63  }
0x3f: {  	s14 =	rddreg [dreg:$0x5];
	s11 =	simm.s32 @p0 $0x500  }
0x40: {  	[tilespmem:s11], [sflag:$0x6] =	stream.strided.gather @p0 [hbm4b:s14+s17], $0x100, s10, s17, $0x38;
	[tilespmem:$0x3C00] =	vst v63  }
0x41: {  	s10 =	simm.s32 @!p0 $0xE  }
0x42: {  	_ =	swait.ge @!p0 [sflag:s10], $0x400  }
0x43: {  	s7 =	sadd.s32 @!p1 $0x50, s7;
	[sflag:s10] =	ssyncset.done @!p0 $0x0  }
0x44: {  	s11 =	simm.s32 @!p0 $0xF;
	[sflag:s10] =	ssyncadd.s32 @!p0 $0xFFFFFC00;
	s10 =	simm.s32 @!p0 $0x500  }
0x45: {  	[tilespmem:s10], [sflag:$0x6] =	stream.strided.gather @!p0 [hbm4b:s7+s8], $0x100, s6, s8, $0x38;
	[tilespmem:$0x3C00] =	vst v63  }
0x46: {  	_ =	swait.ge @!p0 [sflag:s11], $0x400  }
0x47: {  	s8 =	sadd.s32 $0x60, s21;
	[sflag:s11] =	ssyncset.done @!p0 $0x0  }
0x48: {  	s7 =	simm.s32 @!p0 $0x10;
	s10 =	simm.s32 $0x600;
	[sflag:s11] =	ssyncadd.s32 @!p0 $0xFFFFFC00  }
0x49: {  	[tilespmem:s10], [sflag:$0x7] =	stream.strided.gather [hbm4b:s8+s12], $0x100, s13, s12, $0x38;
	[tilespmem:$0x3C00] =	vst v63  }
0x4a: {  	_ =	swait.ge @!p0 [sflag:s7], $0x400  }
0x4b: {  	[sflag:s7] =	ssyncset.done @!p0 $0x0  }
0x4c: {  	s3 =	sadd.s32 $0x70, s21;
	s11 =	simm.s32 $0x700;
	[sflag:s7] =	ssyncadd.s32 @!p0 $0xFFFFFC00  }
0x4d: {  	[tilespmem:s11], [sflag:$0x8] =	stream.strided.gather [hbm4b:s3+s12], $0x100, s13, s12, $0x38;
	[tilespmem:$0x3C00] =	vst v63  }
0x4e: {  	_ =	swait.ge [sflag:s18], $0x100  }
0x4f: {  	[sflag:s18] =	ssyncset.done $0x0  }
0x50: {  	s17 =	simm.s32 $0x800;
	[sflag:s18] =	ssyncadd.s32 $0xFFFFFF00  }
0x51: {  	[tilespmem:s17], [sflag:$0x1] =	stream.indirect.gather [hbm4b:s4+s12], $0x8, s15, s12, $0xb8;
	[tilespmem:$0x3C00] =	vst v63  }
0x52: {  	_ =	swait.ge [sflag:s20], $0x100  }
0x53: {  	[sflag:s20] =	ssyncset.done $0x0  }
0x54: {  	s21 =	simm.s32 $0xC00;
	s19 =	rddreg [dreg:$0x6];
	[sflag:s20] =	ssyncadd.s32 $0xFFFFFF00  }
0x55: {  	[tilespmem:s21], [sflag:$0x2] =	stream.indirect.gather [hbm4b:s4+s12], $0x8, s19, s12, $0xb8;
	[tilespmem:$0x3C00] =	vst v63  }
0x56: {  	_ =	swait.ge [sflag:s22], $0x100  }
0x57: {  	[sflag:s22] =	ssyncset.done $0x0  }
0x58: {  	s23 =	simm.s32 $0x1000;
	[sflag:s22] =	ssyncadd.s32 $0xFFFFFF00  }
0x59: {  	[tilespmem:s23], [sflag:$0x3] =	stream.indirect.gather [hbm4b:s4+s12], $0x8, s25, s12, $0xb8;
	[tilespmem:$0x3C00] =	vst v63  }
0x5a: {  	_ =	swait.ge [sflag:s24], $0x100  }
0x5b: {  	[sflag:s24] =	ssyncset.done $0x0  }
0x5c: {  	s14 =	simm.s32 $0x1400;
	s0 =	rddreg [dreg:$0x7];
	[sflag:s24] =	ssyncadd.s32 $0xFFFFFF00  }
0x5d: {  	[tilespmem:s14], [sflag:$0x4] =	stream.indirect.gather [hbm4b:s4+s12], $0x8, s0, s12, $0xb8;
	[tilespmem:$0x3C00] =	vst v63  }
0x5e: {  	_ =	swait.ge [sflag:s26], $0x100  }
0x5f: {  	[sflag:s26] =	ssyncset.done $0x0  }
0x60: {  	s15 =	simm.s32 $0x1800;
	[sflag:s26] =	ssyncadd.s32 $0xFFFFFF00  }
0x61: {  	[tilespmem:s15], [sflag:$0x5] =	stream.indirect.gather [hbm4b:s4+s12], $0x8, s16, s12, $0xb8;
	[tilespmem:$0x3C00] =	vst v63  }
0x62: {  	_ =	swait.ge [sflag:s29], $0x100  }
0x63: {  	[sflag:s29] =	ssyncset.done $0x0  }
0x64: {  	s28 =	simm.s32 $0x1C00;
	s25 =	rddreg [dreg:$0x8];
	[sflag:s29] =	ssyncadd.s32 $0xFFFFFF00  }
0x65: {  	[tilespmem:s28], [sflag:$0x6] =	stream.indirect.gather [hbm4b:s4+s12], $0x8, s25, s12, $0xb8;
	[tilespmem:$0x3C00] =	vst v63  }
0x66: {  	_ =	swait.ge [sflag:s31], $0x100  }
0x67: {  	[sflag:s31] =	ssyncset.done $0x0  }
0x68: {  	s16 =	simm.s32 $0x2000;
	[sflag:s31] =	ssyncadd.s32 $0xFFFFFF00  }
0x69: {  	[tilespmem:s16], [sflag:$0x7] =	stream.indirect.gather [hbm4b:s4+s12], $0x8, s10, s12, $0xb8;
	[tilespmem:$0x3C00] =	vst v63  }
0x6a: {  	_ =	swait.ge [sflag:s1], $0x100  }
0x6b: {  	[sflag:s1] =	ssyncset.done $0x0  }
0x6c: {  	[sflag:s1] =	ssyncadd.s32 $0xFFFFFF00  }
0x6d: {  	[tilespmem:s5], [sflag:$0x8] =	stream.indirect.gather [hbm4b:s4+s12], $0x8, s11, s12, $0xb8;
	[tilespmem:$0x3C00] =	vst v63  }
0x6e: {  	_ =	swait.ge [sflag:s18], $0x400  }
0x6f: {  	[sflag:s18] =	ssyncset.done $0x0  }
0x70: {  	[sflag:s18] =	ssyncadd.s32 $0xFFFFFC00  }
0x71: {  	[spmem:s2] =	stream.indirect.scatter.add.f32 [tilespmem:s17], [sflag:$0x9], $0x8, s12, s12, $0xb8;
	[tilespmem:$0x3C00] =	vst v63  }
0x72: {  	_ =	swait.ge [sflag:s20], $0x400  }
0x73: {  	[sflag:s20] =	ssyncset.done $0x0  }
0x74: {  	s17 =	rddreg [dreg:$0x9];
	[sflag:s20] =	ssyncadd.s32 $0xFFFFFC00  }
0x75: {  	[spmem:s2] =	stream.indirect.scatter.add.f32 [tilespmem:s21], [sflag:$0xA], $0x8, s17, s12, $0xb8;
	[tilespmem:$0x3C00] =	vst v63  }
0x76: {  	_ =	swait.ge [sflag:s22], $0x400  }
0x77: {  	[sflag:s22] =	ssyncset.done $0x0  }
0x78: {  	s19 =	rddreg [dreg:$0xa];
	[sflag:s22] =	ssyncadd.s32 $0xFFFFFC00  }
0x79: {  	[spmem:s2] =	stream.indirect.scatter.add.f32 [tilespmem:s23], [sflag:$0xB], $0x8, s19, s12, $0xb8;
	[tilespmem:$0x3C00] =	vst v63  }
0x7a: {  	_ =	swait.ge [sflag:s24], $0x400  }
0x7b: {  	[sflag:s24] =	ssyncset.done $0x0  }
0x7c: {  	s21 =	rddreg [dreg:$0xb];
	[sflag:s24] =	ssyncadd.s32 $0xFFFFFC00  }
0x7d: {  	[spmem:s2] =	stream.indirect.scatter.add.f32 [tilespmem:s14], [sflag:$0xC], $0x8, s21, s12, $0xb8;
	[tilespmem:$0x3C00] =	vst v63  }
0x7e: {  	_ =	swait.ge [sflag:s26], $0x400  }
0x7f: {  	[sflag:s26] =	ssyncset.done $0x0  }
0x80: {  	s23 =	rddreg [dreg:$0xc];
	[sflag:s26] =	ssyncadd.s32 $0xFFFFFC00  }
0x81: {  	[spmem:s2] =	stream.indirect.scatter.add.f32 [tilespmem:s15], [sflag:$0xD], $0x8, s23, s12, $0xb8;
	[tilespmem:$0x3C00] =	vst v63  }
0x82: {  	_ =	swait.ge [sflag:s29], $0x400  }
0x83: {  	[sflag:s29] =	ssyncset.done $0x0  }
0x84: {  	s25 =	rddreg [dreg:$0xd];
	[sflag:s29] =	ssyncadd.s32 $0xFFFFFC00  }
0x85: {  	[spmem:s2] =	stream.indirect.scatter.add.f32 [tilespmem:s28], [sflag:$0xE], $0x8, s25, s12, $0xb8;
	[tilespmem:$0x3C00] =	vst v63  }
0x86: {  	_ =	swait.ge [sflag:s31], $0x400  }
0x87: {  	p0 =	por $0x0, $0x0;
	s7 =	simm.s32 $0x80;
	[sflag:s31] =	ssyncset.done $0x0  }
0x88: {  	s8 =	sadd.s32 @!p0 $0x80, s9;
	s28 =	rddreg [dreg:$0xe];
	[sflag:s31] =	ssyncadd.s32 $0xFFFFFC00  }
0x89: {  	[spmem:s2] =	stream.indirect.scatter.add.f32 [tilespmem:s16], [sflag:$0xF], $0x8, s28, s12, $0xb8;
	[tilespmem:$0x3C00] =	vst v63  }
0x8a: {  	s6 =	sadd.s32 @!p0 $0x30, s8;
	s10 =	sadd.s32 @!p0 $0x10, s8;
	_ =	swait.ge [sflag:s1], $0x400  }
0x8b: {  	s8 =	sadd.s32 @!p0 $0x50, s8;
	p0 =	por p0, p0;
	[sflag:s1] =	ssyncset.done $0x0  }
0x8c: {  	s11 =	simm.s32 $0x100;
	s3 =	rddreg [dreg:$0xf];
	[sflag:s1] =	ssyncadd.s32 $0xFFFFFC00  }
.LBB2_2:
0x8d: {  	[spmem:s2] =	stream.indirect.scatter.add.f32 [tilespmem:s5], [sflag:$0x10], $0x8, s3, s12, $0xb8;
	[tilespmem:$0x3C00] =	vst v63  }
0x8e: {  	s3 =	simm.s32 @!p0 $0x9  }
0x8f: {  	_ =	swait.ge @!p0 [sflag:s3], $0x400  }
0x90: {  	s17 =	simm.s32 @!p0 $0xA;
	[sflag:s3] =	ssyncset.done @!p0 $0x0  }
0x91: {  	s19 =	simm.s32 @p0 $0x80;
	[sflag:s3] =	ssyncadd.s32 @!p0 $0xFFFFFC00;
	s3 =	sadd.s32 s7, s9  }
0x92: {  	[tilespmem:s30], [sflag:$0x1] =	stream.strided.gather [hbm4b:s3+s12], $0x100, s13, s12, $0x38;
	[tilespmem:$0x3C00] =	vst v63  }
0x93: {  	s21 =	simm.s32 @p0 $0x50000;
	s23 =	simm.s32 @p0 $0x100;
	s7 =	rddreg [dreg:$0x3]  }
0x94: {  	[tilespmem:s23], [sflag:$0x2] =	stream.strided.gather @p0 [hbm4b:s7+s19], $0x100, s21, s19, $0x38;
	[tilespmem:$0x3C00] =	vst v63  }
0x95: {  	s15 =	smov.u32 s11;
	s25 =	simm.s32 @!p0 $0xB;
	_ =	swait.ge @!p0 [sflag:s17], $0x400  }
0x96: {  	s28 =	simm.s32 @!p0 $0x50000;
	p2 =	seq.s32 s15, $0x0;
	[sflag:s17] =	ssyncset.done @!p0 $0x0  }
0x97: {  	s7 =	simm.s32 @!p0 $0x100;
	[sflag:s17] =	ssyncadd.s32 @!p0 $0xFFFFFC00;
	s17 =	simm.s32 @!p0 $0x80  }
0x98: {  	[tilespmem:s7], [sflag:$0x2] =	stream.strided.gather @!p0 [hbm4b:s10+s17], $0x100, s28, s17, $0x38;
	[tilespmem:$0x3C00] =	vst v63  }
0x99: {  	s0 =	simm.s32 $0x200;
	s14 =	sadd.s32 @!p2 s15, s9;
	_ =	swait.ge @!p0 [sflag:s25], $0x400  }
0x9a: {  	s16 =	sadd.s32 @!p2 $0x10, s14;
	s7 =	smov.u32 s15;
	[sflag:s25] =	ssyncset.done @!p0 $0x0  }
0x9b: {  	s10 =	smov.u32 s16;
	[sflag:s25] =	ssyncadd.s32 @!p0 $0xFFFFFC00;
	s25 =	sadd.s32 $0x20, s3  }
0x9c: {  	[tilespmem:s0], [sflag:$0x3] =	stream.strided.gather [hbm4b:s25+s12], $0x100, s13, s12, $0x38;
	[tilespmem:$0x3C00] =	vst v63  }
0x9d: {  	s15 =	simm.s32 @p0 $0x300;
	s16 =	rddreg [dreg:$0x4];
	s25 =	simm.s32 @!p0 $0xC  }
0x9e: {  	[tilespmem:s15], [sflag:$0x4] =	stream.strided.gather @p0 [hbm4b:s16+s19], $0x100, s21, s19, $0x38;
	[tilespmem:$0x3C00] =	vst v63  }
0x9f: {  	_ =	swait.ge @!p0 [sflag:s25], $0x400  }
0xa0: {  	[sflag:s25] =	ssyncset.done @!p0 $0x0  }
0xa1: {  	s15 =	simm.s32 @!p0 $0x300;
	s16 =	simm.s32 @!p0 $0xD;
	[sflag:s25] =	ssyncadd.s32 @!p0 $0xFFFFFC00  }
0xa2: {  	[tilespmem:s15], [sflag:$0x4] =	stream.strided.gather @!p0 [hbm4b:s6+s17], $0x100, s28, s17, $0x38;
	[tilespmem:$0x3C00] =	vst v63  }
0xa3: {  	_ =	swait.ge @!p0 [sflag:s16], $0x400  }
0xa4: {  	s23 =	sadd.s32 @!p2 $0x30, s14;
	s25 =	simm.s32 $0x400;
	[sflag:s16] =	ssyncset.done @!p0 $0x0  }
0xa5: {  	s6 =	smov.u32 s23;
	s23 =	sadd.s32 $0x40, s3;
	[sflag:s16] =	ssyncadd.s32 @!p0 $0xFFFFFC00  }
0xa6: {  	[tilespmem:s25], [sflag:$0x5] =	stream.strided.gather [hbm4b:s23+s12], $0x100, s13, s12, $0x38;
	[tilespmem:$0x3C00] =	vst v63  }
0xa7: {  	s15 =	simm.s32 @p0 $0x500;
	s16 =	rddreg [dreg:$0x5];
	s23 =	simm.s32 @!p0 $0xE  }
0xa8: {  	[tilespmem:s15], [sflag:$0x6] =	stream.strided.gather @p0 [hbm4b:s16+s19], $0x100, s21, s19, $0x38;
	[tilespmem:$0x3C00] =	vst v63  }
0xa9: {  	_ =	swait.ge @!p0 [sflag:s23], $0x400  }
0xaa: {  	[sflag:s23] =	ssyncset.done @!p0 $0x0  }
0xab: {  	s15 =	simm.s32 @!p0 $0x500;
	s16 =	simm.s32 @!p0 $0xF;
	[sflag:s23] =	ssyncadd.s32 @!p0 $0xFFFFFC00  }
0xac: {  	[tilespmem:s15], [sflag:$0x6] =	stream.strided.gather @!p0 [hbm4b:s8+s17], $0x100, s28, s17, $0x38;
	[tilespmem:$0x3C00] =	vst v63  }
0xad: {  	_ =	swait.ge @!p0 [sflag:s16], $0x400  }
0xae: {  	s23 =	sadd.s32 $0x60, s3;
	[sflag:s16] =	ssyncset.done @!p0 $0x0  }
0xaf: {  	s15 =	simm.s32 @!p0 $0x10;
	[sflag:s16] =	ssyncadd.s32 @!p0 $0xFFFFFC00;
	s16 =	simm.s32 $0x600  }
0xb0: {  	[tilespmem:s16], [sflag:$0x7] =	stream.strided.gather [hbm4b:s23+s12], $0x100, s13, s12, $0x38;
	[tilespmem:$0x3C00] =	vst v63  }
0xb1: {  	_ =	swait.ge @!p0 [sflag:s15], $0x400  }
0xb2: {  	s14 =	sadd.s32 @!p2 $0x50, s14;
	s3 =	sadd.s32 $0x70, s3;
	[sflag:s15] =	ssyncset.done @!p0 $0x0  }
0xb3: {  	s8 =	smov.u32 s14;
	s14 =	simm.s32 $0x700;
	[sflag:s15] =	ssyncadd.s32 @!p0 $0xFFFFFC00  }
0xb4: {  	[tilespmem:s14], [sflag:$0x8] =	stream.strided.gather [hbm4b:s3+s12], $0x100, s13, s12, $0x38;
	[tilespmem:$0x3C00] =	vst v63  }
0xb5: {  	_ =	swait.ge [sflag:s18], $0x100  }
0xb6: {  	[sflag:s18] =	ssyncset.done $0x0  }
0xb7: {  	s15 =	simm.s32 $0x800;
	[sflag:s18] =	ssyncadd.s32 $0xFFFFFF00  }
0xb8: {  	[tilespmem:s15], [sflag:$0x1] =	stream.indirect.gather [hbm4b:s4+s12], $0x8, s30, s12, $0xb8;
	[tilespmem:$0x3C00] =	vst v63  }
0xb9: {  	_ =	swait.ge [sflag:s20], $0x100  }
0xba: {  	[sflag:s20] =	ssyncset.done $0x0  }
0xbb: {  	s17 =	simm.s32 $0xC00;
	s28 =	rddreg [dreg:$0x6];
	[sflag:s20] =	ssyncadd.s32 $0xFFFFFF00  }
0xbc: {  	[tilespmem:s17], [sflag:$0x2] =	stream.indirect.gather [hbm4b:s4+s12], $0x8, s28, s12, $0xb8;
	[tilespmem:$0x3C00] =	vst v63  }
0xbd: {  	_ =	swait.ge [sflag:s22], $0x100  }
0xbe: {  	[sflag:s22] =	ssyncset.done $0x0  }
0xbf: {  	s19 =	simm.s32 $0x1000;
	[sflag:s22] =	ssyncadd.s32 $0xFFFFFF00  }
0xc0: {  	[tilespmem:s19], [sflag:$0x3] =	stream.indirect.gather [hbm4b:s4+s12], $0x8, s0, s12, $0xb8;
	[tilespmem:$0x3C00] =	vst v63  }
0xc1: {  	_ =	swait.ge [sflag:s24], $0x100  }
0xc2: {  	[sflag:s24] =	ssyncset.done $0x0  }
0xc3: {  	s21 =	simm.s32 $0x1400;
	s0 =	rddreg [dreg:$0x7];
	[sflag:s24] =	ssyncadd.s32 $0xFFFFFF00  }
0xc4: {  	[tilespmem:s21], [sflag:$0x4] =	stream.indirect.gather [hbm4b:s4+s12], $0x8, s0, s12, $0xb8;
	[tilespmem:$0x3C00] =	vst v63  }
0xc5: {  	_ =	swait.ge [sflag:s26], $0x100  }
0xc6: {  	[sflag:s26] =	ssyncset.done $0x0  }
0xc7: {  	s23 =	simm.s32 $0x1800;
	[sflag:s26] =	ssyncadd.s32 $0xFFFFFF00  }
0xc8: {  	[tilespmem:s23], [sflag:$0x5] =	stream.indirect.gather [hbm4b:s4+s12], $0x8, s25, s12, $0xb8;
	[tilespmem:$0x3C00] =	vst v63  }
0xc9: {  	_ =	swait.ge [sflag:s29], $0x100  }
0xca: {  	[sflag:s29] =	ssyncset.done $0x0  }
0xcb: {  	s28 =	simm.s32 $0x1C00;
	s25 =	rddreg [dreg:$0x8];
	[sflag:s29] =	ssyncadd.s32 $0xFFFFFF00  }
0xcc: {  	[tilespmem:s28], [sflag:$0x6] =	stream.indirect.gather [hbm4b:s4+s12], $0x8, s25, s12, $0xb8;
	[tilespmem:$0x3C00] =	vst v63  }
0xcd: {  	_ =	swait.ge [sflag:s31], $0x100  }
0xce: {  	[sflag:s31] =	ssyncset.done $0x0  }
0xcf: {  	s25 =	simm.s32 $0x2000;
	[sflag:s31] =	ssyncadd.s32 $0xFFFFFF00  }
0xd0: {  	[tilespmem:s25], [sflag:$0x7] =	stream.indirect.gather [hbm4b:s4+s12], $0x8, s16, s12, $0xb8;
	[tilespmem:$0x3C00] =	vst v63  }
0xd1: {  	_ =	swait.ge [sflag:s1], $0x100  }
0xd2: {  	[sflag:s1] =	ssyncset.done $0x0  }
0xd3: {  	[sflag:s1] =	ssyncadd.s32 $0xFFFFFF00  }
0xd4: {  	[tilespmem:s5], [sflag:$0x8] =	stream.indirect.gather [hbm4b:s4+s12], $0x8, s14, s12, $0xb8;
	[tilespmem:$0x3C00] =	vst v63  }
0xd5: {  	_ =	swait.ge [sflag:s18], $0x400  }
0xd6: {  	[sflag:s18] =	ssyncset.done $0x0  }
0xd7: {  	[sflag:s18] =	ssyncadd.s32 $0xFFFFFC00  }
0xd8: {  	[spmem:s2] =	stream.indirect.scatter.add.f32 [tilespmem:s15], [sflag:$0x9], $0x8, s12, s12, $0xb8;
	[tilespmem:$0x3C00] =	vst v63  }
0xd9: {  	_ =	swait.ge [sflag:s20], $0x400  }
0xda: {  	[sflag:s20] =	ssyncset.done $0x0  }
0xdb: {  	s15 =	rddreg [dreg:$0x9];
	[sflag:s20] =	ssyncadd.s32 $0xFFFFFC00  }
0xdc: {  	[spmem:s2] =	stream.indirect.scatter.add.f32 [tilespmem:s17], [sflag:$0xA], $0x8, s15, s12, $0xb8;
	[tilespmem:$0x3C00] =	vst v63  }
0xdd: {  	_ =	swait.ge [sflag:s22], $0x400  }
0xde: {  	[sflag:s22] =	ssyncset.done $0x0  }
0xdf: {  	s16 =	rddreg [dreg:$0xa];
	[sflag:s22] =	ssyncadd.s32 $0xFFFFFC00  }
0xe0: {  	[spmem:s2] =	stream.indirect.scatter.add.f32 [tilespmem:s19], [sflag:$0xB], $0x8, s16, s12, $0xb8;
	[tilespmem:$0x3C00] =	vst v63  }
0xe1: {  	_ =	swait.ge [sflag:s24], $0x400  }
0xe2: {  	[sflag:s24] =	ssyncset.done $0x0  }
0xe3: {  	s17 =	rddreg [dreg:$0xb];
	[sflag:s24] =	ssyncadd.s32 $0xFFFFFC00  }
0xe4: {  	[spmem:s2] =	stream.indirect.scatter.add.f32 [tilespmem:s21], [sflag:$0xC], $0x8, s17, s12, $0xb8;
	[tilespmem:$0x3C00] =	vst v63  }
0xe5: {  	_ =	swait.ge [sflag:s26], $0x400  }
0xe6: {  	[sflag:s26] =	ssyncset.done $0x0  }
0xe7: {  	s19 =	rddreg [dreg:$0xc];
	[sflag:s26] =	ssyncadd.s32 $0xFFFFFC00  }
0xe8: {  	[spmem:s2] =	stream.indirect.scatter.add.f32 [tilespmem:s23], [sflag:$0xD], $0x8, s19, s12, $0xb8;
	[tilespmem:$0x3C00] =	vst v63  }
0xe9: {  	_ =	swait.ge [sflag:s29], $0x400  }
0xea: {  	[sflag:s29] =	ssyncset.done $0x0  }
0xeb: {  	s21 =	rddreg [dreg:$0xd];
	[sflag:s29] =	ssyncadd.s32 $0xFFFFFC00  }
0xec: {  	[spmem:s2] =	stream.indirect.scatter.add.f32 [tilespmem:s28], [sflag:$0xE], $0x8, s21, s12, $0xb8;
	[tilespmem:$0x3C00] =	vst v63  }
0xed: {  	s11 =	sadd.s32 $0x80, s11;
	_ =	swait.ge [sflag:s31], $0x400  }
0xee: {  	p1 =	sne.s32 s11, $0x500;
	[sflag:s31] =	ssyncset.done $0x0  }
.Ltmp0:
0xef: {  	s28 =	rddreg [dreg:$0xe];
	[sflag:s31] =	ssyncadd.s32 $0xFFFFFC00;
	(pc) =	sbr.rel @p1 .LBB2_2-.Ltmp0, $4  }
0xf0: {  	[spmem:s2] =	stream.indirect.scatter.add.f32 [tilespmem:s25], [sflag:$0xF], $0x8, s28, s12, $0xb8;
	[tilespmem:$0x3C00] =	vst v63  }
0xf1: {  	_ =	swait.ge [sflag:s1], $0x400  }
0xf2: {  	[sflag:s1] =	ssyncset.done $0x0  }
0xf3: {  	p0 =	por p2, p2;
	s3 =	rddreg [dreg:$0xf];
	[sflag:s1] =	ssyncadd.s32 $0xFFFFFC00  }
0xf4: {  	[spmem:s2] =	stream.indirect.scatter.add.f32 [tilespmem:s5], [sflag:$0x10], $0x8, s3, s12, $0xb8;
	[tilespmem:$0x3C00] =	vst v63  }
0xf5: {  	s3 =	simm.s32 @!p0 $0x9  }
0xf6: {  	_ =	swait.ge @!p0 [sflag:s3], $0x400  }
0xf7: {  	s11 =	simm.s32 @!p0 $0xA;
	s25 =	sadd.s32 s7, s9;
	[sflag:s3] =	ssyncset.done @!p0 $0x0  }
0xf8: {  	s17 =	simm.s32 $0x0;
	s14 =	simm.s32 @p0 $0x80;
	[sflag:s3] =	ssyncadd.s32 @!p0 $0xFFFFFC00  }
0xf9: {  	[tilespmem:s17], [sflag:$0x1] =	stream.strided.gather [hbm4b:s25+s12], $0x100, s13, s12, $0x38;
	[tilespmem:$0x3C00] =	vst v63  }
0xfa: {  	s15 =	simm.s32 @p0 $0x50000;
	s16 =	simm.s32 @p0 $0x100;
	s7 =	rddreg [dreg:$0x3]  }
0xfb: {  	[tilespmem:s16], [sflag:$0x2] =	stream.strided.gather @p0 [hbm4b:s7+s14], $0x100, s15, s14, $0x38;
	[tilespmem:$0x3C00] =	vst v63  }
0xfc: {  	_ =	swait.ge @!p0 [sflag:s11], $0x400  }
0xfd: {  	s7 =	simm.s32 @!p0 $0x100;
	[sflag:s11] =	ssyncset.done @!p0 $0x0  }
0xfe: {  	s16 =	simm.s32 @!p0 $0x50000;
	[sflag:s11] =	ssyncadd.s32 @!p0 $0xFFFFFC00;
	s11 =	simm.s32 @!p0 $0x80  }
0xff: {  	[tilespmem:s7], [sflag:$0x2] =	stream.strided.gather @!p0 [hbm4b:s10+s11], $0x100, s16, s11, $0x38;
	[tilespmem:$0x3C00] =	vst v63  }
0x100: {  	s7 =	simm.s32 @!p0 $0xB  }
0x101: {  	_ =	swait.ge @!p0 [sflag:s7], $0x400  }
0x102: {  	[sflag:s7] =	ssyncset.done @!p0 $0x0  }
0x103: {  	s0 =	simm.s32 $0x200;
	s28 =	sadd.s32 $0x20, s25;
	[sflag:s7] =	ssyncadd.s32 @!p0 $0xFFFFFC00  }
0x104: {  	[tilespmem:s0], [sflag:$0x3] =	stream.strided.gather [hbm4b:s28+s12], $0x100, s13, s12, $0x38;
	[tilespmem:$0x3C00] =	vst v63  }
0x105: {  	s10 =	rddreg [dreg:$0x4];
	s7 =	simm.s32 @p0 $0x300  }
0x106: {  	[tilespmem:s7], [sflag:$0x4] =	stream.strided.gather @p0 [hbm4b:s10+s14], $0x100, s15, s14, $0x38;
	[tilespmem:$0x3C00] =	vst v63  }
0x107: {  	s7 =	simm.s32 @!p0 $0xC  }
0x108: {  	_ =	swait.ge @!p0 [sflag:s7], $0x400  }
0x109: {  	[sflag:s7] =	ssyncset.done @!p0 $0x0  }
0x10a: {  	[sflag:s7] =	ssyncadd.s32 @!p0 $0xFFFFFC00;
	s7 =	simm.s32 @!p0 $0x300  }
0x10b: {  	[tilespmem:s7], [sflag:$0x4] =	stream.strided.gather @!p0 [hbm4b:s6+s11], $0x100, s16, s11, $0x38;
	[tilespmem:$0x3C00] =	vst v63  }
0x10c: {  	s6 =	simm.s32 @!p0 $0xD  }
0x10d: {  	_ =	swait.ge @!p0 [sflag:s6], $0x400  }
0x10e: {  	[sflag:s6] =	ssyncset.done @!p0 $0x0  }
0x10f: {  	s21 =	simm.s32 $0x400;
	s19 =	sadd.s32 $0x40, s25;
	[sflag:s6] =	ssyncadd.s32 @!p0 $0xFFFFFC00  }
0x110: {  	[tilespmem:s21], [sflag:$0x5] =	stream.strided.gather [hbm4b:s19+s12], $0x100, s13, s12, $0x38;
	[tilespmem:$0x3C00] =	vst v63  }
0x111: {  	s7 =	rddreg [dreg:$0x5];
	s6 =	simm.s32 @p0 $0x500  }
0x112: {  	[tilespmem:s6], [sflag:$0x6] =	stream.strided.gather @p0 [hbm4b:s7+s14], $0x100, s15, s14, $0x38;
	[tilespmem:$0x3C00] =	vst v63  }
0x113: {  	s6 =	simm.s32 @!p0 $0xE  }
0x114: {  	_ =	swait.ge @!p0 [sflag:s6], $0x400  }
0x115: {  	[sflag:s6] =	ssyncset.done @!p0 $0x0  }
0x116: {  	[sflag:s6] =	ssyncadd.s32 @!p0 $0xFFFFFC00;
	s6 =	simm.s32 @!p0 $0x500  }
0x117: {  	[tilespmem:s6], [sflag:$0x6] =	stream.strided.gather @!p0 [hbm4b:s8+s11], $0x100, s16, s11, $0x38;
	[tilespmem:$0x3C00] =	vst v63  }
0x118: {  	s6 =	simm.s32 @!p0 $0xF  }
0x119: {  	_ =	swait.ge @!p0 [sflag:s6], $0x400  }
0x11a: {  	s7 =	sadd.s32 $0x60, s25;
	[sflag:s6] =	ssyncset.done @!p0 $0x0  }
0x11b: {  	s8 =	simm.s32 $0x600;
	[sflag:s6] =	ssyncadd.s32 @!p0 $0xFFFFFC00;
	s6 =	simm.s32 @!p0 $0x10  }
0x11c: {  	[tilespmem:s8], [sflag:$0x7] =	stream.strided.gather [hbm4b:s7+s12], $0x100, s13, s12, $0x38;
	[tilespmem:$0x3C00] =	vst v63  }
0x11d: {  	_ =	swait.ge @!p0 [sflag:s6], $0x400  }
0x11e: {  	[sflag:s6] =	ssyncset.done @!p0 $0x0  }
0x11f: {  	s3 =	sadd.s32 $0x70, s25;
	s11 =	simm.s32 $0x700;
	[sflag:s6] =	ssyncadd.s32 @!p0 $0xFFFFFC00  }
0x120: {  	[tilespmem:s11], [sflag:$0x8] =	stream.strided.gather [hbm4b:s3+s12], $0x100, s13, s12, $0x38;
	[tilespmem:$0x3C00] =	vst v63  }
0x121: {  	_ =	swait.ge [sflag:s18], $0x100  }
0x122: {  	[sflag:s18] =	ssyncset.done $0x0  }
0x123: {  	s14 =	simm.s32 $0x800;
	[sflag:s18] =	ssyncadd.s32 $0xFFFFFF00  }
0x124: {  	[tilespmem:s14], [sflag:$0x1] =	stream.indirect.gather [hbm4b:s4+s12], $0x8, s17, s12, $0xb8;
	[tilespmem:$0x3C00] =	vst v63  }
0x125: {  	_ =	swait.ge [sflag:s20], $0x100  }
0x126: {  	[sflag:s20] =	ssyncset.done $0x0  }
0x127: {  	s25 =	simm.s32 $0xC00;
	s23 =	rddreg [dreg:$0x6];
	[sflag:s20] =	ssyncadd.s32 $0xFFFFFF00  }
0x128: {  	[tilespmem:s25], [sflag:$0x2] =	stream.indirect.gather [hbm4b:s4+s12], $0x8, s23, s12, $0xb8;
	[tilespmem:$0x3C00] =	vst v63  }
0x129: {  	_ =	swait.ge [sflag:s22], $0x100  }
0x12a: {  	[sflag:s22] =	ssyncset.done $0x0  }
0x12b: {  	s28 =	simm.s32 $0x1000;
	[sflag:s22] =	ssyncadd.s32 $0xFFFFFF00  }
0x12c: {  	[tilespmem:s28], [sflag:$0x3] =	stream.indirect.gather [hbm4b:s4+s12], $0x8, s0, s12, $0xb8;
	[tilespmem:$0x3C00] =	vst v63  }
0x12d: {  	_ =	swait.ge [sflag:s24], $0x100  }
0x12e: {  	[sflag:s24] =	ssyncset.done $0x0  }
0x12f: {  	s15 =	simm.s32 $0x1400;
	s0 =	rddreg [dreg:$0x7];
	[sflag:s24] =	ssyncadd.s32 $0xFFFFFF00  }
0x130: {  	[tilespmem:s15], [sflag:$0x4] =	stream.indirect.gather [hbm4b:s4+s12], $0x8, s0, s12, $0xb8;
	[tilespmem:$0x3C00] =	vst v63  }
0x131: {  	_ =	swait.ge [sflag:s26], $0x100  }
0x132: {  	[sflag:s26] =	ssyncset.done $0x0  }
0x133: {  	s16 =	simm.s32 $0x1800;
	[sflag:s26] =	ssyncadd.s32 $0xFFFFFF00  }
0x134: {  	[tilespmem:s16], [sflag:$0x5] =	stream.indirect.gather [hbm4b:s4+s12], $0x8, s21, s12, $0xb8;
	[tilespmem:$0x3C00] =	vst v63  }
0x135: {  	_ =	swait.ge [sflag:s29], $0x100  }
0x136: {  	[sflag:s29] =	ssyncset.done $0x0  }
0x137: {  	s19 =	simm.s32 $0x1C00;
	s17 =	rddreg [dreg:$0x8];
	[sflag:s29] =	ssyncadd.s32 $0xFFFFFF00  }
0x138: {  	[tilespmem:s19], [sflag:$0x6] =	stream.indirect.gather [hbm4b:s4+s12], $0x8, s17, s12, $0xb8;
	[tilespmem:$0x3C00] =	vst v63  }
0x139: {  	_ =	swait.ge [sflag:s31], $0x100  }
0x13a: {  	[sflag:s31] =	ssyncset.done $0x0  }
0x13b: {  	s21 =	simm.s32 $0x2000;
	[sflag:s31] =	ssyncadd.s32 $0xFFFFFF00  }
0x13c: {  	[tilespmem:s21], [sflag:$0x7] =	stream.indirect.gather [hbm4b:s4+s12], $0x8, s8, s12, $0xb8;
	[tilespmem:$0x3C00] =	vst v63  }
0x13d: {  	_ =	swait.ge [sflag:s1], $0x100  }
0x13e: {  	[sflag:s1] =	ssyncset.done $0x0  }
0x13f: {  	[sflag:s1] =	ssyncadd.s32 $0xFFFFFF00  }
0x140: {  	[tilespmem:s5], [sflag:$0x8] =	stream.indirect.gather [hbm4b:s4+s12], $0x8, s11, s12, $0xb8;
	[tilespmem:$0x3C00] =	vst v63  }
0x141: {  	_ =	swait.ge [sflag:s18], $0x400  }
0x142: {  	[sflag:s18] =	ssyncset.done $0x0  }
0x143: {  	[sflag:s18] =	ssyncadd.s32 $0xFFFFFC00  }
0x144: {  	[spmem:s2] =	stream.indirect.scatter.add.f32 [tilespmem:s14], [sflag:$0x9], $0x8, s12, s12, $0xb8;
	[tilespmem:$0x3C00] =	vst v63  }
0x145: {  	_ =	swait.ge [sflag:s20], $0x400  }
0x146: {  	[sflag:s20] =	ssyncset.done $0x0  }
0x147: {  	s23 =	rddreg [dreg:$0x9];
	[sflag:s20] =	ssyncadd.s32 $0xFFFFFC00  }
0x148: {  	[spmem:s2] =	stream.indirect.scatter.add.f32 [tilespmem:s25], [sflag:$0xA], $0x8, s23, s12, $0xb8;
	[tilespmem:$0x3C00] =	vst v63  }
0x149: {  	_ =	swait.ge [sflag:s22], $0x400  }
0x14a: {  	[sflag:s22] =	ssyncset.done $0x0  }
0x14b: {  	s25 =	rddreg [dreg:$0xa];
	[sflag:s22] =	ssyncadd.s32 $0xFFFFFC00  }
0x14c: {  	[spmem:s2] =	stream.indirect.scatter.add.f32 [tilespmem:s28], [sflag:$0xB], $0x8, s25, s12, $0xb8;
	[tilespmem:$0x3C00] =	vst v63  }
0x14d: {  	_ =	swait.ge [sflag:s24], $0x400  }
0x14e: {  	[sflag:s24] =	ssyncset.done $0x0  }
0x14f: {  	s28 =	rddreg [dreg:$0xb];
	[sflag:s24] =	ssyncadd.s32 $0xFFFFFC00  }
0x150: {  	[spmem:s2] =	stream.indirect.scatter.add.f32 [tilespmem:s15], [sflag:$0xC], $0x8, s28, s12, $0xb8;
	[tilespmem:$0x3C00] =	vst v63  }
0x151: {  	_ =	swait.ge [sflag:s26], $0x400  }
0x152: {  	[sflag:s26] =	ssyncset.done $0x0  }
0x153: {  	s0 =	rddreg [dreg:$0xc];
	[sflag:s26] =	ssyncadd.s32 $0xFFFFFC00  }
0x154: {  	[spmem:s2] =	stream.indirect.scatter.add.f32 [tilespmem:s16], [sflag:$0xD], $0x8, s0, s12, $0xb8;
	[tilespmem:$0x3C00] =	vst v63  }
0x155: {  	_ =	swait.ge [sflag:s29], $0x400  }
0x156: {  	[sflag:s29] =	ssyncset.done $0x0  }
0x157: {  	s6 =	rddreg [dreg:$0xd];
	[sflag:s29] =	ssyncadd.s32 $0xFFFFFC00  }
0x158: {  	[spmem:s2] =	stream.indirect.scatter.add.f32 [tilespmem:s19], [sflag:$0xE], $0x8, s6, s12, $0xb8;
	[tilespmem:$0x3C00] =	vst v63  }
0x159: {  	_ =	swait.ge [sflag:s31], $0x400  }
0x15a: {  	[sflag:s31] =	ssyncset.done $0x0  }
0x15b: {  	s7 =	rddreg [dreg:$0xe];
	[sflag:s31] =	ssyncadd.s32 $0xFFFFFC00  }
0x15c: {  	[spmem:s2] =	stream.indirect.scatter.add.f32 [tilespmem:s21], [sflag:$0xF], $0x8, s7, s12, $0xb8;
	[tilespmem:$0x3C00] =	vst v63  }
0x15d: {  	_ =	swait.ge [sflag:s1], $0x400  }
0x15e: {  	[sflag:s1] =	ssyncset.done $0x0  }
0x15f: {  	s10 =	simm.s32 $0x9;
	s8 =	rddreg [dreg:$0xf];
	[sflag:s1] =	ssyncadd.s32 $0xFFFFFC00  }
0x160: {  	[spmem:s2] =	stream.indirect.scatter.add.f32 [tilespmem:s5], [sflag:$0x10], $0x8, s8, s12, $0xb8;
	[tilespmem:$0x3C00] =	vst v63  }
0x161: {  	_ =	swait.ge [sflag:s10], $0x400  }
0x162: {  	[sflag:s10] =	ssyncset.done $0x0  }
0x163: {  	s11 =	simm.s32 $0xA;
	[sflag:s10] =	ssyncadd.s32 $0xFFFFFC00  }
0x164: {  	_ =	swait.ge [sflag:s11], $0x400  }
0x165: {  	[sflag:s11] =	ssyncset.done $0x0  }
0x166: {  	s14 =	simm.s32 $0xB;
	[sflag:s11] =	ssyncadd.s32 $0xFFFFFC00  }
0x167: {  	_ =	swait.ge [sflag:s14], $0x400  }
0x168: {  	[sflag:s14] =	ssyncset.done $0x0  }
0x169: {  	s15 =	simm.s32 $0xC;
	[sflag:s14] =	ssyncadd.s32 $0xFFFFFC00  }
0x16a: {  	_ =	swait.ge [sflag:s15], $0x400  }
0x16b: {  	[sflag:s15] =	ssyncset.done $0x0  }
0x16c: {  	s16 =	simm.s32 $0xD;
	[sflag:s15] =	ssyncadd.s32 $0xFFFFFC00  }
0x16d: {  	_ =	swait.ge [sflag:s16], $0x400  }
0x16e: {  	[sflag:s16] =	ssyncset.done $0x0  }
0x16f: {  	s17 =	simm.s32 $0xE;
	[sflag:s16] =	ssyncadd.s32 $0xFFFFFC00  }
0x170: {  	_ =	swait.ge [sflag:s17], $0x400  }
0x171: {  	[sflag:s17] =	ssyncset.done $0x0  }
0x172: {  	s19 =	simm.s32 $0xF;
	[sflag:s17] =	ssyncadd.s32 $0xFFFFFC00  }
0x173: {  	_ =	swait.ge [sflag:s19], $0x400  }
0x174: {  	[sflag:s19] =	ssyncset.done $0x0  }
0x175: {  	s21 =	simm.s32 $0x10;
	[sflag:s19] =	ssyncadd.s32 $0xFFFFFC00  }
0x176: {  	_ =	swait.ge [sflag:s21], $0x400  }
0x177: {  	[sflag:s21] =	ssyncset.done $0x0  }
0x178: {  	[sflag:s21] =	ssyncadd.s32 $0xFFFFFC00  }
0x179: {  	[bflag:$0x0] =	sbarrier.arrive $0xFFFF  }
0x17a: {  	s8 =	rddreg [dreg:$0x11]  }
0x17b: {  	s23 =	rddreg [dreg:$0x12]  }
0x17c: {  	s7 =	simm.s32 $0x11;
	s6 =	rddreg [dreg:$0x14]  }
0x17d: {  	[hbm:s23], [sflag:s8] =	dma.local [spmem:s6], $0x280  }
0x17e: {  	_ =	swait.ge [sflag:s7], $0x280  }
0x17f: {  	s25 =	rddreg [dreg:$0x15]  }
0x180: {  	s28 =	rddreg [dreg:$0x13];
	s0 =	sadd.s32 $0x1, s25  }
0x181: {  	p0 =	sne.s32 s0, s28  }
.Ltmp1:
0x182: {  	_ = 	snop;
	(pc) =	sbr.rel @p0 .LBB2_1-.Ltmp1, $3  }
0x183: {  	_ =	sdelay $0x1  }
0x184: {  	[sflag:s7] =	ssyncset.done $0x0  }
0x185: {  	[sflag:s7] =	ssyncadd.s32 $0xFFFFFD80  }
0x186: {  	_ =	sfence.sel $0x180000  }
0x187: {  	[bflag:$0x0] =	sbarrier.arrive $0xFFFF  }
0x188: {  	_ =	strace $0x9000004A  }
0x189: {  	s0 =	stileid.u32;
	[bflag:$0x2] =	sbarrier.arrive $0xFFFF  }
0x18a: {  	p0 =	sne.s32 s0, $0x0;
	s0 =	rddreg [dreg:$0x2]  }
0x18b: {  	s0 =	sadd.s32 @!p0 $0x100000, s0  }
0x18c: {  	[sflag:s0] =	ssyncadd.tile.s32 @!p0 $0x1;
	_ =	shalt  }
.Lfunc_end2:
_tile_overlayer_lowered:
.L_overlay_start_2:
0x18d: {  	(tag) =	ssettag $0x2  }
0x18e: {  	s0 =	rddreg [dreg:$0x0];
	s2 =	stileid.u32  }
0x18f: {  	s1 =	rddreg [dreg:$0x1];
	p0 =	sne.s32 s2, $0x0  }
0x190: {  	s3 =	rddreg [dreg:$0x2];
	[bflag:$0x3] =	sbarrier.arrive $0xFFFF;
	s2 =	simm.s32 @!p0 $0x1C11  }
0x191: {  	[timem:s3], [sflag:s2] =	dma.local @!p0 [hbm:s0], s1  }
0x192: {  	s0 =	simm.s32 @!p0 $0x11  }
0x193: {  	_ =	swait.ge @!p0 [sflag:s0], s1  }
0x194: {  	s1 =	ssub.s32 @!p0 $0x0, s1;
	[sflag:s0] =	ssyncset.done @!p0 $0x0  }
0x195: {  	[sflag:s0] =	ssyncadd.s32 @!p0 s1  }
0x196: {  	[bflag:$0x3] =	sbarrier.arrive $0xFFFF  }
0x197: {  	_ =	shalt  }

// kernel: kernel.17.cloned.1.call-start
scs
__scs_entry_jumppad:
0x0: {  	(pc) =	sbr.rel $0x88, $3  }
0x1: {  	(tag) =	ssettag $0x0;
	lr =	simm.s32 $0x1  }
0x2: {  	[smem:$0x3F97] =	sst lr;
	_ =	strace $0xD0000000  }
0x3: {  	_ = 	snop  }
0x4: {  	_ = 	snop  }
0x5: {  	_ = 	snop  }
0x6: {  	_ = 	snop  }
0x7: {  	_ = 	snop  }
__scs_overlays_trampoline_lowered:
0x8: {  	[smem:$0x3FA6] =	sst s0  }
0x9: {  	[smem:$0x3FA7] =	sst s1  }
0xa: {  	[smem:$0x3FA8] =	sst s2  }
0xb: {  	[smem:$0x3FA9] =	sst s3  }
0xc: {  	[smem:$0x3FAA] =	sst s4  }
0xd: {  	[smem:$0x3FAB] =	sst s5  }
0xe: {  	[smem:$0x3FAC] =	sst s6  }
0xf: {  	[smem:$0x3FAD] =	sst s7  }
0x10: {  	[smem:$0x3FAE] =	sst s8  }
0x11: {  	[smem:$0x3FAF] =	sst s9;
	s0 =	simm.s32 @!p0 $0x0  }
0x12: {  	s1 =	sld [smem:$0x3F95];
	s0 =	simm.s32 @p0 $0x1  }
0x13: {  	[smem:$0x3FB0] =	sst s0;
	s0 =	simm.s32 @!p1 $0x0  }
0x14: {  	s2 =	sld [smem:$0x3F94];
	s0 =	simm.s32 @p1 $0x1  }
0x15: {  	[smem:$0x3FB1] =	sst s0;
	s0 =	simm.s32 @!p2 $0x0  }
0x16: {  	s3 =	sld [smem:$0x3FDB];
	s0 =	simm.s32 @p2 $0x1  }
0x17: {  	s4 =	simm.s32 $0x1BF5;
	[smem:$0x3FB3] =	sst s0  }
0x18: {  	s0 =	sld [smem:$0x3F96];
	_ =	swait.ge [sflag:s4], $0x0  }
0x19: {  	s7 =	sld [smem:$0x3F97]  }
0x1a: {  	s8 =	sadd.s32 $0xFFFFE003, lr  }
0x1b: {  	s9 =	sadd.s32 $0xFFFFFEF7, lr;
	s5 =	simm.s32 $0xFFFFFFFF;
	p2 =	slt.u32 s8, $0xFFFFF086  }
0x1c: {  	p1 =	slt.u32 s9, $0xF7A;
	s5 =	simm.s32 @!p2 $0x0  }
0x1d: {  	s5 =	simm.s32 @p1 $0x1;
	p0 =	seq.s32 s7, s2  }
0x1e: {  	s7 =	smul.u32 @!p0 $0xF7A, s2;
	p2 =	seq.s32 @!p0 s5, $0x0  }
0x1f: {  	s9 =	smul.u32 $0xF7A, s1;
	s8 =	simm.s32 @!p0 $0x1BF5;
	p2 =	por !p2, p0  }
0x20: {  	[sflag:s8] =	ssyncset.s32 @!p0 $0xFFFFF086;
	s6 =	sadd.s32 @!p0 s3, s7;
	s7 =	simm.s32 @!p0 $0x108  }
0x21: {  	s3 =	sadd.s32 s3, s9;
	s6 =	sadd.s32 @!p0 $0x88, s6;
	s7 =	simm.s32 @p2 $0x1082  }
0x22: {  	[simem:s7], [sflag:s8] =	dma.local @!p0 [hbm:s6], $0xF7A  }
0x23: {  	s9 =	sor.u32 $0xD0000000, s2;
	s6 =	simm.s32 $0x108;
	_ =	swait.ge @!p0 [sflag:s8], $0x0  }
0x24: {  	s3 =	sadd.s32 $0x88, s3;
	s6 =	simm.s32 @!p1 $0x1082;
	[sflag:s4] =	ssyncset.s32 $0xFFFFF086  }
0x25: {  	[simem:s6], [sflag:s4] =	dma.local [hbm:s3], $0xF7A  }
0x26: {  	[smem:$0x3F97] =	sst s1;
	(tag) =	ssettag s2;
	_ =	strace s9  }
0x27: {  	s1 =	sld [smem:$0x3FA7]  }
0x28: {  	s2 =	sld [smem:$0x3FA8]  }
0x29: {  	s4 =	sld [smem:$0x3FAA]  }
0x2a: {  	p0 =	seq.s32 s5, $0x0;
	s5 =	sld [smem:$0x3FAB]  }
0x2b: {  	s6 =	sld [smem:$0x3FAC]  }
0x2c: {  	s7 =	sld [smem:$0x3FAD]  }
0x2d: {  	s3 =	simm.s32 $0x108;
	s8 =	sld [smem:$0x3FAE]  }
0x2e: {  	s3 =	simm.s32 @!p0 $0x1082;
	s9 =	sld [smem:$0x3FAF]  }
0x2f: {  	lr =	sadd.s32 s0, s3;
	s0 =	sld [smem:$0x3FA6]  }
0x30: {  	s3 =	sld [smem:$0x3FA9]  }
0x31: {  	[smem:$0x3FB2] =	sst s10  }
0x32: {  	s10 =	sld [smem:$0x3FB0];
	_ =	sdelay $0x3  }
0x33: {  	p0 =	seq.s32 s10, $0x1;
	s10 =	sld [smem:$0x3FB2];
	_ =	sdelay $0x3  }
0x34: {  	[smem:$0x3FB2] =	sst s10  }
0x35: {  	s10 =	sld [smem:$0x3FB1];
	_ =	sdelay $0x3  }
0x36: {  	p1 =	seq.s32 s10, $0x1;
	s10 =	sld [smem:$0x3FB2];
	_ =	sdelay $0x3  }
0x37: {  	[smem:$0x3FB2] =	sst s10  }
0x38: {  	s10 =	sld [smem:$0x3FB3]  }
0x39: {  	_ = 	snop;
	(pc) =	sbr.ind lr, $3  }
0x3a: {  	_ = 	snop  }
0x3b: {  	_ = 	snop  }
0x3c: {  	p2 =	seq.s32 s10, $0x1;
	s10 =	sld [smem:$0x3FB2]  }
0x3d: {  	_ =	shalt  }
0x3e: {  	_ =	shalt  }
0x3f: {  	_ =	shalt  }
0x40: {  	_ =	shalt  }
0x41: {  	_ =	shalt  }
0x42: {  	_ =	shalt  }
0x43: {  	_ =	shalt  }
0x44: {  	_ =	shalt  }
0x45: {  	_ =	shalt  }
0x46: {  	_ =	shalt  }
0x47: {  	_ =	shalt  }
0x48: {  	_ =	shalt  }
0x49: {  	_ =	shalt  }
0x4a: {  	_ =	shalt  }
0x4b: {  	_ =	shalt  }
0x4c: {  	_ =	shalt  }
0x4d: {  	_ =	shalt  }
0x4e: {  	_ =	shalt  }
0x4f: {  	_ =	shalt  }
0x50: {  	_ =	shalt  }
0x51: {  	_ =	shalt  }
0x52: {  	_ =	shalt  }
0x53: {  	_ =	shalt  }
0x54: {  	_ =	shalt  }
0x55: {  	_ =	shalt  }
0x56: {  	_ =	shalt  }
0x57: {  	_ =	shalt  }
0x58: {  	_ =	shalt  }
0x59: {  	_ =	shalt  }
0x5a: {  	_ =	shalt  }
0x5b: {  	_ =	shalt  }
0x5c: {  	_ =	shalt  }
0x5d: {  	_ =	shalt  }
0x5e: {  	_ =	shalt  }
0x5f: {  	_ =	shalt  }
0x60: {  	_ =	shalt  }
0x61: {  	_ =	shalt  }
0x62: {  	_ =	shalt  }
0x63: {  	_ =	shalt  }
0x64: {  	_ =	shalt  }
0x65: {  	_ =	shalt  }
0x66: {  	_ =	shalt  }
0x67: {  	_ =	shalt  }
0x68: {  	_ =	shalt  }
0x69: {  	_ =	shalt  }
0x6a: {  	_ =	shalt  }
0x6b: {  	_ =	shalt  }
0x6c: {  	_ =	shalt  }
0x6d: {  	_ =	shalt  }
0x6e: {  	_ =	shalt  }
0x6f: {  	_ =	shalt  }
0x70: {  	_ =	shalt  }
0x71: {  	_ =	shalt  }
0x72: {  	_ =	shalt  }
0x73: {  	_ =	shalt  }
0x74: {  	_ =	shalt  }
0x75: {  	_ =	shalt  }
0x76: {  	_ =	shalt  }
0x77: {  	_ =	shalt  }
0x78: {  	_ =	shalt  }
0x79: {  	_ =	shalt  }
0x7a: {  	_ =	shalt  }
0x7b: {  	_ =	shalt  }
0x7c: {  	_ =	shalt  }
0x7d: {  	_ =	shalt  }
0x7e: {  	_ =	shalt  }
0x7f: {  	_ =	shalt  }
0x80: {  	_ =	shalt  }
0x81: {  	_ =	shalt  }
0x82: {  	_ =	shalt  }
0x83: {  	_ =	shalt  }
0x84: {  	_ =	shalt  }
0x85: {  	_ =	shalt  }
0x86: {  	_ =	shalt  }
0x87: {  	_ =	shalt  }
.Lfunc_end0:
.L_simem_size_0:
called_computation.2_lowered:
.L_overlay_start_0:
0x88: {  	s2 =	sld [smem:$0x3FD9]  }
0x89: {  	s3 =	sld [smem:$0x3FFE];
	_ =	sdelay $0x1  }
0x8a: {  	s1 =	srdreg.scid  }
0x8b: {  	s0 =	sand.u32 $0x1, s1  }
0x8c: {  	s16 =	sshll.u32 s0, $0xA;
	s2 =	sadd.s32 s3, s2  }
0x8d: {  	s2 =	sadd.s32 s2, s16  }
0x8e: {  	[smem:$0x3FBE] =	sst s2  }
0x8f: {  	_ = 	snop  }
0x90: {  	(tm) =	ssettm $0x1  }
0x91: {  	s17 =	sld [smem:$0x3FFB];
	_ =	sdelay $0x3  }
0x92: {  	_ =	strace s17  }
0x93: {  	s2 =	sld [smem:$0x3FFC];
	_ =	sdelay $0x3  }
0x94: {  	_ =	strace s2  }
0x95: {  	s2 =	sld [smem:$0x3FFD];
	_ =	sdelay $0x3  }
0x96: {  	_ =	strace s2  }
0x97: {  	_ =	strace $0x8FFFFFFF  }
0x98: {  	s18 =	sld [smem:$0x3FDB];
	_ =	sdelay $0x1  }
0x99: {  	s19 =	simm.s32 $_scs_section_size  }
0x9a: {  	s4 =	simm.s32 $_size__tile_overlayer_lowered;
	s5 =	simm.s32 $_tile_overlayer_lowered  }
0x9b: {  	s22 =	simm.s32 $0x1BFF;
	s21 =	sshll.u32 s5, $0x1;
	s2 =	sadd.s32 s19, s18  }
0x9c: {  	s6 =	simm.s32 $0x0;
	s20 =	sshll.u32 s4, $0x1;
	s4 =	sadd.s32 s21, s2  }
0x9d: {  	[timem:s6], [sflag:s22] =	dma.local [hbm:s4], s20  }
0x9e: {  	_ =	swait.ge [sflag:s22], s20  }
0x9f: {  	s3 =	ssub.s32 $0x0, s20;
	[sflag:s22] =	ssyncset.done $0x0  }
0xa0: {  	[sflag:s22] =	ssyncadd.s32 s3;
	_ =	sdelay $0x1  }
0xa1: {  	s23 =	simm.s32 $0x1B8B  }
0xa2: {  	_ =	swait.ge [sflag:s23], $0x1  }
0xa3: {  	[sflag:s23] =	ssyncset.done $0x0  }
0xa4: {  	s25 =	simm.s32 $0x1B8E;
	s24 =	sld [smem:$0x3FFE];
	[sflag:s23] =	ssyncadd.s32 $0xFFFFFFFF  }
0xa5: {  	s26 =	simm.s32 $execute0_lowered;
	[smem:$0x3FD2] =	sst s25  }
0xa6: {  	s4 =	sshll.u32 s26, $0x1;
	_ =	strace $0x8000004C;
	[dreg:$0x1] =	wrdreg $0xFFFFFFFF  }
0xa7: {  	s28 =	simm.s32 $_size_execute0_lowered;
	s2 =	sadd.s32 s2, s4;
	[dreg:$0x0] =	wrdreg $0x0  }
0xa8: {  	s4 =	sshll.u32 s28, $0x1;
	[dreg:$0x2] =	wrdreg s2  }
0xa9: {  	[dreg:$0x3] =	wrdreg s4  }
0xaa: {  	[dreg:$0x4] =	wrdreg $0xC0  }
0xab: {  	_ =	task [dreg:s6], $0x5FFFF  }
0xac: {  	[dreg:$0x1] =	wrdreg $0xFFFFFFFF  }
0xad: {  	[dreg:$0x0] =	wrdreg $0x60  }
0xae: {  	[dreg:$0x2] =	wrdreg s24  }
0xaf: {  	[dreg:$0x3] =	wrdreg $0x28000  }
0xb0: {  	[dreg:$0x4] =	wrdreg $0x9  }
0xb1: {  	_ =	task.clear_ibuf [dreg:s6], $0x5FFFF;
	_ =	strace $0x9000004C  }
0xb2: {  	s29 =	simm.s32 $0x9;
	_ =	strace $0x8000004E  }
0xb3: {  	_ =	swait.ge [sflag:s29], $0x1  }
0xb4: {  	[sflag:s29] =	ssyncadd.s32 $0xFFFFFFFF  }
0xb5: {  	_ =	strace $0x9000004E  }
0xb6: {  	_ =	sfence  }
0xb7: {  	s30 =	sld [smem:$0x0];
	_ =	sdelay $0x2  }
0xb8: {  	s31 =	sshll.u32 s1, $0xD;
	s1 =	sshrl.u32 s1, $0x2  }
0xb9: {  	s3 =	sand.u32 $0x4000, s31;
	s1 =	sadd.s32 s1, s30  }
0xba: {  	s0 =	sor.u32 s3, s0;
	s1 =	sshll.u32 s1, $0x11  }
0xbb: {  	s0 =	sor.u32 s1, s0  }
0xbc: {  	s0 =	sadd.s32 $0x8F2B, s0  }
0xbd: {  	[sflag:s0] =	ssyncadd.remote.s32 $0x1  }
0xbe: {  	_ =	sfence.sel $0xFFFF  }
0xbf: {  	[dreg:$0x0] =	wrdreg $0xFFFFFFFF;
	(pc) =	sbr.abs _section_cstart, $3  }
0xc0: {  	[dreg:$0x1] =	wrdreg $0xFFFFFFFF  }
0xc1: {  	_ =	task.clear_ibuf [dreg:s6], $0x2FFFF;
	_ =	strace $0x9FFFFFFF  }
0xc2: {  	(tm) =	ssettm $0x7FFFFFFF  }
0xc3: {  	_ =	shalt  }
tec
execute0_lowered:
.L_overlay_start_1:
0x0: {  	(tag) =	ssettag $0x1  }
0x1: {  	s0 =	rddreg [dreg:$0x0]  }
0x2: {  	s2 =	rddreg [dreg:$0x1]  }
0x3: {  	s1 =	simm.s32 $0x0;
	s11 =	stileid.u32;
	s9 =	srdreg.scid  }
0x4: {  	s18 =	simm.s32 $0x100;
	s19 =	simm.s32 $0x300;
	s20 =	simm.s32 $0x500  }
0x5: {  	s21 =	simm.s32 $0x180;
	s22 =	simm.s32 $0x280;
	s23 =	simm.s32 $0x380  }
0x6: {  	s24 =	simm.s32 $0x480;
	s25 =	simm.s32 $0x580;
	[smem:$0x7FF] =	sst s1  }
0x7: {  	s26 =	simm.s32 $0x680;
	_ =	strace $0x8000004D;
	[dreg:$0x6] =	wrdreg s18  }
0x8: {  	s28 =	simm.s32 $0x780;
	s29 =	simm.s32 $0x6;
	[dreg:$0x7] =	wrdreg s19  }
0x9: {  	s31 =	simm.s32 $0x7;
	s30 =	simm.s32 $0x0;
	[dreg:$0x8] =	wrdreg s20  }
0xa: {  	s3 =	smul.u32 $0x1400, s11;
	s1 =	sand.u32 $0x1, s9;
	[dreg:$0x9] =	wrdreg s21  }
0xb: {  	s5 =	sadd.s32 $0x2E00, s0;
	s4 =	sadd.s32 $0x19600, s0;
	[dreg:$0xa] =	wrdreg s22  }
0xc: {  	s13 =	sshll.u32 s11, $0x6;
	s15 =	smul.u32 $0x500, s11;
	[dreg:$0xb] =	wrdreg s23  }
0xd: {  	s6 =	smul.u32 $0x14000, s1;
	s7 =	sshll.u32 s1, $0x4;
	[dreg:$0xc] =	wrdreg s24  }
0xe: {  	s9 =	ssub.s32 $0x2, s1;
	s1 =	smul.u32 $0x5000, s1;
	[dreg:$0xd] =	wrdreg s25  }
0xf: {  	s18 =	simm.s32 $0x1;
	s20 =	simm.s32 $0x2;
	[dreg:$0xe] =	wrdreg s26  }
0x10: {  	s22 =	simm.s32 $0x3;
	s24 =	simm.s32 $0x4;
	[dreg:$0xf] =	wrdreg s28  }
0x11: {  	s8 =	sshrl.u32 s3, $0x3;
	s7 =	sor.u32 s11, s7;
	s10 =	sshrl.u32 s9, $0x1  }
0x12: {  	s6 =	sadd.s32 s3, s6;
	s7 =	smul.u32 $0x500, s7;
	s8 =	sadd.s32 s8, s0  }
0x13: {  	s10 =	ssub.s32 s9, s10;
	s3 =	sadd.s32 s3, s2;
	s8 =	sadd.s32 $0x16E00, s8  }
0x14: {  	s6 =	sshrl.u32 s6, $0x3;
	s16 =	smax.u32 s10, $0x1;
	[dreg:$0x10] =	wrdreg s8  }
0x15: {  	s0 =	sadd.s32 s6, s0;
	s8 =	sor.u32 $0x1C11, s13;
	[dreg:$0x13] =	wrdreg s16  }
0x16: {  	s7 =	sadd.s32 s7, s5;
	s6 =	sshrl.u32 s3, $0x3;
	[dreg:$0x11] =	wrdreg s8  }
0x17: {  	s26 =	simm.s32 $0x5;
	s12 =	sadd.s32 $0x10, s7;
	[dreg:$0x14] =	wrdreg s6  }
0x18: {  	s17 =	sadd.s32 s1, s5;
	s14 =	sadd.s32 $0x30, s7;
	[dreg:$0x3] =	wrdreg s12  }
0x19: {  	s1 =	simm.s32 $0x8;
	s7 =	sadd.s32 $0x50, s7;
	[dreg:$0x4] =	wrdreg s14  }
0x1a: {  	s9 =	sadd.s32 s15, s17;
	s0 =	sadd.s32 $0x1BE00, s0;
	[dreg:$0x5] =	wrdreg s7  }
0x1b: {  	s13 =	simm.s32 $0x50000;
	s5 =	simm.s32 $0x2400;
	[dreg:$0x12] =	wrdreg s0  }
0x1c: {  	s7 =	simm.s32 $0x11;
	s12 =	simm.s32 $0x80;
	s0 =	simm.s32 $0x0  }
.LBB2_1:
0x1d: {  	[dreg:$0x15] =	wrdreg s0  }
0x1e: {  	s3 =	rddreg [dreg:$0x10]  }
0x1f: {  	[spmem:s6], [sflag:s8] =	dma.local [hbm:s3], $0x280  }
0x20: {  	_ =	swait.ge [sflag:s7], $0x280  }
0x21: {  	p1 =	por $0x1, $0x1;
	[sflag:s7] =	ssyncset.done $0x0  }
0x22: {  	p0 =	por p1, p1;
	[sflag:s7] =	ssyncadd.s32 $0xFFFFFD80  }
0x23: {  	s3 =	simm.s32 @!p0 $0x9;
	[bflag:$0x0] =	sbarrier.arrive $0xFFFF  }
0x24: {  	_ =	swait.ge @!p0 [sflag:s3], $0x400  }
0x25: {  	s21 =	sadd.s32 $0x0, s9;
	s15 =	simm.s32 $0x0;
	[sflag:s3] =	ssyncset.done @!p0 $0x0  }
0x26: {  	s6 =	simm.s32 @!p0 $0xA;
	s17 =	simm.s32 @p0 $0x80;
	[sflag:s3] =	ssyncadd.s32 @!p0 $0xFFFFFC00  }
0x27: {  	[tilespmem:s15], [sflag:$0x1] =	stream.strided.gather [hbm4b:s21+s12], $0x100, s13, s12, $0x38;
	[tilespmem:$0x3C00] =	vst v63  }
0x28: {  	s10 =	simm.s32 @p0 $0x50000;
	s11 =	simm.s32 @p0 $0x100;
	s7 =	rddreg [dreg:$0x3]  }
0x29: {  	[tilespmem:s11], [sflag:$0x2] =	stream.strided.gather @p0 [hbm4b:s7+s17], $0x100, s10, s17, $0x38;
	[tilespmem:$0x3C00] =	vst v63  }
0x2a: {  	s14 =	simm.s32 @!p0 $0x100;
	_ =	swait.ge @!p0 [sflag:s6], $0x400  }
0x2b: {  	s8 =	simm.s32 @!p0 $0x80;
	s7 =	sadd.s32 @!p1 $0x0, s9;
	[sflag:s6] =	ssyncset.done @!p0 $0x0  }
0x2c: {  	s11 =	sadd.s32 @!p1 $0x10, s7;
	[sflag:s6] =	ssyncadd.s32 @!p0 $0xFFFFFC00;
	s6 =	simm.s32 @!p0 $0x50000  }
0x2d: {  	[tilespmem:s14], [sflag:$0x2] =	stream.strided.gather @!p0 [hbm4b:s11+s8], $0x100, s6, s8, $0x38;
	[tilespmem:$0x3C00] =	vst v63  }
0x2e: {  	s11 =	simm.s32 @!p0 $0xB  }
0x2f: {  	_ =	swait.ge @!p0 [sflag:s11], $0x400  }
0x30: {  	[sflag:s11] =	ssyncset.done @!p0 $0x0  }
0x31: {  	s25 =	simm.s32 $0x200;
	s23 =	sadd.s32 $0x20, s21;
	[sflag:s11] =	ssyncadd.s32 @!p0 $0xFFFFFC00  }
0x32: {  	[tilespmem:s25], [sflag:$0x3] =	stream.strided.gather [hbm4b:s23+s12], $0x100, s13, s12, $0x38;
	[tilespmem:$0x3C00] =	vst v63  }
0x33: {  	s14 =	rddreg [dreg:$0x4];
	s11 =	simm.s32 @p0 $0x300  }
0x34: {  	[tilespmem:s11], [sflag:$0x4] =	stream.strided.gather @p0 [hbm4b:s14+s17], $0x100, s10, s17, $0x38;
	[tilespmem:$0x3C00] =	vst v63  }
0x35: {  	s11 =	simm.s32 @!p0 $0xC  }
0x36: {  	_ =	swait.ge @!p0 [sflag:s11], $0x400  }
0x37: {  	[sflag:s11] =	ssyncset.done @!p0 $0x0  }
0x38: {  	s14 =	sadd.s32 @!p1 $0x30, s7;
	[sflag:s11] =	ssyncadd.s32 @!p0 $0xFFFFFC00;
	s11 =	simm.s32 @!p0 $0x300  }
0x39: {  	[tilespmem:s11], [sflag:$0x4] =	stream.strided.gather @!p0 [hbm4b:s14+s8], $0x100, s6, s8, $0x38;
	[tilespmem:$0x3C00] =	vst v63  }
0x3a: {  	s11 =	simm.s32 @!p0 $0xD  }
0x3b: {  	_ =	swait.ge @!p0 [sflag:s11], $0x400  }
0x3c: {  	[sflag:s11] =	ssyncset.done @!p0 $0x0  }
0x3d: {  	s16 =	simm.s32 $0x400;
	s28 =	sadd.s32 $0x40, s21;
	[sflag:s11] =	ssyncadd.s32 @!p0 $0xFFFFFC00  }
0x3e: {  	[tilespmem:s16], [sflag:$0x5] =	stream.strided.gather [hbm4b:s28+s12], $0x100, s13, s12, $0x38;
	[tilespmem:$0x3C00] =	vst v63  }
0x3f: {  	s14 =	rddreg [dreg:$0x5];
	s11 =	simm.s32 @p0 $0x500  }
0x40: {  	[tilespmem:s11], [sflag:$0x6] =	stream.strided.gather @p0 [hbm4b:s14+s17], $0x100, s10, s17, $0x38;
	[tilespmem:$0x3C00] =	vst v63  }
0x41: {  	s10 =	simm.s32 @!p0 $0xE  }
0x42: {  	_ =	swait.ge @!p0 [sflag:s10], $0x400  }
0x43: {  	s7 =	sadd.s32 @!p1 $0x50, s7;
	[sflag:s10] =	ssyncset.done @!p0 $0x0  }
0x44: {  	s11 =	simm.s32 @!p0 $0xF;
	[sflag:s10] =	ssyncadd.s32 @!p0 $0xFFFFFC00;
	s10 =	simm.s32 @!p0 $0x500  }
0x45: {  	[tilespmem:s10], [sflag:$0x6] =	stream.strided.gather @!p0 [hbm4b:s7+s8], $0x100, s6, s8, $0x38;
	[tilespmem:$0x3C00] =	vst v63  }
0x46: {  	_ =	swait.ge @!p0 [sflag:s11], $0x400  }
0x47: {  	s8 =	sadd.s32 $0x60, s21;
	[sflag:s11] =	ssyncset.done @!p0 $0x0  }
0x48: {  	s7 =	simm.s32 @!p0 $0x10;
	s10 =	simm.s32 $0x600;
	[sflag:s11] =	ssyncadd.s32 @!p0 $0xFFFFFC00  }
0x49: {  	[tilespmem:s10], [sflag:$0x7] =	stream.strided.gather [hbm4b:s8+s12], $0x100, s13, s12, $0x38;
	[tilespmem:$0x3C00] =	vst v63  }
0x4a: {  	_ =	swait.ge @!p0 [sflag:s7], $0x400  }
0x4b: {  	[sflag:s7] =	ssyncset.done @!p0 $0x0  }
0x4c: {  	s3 =	sadd.s32 $0x70, s21;
	s11 =	simm.s32 $0x700;
	[sflag:s7] =	ssyncadd.s32 @!p0 $0xFFFFFC00  }
0x4d: {  	[tilespmem:s11], [sflag:$0x8] =	stream.strided.gather [hbm4b:s3+s12], $0x100, s13, s12, $0x38;
	[tilespmem:$0x3C00] =	vst v63  }
0x4e: {  	_ =	swait.ge [sflag:s18], $0x100  }
0x4f: {  	[sflag:s18] =	ssyncset.done $0x0  }
0x50: {  	s17 =	simm.s32 $0x800;
	[sflag:s18] =	ssyncadd.s32 $0xFFFFFF00  }
0x51: {  	[tilespmem:s17], [sflag:$0x1] =	stream.indirect.gather [hbm4b:s4+s12], $0x8, s15, s12, $0xb8;
	[tilespmem:$0x3C00] =	vst v63  }
0x52: {  	_ =	swait.ge [sflag:s20], $0x100  }
0x53: {  	[sflag:s20] =	ssyncset.done $0x0  }
0x54: {  	s21 =	simm.s32 $0xC00;
	s19 =	rddreg [dreg:$0x6];
	[sflag:s20] =	ssyncadd.s32 $0xFFFFFF00  }
0x55: {  	[tilespmem:s21], [sflag:$0x2] =	stream.indirect.gather [hbm4b:s4+s12], $0x8, s19, s12, $0xb8;
	[tilespmem:$0x3C00] =	vst v63  }
0x56: {  	_ =	swait.ge [sflag:s22], $0x100  }
0x57: {  	[sflag:s22] =	ssyncset.done $0x0  }
0x58: {  	s23 =	simm.s32 $0x1000;
	[sflag:s22] =	ssyncadd.s32 $0xFFFFFF00  }
0x59: {  	[tilespmem:s23], [sflag:$0x3] =	stream.indirect.gather [hbm4b:s4+s12], $0x8, s25, s12, $0xb8;
	[tilespmem:$0x3C00] =	vst v63  }
0x5a: {  	_ =	swait.ge [sflag:s24], $0x100  }
0x5b: {  	[sflag:s24] =	ssyncset.done $0x0  }
0x5c: {  	s14 =	simm.s32 $0x1400;
	s0 =	rddreg [dreg:$0x7];
	[sflag:s24] =	ssyncadd.s32 $0xFFFFFF00  }
0x5d: {  	[tilespmem:s14], [sflag:$0x4] =	stream.indirect.gather [hbm4b:s4+s12], $0x8, s0, s12, $0xb8;
	[tilespmem:$0x3C00] =	vst v63  }
0x5e: {  	_ =	swait.ge [sflag:s26], $0x100  }
0x5f: {  	[sflag:s26] =	ssyncset.done $0x0  }
0x60: {  	s15 =	simm.s32 $0x1800;
	[sflag:s26] =	ssyncadd.s32 $0xFFFFFF00  }
0x61: {  	[tilespmem:s15], [sflag:$0x5] =	stream.indirect.gather [hbm4b:s4+s12], $0x8, s16, s12, $0xb8;
	[tilespmem:$0x3C00] =	vst v63  }
0x62: {  	_ =	swait.ge [sflag:s29], $0x100  }
0x63: {  	[sflag:s29] =	ssyncset.done $0x0  }
0x64: {  	s28 =	simm.s32 $0x1C00;
	s25 =	rddreg [dreg:$0x8];
	[sflag:s29] =	ssyncadd.s32 $0xFFFFFF00  }
0x65: {  	[tilespmem:s28], [sflag:$0x6] =	stream.indirect.gather [hbm4b:s4+s12], $0x8, s25, s12, $0xb8;
	[tilespmem:$0x3C00] =	vst v63  }
0x66: {  	_ =	swait.ge [sflag:s31], $0x100  }
0x67: {  	[sflag:s31] =	ssyncset.done $0x0  }
0x68: {  	s16 =	simm.s32 $0x2000;
	[sflag:s31] =	ssyncadd.s32 $0xFFFFFF00  }
0x69: {  	[tilespmem:s16], [sflag:$0x7] =	stream.indirect.gather [hbm4b:s4+s12], $0x8, s10, s12, $0xb8;
	[tilespmem:$0x3C00] =	vst v63  }
0x6a: {  	_ =	swait.ge [sflag:s1], $0x100  }
0x6b: {  	[sflag:s1] =	ssyncset.done $0x0  }
0x6c: {  	[sflag:s1] =	ssyncadd.s32 $0xFFFFFF00  }
0x6d: {  	[tilespmem:s5], [sflag:$0x8] =	stream.indirect.gather [hbm4b:s4+s12], $0x8, s11, s12, $0xb8;
	[tilespmem:$0x3C00] =	vst v63  }
0x6e: {  	_ =	swait.ge [sflag:s18], $0x400  }
0x6f: {  	[sflag:s18] =	ssyncset.done $0x0  }
0x70: {  	[sflag:s18] =	ssyncadd.s32 $0xFFFFFC00  }
0x71: {  	[spmem:s2] =	stream.indirect.scatter.add.f32 [tilespmem:s17], [sflag:$0x9], $0x8, s12, s12, $0xb8;
	[tilespmem:$0x3C00] =	vst v63  }
0x72: {  	_ =	swait.ge [sflag:s20], $0x400  }
0x73: {  	[sflag:s20] =	ssyncset.done $0x0  }
0x74: {  	s17 =	rddreg [dreg:$0x9];
	[sflag:s20] =	ssyncadd.s32 $0xFFFFFC00  }
0x75: {  	[spmem:s2] =	stream.indirect.scatter.add.f32 [tilespmem:s21], [sflag:$0xA], $0x8, s17, s12, $0xb8;
	[tilespmem:$0x3C00] =	vst v63  }
0x76: {  	_ =	swait.ge [sflag:s22], $0x400  }
0x77: {  	[sflag:s22] =	ssyncset.done $0x0  }
0x78: {  	s19 =	rddreg [dreg:$0xa];
	[sflag:s22] =	ssyncadd.s32 $0xFFFFFC00  }
0x79: {  	[spmem:s2] =	stream.indirect.scatter.add.f32 [tilespmem:s23], [sflag:$0xB], $0x8, s19, s12, $0xb8;
	[tilespmem:$0x3C00] =	vst v63  }
0x7a: {  	_ =	swait.ge [sflag:s24], $0x400  }
0x7b: {  	[sflag:s24] =	ssyncset.done $0x0  }
0x7c: {  	s21 =	rddreg [dreg:$0xb];
	[sflag:s24] =	ssyncadd.s32 $0xFFFFFC00  }
0x7d: {  	[spmem:s2] =	stream.indirect.scatter.add.f32 [tilespmem:s14], [sflag:$0xC], $0x8, s21, s12, $0xb8;
	[tilespmem:$0x3C00] =	vst v63  }
0x7e: {  	_ =	swait.ge [sflag:s26], $0x400  }
0x7f: {  	[sflag:s26] =	ssyncset.done $0x0  }
0x80: {  	s23 =	rddreg [dreg:$0xc];
	[sflag:s26] =	ssyncadd.s32 $0xFFFFFC00  }
0x81: {  	[spmem:s2] =	stream.indirect.scatter.add.f32 [tilespmem:s15], [sflag:$0xD], $0x8, s23, s12, $0xb8;
	[tilespmem:$0x3C00] =	vst v63  }
0x82: {  	_ =	swait.ge [sflag:s29], $0x400  }
0x83: {  	[sflag:s29] =	ssyncset.done $0x0  }
0x84: {  	s25 =	rddreg [dreg:$0xd];
	[sflag:s29] =	ssyncadd.s32 $0xFFFFFC00  }
0x85: {  	[spmem:s2] =	stream.indirect.scatter.add.f32 [tilespmem:s28], [sflag:$0xE], $0x8, s25, s12, $0xb8;
	[tilespmem:$0x3C00] =	vst v63  }
0x86: {  	_ =	swait.ge [sflag:s31], $0x400  }
0x87: {  	p0 =	por $0x0, $0x0;
	s7 =	simm.s32 $0x80;
	[sflag:s31] =	ssyncset.done $0x0  }
0x88: {  	s8 =	sadd.s32 @!p0 $0x80, s9;
	s28 =	rddreg [dreg:$0xe];
	[sflag:s31] =	ssyncadd.s32 $0xFFFFFC00  }
0x89: {  	[spmem:s2] =	stream.indirect.scatter.add.f32 [tilespmem:s16], [sflag:$0xF], $0x8, s28, s12, $0xb8;
	[tilespmem:$0x3C00] =	vst v63  }
0x8a: {  	s6 =	sadd.s32 @!p0 $0x30, s8;
	s10 =	sadd.s32 @!p0 $0x10, s8;
	_ =	swait.ge [sflag:s1], $0x400  }
0x8b: {  	s8 =	sadd.s32 @!p0 $0x50, s8;
	p0 =	por p0, p0;
	[sflag:s1] =	ssyncset.done $0x0  }
0x8c: {  	s11 =	simm.s32 $0x100;
	s3 =	rddreg [dreg:$0xf];
	[sflag:s1] =	ssyncadd.s32 $0xFFFFFC00  }
.LBB2_2:
0x8d: {  	[spmem:s2] =	stream.indirect.scatter.add.f32 [tilespmem:s5], [sflag:$0x10], $0x8, s3, s12, $0xb8;
	[tilespmem:$0x3C00] =	vst v63  }
0x8e: {  	s3 =	simm.s32 @!p0 $0x9  }
0x8f: {  	_ =	swait.ge @!p0 [sflag:s3], $0x400  }
0x90: {  	s17 =	simm.s32 @!p0 $0xA;
	[sflag:s3] =	ssyncset.done @!p0 $0x0  }
0x91: {  	s19 =	simm.s32 @p0 $0x80;
	[sflag:s3] =	ssyncadd.s32 @!p0 $0xFFFFFC00;
	s3 =	sadd.s32 s7, s9  }
0x92: {  	[tilespmem:s30], [sflag:$0x1] =	stream.strided.gather [hbm4b:s3+s12], $0x100, s13, s12, $0x38;
	[tilespmem:$0x3C00] =	vst v63  }
0x93: {  	s21 =	simm.s32 @p0 $0x50000;
	s23 =	simm.s32 @p0 $0x100;
	s7 =	rddreg [dreg:$0x3]  }
0x94: {  	[tilespmem:s23], [sflag:$0x2] =	stream.strided.gather @p0 [hbm4b:s7+s19], $0x100, s21, s19, $0x38;
	[tilespmem:$0x3C00] =	vst v63  }
0x95: {  	s15 =	smov.u32 s11;
	s25 =	simm.s32 @!p0 $0xB;
	_ =	swait.ge @!p0 [sflag:s17], $0x400  }
0x96: {  	s28 =	simm.s32 @!p0 $0x50000;
	p2 =	seq.s32 s15, $0x0;
	[sflag:s17] =	ssyncset.done @!p0 $0x0  }
0x97: {  	s7 =	simm.s32 @!p0 $0x100;
	[sflag:s17] =	ssyncadd.s32 @!p0 $0xFFFFFC00;
	s17 =	simm.s32 @!p0 $0x80  }
0x98: {  	[tilespmem:s7], [sflag:$0x2] =	stream.strided.gather @!p0 [hbm4b:s10+s17], $0x100, s28, s17, $0x38;
	[tilespmem:$0x3C00] =	vst v63  }
0x99: {  	s0 =	simm.s32 $0x200;
	s14 =	sadd.s32 @!p2 s15, s9;
	_ =	swait.ge @!p0 [sflag:s25], $0x400  }
0x9a: {  	s16 =	sadd.s32 @!p2 $0x10, s14;
	s7 =	smov.u32 s15;
	[sflag:s25] =	ssyncset.done @!p0 $0x0  }
0x9b: {  	s10 =	smov.u32 s16;
	[sflag:s25] =	ssyncadd.s32 @!p0 $0xFFFFFC00;
	s25 =	sadd.s32 $0x20, s3  }
0x9c: {  	[tilespmem:s0], [sflag:$0x3] =	stream.strided.gather [hbm4b:s25+s12], $0x100, s13, s12, $0x38;
	[tilespmem:$0x3C00] =	vst v63  }
0x9d: {  	s15 =	simm.s32 @p0 $0x300;
	s16 =	rddreg [dreg:$0x4];
	s25 =	simm.s32 @!p0 $0xC  }
0x9e: {  	[tilespmem:s15], [sflag:$0x4] =	stream.strided.gather @p0 [hbm4b:s16+s19], $0x100, s21, s19, $0x38;
	[tilespmem:$0x3C00] =	vst v63  }
0x9f: {  	_ =	swait.ge @!p0 [sflag:s25], $0x400  }
0xa0: {  	[sflag:s25] =	ssyncset.done @!p0 $0x0  }
0xa1: {  	s15 =	simm.s32 @!p0 $0x300;
	s16 =	simm.s32 @!p0 $0xD;
	[sflag:s25] =	ssyncadd.s32 @!p0 $0xFFFFFC00  }
0xa2: {  	[tilespmem:s15], [sflag:$0x4] =	stream.strided.gather @!p0 [hbm4b:s6+s17], $0x100, s28, s17, $0x38;
	[tilespmem:$0x3C00] =	vst v63  }
0xa3: {  	_ =	swait.ge @!p0 [sflag:s16], $0x400  }
0xa4: {  	s23 =	sadd.s32 @!p2 $0x30, s14;
	s25 =	simm.s32 $0x400;
	[sflag:s16] =	ssyncset.done @!p0 $0x0  }
0xa5: {  	s6 =	smov.u32 s23;
	s23 =	sadd.s32 $0x40, s3;
	[sflag:s16] =	ssyncadd.s32 @!p0 $0xFFFFFC00  }
0xa6: {  	[tilespmem:s25], [sflag:$0x5] =	stream.strided.gather [hbm4b:s23+s12], $0x100, s13, s12, $0x38;
	[tilespmem:$0x3C00] =	vst v63  }
0xa7: {  	s15 =	simm.s32 @p0 $0x500;
	s16 =	rddreg [dreg:$0x5];
	s23 =	simm.s32 @!p0 $0xE  }
0xa8: {  	[tilespmem:s15], [sflag:$0x6] =	stream.strided.gather @p0 [hbm4b:s16+s19], $0x100, s21, s19, $0x38;
	[tilespmem:$0x3C00] =	vst v63  }
0xa9: {  	_ =	swait.ge @!p0 [sflag:s23], $0x400  }
0xaa: {  	[sflag:s23] =	ssyncset.done @!p0 $0x0  }
0xab: {  	s15 =	simm.s32 @!p0 $0x500;
	s16 =	simm.s32 @!p0 $0xF;
	[sflag:s23] =	ssyncadd.s32 @!p0 $0xFFFFFC00  }
0xac: {  	[tilespmem:s15], [sflag:$0x6] =	stream.strided.gather @!p0 [hbm4b:s8+s17], $0x100, s28, s17, $0x38;
	[tilespmem:$0x3C00] =	vst v63  }
0xad: {  	_ =	swait.ge @!p0 [sflag:s16], $0x400  }
0xae: {  	s23 =	sadd.s32 $0x60, s3;
	[sflag:s16] =	ssyncset.done @!p0 $0x0  }
0xaf: {  	s15 =	simm.s32 @!p0 $0x10;
	[sflag:s16] =	ssyncadd.s32 @!p0 $0xFFFFFC00;
	s16 =	simm.s32 $0x600  }
0xb0: {  	[tilespmem:s16], [sflag:$0x7] =	stream.strided.gather [hbm4b:s23+s12], $0x100, s13, s12, $0x38;
	[tilespmem:$0x3C00] =	vst v63  }
0xb1: {  	_ =	swait.ge @!p0 [sflag:s15], $0x400  }
0xb2: {  	s14 =	sadd.s32 @!p2 $0x50, s14;
	s3 =	sadd.s32 $0x70, s3;
	[sflag:s15] =	ssyncset.done @!p0 $0x0  }
0xb3: {  	s8 =	smov.u32 s14;
	s14 =	simm.s32 $0x700;
	[sflag:s15] =	ssyncadd.s32 @!p0 $0xFFFFFC00  }
0xb4: {  	[tilespmem:s14], [sflag:$0x8] =	stream.strided.gather [hbm4b:s3+s12], $0x100, s13, s12, $0x38;
	[tilespmem:$0x3C00] =	vst v63  }
0xb5: {  	_ =	swait.ge [sflag:s18], $0x100  }
0xb6: {  	[sflag:s18] =	ssyncset.done $0x0  }
0xb7: {  	s15 =	simm.s32 $0x800;
	[sflag:s18] =	ssyncadd.s32 $0xFFFFFF00  }
0xb8: {  	[tilespmem:s15], [sflag:$0x1] =	stream.indirect.gather [hbm4b:s4+s12], $0x8, s30, s12, $0xb8;
	[tilespmem:$0x3C00] =	vst v63  }
0xb9: {  	_ =	swait.ge [sflag:s20], $0x100  }
0xba: {  	[sflag:s20] =	ssyncset.done $0x0  }
0xbb: {  	s17 =	simm.s32 $0xC00;
	s28 =	rddreg [dreg:$0x6];
	[sflag:s20] =	ssyncadd.s32 $0xFFFFFF00  }
0xbc: {  	[tilespmem:s17], [sflag:$0x2] =	stream.indirect.gather [hbm4b:s4+s12], $0x8, s28, s12, $0xb8;
	[tilespmem:$0x3C00] =	vst v63  }
0xbd: {  	_ =	swait.ge [sflag:s22], $0x100  }
0xbe: {  	[sflag:s22] =	ssyncset.done $0x0  }
0xbf: {  	s19 =	simm.s32 $0x1000;
	[sflag:s22] =	ssyncadd.s32 $0xFFFFFF00  }
0xc0: {  	[tilespmem:s19], [sflag:$0x3] =	stream.indirect.gather [hbm4b:s4+s12], $0x8, s0, s12, $0xb8;
	[tilespmem:$0x3C00] =	vst v63  }
0xc1: {  	_ =	swait.ge [sflag:s24], $0x100  }
0xc2: {  	[sflag:s24] =	ssyncset.done $0x0  }
0xc3: {  	s21 =	simm.s32 $0x1400;
	s0 =	rddreg [dreg:$0x7];
	[sflag:s24] =	ssyncadd.s32 $0xFFFFFF00  }
0xc4: {  	[tilespmem:s21], [sflag:$0x4] =	stream.indirect.gather [hbm4b:s4+s12], $0x8, s0, s12, $0xb8;
	[tilespmem:$0x3C00] =	vst v63  }
0xc5: {  	_ =	swait.ge [sflag:s26], $0x100  }
0xc6: {  	[sflag:s26] =	ssyncset.done $0x0  }
0xc7: {  	s23 =	simm.s32 $0x1800;
	[sflag:s26] =	ssyncadd.s32 $0xFFFFFF00  }
0xc8: {  	[tilespmem:s23], [sflag:$0x5] =	stream.indirect.gather [hbm4b:s4+s12], $0x8, s25, s12, $0xb8;
	[tilespmem:$0x3C00] =	vst v63  }
0xc9: {  	_ =	swait.ge [sflag:s29], $0x100  }
0xca: {  	[sflag:s29] =	ssyncset.done $0x0  }
0xcb: {  	s28 =	simm.s32 $0x1C00;
	s25 =	rddreg [dreg:$0x8];
	[sflag:s29] =	ssyncadd.s32 $0xFFFFFF00  }
0xcc: {  	[tilespmem:s28], [sflag:$0x6] =	stream.indirect.gather [hbm4b:s4+s12], $0x8, s25, s12, $0xb8;
	[tilespmem:$0x3C00] =	vst v63  }
0xcd: {  	_ =	swait.ge [sflag:s31], $0x100  }
0xce: {  	[sflag:s31] =	ssyncset.done $0x0  }
0xcf: {  	s25 =	simm.s32 $0x2000;
	[sflag:s31] =	ssyncadd.s32 $0xFFFFFF00  }
0xd0: {  	[tilespmem:s25], [sflag:$0x7] =	stream.indirect.gather [hbm4b:s4+s12], $0x8, s16, s12, $0xb8;
	[tilespmem:$0x3C00] =	vst v63  }
0xd1: {  	_ =	swait.ge [sflag:s1], $0x100  }
0xd2: {  	[sflag:s1] =	ssyncset.done $0x0  }
0xd3: {  	[sflag:s1] =	ssyncadd.s32 $0xFFFFFF00  }
0xd4: {  	[tilespmem:s5], [sflag:$0x8] =	stream.indirect.gather [hbm4b:s4+s12], $0x8, s14, s12, $0xb8;
	[tilespmem:$0x3C00] =	vst v63  }
0xd5: {  	_ =	swait.ge [sflag:s18], $0x400  }
0xd6: {  	[sflag:s18] =	ssyncset.done $0x0  }
0xd7: {  	[sflag:s18] =	ssyncadd.s32 $0xFFFFFC00  }
0xd8: {  	[spmem:s2] =	stream.indirect.scatter.add.f32 [tilespmem:s15], [sflag:$0x9], $0x8, s12, s12, $0xb8;
	[tilespmem:$0x3C00] =	vst v63  }
0xd9: {  	_ =	swait.ge [sflag:s20], $0x400  }
0xda: {  	[sflag:s20] =	ssyncset.done $0x0  }
0xdb: {  	s15 =	rddreg [dreg:$0x9];
	[sflag:s20] =	ssyncadd.s32 $0xFFFFFC00  }
0xdc: {  	[spmem:s2] =	stream.indirect.scatter.add.f32 [tilespmem:s17], [sflag:$0xA], $0x8, s15, s12, $0xb8;
	[tilespmem:$0x3C00] =	vst v63  }
0xdd: {  	_ =	swait.ge [sflag:s22], $0x400  }
0xde: {  	[sflag:s22] =	ssyncset.done $0x0  }
0xdf: {  	s16 =	rddreg [dreg:$0xa];
	[sflag:s22] =	ssyncadd.s32 $0xFFFFFC00  }
0xe0: {  	[spmem:s2] =	stream.indirect.scatter.add.f32 [tilespmem:s19], [sflag:$0xB], $0x8, s16, s12, $0xb8;
	[tilespmem:$0x3C00] =	vst v63  }
0xe1: {  	_ =	swait.ge [sflag:s24], $0x400  }
0xe2: {  	[sflag:s24] =	ssyncset.done $0x0  }
0xe3: {  	s17 =	rddreg [dreg:$0xb];
	[sflag:s24] =	ssyncadd.s32 $0xFFFFFC00  }
0xe4: {  	[spmem:s2] =	stream.indirect.scatter.add.f32 [tilespmem:s21], [sflag:$0xC], $0x8, s17, s12, $0xb8;
	[tilespmem:$0x3C00] =	vst v63  }
0xe5: {  	_ =	swait.ge [sflag:s26], $0x400  }
0xe6: {  	[sflag:s26] =	ssyncset.done $0x0  }
0xe7: {  	s19 =	rddreg [dreg:$0xc];
	[sflag:s26] =	ssyncadd.s32 $0xFFFFFC00  }
0xe8: {  	[spmem:s2] =	stream.indirect.scatter.add.f32 [tilespmem:s23], [sflag:$0xD], $0x8, s19, s12, $0xb8;
	[tilespmem:$0x3C00] =	vst v63  }
0xe9: {  	_ =	swait.ge [sflag:s29], $0x400  }
0xea: {  	[sflag:s29] =	ssyncset.done $0x0  }
0xeb: {  	s21 =	rddreg [dreg:$0xd];
	[sflag:s29] =	ssyncadd.s32 $0xFFFFFC00  }
0xec: {  	[spmem:s2] =	stream.indirect.scatter.add.f32 [tilespmem:s28], [sflag:$0xE], $0x8, s21, s12, $0xb8;
	[tilespmem:$0x3C00] =	vst v63  }
0xed: {  	s11 =	sadd.s32 $0x80, s11;
	_ =	swait.ge [sflag:s31], $0x400  }
0xee: {  	p1 =	sne.s32 s11, $0x500;
	[sflag:s31] =	ssyncset.done $0x0  }
.Ltmp0:
0xef: {  	s28 =	rddreg [dreg:$0xe];
	[sflag:s31] =	ssyncadd.s32 $0xFFFFFC00;
	(pc) =	sbr.rel @p1 .LBB2_2-.Ltmp0, $4  }
0xf0: {  	[spmem:s2] =	stream.indirect.scatter.add.f32 [tilespmem:s25], [sflag:$0xF], $0x8, s28, s12, $0xb8;
	[tilespmem:$0x3C00] =	vst v63  }
0xf1: {  	_ =	swait.ge [sflag:s1], $0x400  }
0xf2: {  	[sflag:s1] =	ssyncset.done $0x0  }
0xf3: {  	p0 =	por p2, p2;
	s3 =	rddreg [dreg:$0xf];
	[sflag:s1] =	ssyncadd.s32 $0xFFFFFC00  }
0xf4: {  	[spmem:s2] =	stream.indirect.scatter.add.f32 [tilespmem:s5], [sflag:$0x10], $0x8, s3, s12, $0xb8;
	[tilespmem:$0x3C00] =	vst v63  }
0xf5: {  	s3 =	simm.s32 @!p0 $0x9  }
0xf6: {  	_ =	swait.ge @!p0 [sflag:s3], $0x400  }
0xf7: {  	s11 =	simm.s32 @!p0 $0xA;
	s25 =	sadd.s32 s7, s9;
	[sflag:s3] =	ssyncset.done @!p0 $0x0  }
0xf8: {  	s17 =	simm.s32 $0x0;
	s14 =	simm.s32 @p0 $0x80;
	[sflag:s3] =	ssyncadd.s32 @!p0 $0xFFFFFC00  }
0xf9: {  	[tilespmem:s17], [sflag:$0x1] =	stream.strided.gather [hbm4b:s25+s12], $0x100, s13, s12, $0x38;
	[tilespmem:$0x3C00] =	vst v63  }
0xfa: {  	s15 =	simm.s32 @p0 $0x50000;
	s16 =	simm.s32 @p0 $0x100;
	s7 =	rddreg [dreg:$0x3]  }
0xfb: {  	[tilespmem:s16], [sflag:$0x2] =	stream.strided.gather @p0 [hbm4b:s7+s14], $0x100, s15, s14, $0x38;
	[tilespmem:$0x3C00] =	vst v63  }
0xfc: {  	_ =	swait.ge @!p0 [sflag:s11], $0x400  }
0xfd: {  	s7 =	simm.s32 @!p0 $0x100;
	[sflag:s11] =	ssyncset.done @!p0 $0x0  }
0xfe: {  	s16 =	simm.s32 @!p0 $0x50000;
	[sflag:s11] =	ssyncadd.s32 @!p0 $0xFFFFFC00;
	s11 =	simm.s32 @!p0 $0x80  }
0xff: {  	[tilespmem:s7], [sflag:$0x2] =	stream.strided.gather @!p0 [hbm4b:s10+s11], $0x100, s16, s11, $0x38;
	[tilespmem:$0x3C00] =	vst v63  }
0x100: {  	s7 =	simm.s32 @!p0 $0xB  }
0x101: {  	_ =	swait.ge @!p0 [sflag:s7], $0x400  }
0x102: {  	[sflag:s7] =	ssyncset.done @!p0 $0x0  }
0x103: {  	s0 =	simm.s32 $0x200;
	s28 =	sadd.s32 $0x20, s25;
	[sflag:s7] =	ssyncadd.s32 @!p0 $0xFFFFFC00  }
0x104: {  	[tilespmem:s0], [sflag:$0x3] =	stream.strided.gather [hbm4b:s28+s12], $0x100, s13, s12, $0x38;
	[tilespmem:$0x3C00] =	vst v63  }
0x105: {  	s10 =	rddreg [dreg:$0x4];
	s7 =	simm.s32 @p0 $0x300  }
0x106: {  	[tilespmem:s7], [sflag:$0x4] =	stream.strided.gather @p0 [hbm4b:s10+s14], $0x100, s15, s14, $0x38;
	[tilespmem:$0x3C00] =	vst v63  }
0x107: {  	s7 =	simm.s32 @!p0 $0xC  }
0x108: {  	_ =	swait.ge @!p0 [sflag:s7], $0x400  }
0x109: {  	[sflag:s7] =	ssyncset.done @!p0 $0x0  }
0x10a: {  	[sflag:s7] =	ssyncadd.s32 @!p0 $0xFFFFFC00;
	s7 =	simm.s32 @!p0 $0x300  }
0x10b: {  	[tilespmem:s7], [sflag:$0x4] =	stream.strided.gather @!p0 [hbm4b:s6+s11], $0x100, s16, s11, $0x38;
	[tilespmem:$0x3C00] =	vst v63  }
0x10c: {  	s6 =	simm.s32 @!p0 $0xD  }
0x10d: {  	_ =	swait.ge @!p0 [sflag:s6], $0x400  }
0x10e: {  	[sflag:s6] =	ssyncset.done @!p0 $0x0  }
0x10f: {  	s21 =	simm.s32 $0x400;
	s19 =	sadd.s32 $0x40, s25;
	[sflag:s6] =	ssyncadd.s32 @!p0 $0xFFFFFC00  }
0x110: {  	[tilespmem:s21], [sflag:$0x5] =	stream.strided.gather [hbm4b:s19+s12], $0x100, s13, s12, $0x38;
	[tilespmem:$0x3C00] =	vst v63  }
0x111: {  	s7 =	rddreg [dreg:$0x5];
	s6 =	simm.s32 @p0 $0x500  }
0x112: {  	[tilespmem:s6], [sflag:$0x6] =	stream.strided.gather @p0 [hbm4b:s7+s14], $0x100, s15, s14, $0x38;
	[tilespmem:$0x3C00] =	vst v63  }
0x113: {  	s6 =	simm.s32 @!p0 $0xE  }
0x114: {  	_ =	swait.ge @!p0 [sflag:s6], $0x400  }
0x115: {  	[sflag:s6] =	ssyncset.done @!p0 $0x0  }
0x116: {  	[sflag:s6] =	ssyncadd.s32 @!p0 $0xFFFFFC00;
	s6 =	simm.s32 @!p0 $0x500  }
0x117: {  	[tilespmem:s6], [sflag:$0x6] =	stream.strided.gather @!p0 [hbm4b:s8+s11], $0x100, s16, s11, $0x38;
	[tilespmem:$0x3C00] =	vst v63  }
0x118: {  	s6 =	simm.s32 @!p0 $0xF  }
0x119: {  	_ =	swait.ge @!p0 [sflag:s6], $0x400  }
0x11a: {  	s7 =	sadd.s32 $0x60, s25;
	[sflag:s6] =	ssyncset.done @!p0 $0x0  }
0x11b: {  	s8 =	simm.s32 $0x600;
	[sflag:s6] =	ssyncadd.s32 @!p0 $0xFFFFFC00;
	s6 =	simm.s32 @!p0 $0x10  }
0x11c: {  	[tilespmem:s8], [sflag:$0x7] =	stream.strided.gather [hbm4b:s7+s12], $0x100, s13, s12, $0x38;
	[tilespmem:$0x3C00] =	vst v63  }
0x11d: {  	_ =	swait.ge @!p0 [sflag:s6], $0x400  }
0x11e: {  	[sflag:s6] =	ssyncset.done @!p0 $0x0  }
0x11f: {  	s3 =	sadd.s32 $0x70, s25;
	s11 =	simm.s32 $0x700;
	[sflag:s6] =	ssyncadd.s32 @!p0 $0xFFFFFC00  }
0x120: {  	[tilespmem:s11], [sflag:$0x8] =	stream.strided.gather [hbm4b:s3+s12], $0x100, s13, s12, $0x38;
	[tilespmem:$0x3C00] =	vst v63  }
0x121: {  	_ =	swait.ge [sflag:s18], $0x100  }
0x122: {  	[sflag:s18] =	ssyncset.done $0x0  }
0x123: {  	s14 =	simm.s32 $0x800;
	[sflag:s18] =	ssyncadd.s32 $0xFFFFFF00  }
0x124: {  	[tilespmem:s14], [sflag:$0x1] =	stream.indirect.gather [hbm4b:s4+s12], $0x8, s17, s12, $0xb8;
	[tilespmem:$0x3C00] =	vst v63  }
0x125: {  	_ =	swait.ge [sflag:s20], $0x100  }
0x126: {  	[sflag:s20] =	ssyncset.done $0x0  }
0x127: {  	s25 =	simm.s32 $0xC00;
	s23 =	rddreg [dreg:$0x6];
	[sflag:s20] =	ssyncadd.s32 $0xFFFFFF00  }
0x128: {  	[tilespmem:s25], [sflag:$0x2] =	stream.indirect.gather [hbm4b:s4+s12], $0x8, s23, s12, $0xb8;
	[tilespmem:$0x3C00] =	vst v63  }
0x129: {  	_ =	swait.ge [sflag:s22], $0x100  }
0x12a: {  	[sflag:s22] =	ssyncset.done $0x0  }
0x12b: {  	s28 =	simm.s32 $0x1000;
	[sflag:s22] =	ssyncadd.s32 $0xFFFFFF00  }
0x12c: {  	[tilespmem:s28], [sflag:$0x3] =	stream.indirect.gather [hbm4b:s4+s12], $0x8, s0, s12, $0xb8;
	[tilespmem:$0x3C00] =	vst v63  }
0x12d: {  	_ =	swait.ge [sflag:s24], $0x100  }
0x12e: {  	[sflag:s24] =	ssyncset.done $0x0  }
0x12f: {  	s15 =	simm.s32 $0x1400;
	s0 =	rddreg [dreg:$0x7];
	[sflag:s24] =	ssyncadd.s32 $0xFFFFFF00  }
0x130: {  	[tilespmem:s15], [sflag:$0x4] =	stream.indirect.gather [hbm4b:s4+s12], $0x8, s0, s12, $0xb8;
	[tilespmem:$0x3C00] =	vst v63  }
0x131: {  	_ =	swait.ge [sflag:s26], $0x100  }
0x132: {  	[sflag:s26] =	ssyncset.done $0x0  }
0x133: {  	s16 =	simm.s32 $0x1800;
	[sflag:s26] =	ssyncadd.s32 $0xFFFFFF00  }
0x134: {  	[tilespmem:s16], [sflag:$0x5] =	stream.indirect.gather [hbm4b:s4+s12], $0x8, s21, s12, $0xb8;
	[tilespmem:$0x3C00] =	vst v63  }
0x135: {  	_ =	swait.ge [sflag:s29], $0x100  }
0x136: {  	[sflag:s29] =	ssyncset.done $0x0  }
0x137: {  	s19 =	simm.s32 $0x1C00;
	s17 =	rddreg [dreg:$0x8];
	[sflag:s29] =	ssyncadd.s32 $0xFFFFFF00  }
0x138: {  	[tilespmem:s19], [sflag:$0x6] =	stream.indirect.gather [hbm4b:s4+s12], $0x8, s17, s12, $0xb8;
	[tilespmem:$0x3C00] =	vst v63  }
0x139: {  	_ =	swait.ge [sflag:s31], $0x100  }
0x13a: {  	[sflag:s31] =	ssyncset.done $0x0  }
0x13b: {  	s21 =	simm.s32 $0x2000;
	[sflag:s31] =	ssyncadd.s32 $0xFFFFFF00  }
0x13c: {  	[tilespmem:s21], [sflag:$0x7] =	stream.indirect.gather [hbm4b:s4+s12], $0x8, s8, s12, $0xb8;
	[tilespmem:$0x3C00] =	vst v63  }
0x13d: {  	_ =	swait.ge [sflag:s1], $0x100  }
0x13e: {  	[sflag:s1] =	ssyncset.done $0x0  }
0x13f: {  	[sflag:s1] =	ssyncadd.s32 $0xFFFFFF00  }
0x140: {  	[tilespmem:s5], [sflag:$0x8] =	stream.indirect.gather [hbm4b:s4+s12], $0x8, s11, s12, $0xb8;
	[tilespmem:$0x3C00] =	vst v63  }
0x141: {  	_ =	swait.ge [sflag:s18], $0x400  }
0x142: {  	[sflag:s18] =	ssyncset.done $0x0  }
0x143: {  	[sflag:s18] =	ssyncadd.s32 $0xFFFFFC00  }
0x144: {  	[spmem:s2] =	stream.indirect.scatter.add.f32 [tilespmem:s14], [sflag:$0x9], $0x8, s12, s12, $0xb8;
	[tilespmem:$0x3C00] =	vst v63  }
0x145: {  	_ =	swait.ge [sflag:s20], $0x400  }
0x146: {  	[sflag:s20] =	ssyncset.done $0x0  }
0x147: {  	s23 =	rddreg [dreg:$0x9];
	[sflag:s20] =	ssyncadd.s32 $0xFFFFFC00  }
0x148: {  	[spmem:s2] =	stream.indirect.scatter.add.f32 [tilespmem:s25], [sflag:$0xA], $0x8, s23, s12, $0xb8;
	[tilespmem:$0x3C00] =	vst v63  }
0x149: {  	_ =	swait.ge [sflag:s22], $0x400  }
0x14a: {  	[sflag:s22] =	ssyncset.done $0x0  }
0x14b: {  	s25 =	rddreg [dreg:$0xa];
	[sflag:s22] =	ssyncadd.s32 $0xFFFFFC00  }
0x14c: {  	[spmem:s2] =	stream.indirect.scatter.add.f32 [tilespmem:s28], [sflag:$0xB], $0x8, s25, s12, $0xb8;
	[tilespmem:$0x3C00] =	vst v63  }
0x14d: {  	_ =	swait.ge [sflag:s24], $0x400  }
0x14e: {  	[sflag:s24] =	ssyncset.done $0x0  }
0x14f: {  	s28 =	rddreg [dreg:$0xb];
	[sflag:s24] =	ssyncadd.s32 $0xFFFFFC00  }
0x150: {  	[spmem:s2] =	stream.indirect.scatter.add.f32 [tilespmem:s15], [sflag:$0xC], $0x8, s28, s12, $0xb8;
	[tilespmem:$0x3C00] =	vst v63  }
0x151: {  	_ =	swait.ge [sflag:s26], $0x400  }
0x152: {  	[sflag:s26] =	ssyncset.done $0x0  }
0x153: {  	s0 =	rddreg [dreg:$0xc];
	[sflag:s26] =	ssyncadd.s32 $0xFFFFFC00  }
0x154: {  	[spmem:s2] =	stream.indirect.scatter.add.f32 [tilespmem:s16], [sflag:$0xD], $0x8, s0, s12, $0xb8;
	[tilespmem:$0x3C00] =	vst v63  }
0x155: {  	_ =	swait.ge [sflag:s29], $0x400  }
0x156: {  	[sflag:s29] =	ssyncset.done $0x0  }
0x157: {  	s6 =	rddreg [dreg:$0xd];
	[sflag:s29] =	ssyncadd.s32 $0xFFFFFC00  }
0x158: {  	[spmem:s2] =	stream.indirect.scatter.add.f32 [tilespmem:s19], [sflag:$0xE], $0x8, s6, s12, $0xb8;
	[tilespmem:$0x3C00] =	vst v63  }
0x159: {  	_ =	swait.ge [sflag:s31], $0x400  }
0x15a: {  	[sflag:s31] =	ssyncset.done $0x0  }
0x15b: {  	s7 =	rddreg [dreg:$0xe];
	[sflag:s31] =	ssyncadd.s32 $0xFFFFFC00  }
0x15c: {  	[spmem:s2] =	stream.indirect.scatter.add.f32 [tilespmem:s21], [sflag:$0xF], $0x8, s7, s12, $0xb8;
	[tilespmem:$0x3C00] =	vst v63  }
0x15d: {  	_ =	swait.ge [sflag:s1], $0x400  }
0x15e: {  	[sflag:s1] =	ssyncset.done $0x0  }
0x15f: {  	s10 =	simm.s32 $0x9;
	s8 =	rddreg [dreg:$0xf];
	[sflag:s1] =	ssyncadd.s32 $0xFFFFFC00  }
0x160: {  	[spmem:s2] =	stream.indirect.scatter.add.f32 [tilespmem:s5], [sflag:$0x10], $0x8, s8, s12, $0xb8;
	[tilespmem:$0x3C00] =	vst v63  }
0x161: {  	_ =	swait.ge [sflag:s10], $0x400  }
0x162: {  	[sflag:s10] =	ssyncset.done $0x0  }
0x163: {  	s11 =	simm.s32 $0xA;
	[sflag:s10] =	ssyncadd.s32 $0xFFFFFC00  }
0x164: {  	_ =	swait.ge [sflag:s11], $0x400  }
0x165: {  	[sflag:s11] =	ssyncset.done $0x0  }
0x166: {  	s14 =	simm.s32 $0xB;
	[sflag:s11] =	ssyncadd.s32 $0xFFFFFC00  }
0x167: {  	_ =	swait.ge [sflag:s14], $0x400  }
0x168: {  	[sflag:s14] =	ssyncset.done $0x0  }
0x169: {  	s15 =	simm.s32 $0xC;
	[sflag:s14] =	ssyncadd.s32 $0xFFFFFC00  }
0x16a: {  	_ =	swait.ge [sflag:s15], $0x400  }
0x16b: {  	[sflag:s15] =	ssyncset.done $0x0  }
0x16c: {  	s16 =	simm.s32 $0xD;
	[sflag:s15] =	ssyncadd.s32 $0xFFFFFC00  }
0x16d: {  	_ =	swait.ge [sflag:s16], $0x400  }
0x16e: {  	[sflag:s16] =	ssyncset.done $0x0  }
0x16f: {  	s17 =	simm.s32 $0xE;
	[sflag:s16] =	ssyncadd.s32 $0xFFFFFC00  }
0x170: {  	_ =	swait.ge [sflag:s17], $0x400  }
0x171: {  	[sflag:s17] =	ssyncset.done $0x0  }
0x172: {  	s19 =	simm.s32 $0xF;
	[sflag:s17] =	ssyncadd.s32 $0xFFFFFC00  }
0x173: {  	_ =	swait.ge [sflag:s19], $0x400  }
0x174: {  	[sflag:s19] =	ssyncset.done $0x0  }
0x175: {  	s21 =	simm.s32 $0x10;
	[sflag:s19] =	ssyncadd.s32 $0xFFFFFC00  }
0x176: {  	_ =	swait.ge [sflag:s21], $0x400  }
0x177: {  	[sflag:s21] =	ssyncset.done $0x0  }
0x178: {  	[sflag:s21] =	ssyncadd.s32 $0xFFFFFC00  }
0x179: {  	[bflag:$0x0] =	sbarrier.arrive $0xFFFF  }
0x17a: {  	s8 =	rddreg [dreg:$0x11]  }
0x17b: {  	s23 =	rddreg [dreg:$0x12]  }
0x17c: {  	s7 =	simm.s32 $0x11;
	s6 =	rddreg [dreg:$0x14]  }
0x17d: {  	[hbm:s23], [sflag:s8] =	dma.local [spmem:s6], $0x280  }
0x17e: {  	_ =	swait.ge [sflag:s7], $0x280  }
0x17f: {  	s25 =	rddreg [dreg:$0x15]  }
0x180: {  	s28 =	rddreg [dreg:$0x13];
	s0 =	sadd.s32 $0x1, s25  }
0x181: {  	p0 =	sne.s32 s0, s28  }
.Ltmp1:
0x182: {  	_ = 	snop;
	(pc) =	sbr.rel @p0 .LBB2_1-.Ltmp1, $3  }
0x183: {  	_ =	sdelay $0x1  }
0x184: {  	[sflag:s7] =	ssyncset.done $0x0  }
0x185: {  	[sflag:s7] =	ssyncadd.s32 $0xFFFFFD80  }
0x186: {  	_ =	sfence.sel $0x180000  }
0x187: {  	[bflag:$0x0] =	sbarrier.arrive $0xFFFF  }
0x188: {  	_ =	strace $0x9000004D  }
0x189: {  	s0 =	stileid.u32;
	[bflag:$0x2] =	sbarrier.arrive $0xFFFF  }
0x18a: {  	p0 =	sne.s32 s0, $0x0;
	s0 =	rddreg [dreg:$0x2]  }
0x18b: {  	s0 =	sadd.s32 @!p0 $0x100000, s0  }
0x18c: {  	[sflag:s0] =	ssyncadd.tile.s32 @!p0 $0x1;
	_ =	shalt  }
.Lfunc_end2:
_tile_overlayer_lowered:
.L_overlay_start_2:
0x18d: {  	(tag) =	ssettag $0x2  }
0x18e: {  	s0 =	rddreg [dreg:$0x0];
	s2 =	stileid.u32  }
0x18f: {  	s1 =	rddreg [dreg:$0x1];
	p0 =	sne.s32 s2, $0x0  }
0x190: {  	s3 =	rddreg [dreg:$0x2];
	[bflag:$0x3] =	sbarrier.arrive $0xFFFF;
	s2 =	simm.s32 @!p0 $0x1C11  }
0x191: {  	[timem:s3], [sflag:s2] =	dma.local @!p0 [hbm:s0], s1  }
0x192: {  	s0 =	simm.s32 @!p0 $0x11  }
0x193: {  	_ =	swait.ge @!p0 [sflag:s0], s1  }
0x194: {  	s1 =	ssub.s32 @!p0 $0x0, s1;
	[sflag:s0] =	ssyncset.done @!p0 $0x0  }
0x195: {  	[sflag:s0] =	ssyncadd.s32 @!p0 s1  }
0x196: {  	[bflag:$0x3] =	sbarrier.arrive $0xFFFF  }
0x197: {  	_ =	shalt  }

// kernel: kernel.20.cloned.1.call-start
scs
__scs_entry_jumppad:
0x0: {  	(pc) =	sbr.rel $0x88, $3  }
0x1: {  	(tag) =	ssettag $0x0;
	lr =	simm.s32 $0x1  }
0x2: {  	[smem:$0x3F97] =	sst lr;
	_ =	strace $0xD0000000  }
0x3: {  	_ = 	snop  }
0x4: {  	_ = 	snop  }
0x5: {  	_ = 	snop  }
0x6: {  	_ = 	snop  }
0x7: {  	_ = 	snop  }
__scs_overlays_trampoline_lowered:
0x8: {  	[smem:$0x3FA6] =	sst s0  }
0x9: {  	[smem:$0x3FA7] =	sst s1  }
0xa: {  	[smem:$0x3FA8] =	sst s2  }
0xb: {  	[smem:$0x3FA9] =	sst s3  }
0xc: {  	[smem:$0x3FAA] =	sst s4  }
0xd: {  	[smem:$0x3FAB] =	sst s5  }
0xe: {  	[smem:$0x3FAC] =	sst s6  }
0xf: {  	[smem:$0x3FAD] =	sst s7  }
0x10: {  	[smem:$0x3FAE] =	sst s8  }
0x11: {  	[smem:$0x3FAF] =	sst s9;
	s0 =	simm.s32 @!p0 $0x0  }
0x12: {  	s1 =	sld [smem:$0x3F95];
	s0 =	simm.s32 @p0 $0x1  }
0x13: {  	[smem:$0x3FB0] =	sst s0;
	s0 =	simm.s32 @!p1 $0x0  }
0x14: {  	s2 =	sld [smem:$0x3F94];
	s0 =	simm.s32 @p1 $0x1  }
0x15: {  	[smem:$0x3FB1] =	sst s0;
	s0 =	simm.s32 @!p2 $0x0  }
0x16: {  	s3 =	sld [smem:$0x3FDB];
	s0 =	simm.s32 @p2 $0x1  }
0x17: {  	s4 =	simm.s32 $0x1BF5;
	[smem:$0x3FB3] =	sst s0  }
0x18: {  	s0 =	sld [smem:$0x3F96];
	_ =	swait.ge [sflag:s4], $0x0  }
0x19: {  	s7 =	sld [smem:$0x3F97]  }
0x1a: {  	s8 =	sadd.s32 $0xFFFFE003, lr  }
0x1b: {  	s9 =	sadd.s32 $0xFFFFFEF7, lr;
	s5 =	simm.s32 $0xFFFFFFFF;
	p2 =	slt.u32 s8, $0xFFFFF086  }
0x1c: {  	p1 =	slt.u32 s9, $0xF7A;
	s5 =	simm.s32 @!p2 $0x0  }
0x1d: {  	s5 =	simm.s32 @p1 $0x1;
	p0 =	seq.s32 s7, s2  }
0x1e: {  	s7 =	smul.u32 @!p0 $0xF7A, s2;
	p2 =	seq.s32 @!p0 s5, $0x0  }
0x1f: {  	s9 =	smul.u32 $0xF7A, s1;
	s8 =	simm.s32 @!p0 $0x1BF5;
	p2 =	por !p2, p0  }
0x20: {  	[sflag:s8] =	ssyncset.s32 @!p0 $0xFFFFF086;
	s6 =	sadd.s32 @!p0 s3, s7;
	s7 =	simm.s32 @!p0 $0x108  }
0x21: {  	s3 =	sadd.s32 s3, s9;
	s6 =	sadd.s32 @!p0 $0x88, s6;
	s7 =	simm.s32 @p2 $0x1082  }
0x22: {  	[simem:s7], [sflag:s8] =	dma.local @!p0 [hbm:s6], $0xF7A  }
0x23: {  	s9 =	sor.u32 $0xD0000000, s2;
	s6 =	simm.s32 $0x108;
	_ =	swait.ge @!p0 [sflag:s8], $0x0  }
0x24: {  	s3 =	sadd.s32 $0x88, s3;
	s6 =	simm.s32 @!p1 $0x1082;
	[sflag:s4] =	ssyncset.s32 $0xFFFFF086  }
0x25: {  	[simem:s6], [sflag:s4] =	dma.local [hbm:s3], $0xF7A  }
0x26: {  	[smem:$0x3F97] =	sst s1;
	(tag) =	ssettag s2;
	_ =	strace s9  }
0x27: {  	s1 =	sld [smem:$0x3FA7]  }
0x28: {  	s2 =	sld [smem:$0x3FA8]  }
0x29: {  	s4 =	sld [smem:$0x3FAA]  }
0x2a: {  	p0 =	seq.s32 s5, $0x0;
	s5 =	sld [smem:$0x3FAB]  }
0x2b: {  	s6 =	sld [smem:$0x3FAC]  }
0x2c: {  	s7 =	sld [smem:$0x3FAD]  }
0x2d: {  	s3 =	simm.s32 $0x108;
	s8 =	sld [smem:$0x3FAE]  }
0x2e: {  	s3 =	simm.s32 @!p0 $0x1082;
	s9 =	sld [smem:$0x3FAF]  }
0x2f: {  	lr =	sadd.s32 s0, s3;
	s0 =	sld [smem:$0x3FA6]  }
0x30: {  	s3 =	sld [smem:$0x3FA9]  }
0x31: {  	[smem:$0x3FB2] =	sst s10  }
0x32: {  	s10 =	sld [smem:$0x3FB0];
	_ =	sdelay $0x3  }
0x33: {  	p0 =	seq.s32 s10, $0x1;
	s10 =	sld [smem:$0x3FB2];
	_ =	sdelay $0x3  }
0x34: {  	[smem:$0x3FB2] =	sst s10  }
0x35: {  	s10 =	sld [smem:$0x3FB1];
	_ =	sdelay $0x3  }
0x36: {  	p1 =	seq.s32 s10, $0x1;
	s10 =	sld [smem:$0x3FB2];
	_ =	sdelay $0x3  }
0x37: {  	[smem:$0x3FB2] =	sst s10  }
0x38: {  	s10 =	sld [smem:$0x3FB3]  }
0x39: {  	_ = 	snop;
	(pc) =	sbr.ind lr, $3  }
0x3a: {  	_ = 	snop  }
0x3b: {  	_ = 	snop  }
0x3c: {  	p2 =	seq.s32 s10, $0x1;
	s10 =	sld [smem:$0x3FB2]  }
0x3d: {  	_ =	shalt  }
0x3e: {  	_ =	shalt  }
0x3f: {  	_ =	shalt  }
0x40: {  	_ =	shalt  }
0x41: {  	_ =	shalt  }
0x42: {  	_ =	shalt  }
0x43: {  	_ =	shalt  }
0x44: {  	_ =	shalt  }
0x45: {  	_ =	shalt  }
0x46: {  	_ =	shalt  }
0x47: {  	_ =	shalt  }
0x48: {  	_ =	shalt  }
0x49: {  	_ =	shalt  }
0x4a: {  	_ =	shalt  }
0x4b: {  	_ =	shalt  }
0x4c: {  	_ =	shalt  }
0x4d: {  	_ =	shalt  }
0x4e: {  	_ =	shalt  }
0x4f: {  	_ =	shalt  }
0x50: {  	_ =	shalt  }
0x51: {  	_ =	shalt  }
0x52: {  	_ =	shalt  }
0x53: {  	_ =	shalt  }
0x54: {  	_ =	shalt  }
0x55: {  	_ =	shalt  }
0x56: {  	_ =	shalt  }
0x57: {  	_ =	shalt  }
0x58: {  	_ =	shalt  }
0x59: {  	_ =	shalt  }
0x5a: {  	_ =	shalt  }
0x5b: {  	_ =	shalt  }
0x5c: {  	_ =	shalt  }
0x5d: {  	_ =	shalt  }
0x5e: {  	_ =	shalt  }
0x5f: {  	_ =	shalt  }
0x60: {  	_ =	shalt  }
0x61: {  	_ =	shalt  }
0x62: {  	_ =	shalt  }
0x63: {  	_ =	shalt  }
0x64: {  	_ =	shalt  }
0x65: {  	_ =	shalt  }
0x66: {  	_ =	shalt  }
0x67: {  	_ =	shalt  }
0x68: {  	_ =	shalt  }
0x69: {  	_ =	shalt  }
0x6a: {  	_ =	shalt  }
0x6b: {  	_ =	shalt  }
0x6c: {  	_ =	shalt  }
0x6d: {  	_ =	shalt  }
0x6e: {  	_ =	shalt  }
0x6f: {  	_ =	shalt  }
0x70: {  	_ =	shalt  }
0x71: {  	_ =	shalt  }
0x72: {  	_ =	shalt  }
0x73: {  	_ =	shalt  }
0x74: {  	_ =	shalt  }
0x75: {  	_ =	shalt  }
0x76: {  	_ =	shalt  }
0x77: {  	_ =	shalt  }
0x78: {  	_ =	shalt  }
0x79: {  	_ =	shalt  }
0x7a: {  	_ =	shalt  }
0x7b: {  	_ =	shalt  }
0x7c: {  	_ =	shalt  }
0x7d: {  	_ =	shalt  }
0x7e: {  	_ =	shalt  }
0x7f: {  	_ =	shalt  }
0x80: {  	_ =	shalt  }
0x81: {  	_ =	shalt  }
0x82: {  	_ =	shalt  }
0x83: {  	_ =	shalt  }
0x84: {  	_ =	shalt  }
0x85: {  	_ =	shalt  }
0x86: {  	_ =	shalt  }
0x87: {  	_ =	shalt  }
.Lfunc_end0:
.L_simem_size_0:
called_computation.3_lowered:
.L_overlay_start_0:
0x88: {  	s2 =	sld [smem:$0x3FD9]  }
0x89: {  	s3 =	sld [smem:$0x3FFE];
	_ =	sdelay $0x1  }
0x8a: {  	s1 =	srdreg.scid  }
0x8b: {  	s0 =	sand.u32 $0x1, s1  }
0x8c: {  	s16 =	sshll.u32 s0, $0xA;
	s2 =	sadd.s32 s3, s2  }
0x8d: {  	s2 =	sadd.s32 s2, s16  }
0x8e: {  	[smem:$0x3FBE] =	sst s2  }
0x8f: {  	_ = 	snop  }
0x90: {  	(tm) =	ssettm $0x1  }
0x91: {  	s17 =	sld [smem:$0x3FFB];
	_ =	sdelay $0x3  }
0x92: {  	_ =	strace s17  }
0x93: {  	s2 =	sld [smem:$0x3FFC];
	_ =	sdelay $0x3  }
0x94: {  	_ =	strace s2  }
0x95: {  	s2 =	sld [smem:$0x3FFD];
	_ =	sdelay $0x3  }
0x96: {  	_ =	strace s2  }
0x97: {  	_ =	strace $0x8FFFFFFF  }
0x98: {  	s18 =	sld [smem:$0x3FDB];
	_ =	sdelay $0x1  }
0x99: {  	s19 =	simm.s32 $_scs_section_size  }
0x9a: {  	s4 =	simm.s32 $_size__tile_overlayer_lowered;
	s5 =	simm.s32 $_tile_overlayer_lowered  }
0x9b: {  	s22 =	simm.s32 $0x1BFF;
	s21 =	sshll.u32 s5, $0x1;
	s2 =	sadd.s32 s19, s18  }
0x9c: {  	s6 =	simm.s32 $0x0;
	s20 =	sshll.u32 s4, $0x1;
	s4 =	sadd.s32 s21, s2  }
0x9d: {  	[timem:s6], [sflag:s22] =	dma.local [hbm:s4], s20  }
0x9e: {  	_ =	swait.ge [sflag:s22], s20  }
0x9f: {  	s3 =	ssub.s32 $0x0, s20;
	[sflag:s22] =	ssyncset.done $0x0  }
0xa0: {  	[sflag:s22] =	ssyncadd.s32 s3;
	_ =	sdelay $0x1  }
0xa1: {  	s23 =	simm.s32 $0x1B8B  }
0xa2: {  	_ =	swait.ge [sflag:s23], $0x1  }
0xa3: {  	[sflag:s23] =	ssyncset.done $0x0  }
0xa4: {  	s25 =	simm.s32 $0x1B8E;
	s24 =	sld [smem:$0x3FFE];
	[sflag:s23] =	ssyncadd.s32 $0xFFFFFFFF  }
0xa5: {  	s26 =	simm.s32 $execute0_lowered;
	[smem:$0x3FD2] =	sst s25  }
0xa6: {  	s4 =	sshll.u32 s26, $0x1;
	_ =	strace $0x8000004F;
	[dreg:$0x1] =	wrdreg $0xFFFFFFFF  }
0xa7: {  	s28 =	simm.s32 $_size_execute0_lowered;
	s2 =	sadd.s32 s2, s4;
	[dreg:$0x0] =	wrdreg $0x0  }
0xa8: {  	s4 =	sshll.u32 s28, $0x1;
	[dreg:$0x2] =	wrdreg s2  }
0xa9: {  	[dreg:$0x3] =	wrdreg s4  }
0xaa: {  	[dreg:$0x4] =	wrdreg $0xC0  }
0xab: {  	_ =	task [dreg:s6], $0x5FFFF  }
0xac: {  	[dreg:$0x1] =	wrdreg $0xFFFFFFFF  }
0xad: {  	[dreg:$0x0] =	wrdreg $0x60  }
0xae: {  	[dreg:$0x2] =	wrdreg s24  }
0xaf: {  	[dreg:$0x3] =	wrdreg $0x28000  }
0xb0: {  	[dreg:$0x4] =	wrdreg $0x9  }
0xb1: {  	_ =	task.clear_ibuf [dreg:s6], $0x5FFFF;
	_ =	strace $0x9000004F  }
0xb2: {  	s29 =	simm.s32 $0x9;
	_ =	strace $0x80000051  }
0xb3: {  	_ =	swait.ge [sflag:s29], $0x1  }
0xb4: {  	[sflag:s29] =	ssyncadd.s32 $0xFFFFFFFF  }
0xb5: {  	_ =	strace $0x90000051  }
0xb6: {  	_ =	sfence  }
0xb7: {  	s30 =	sld [smem:$0x0];
	_ =	sdelay $0x2  }
0xb8: {  	s31 =	sshll.u32 s1, $0xD;
	s1 =	sshrl.u32 s1, $0x2  }
0xb9: {  	s3 =	sand.u32 $0x4000, s31;
	s1 =	sadd.s32 s1, s30  }
0xba: {  	s0 =	sor.u32 s3, s0;
	s1 =	sshll.u32 s1, $0x11  }
0xbb: {  	s0 =	sor.u32 s1, s0  }
0xbc: {  	s0 =	sadd.s32 $0x8F2B, s0  }
0xbd: {  	[sflag:s0] =	ssyncadd.remote.s32 $0x1  }
0xbe: {  	_ =	sfence.sel $0xFFFF  }
0xbf: {  	[dreg:$0x0] =	wrdreg $0xFFFFFFFF;
	(pc) =	sbr.abs _section_cstart, $3  }
0xc0: {  	[dreg:$0x1] =	wrdreg $0xFFFFFFFF  }
0xc1: {  	_ =	task.clear_ibuf [dreg:s6], $0x2FFFF;
	_ =	strace $0x9FFFFFFF  }
0xc2: {  	(tm) =	ssettm $0x7FFFFFFF  }
0xc3: {  	_ =	shalt  }
tec
execute0_lowered:
.L_overlay_start_1:
0x0: {  	(tag) =	ssettag $0x1  }
0x1: {  	s0 =	rddreg [dreg:$0x0]  }
0x2: {  	s2 =	rddreg [dreg:$0x1]  }
0x3: {  	s1 =	simm.s32 $0x0;
	s11 =	stileid.u32;
	s9 =	srdreg.scid  }
0x4: {  	s18 =	simm.s32 $0x100;
	s19 =	simm.s32 $0x300;
	s20 =	simm.s32 $0x500  }
0x5: {  	s21 =	simm.s32 $0x180;
	s22 =	simm.s32 $0x280;
	s23 =	simm.s32 $0x380  }
0x6: {  	s24 =	simm.s32 $0x480;
	s25 =	simm.s32 $0x580;
	[smem:$0x7FF] =	sst s1  }
0x7: {  	s26 =	simm.s32 $0x680;
	_ =	strace $0x80000050;
	[dreg:$0x6] =	wrdreg s18  }
0x8: {  	s28 =	simm.s32 $0x780;
	s29 =	simm.s32 $0x6;
	[dreg:$0x7] =	wrdreg s19  }
0x9: {  	s31 =	simm.s32 $0x7;
	s30 =	simm.s32 $0x0;
	[dreg:$0x8] =	wrdreg s20  }
0xa: {  	s3 =	smul.u32 $0x1400, s11;
	s1 =	sand.u32 $0x1, s9;
	[dreg:$0x9] =	wrdreg s21  }
0xb: {  	s5 =	sadd.s32 $0x2E00, s0;
	s4 =	sadd.s32 $0x19600, s0;
	[dreg:$0xa] =	wrdreg s22  }
0xc: {  	s13 =	sshll.u32 s11, $0x6;
	s15 =	smul.u32 $0x500, s11;
	[dreg:$0xb] =	wrdreg s23  }
0xd: {  	s6 =	smul.u32 $0x14000, s1;
	s7 =	sshll.u32 s1, $0x4;
	[dreg:$0xc] =	wrdreg s24  }
0xe: {  	s9 =	ssub.s32 $0x2, s1;
	s1 =	smul.u32 $0x5000, s1;
	[dreg:$0xd] =	wrdreg s25  }
0xf: {  	s18 =	simm.s32 $0x1;
	s20 =	simm.s32 $0x2;
	[dreg:$0xe] =	wrdreg s26  }
0x10: {  	s22 =	simm.s32 $0x3;
	s24 =	simm.s32 $0x4;
	[dreg:$0xf] =	wrdreg s28  }
0x11: {  	s8 =	sshrl.u32 s3, $0x3;
	s7 =	sor.u32 s11, s7;
	s10 =	sshrl.u32 s9, $0x1  }
0x12: {  	s6 =	sadd.s32 s3, s6;
	s7 =	smul.u32 $0x500, s7;
	s8 =	sadd.s32 s8, s0  }
0x13: {  	s10 =	ssub.s32 s9, s10;
	s3 =	sadd.s32 s3, s2;
	s8 =	sadd.s32 $0x16E00, s8  }
0x14: {  	s6 =	sshrl.u32 s6, $0x3;
	s16 =	smax.u32 s10, $0x1;
	[dreg:$0x10] =	wrdreg s8  }
0x15: {  	s0 =	sadd.s32 s6, s0;
	s8 =	sor.u32 $0x1C11, s13;
	[dreg:$0x13] =	wrdreg s16  }
0x16: {  	s7 =	sadd.s32 s7, s5;
	s6 =	sshrl.u32 s3, $0x3;
	[dreg:$0x11] =	wrdreg s8  }
0x17: {  	s26 =	simm.s32 $0x5;
	s12 =	sadd.s32 $0x10, s7;
	[dreg:$0x14] =	wrdreg s6  }
0x18: {  	s17 =	sadd.s32 s1, s5;
	s14 =	sadd.s32 $0x30, s7;
	[dreg:$0x3] =	wrdreg s12  }
0x19: {  	s1 =	simm.s32 $0x8;
	s7 =	sadd.s32 $0x50, s7;
	[dreg:$0x4] =	wrdreg s14  }
0x1a: {  	s9 =	sadd.s32 s15, s17;
	s0 =	sadd.s32 $0x1BE00, s0;
	[dreg:$0x5] =	wrdreg s7  }
0x1b: {  	s13 =	simm.s32 $0x50000;
	s5 =	simm.s32 $0x2400;
	[dreg:$0x12] =	wrdreg s0  }
0x1c: {  	s7 =	simm.s32 $0x11;
	s12 =	simm.s32 $0x80;
	s0 =	simm.s32 $0x0  }
.LBB2_1:
0x1d: {  	[dreg:$0x15] =	wrdreg s0  }
0x1e: {  	s3 =	rddreg [dreg:$0x10]  }
0x1f: {  	[spmem:s6], [sflag:s8] =	dma.local [hbm:s3], $0x280  }
0x20: {  	_ =	swait.ge [sflag:s7], $0x280  }
0x21: {  	p1 =	por $0x1, $0x1;
	[sflag:s7] =	ssyncset.done $0x0  }
0x22: {  	p0 =	por p1, p1;
	[sflag:s7] =	ssyncadd.s32 $0xFFFFFD80  }
0x23: {  	s3 =	simm.s32 @!p0 $0x9;
	[bflag:$0x0] =	sbarrier.arrive $0xFFFF  }
0x24: {  	_ =	swait.ge @!p0 [sflag:s3], $0x400  }
0x25: {  	s21 =	sadd.s32 $0x0, s9;
	s15 =	simm.s32 $0x0;
	[sflag:s3] =	ssyncset.done @!p0 $0x0  }
0x26: {  	s6 =	simm.s32 @!p0 $0xA;
	s17 =	simm.s32 @p0 $0x80;
	[sflag:s3] =	ssyncadd.s32 @!p0 $0xFFFFFC00  }
0x27: {  	[tilespmem:s15], [sflag:$0x1] =	stream.strided.gather [hbm4b:s21+s12], $0x100, s13, s12, $0x38;
	[tilespmem:$0x3C00] =	vst v63  }
0x28: {  	s10 =	simm.s32 @p0 $0x50000;
	s11 =	simm.s32 @p0 $0x100;
	s7 =	rddreg [dreg:$0x3]  }
0x29: {  	[tilespmem:s11], [sflag:$0x2] =	stream.strided.gather @p0 [hbm4b:s7+s17], $0x100, s10, s17, $0x38;
	[tilespmem:$0x3C00] =	vst v63  }
0x2a: {  	s14 =	simm.s32 @!p0 $0x100;
	_ =	swait.ge @!p0 [sflag:s6], $0x400  }
0x2b: {  	s8 =	simm.s32 @!p0 $0x80;
	s7 =	sadd.s32 @!p1 $0x0, s9;
	[sflag:s6] =	ssyncset.done @!p0 $0x0  }
0x2c: {  	s11 =	sadd.s32 @!p1 $0x10, s7;
	[sflag:s6] =	ssyncadd.s32 @!p0 $0xFFFFFC00;
	s6 =	simm.s32 @!p0 $0x50000  }
0x2d: {  	[tilespmem:s14], [sflag:$0x2] =	stream.strided.gather @!p0 [hbm4b:s11+s8], $0x100, s6, s8, $0x38;
	[tilespmem:$0x3C00] =	vst v63  }
0x2e: {  	s11 =	simm.s32 @!p0 $0xB  }
0x2f: {  	_ =	swait.ge @!p0 [sflag:s11], $0x400  }
0x30: {  	[sflag:s11] =	ssyncset.done @!p0 $0x0  }
0x31: {  	s25 =	simm.s32 $0x200;
	s23 =	sadd.s32 $0x20, s21;
	[sflag:s11] =	ssyncadd.s32 @!p0 $0xFFFFFC00  }
0x32: {  	[tilespmem:s25], [sflag:$0x3] =	stream.strided.gather [hbm4b:s23+s12], $0x100, s13, s12, $0x38;
	[tilespmem:$0x3C00] =	vst v63  }
0x33: {  	s14 =	rddreg [dreg:$0x4];
	s11 =	simm.s32 @p0 $0x300  }
0x34: {  	[tilespmem:s11], [sflag:$0x4] =	stream.strided.gather @p0 [hbm4b:s14+s17], $0x100, s10, s17, $0x38;
	[tilespmem:$0x3C00] =	vst v63  }
0x35: {  	s11 =	simm.s32 @!p0 $0xC  }
0x36: {  	_ =	swait.ge @!p0 [sflag:s11], $0x400  }
0x37: {  	[sflag:s11] =	ssyncset.done @!p0 $0x0  }
0x38: {  	s14 =	sadd.s32 @!p1 $0x30, s7;
	[sflag:s11] =	ssyncadd.s32 @!p0 $0xFFFFFC00;
	s11 =	simm.s32 @!p0 $0x300  }
0x39: {  	[tilespmem:s11], [sflag:$0x4] =	stream.strided.gather @!p0 [hbm4b:s14+s8], $0x100, s6, s8, $0x38;
	[tilespmem:$0x3C00] =	vst v63  }
0x3a: {  	s11 =	simm.s32 @!p0 $0xD  }
0x3b: {  	_ =	swait.ge @!p0 [sflag:s11], $0x400  }
0x3c: {  	[sflag:s11] =	ssyncset.done @!p0 $0x0  }
0x3d: {  	s16 =	simm.s32 $0x400;
	s28 =	sadd.s32 $0x40, s21;
	[sflag:s11] =	ssyncadd.s32 @!p0 $0xFFFFFC00  }
0x3e: {  	[tilespmem:s16], [sflag:$0x5] =	stream.strided.gather [hbm4b:s28+s12], $0x100, s13, s12, $0x38;
	[tilespmem:$0x3C00] =	vst v63  }
0x3f: {  	s14 =	rddreg [dreg:$0x5];
	s11 =	simm.s32 @p0 $0x500  }
0x40: {  	[tilespmem:s11], [sflag:$0x6] =	stream.strided.gather @p0 [hbm4b:s14+s17], $0x100, s10, s17, $0x38;
	[tilespmem:$0x3C00] =	vst v63  }
0x41: {  	s10 =	simm.s32 @!p0 $0xE  }
0x42: {  	_ =	swait.ge @!p0 [sflag:s10], $0x400  }
0x43: {  	s7 =	sadd.s32 @!p1 $0x50, s7;
	[sflag:s10] =	ssyncset.done @!p0 $0x0  }
0x44: {  	s11 =	simm.s32 @!p0 $0xF;
	[sflag:s10] =	ssyncadd.s32 @!p0 $0xFFFFFC00;
	s10 =	simm.s32 @!p0 $0x500  }
0x45: {  	[tilespmem:s10], [sflag:$0x6] =	stream.strided.gather @!p0 [hbm4b:s7+s8], $0x100, s6, s8, $0x38;
	[tilespmem:$0x3C00] =	vst v63  }
0x46: {  	_ =	swait.ge @!p0 [sflag:s11], $0x400  }
0x47: {  	s8 =	sadd.s32 $0x60, s21;
	[sflag:s11] =	ssyncset.done @!p0 $0x0  }
0x48: {  	s7 =	simm.s32 @!p0 $0x10;
	s10 =	simm.s32 $0x600;
	[sflag:s11] =	ssyncadd.s32 @!p0 $0xFFFFFC00  }
0x49: {  	[tilespmem:s10], [sflag:$0x7] =	stream.strided.gather [hbm4b:s8+s12], $0x100, s13, s12, $0x38;
	[tilespmem:$0x3C00] =	vst v63  }
0x4a: {  	_ =	swait.ge @!p0 [sflag:s7], $0x400  }
0x4b: {  	[sflag:s7] =	ssyncset.done @!p0 $0x0  }
0x4c: {  	s3 =	sadd.s32 $0x70, s21;
	s11 =	simm.s32 $0x700;
	[sflag:s7] =	ssyncadd.s32 @!p0 $0xFFFFFC00  }
0x4d: {  	[tilespmem:s11], [sflag:$0x8] =	stream.strided.gather [hbm4b:s3+s12], $0x100, s13, s12, $0x38;
	[tilespmem:$0x3C00] =	vst v63  }
0x4e: {  	_ =	swait.ge [sflag:s18], $0x100  }
0x4f: {  	[sflag:s18] =	ssyncset.done $0x0  }
0x50: {  	s17 =	simm.s32 $0x800;
	[sflag:s18] =	ssyncadd.s32 $0xFFFFFF00  }
0x51: {  	[tilespmem:s17], [sflag:$0x1] =	stream.indirect.gather [hbm4b:s4+s12], $0x8, s15, s12, $0xb8;
	[tilespmem:$0x3C00] =	vst v63  }
0x52: {  	_ =	swait.ge [sflag:s20], $0x100  }
0x53: {  	[sflag:s20] =	ssyncset.done $0x0  }
0x54: {  	s21 =	simm.s32 $0xC00;
	s19 =	rddreg [dreg:$0x6];
	[sflag:s20] =	ssyncadd.s32 $0xFFFFFF00  }
0x55: {  	[tilespmem:s21], [sflag:$0x2] =	stream.indirect.gather [hbm4b:s4+s12], $0x8, s19, s12, $0xb8;
	[tilespmem:$0x3C00] =	vst v63  }
0x56: {  	_ =	swait.ge [sflag:s22], $0x100  }
0x57: {  	[sflag:s22] =	ssyncset.done $0x0  }
0x58: {  	s23 =	simm.s32 $0x1000;
	[sflag:s22] =	ssyncadd.s32 $0xFFFFFF00  }
0x59: {  	[tilespmem:s23], [sflag:$0x3] =	stream.indirect.gather [hbm4b:s4+s12], $0x8, s25, s12, $0xb8;
	[tilespmem:$0x3C00] =	vst v63  }
0x5a: {  	_ =	swait.ge [sflag:s24], $0x100  }
0x5b: {  	[sflag:s24] =	ssyncset.done $0x0  }
0x5c: {  	s14 =	simm.s32 $0x1400;
	s0 =	rddreg [dreg:$0x7];
	[sflag:s24] =	ssyncadd.s32 $0xFFFFFF00  }
0x5d: {  	[tilespmem:s14], [sflag:$0x4] =	stream.indirect.gather [hbm4b:s4+s12], $0x8, s0, s12, $0xb8;
	[tilespmem:$0x3C00] =	vst v63  }
0x5e: {  	_ =	swait.ge [sflag:s26], $0x100  }
0x5f: {  	[sflag:s26] =	ssyncset.done $0x0  }
0x60: {  	s15 =	simm.s32 $0x1800;
	[sflag:s26] =	ssyncadd.s32 $0xFFFFFF00  }
0x61: {  	[tilespmem:s15], [sflag:$0x5] =	stream.indirect.gather [hbm4b:s4+s12], $0x8, s16, s12, $0xb8;
	[tilespmem:$0x3C00] =	vst v63  }
0x62: {  	_ =	swait.ge [sflag:s29], $0x100  }
0x63: {  	[sflag:s29] =	ssyncset.done $0x0  }
0x64: {  	s28 =	simm.s32 $0x1C00;
	s25 =	rddreg [dreg:$0x8];
	[sflag:s29] =	ssyncadd.s32 $0xFFFFFF00  }
0x65: {  	[tilespmem:s28], [sflag:$0x6] =	stream.indirect.gather [hbm4b:s4+s12], $0x8, s25, s12, $0xb8;
	[tilespmem:$0x3C00] =	vst v63  }
0x66: {  	_ =	swait.ge [sflag:s31], $0x100  }
0x67: {  	[sflag:s31] =	ssyncset.done $0x0  }
0x68: {  	s16 =	simm.s32 $0x2000;
	[sflag:s31] =	ssyncadd.s32 $0xFFFFFF00  }
0x69: {  	[tilespmem:s16], [sflag:$0x7] =	stream.indirect.gather [hbm4b:s4+s12], $0x8, s10, s12, $0xb8;
	[tilespmem:$0x3C00] =	vst v63  }
0x6a: {  	_ =	swait.ge [sflag:s1], $0x100  }
0x6b: {  	[sflag:s1] =	ssyncset.done $0x0  }
0x6c: {  	[sflag:s1] =	ssyncadd.s32 $0xFFFFFF00  }
0x6d: {  	[tilespmem:s5], [sflag:$0x8] =	stream.indirect.gather [hbm4b:s4+s12], $0x8, s11, s12, $0xb8;
	[tilespmem:$0x3C00] =	vst v63  }
0x6e: {  	_ =	swait.ge [sflag:s18], $0x400  }
0x6f: {  	[sflag:s18] =	ssyncset.done $0x0  }
0x70: {  	[sflag:s18] =	ssyncadd.s32 $0xFFFFFC00  }
0x71: {  	[spmem:s2] =	stream.indirect.scatter.add.f32 [tilespmem:s17], [sflag:$0x9], $0x8, s12, s12, $0xb8;
	[tilespmem:$0x3C00] =	vst v63  }
0x72: {  	_ =	swait.ge [sflag:s20], $0x400  }
0x73: {  	[sflag:s20] =	ssyncset.done $0x0  }
0x74: {  	s17 =	rddreg [dreg:$0x9];
	[sflag:s20] =	ssyncadd.s32 $0xFFFFFC00  }
0x75: {  	[spmem:s2] =	stream.indirect.scatter.add.f32 [tilespmem:s21], [sflag:$0xA], $0x8, s17, s12, $0xb8;
	[tilespmem:$0x3C00] =	vst v63  }
0x76: {  	_ =	swait.ge [sflag:s22], $0x400  }
0x77: {  	[sflag:s22] =	ssyncset.done $0x0  }
0x78: {  	s19 =	rddreg [dreg:$0xa];
	[sflag:s22] =	ssyncadd.s32 $0xFFFFFC00  }
0x79: {  	[spmem:s2] =	stream.indirect.scatter.add.f32 [tilespmem:s23], [sflag:$0xB], $0x8, s19, s12, $0xb8;
	[tilespmem:$0x3C00] =	vst v63  }
0x7a: {  	_ =	swait.ge [sflag:s24], $0x400  }
0x7b: {  	[sflag:s24] =	ssyncset.done $0x0  }
0x7c: {  	s21 =	rddreg [dreg:$0xb];
	[sflag:s24] =	ssyncadd.s32 $0xFFFFFC00  }
0x7d: {  	[spmem:s2] =	stream.indirect.scatter.add.f32 [tilespmem:s14], [sflag:$0xC], $0x8, s21, s12, $0xb8;
	[tilespmem:$0x3C00] =	vst v63  }
0x7e: {  	_ =	swait.ge [sflag:s26], $0x400  }
0x7f: {  	[sflag:s26] =	ssyncset.done $0x0  }
0x80: {  	s23 =	rddreg [dreg:$0xc];
	[sflag:s26] =	ssyncadd.s32 $0xFFFFFC00  }
0x81: {  	[spmem:s2] =	stream.indirect.scatter.add.f32 [tilespmem:s15], [sflag:$0xD], $0x8, s23, s12, $0xb8;
	[tilespmem:$0x3C00] =	vst v63  }
0x82: {  	_ =	swait.ge [sflag:s29], $0x400  }
0x83: {  	[sflag:s29] =	ssyncset.done $0x0  }
0x84: {  	s25 =	rddreg [dreg:$0xd];
	[sflag:s29] =	ssyncadd.s32 $0xFFFFFC00  }
0x85: {  	[spmem:s2] =	stream.indirect.scatter.add.f32 [tilespmem:s28], [sflag:$0xE], $0x8, s25, s12, $0xb8;
	[tilespmem:$0x3C00] =	vst v63  }
0x86: {  	_ =	swait.ge [sflag:s31], $0x400  }
0x87: {  	p0 =	por $0x0, $0x0;
	s7 =	simm.s32 $0x80;
	[sflag:s31] =	ssyncset.done $0x0  }
0x88: {  	s8 =	sadd.s32 @!p0 $0x80, s9;
	s28 =	rddreg [dreg:$0xe];
	[sflag:s31] =	ssyncadd.s32 $0xFFFFFC00  }
0x89: {  	[spmem:s2] =	stream.indirect.scatter.add.f32 [tilespmem:s16], [sflag:$0xF], $0x8, s28, s12, $0xb8;
	[tilespmem:$0x3C00] =	vst v63  }
0x8a: {  	s6 =	sadd.s32 @!p0 $0x30, s8;
	s10 =	sadd.s32 @!p0 $0x10, s8;
	_ =	swait.ge [sflag:s1], $0x400  }
0x8b: {  	s8 =	sadd.s32 @!p0 $0x50, s8;
	p0 =	por p0, p0;
	[sflag:s1] =	ssyncset.done $0x0  }
0x8c: {  	s11 =	simm.s32 $0x100;
	s3 =	rddreg [dreg:$0xf];
	[sflag:s1] =	ssyncadd.s32 $0xFFFFFC00  }
.LBB2_2:
0x8d: {  	[spmem:s2] =	stream.indirect.scatter.add.f32 [tilespmem:s5], [sflag:$0x10], $0x8, s3, s12, $0xb8;
	[tilespmem:$0x3C00] =	vst v63  }
0x8e: {  	s3 =	simm.s32 @!p0 $0x9  }
0x8f: {  	_ =	swait.ge @!p0 [sflag:s3], $0x400  }
0x90: {  	s17 =	simm.s32 @!p0 $0xA;
	[sflag:s3] =	ssyncset.done @!p0 $0x0  }
0x91: {  	s19 =	simm.s32 @p0 $0x80;
	[sflag:s3] =	ssyncadd.s32 @!p0 $0xFFFFFC00;
	s3 =	sadd.s32 s7, s9  }
0x92: {  	[tilespmem:s30], [sflag:$0x1] =	stream.strided.gather [hbm4b:s3+s12], $0x100, s13, s12, $0x38;
	[tilespmem:$0x3C00] =	vst v63  }
0x93: {  	s21 =	simm.s32 @p0 $0x50000;
	s23 =	simm.s32 @p0 $0x100;
	s7 =	rddreg [dreg:$0x3]  }
0x94: {  	[tilespmem:s23], [sflag:$0x2] =	stream.strided.gather @p0 [hbm4b:s7+s19], $0x100, s21, s19, $0x38;
	[tilespmem:$0x3C00] =	vst v63  }
0x95: {  	s15 =	smov.u32 s11;
	s25 =	simm.s32 @!p0 $0xB;
	_ =	swait.ge @!p0 [sflag:s17], $0x400  }
0x96: {  	s28 =	simm.s32 @!p0 $0x50000;
	p2 =	seq.s32 s15, $0x0;
	[sflag:s17] =	ssyncset.done @!p0 $0x0  }
0x97: {  	s7 =	simm.s32 @!p0 $0x100;
	[sflag:s17] =	ssyncadd.s32 @!p0 $0xFFFFFC00;
	s17 =	simm.s32 @!p0 $0x80  }
0x98: {  	[tilespmem:s7], [sflag:$0x2] =	stream.strided.gather @!p0 [hbm4b:s10+s17], $0x100, s28, s17, $0x38;
	[tilespmem:$0x3C00] =	vst v63  }
0x99: {  	s0 =	simm.s32 $0x200;
	s14 =	sadd.s32 @!p2 s15, s9;
	_ =	swait.ge @!p0 [sflag:s25], $0x400  }
0x9a: {  	s16 =	sadd.s32 @!p2 $0x10, s14;
	s7 =	smov.u32 s15;
	[sflag:s25] =	ssyncset.done @!p0 $0x0  }
0x9b: {  	s10 =	smov.u32 s16;
	[sflag:s25] =	ssyncadd.s32 @!p0 $0xFFFFFC00;
	s25 =	sadd.s32 $0x20, s3  }
0x9c: {  	[tilespmem:s0], [sflag:$0x3] =	stream.strided.gather [hbm4b:s25+s12], $0x100, s13, s12, $0x38;
	[tilespmem:$0x3C00] =	vst v63  }
0x9d: {  	s15 =	simm.s32 @p0 $0x300;
	s16 =	rddreg [dreg:$0x4];
	s25 =	simm.s32 @!p0 $0xC  }
0x9e: {  	[tilespmem:s15], [sflag:$0x4] =	stream.strided.gather @p0 [hbm4b:s16+s19], $0x100, s21, s19, $0x38;
	[tilespmem:$0x3C00] =	vst v63  }
0x9f: {  	_ =	swait.ge @!p0 [sflag:s25], $0x400  }
0xa0: {  	[sflag:s25] =	ssyncset.done @!p0 $0x0  }
0xa1: {  	s15 =	simm.s32 @!p0 $0x300;
	s16 =	simm.s32 @!p0 $0xD;
	[sflag:s25] =	ssyncadd.s32 @!p0 $0xFFFFFC00  }
0xa2: {  	[tilespmem:s15], [sflag:$0x4] =	stream.strided.gather @!p0 [hbm4b:s6+s17], $0x100, s28, s17, $0x38;
	[tilespmem:$0x3C00] =	vst v63  }
0xa3: {  	_ =	swait.ge @!p0 [sflag:s16], $0x400  }
0xa4: {  	s23 =	sadd.s32 @!p2 $0x30, s14;
	s25 =	simm.s32 $0x400;
	[sflag:s16] =	ssyncset.done @!p0 $0x0  }
0xa5: {  	s6 =	smov.u32 s23;
	s23 =	sadd.s32 $0x40, s3;
	[sflag:s16] =	ssyncadd.s32 @!p0 $0xFFFFFC00  }
0xa6: {  	[tilespmem:s25], [sflag:$0x5] =	stream.strided.gather [hbm4b:s23+s12], $0x100, s13, s12, $0x38;
	[tilespmem:$0x3C00] =	vst v63  }
0xa7: {  	s15 =	simm.s32 @p0 $0x500;
	s16 =	rddreg [dreg:$0x5];
	s23 =	simm.s32 @!p0 $0xE  }
0xa8: {  	[tilespmem:s15], [sflag:$0x6] =	stream.strided.gather @p0 [hbm4b:s16+s19], $0x100, s21, s19, $0x38;
	[tilespmem:$0x3C00] =	vst v63  }
0xa9: {  	_ =	swait.ge @!p0 [sflag:s23], $0x400  }
0xaa: {  	[sflag:s23] =	ssyncset.done @!p0 $0x0  }
0xab: {  	s15 =	simm.s32 @!p0 $0x500;
	s16 =	simm.s32 @!p0 $0xF;
	[sflag:s23] =	ssyncadd.s32 @!p0 $0xFFFFFC00  }
0xac: {  	[tilespmem:s15], [sflag:$0x6] =	stream.strided.gather @!p0 [hbm4b:s8+s17], $0x100, s28, s17, $0x38;
	[tilespmem:$0x3C00] =	vst v63  }
0xad: {  	_ =	swait.ge @!p0 [sflag:s16], $0x400  }
0xae: {  	s23 =	sadd.s32 $0x60, s3;
	[sflag:s16] =	ssyncset.done @!p0 $0x0  }
0xaf: {  	s15 =	simm.s32 @!p0 $0x10;
	[sflag:s16] =	ssyncadd.s32 @!p0 $0xFFFFFC00;
	s16 =	simm.s32 $0x600  }
0xb0: {  	[tilespmem:s16], [sflag:$0x7] =	stream.strided.gather [hbm4b:s23+s12], $0x100, s13, s12, $0x38;
	[tilespmem:$0x3C00] =	vst v63  }
0xb1: {  	_ =	swait.ge @!p0 [sflag:s15], $0x400  }
0xb2: {  	s14 =	sadd.s32 @!p2 $0x50, s14;
	s3 =	sadd.s32 $0x70, s3;
	[sflag:s15] =	ssyncset.done @!p0 $0x0  }
0xb3: {  	s8 =	smov.u32 s14;
	s14 =	simm.s32 $0x700;
	[sflag:s15] =	ssyncadd.s32 @!p0 $0xFFFFFC00  }
0xb4: {  	[tilespmem:s14], [sflag:$0x8] =	stream.strided.gather [hbm4b:s3+s12], $0x100, s13, s12, $0x38;
	[tilespmem:$0x3C00] =	vst v63  }
0xb5: {  	_ =	swait.ge [sflag:s18], $0x100  }
0xb6: {  	[sflag:s18] =	ssyncset.done $0x0  }
0xb7: {  	s15 =	simm.s32 $0x800;
	[sflag:s18] =	ssyncadd.s32 $0xFFFFFF00  }
0xb8: {  	[tilespmem:s15], [sflag:$0x1] =	stream.indirect.gather [hbm4b:s4+s12], $0x8, s30, s12, $0xb8;
	[tilespmem:$0x3C00] =	vst v63  }
0xb9: {  	_ =	swait.ge [sflag:s20], $0x100  }
0xba: {  	[sflag:s20] =	ssyncset.done $0x0  }
0xbb: {  	s17 =	simm.s32 $0xC00;
	s28 =	rddreg [dreg:$0x6];
	[sflag:s20] =	ssyncadd.s32 $0xFFFFFF00  }
0xbc: {  	[tilespmem:s17], [sflag:$0x2] =	stream.indirect.gather [hbm4b:s4+s12], $0x8, s28, s12, $0xb8;
	[tilespmem:$0x3C00] =	vst v63  }
0xbd: {  	_ =	swait.ge [sflag:s22], $0x100  }
0xbe: {  	[sflag:s22] =	ssyncset.done $0x0  }
0xbf: {  	s19 =	simm.s32 $0x1000;
	[sflag:s22] =	ssyncadd.s32 $0xFFFFFF00  }
0xc0: {  	[tilespmem:s19], [sflag:$0x3] =	stream.indirect.gather [hbm4b:s4+s12], $0x8, s0, s12, $0xb8;
	[tilespmem:$0x3C00] =	vst v63  }
0xc1: {  	_ =	swait.ge [sflag:s24], $0x100  }
0xc2: {  	[sflag:s24] =	ssyncset.done $0x0  }
0xc3: {  	s21 =	simm.s32 $0x1400;
	s0 =	rddreg [dreg:$0x7];
	[sflag:s24] =	ssyncadd.s32 $0xFFFFFF00  }
0xc4: {  	[tilespmem:s21], [sflag:$0x4] =	stream.indirect.gather [hbm4b:s4+s12], $0x8, s0, s12, $0xb8;
	[tilespmem:$0x3C00] =	vst v63  }
0xc5: {  	_ =	swait.ge [sflag:s26], $0x100  }
0xc6: {  	[sflag:s26] =	ssyncset.done $0x0  }
0xc7: {  	s23 =	simm.s32 $0x1800;
	[sflag:s26] =	ssyncadd.s32 $0xFFFFFF00  }
0xc8: {  	[tilespmem:s23], [sflag:$0x5] =	stream.indirect.gather [hbm4b:s4+s12], $0x8, s25, s12, $0xb8;
	[tilespmem:$0x3C00] =	vst v63  }
0xc9: {  	_ =	swait.ge [sflag:s29], $0x100  }
0xca: {  	[sflag:s29] =	ssyncset.done $0x0  }
0xcb: {  	s28 =	simm.s32 $0x1C00;
	s25 =	rddreg [dreg:$0x8];
	[sflag:s29] =	ssyncadd.s32 $0xFFFFFF00  }
0xcc: {  	[tilespmem:s28], [sflag:$0x6] =	stream.indirect.gather [hbm4b:s4+s12], $0x8, s25, s12, $0xb8;
	[tilespmem:$0x3C00] =	vst v63  }
0xcd: {  	_ =	swait.ge [sflag:s31], $0x100  }
0xce: {  	[sflag:s31] =	ssyncset.done $0x0  }
0xcf: {  	s25 =	simm.s32 $0x2000;
	[sflag:s31] =	ssyncadd.s32 $0xFFFFFF00  }
0xd0: {  	[tilespmem:s25], [sflag:$0x7] =	stream.indirect.gather [hbm4b:s4+s12], $0x8, s16, s12, $0xb8;
	[tilespmem:$0x3C00] =	vst v63  }
0xd1: {  	_ =	swait.ge [sflag:s1], $0x100  }
0xd2: {  	[sflag:s1] =	ssyncset.done $0x0  }
0xd3: {  	[sflag:s1] =	ssyncadd.s32 $0xFFFFFF00  }
0xd4: {  	[tilespmem:s5], [sflag:$0x8] =	stream.indirect.gather [hbm4b:s4+s12], $0x8, s14, s12, $0xb8;
	[tilespmem:$0x3C00] =	vst v63  }
0xd5: {  	_ =	swait.ge [sflag:s18], $0x400  }
0xd6: {  	[sflag:s18] =	ssyncset.done $0x0  }
0xd7: {  	[sflag:s18] =	ssyncadd.s32 $0xFFFFFC00  }
0xd8: {  	[spmem:s2] =	stream.indirect.scatter.add.f32 [tilespmem:s15], [sflag:$0x9], $0x8, s12, s12, $0xb8;
	[tilespmem:$0x3C00] =	vst v63  }
0xd9: {  	_ =	swait.ge [sflag:s20], $0x400  }
0xda: {  	[sflag:s20] =	ssyncset.done $0x0  }
0xdb: {  	s15 =	rddreg [dreg:$0x9];
	[sflag:s20] =	ssyncadd.s32 $0xFFFFFC00  }
0xdc: {  	[spmem:s2] =	stream.indirect.scatter.add.f32 [tilespmem:s17], [sflag:$0xA], $0x8, s15, s12, $0xb8;
	[tilespmem:$0x3C00] =	vst v63  }
0xdd: {  	_ =	swait.ge [sflag:s22], $0x400  }
0xde: {  	[sflag:s22] =	ssyncset.done $0x0  }
0xdf: {  	s16 =	rddreg [dreg:$0xa];
	[sflag:s22] =	ssyncadd.s32 $0xFFFFFC00  }
0xe0: {  	[spmem:s2] =	stream.indirect.scatter.add.f32 [tilespmem:s19], [sflag:$0xB], $0x8, s16, s12, $0xb8;
	[tilespmem:$0x3C00] =	vst v63  }
0xe1: {  	_ =	swait.ge [sflag:s24], $0x400  }
0xe2: {  	[sflag:s24] =	ssyncset.done $0x0  }
0xe3: {  	s17 =	rddreg [dreg:$0xb];
	[sflag:s24] =	ssyncadd.s32 $0xFFFFFC00  }
0xe4: {  	[spmem:s2] =	stream.indirect.scatter.add.f32 [tilespmem:s21], [sflag:$0xC], $0x8, s17, s12, $0xb8;
	[tilespmem:$0x3C00] =	vst v63  }
0xe5: {  	_ =	swait.ge [sflag:s26], $0x400  }
0xe6: {  	[sflag:s26] =	ssyncset.done $0x0  }
0xe7: {  	s19 =	rddreg [dreg:$0xc];
	[sflag:s26] =	ssyncadd.s32 $0xFFFFFC00  }
0xe8: {  	[spmem:s2] =	stream.indirect.scatter.add.f32 [tilespmem:s23], [sflag:$0xD], $0x8, s19, s12, $0xb8;
	[tilespmem:$0x3C00] =	vst v63  }
0xe9: {  	_ =	swait.ge [sflag:s29], $0x400  }
0xea: {  	[sflag:s29] =	ssyncset.done $0x0  }
0xeb: {  	s21 =	rddreg [dreg:$0xd];
	[sflag:s29] =	ssyncadd.s32 $0xFFFFFC00  }
0xec: {  	[spmem:s2] =	stream.indirect.scatter.add.f32 [tilespmem:s28], [sflag:$0xE], $0x8, s21, s12, $0xb8;
	[tilespmem:$0x3C00] =	vst v63  }
0xed: {  	s11 =	sadd.s32 $0x80, s11;
	_ =	swait.ge [sflag:s31], $0x400  }
0xee: {  	p1 =	sne.s32 s11, $0x500;
	[sflag:s31] =	ssyncset.done $0x0  }
.Ltmp0:
0xef: {  	s28 =	rddreg [dreg:$0xe];
	[sflag:s31] =	ssyncadd.s32 $0xFFFFFC00;
	(pc) =	sbr.rel @p1 .LBB2_2-.Ltmp0, $4  }
0xf0: {  	[spmem:s2] =	stream.indirect.scatter.add.f32 [tilespmem:s25], [sflag:$0xF], $0x8, s28, s12, $0xb8;
	[tilespmem:$0x3C00] =	vst v63  }
0xf1: {  	_ =	swait.ge [sflag:s1], $0x400  }
0xf2: {  	[sflag:s1] =	ssyncset.done $0x0  }
0xf3: {  	p0 =	por p2, p2;
	s3 =	rddreg [dreg:$0xf];
	[sflag:s1] =	ssyncadd.s32 $0xFFFFFC00  }
0xf4: {  	[spmem:s2] =	stream.indirect.scatter.add.f32 [tilespmem:s5], [sflag:$0x10], $0x8, s3, s12, $0xb8;
	[tilespmem:$0x3C00] =	vst v63  }
0xf5: {  	s3 =	simm.s32 @!p0 $0x9  }
0xf6: {  	_ =	swait.ge @!p0 [sflag:s3], $0x400  }
0xf7: {  	s11 =	simm.s32 @!p0 $0xA;
	s25 =	sadd.s32 s7, s9;
	[sflag:s3] =	ssyncset.done @!p0 $0x0  }
0xf8: {  	s17 =	simm.s32 $0x0;
	s14 =	simm.s32 @p0 $0x80;
	[sflag:s3] =	ssyncadd.s32 @!p0 $0xFFFFFC00  }
0xf9: {  	[tilespmem:s17], [sflag:$0x1] =	stream.strided.gather [hbm4b:s25+s12], $0x100, s13, s12, $0x38;
	[tilespmem:$0x3C00] =	vst v63  }
0xfa: {  	s15 =	simm.s32 @p0 $0x50000;
	s16 =	simm.s32 @p0 $0x100;
	s7 =	rddreg [dreg:$0x3]  }
0xfb: {  	[tilespmem:s16], [sflag:$0x2] =	stream.strided.gather @p0 [hbm4b:s7+s14], $0x100, s15, s14, $0x38;
	[tilespmem:$0x3C00] =	vst v63  }
0xfc: {  	_ =	swait.ge @!p0 [sflag:s11], $0x400  }
0xfd: {  	s7 =	simm.s32 @!p0 $0x100;
	[sflag:s11] =	ssyncset.done @!p0 $0x0  }
0xfe: {  	s16 =	simm.s32 @!p0 $0x50000;
	[sflag:s11] =	ssyncadd.s32 @!p0 $0xFFFFFC00;
	s11 =	simm.s32 @!p0 $0x80  }
0xff: {  	[tilespmem:s7], [sflag:$0x2] =	stream.strided.gather @!p0 [hbm4b:s10+s11], $0x100, s16, s11, $0x38;
	[tilespmem:$0x3C00] =	vst v63  }
0x100: {  	s7 =	simm.s32 @!p0 $0xB  }
0x101: {  	_ =	swait.ge @!p0 [sflag:s7], $0x400  }
0x102: {  	[sflag:s7] =	ssyncset.done @!p0 $0x0  }
0x103: {  	s0 =	simm.s32 $0x200;
	s28 =	sadd.s32 $0x20, s25;
	[sflag:s7] =	ssyncadd.s32 @!p0 $0xFFFFFC00  }
0x104: {  	[tilespmem:s0], [sflag:$0x3] =	stream.strided.gather [hbm4b:s28+s12], $0x100, s13, s12, $0x38;
	[tilespmem:$0x3C00] =	vst v63  }
0x105: {  	s10 =	rddreg [dreg:$0x4];
	s7 =	simm.s32 @p0 $0x300  }
0x106: {  	[tilespmem:s7], [sflag:$0x4] =	stream.strided.gather @p0 [hbm4b:s10+s14], $0x100, s15, s14, $0x38;
	[tilespmem:$0x3C00] =	vst v63  }
0x107: {  	s7 =	simm.s32 @!p0 $0xC  }
0x108: {  	_ =	swait.ge @!p0 [sflag:s7], $0x400  }
0x109: {  	[sflag:s7] =	ssyncset.done @!p0 $0x0  }
0x10a: {  	[sflag:s7] =	ssyncadd.s32 @!p0 $0xFFFFFC00;
	s7 =	simm.s32 @!p0 $0x300  }
0x10b: {  	[tilespmem:s7], [sflag:$0x4] =	stream.strided.gather @!p0 [hbm4b:s6+s11], $0x100, s16, s11, $0x38;
	[tilespmem:$0x3C00] =	vst v63  }
0x10c: {  	s6 =	simm.s32 @!p0 $0xD  }
0x10d: {  	_ =	swait.ge @!p0 [sflag:s6], $0x400  }
0x10e: {  	[sflag:s6] =	ssyncset.done @!p0 $0x0  }
0x10f: {  	s21 =	simm.s32 $0x400;
	s19 =	sadd.s32 $0x40, s25;
	[sflag:s6] =	ssyncadd.s32 @!p0 $0xFFFFFC00  }
0x110: {  	[tilespmem:s21], [sflag:$0x5] =	stream.strided.gather [hbm4b:s19+s12], $0x100, s13, s12, $0x38;
	[tilespmem:$0x3C00] =	vst v63  }
0x111: {  	s7 =	rddreg [dreg:$0x5];
	s6 =	simm.s32 @p0 $0x500  }
0x112: {  	[tilespmem:s6], [sflag:$0x6] =	stream.strided.gather @p0 [hbm4b:s7+s14], $0x100, s15, s14, $0x38;
	[tilespmem:$0x3C00] =	vst v63  }
0x113: {  	s6 =	simm.s32 @!p0 $0xE  }
0x114: {  	_ =	swait.ge @!p0 [sflag:s6], $0x400  }
0x115: {  	[sflag:s6] =	ssyncset.done @!p0 $0x0  }
0x116: {  	[sflag:s6] =	ssyncadd.s32 @!p0 $0xFFFFFC00;
	s6 =	simm.s32 @!p0 $0x500  }
0x117: {  	[tilespmem:s6], [sflag:$0x6] =	stream.strided.gather @!p0 [hbm4b:s8+s11], $0x100, s16, s11, $0x38;
	[tilespmem:$0x3C00] =	vst v63  }
0x118: {  	s6 =	simm.s32 @!p0 $0xF  }
0x119: {  	_ =	swait.ge @!p0 [sflag:s6], $0x400  }
0x11a: {  	s7 =	sadd.s32 $0x60, s25;
	[sflag:s6] =	ssyncset.done @!p0 $0x0  }
0x11b: {  	s8 =	simm.s32 $0x600;
	[sflag:s6] =	ssyncadd.s32 @!p0 $0xFFFFFC00;
	s6 =	simm.s32 @!p0 $0x10  }
0x11c: {  	[tilespmem:s8], [sflag:$0x7] =	stream.strided.gather [hbm4b:s7+s12], $0x100, s13, s12, $0x38;
	[tilespmem:$0x3C00] =	vst v63  }
0x11d: {  	_ =	swait.ge @!p0 [sflag:s6], $0x400  }
0x11e: {  	[sflag:s6] =	ssyncset.done @!p0 $0x0  }
0x11f: {  	s3 =	sadd.s32 $0x70, s25;
	s11 =	simm.s32 $0x700;
	[sflag:s6] =	ssyncadd.s32 @!p0 $0xFFFFFC00  }
0x120: {  	[tilespmem:s11], [sflag:$0x8] =	stream.strided.gather [hbm4b:s3+s12], $0x100, s13, s12, $0x38;
	[tilespmem:$0x3C00] =	vst v63  }
0x121: {  	_ =	swait.ge [sflag:s18], $0x100  }
0x122: {  	[sflag:s18] =	ssyncset.done $0x0  }
0x123: {  	s14 =	simm.s32 $0x800;
	[sflag:s18] =	ssyncadd.s32 $0xFFFFFF00  }
0x124: {  	[tilespmem:s14], [sflag:$0x1] =	stream.indirect.gather [hbm4b:s4+s12], $0x8, s17, s12, $0xb8;
	[tilespmem:$0x3C00] =	vst v63  }
0x125: {  	_ =	swait.ge [sflag:s20], $0x100  }
0x126: {  	[sflag:s20] =	ssyncset.done $0x0  }
0x127: {  	s25 =	simm.s32 $0xC00;
	s23 =	rddreg [dreg:$0x6];
	[sflag:s20] =	ssyncadd.s32 $0xFFFFFF00  }
0x128: {  	[tilespmem:s25], [sflag:$0x2] =	stream.indirect.gather [hbm4b:s4+s12], $0x8, s23, s12, $0xb8;
	[tilespmem:$0x3C00] =	vst v63  }
0x129: {  	_ =	swait.ge [sflag:s22], $0x100  }
0x12a: {  	[sflag:s22] =	ssyncset.done $0x0  }
0x12b: {  	s28 =	simm.s32 $0x1000;
	[sflag:s22] =	ssyncadd.s32 $0xFFFFFF00  }
0x12c: {  	[tilespmem:s28], [sflag:$0x3] =	stream.indirect.gather [hbm4b:s4+s12], $0x8, s0, s12, $0xb8;
	[tilespmem:$0x3C00] =	vst v63  }
0x12d: {  	_ =	swait.ge [sflag:s24], $0x100  }
0x12e: {  	[sflag:s24] =	ssyncset.done $0x0  }
0x12f: {  	s15 =	simm.s32 $0x1400;
	s0 =	rddreg [dreg:$0x7];
	[sflag:s24] =	ssyncadd.s32 $0xFFFFFF00  }
0x130: {  	[tilespmem:s15], [sflag:$0x4] =	stream.indirect.gather [hbm4b:s4+s12], $0x8, s0, s12, $0xb8;
	[tilespmem:$0x3C00] =	vst v63  }
0x131: {  	_ =	swait.ge [sflag:s26], $0x100  }
0x132: {  	[sflag:s26] =	ssyncset.done $0x0  }
0x133: {  	s16 =	simm.s32 $0x1800;
	[sflag:s26] =	ssyncadd.s32 $0xFFFFFF00  }
0x134: {  	[tilespmem:s16], [sflag:$0x5] =	stream.indirect.gather [hbm4b:s4+s12], $0x8, s21, s12, $0xb8;
	[tilespmem:$0x3C00] =	vst v63  }
0x135: {  	_ =	swait.ge [sflag:s29], $0x100  }
0x136: {  	[sflag:s29] =	ssyncset.done $0x0  }
0x137: {  	s19 =	simm.s32 $0x1C00;
	s17 =	rddreg [dreg:$0x8];
	[sflag:s29] =	ssyncadd.s32 $0xFFFFFF00  }
0x138: {  	[tilespmem:s19], [sflag:$0x6] =	stream.indirect.gather [hbm4b:s4+s12], $0x8, s17, s12, $0xb8;
	[tilespmem:$0x3C00] =	vst v63  }
0x139: {  	_ =	swait.ge [sflag:s31], $0x100  }
0x13a: {  	[sflag:s31] =	ssyncset.done $0x0  }
0x13b: {  	s21 =	simm.s32 $0x2000;
	[sflag:s31] =	ssyncadd.s32 $0xFFFFFF00  }
0x13c: {  	[tilespmem:s21], [sflag:$0x7] =	stream.indirect.gather [hbm4b:s4+s12], $0x8, s8, s12, $0xb8;
	[tilespmem:$0x3C00] =	vst v63  }
0x13d: {  	_ =	swait.ge [sflag:s1], $0x100  }
0x13e: {  	[sflag:s1] =	ssyncset.done $0x0  }
0x13f: {  	[sflag:s1] =	ssyncadd.s32 $0xFFFFFF00  }
0x140: {  	[tilespmem:s5], [sflag:$0x8] =	stream.indirect.gather [hbm4b:s4+s12], $0x8, s11, s12, $0xb8;
	[tilespmem:$0x3C00] =	vst v63  }
0x141: {  	_ =	swait.ge [sflag:s18], $0x400  }
0x142: {  	[sflag:s18] =	ssyncset.done $0x0  }
0x143: {  	[sflag:s18] =	ssyncadd.s32 $0xFFFFFC00  }
0x144: {  	[spmem:s2] =	stream.indirect.scatter.add.f32 [tilespmem:s14], [sflag:$0x9], $0x8, s12, s12, $0xb8;
	[tilespmem:$0x3C00] =	vst v63  }
0x145: {  	_ =	swait.ge [sflag:s20], $0x400  }
0x146: {  	[sflag:s20] =	ssyncset.done $0x0  }
0x147: {  	s23 =	rddreg [dreg:$0x9];
	[sflag:s20] =	ssyncadd.s32 $0xFFFFFC00  }
0x148: {  	[spmem:s2] =	stream.indirect.scatter.add.f32 [tilespmem:s25], [sflag:$0xA], $0x8, s23, s12, $0xb8;
	[tilespmem:$0x3C00] =	vst v63  }
0x149: {  	_ =	swait.ge [sflag:s22], $0x400  }
0x14a: {  	[sflag:s22] =	ssyncset.done $0x0  }
0x14b: {  	s25 =	rddreg [dreg:$0xa];
	[sflag:s22] =	ssyncadd.s32 $0xFFFFFC00  }
0x14c: {  	[spmem:s2] =	stream.indirect.scatter.add.f32 [tilespmem:s28], [sflag:$0xB], $0x8, s25, s12, $0xb8;
	[tilespmem:$0x3C00] =	vst v63  }
0x14d: {  	_ =	swait.ge [sflag:s24], $0x400  }
0x14e: {  	[sflag:s24] =	ssyncset.done $0x0  }
0x14f: {  	s28 =	rddreg [dreg:$0xb];
	[sflag:s24] =	ssyncadd.s32 $0xFFFFFC00  }
0x150: {  	[spmem:s2] =	stream.indirect.scatter.add.f32 [tilespmem:s15], [sflag:$0xC], $0x8, s28, s12, $0xb8;
	[tilespmem:$0x3C00] =	vst v63  }
0x151: {  	_ =	swait.ge [sflag:s26], $0x400  }
0x152: {  	[sflag:s26] =	ssyncset.done $0x0  }
0x153: {  	s0 =	rddreg [dreg:$0xc];
	[sflag:s26] =	ssyncadd.s32 $0xFFFFFC00  }
0x154: {  	[spmem:s2] =	stream.indirect.scatter.add.f32 [tilespmem:s16], [sflag:$0xD], $0x8, s0, s12, $0xb8;
	[tilespmem:$0x3C00] =	vst v63  }
0x155: {  	_ =	swait.ge [sflag:s29], $0x400  }
0x156: {  	[sflag:s29] =	ssyncset.done $0x0  }
0x157: {  	s6 =	rddreg [dreg:$0xd];
	[sflag:s29] =	ssyncadd.s32 $0xFFFFFC00  }
0x158: {  	[spmem:s2] =	stream.indirect.scatter.add.f32 [tilespmem:s19], [sflag:$0xE], $0x8, s6, s12, $0xb8;
	[tilespmem:$0x3C00] =	vst v63  }
0x159: {  	_ =	swait.ge [sflag:s31], $0x400  }
0x15a: {  	[sflag:s31] =	ssyncset.done $0x0  }
0x15b: {  	s7 =	rddreg [dreg:$0xe];
	[sflag:s31] =	ssyncadd.s32 $0xFFFFFC00  }
0x15c: {  	[spmem:s2] =	stream.indirect.scatter.add.f32 [tilespmem:s21], [sflag:$0xF], $0x8, s7, s12, $0xb8;
	[tilespmem:$0x3C00] =	vst v63  }
0x15d: {  	_ =	swait.ge [sflag:s1], $0x400  }
0x15e: {  	[sflag:s1] =	ssyncset.done $0x0  }
0x15f: {  	s10 =	simm.s32 $0x9;
	s8 =	rddreg [dreg:$0xf];
	[sflag:s1] =	ssyncadd.s32 $0xFFFFFC00  }
0x160: {  	[spmem:s2] =	stream.indirect.scatter.add.f32 [tilespmem:s5], [sflag:$0x10], $0x8, s8, s12, $0xb8;
	[tilespmem:$0x3C00] =	vst v63  }
0x161: {  	_ =	swait.ge [sflag:s10], $0x400  }
0x162: {  	[sflag:s10] =	ssyncset.done $0x0  }
0x163: {  	s11 =	simm.s32 $0xA;
	[sflag:s10] =	ssyncadd.s32 $0xFFFFFC00  }
0x164: {  	_ =	swait.ge [sflag:s11], $0x400  }
0x165: {  	[sflag:s11] =	ssyncset.done $0x0  }
0x166: {  	s14 =	simm.s32 $0xB;
	[sflag:s11] =	ssyncadd.s32 $0xFFFFFC00  }
0x167: {  	_ =	swait.ge [sflag:s14], $0x400  }
0x168: {  	[sflag:s14] =	ssyncset.done $0x0  }
0x169: {  	s15 =	simm.s32 $0xC;
	[sflag:s14] =	ssyncadd.s32 $0xFFFFFC00  }
0x16a: {  	_ =	swait.ge [sflag:s15], $0x400  }
0x16b: {  	[sflag:s15] =	ssyncset.done $0x0  }
0x16c: {  	s16 =	simm.s32 $0xD;
	[sflag:s15] =	ssyncadd.s32 $0xFFFFFC00  }
0x16d: {  	_ =	swait.ge [sflag:s16], $0x400  }
0x16e: {  	[sflag:s16] =	ssyncset.done $0x0  }
0x16f: {  	s17 =	simm.s32 $0xE;
	[sflag:s16] =	ssyncadd.s32 $0xFFFFFC00  }
0x170: {  	_ =	swait.ge [sflag:s17], $0x400  }
0x171: {  	[sflag:s17] =	ssyncset.done $0x0  }
0x172: {  	s19 =	simm.s32 $0xF;
	[sflag:s17] =	ssyncadd.s32 $0xFFFFFC00  }
0x173: {  	_ =	swait.ge [sflag:s19], $0x400  }
0x174: {  	[sflag:s19] =	ssyncset.done $0x0  }
0x175: {  	s21 =	simm.s32 $0x10;
	[sflag:s19] =	ssyncadd.s32 $0xFFFFFC00  }
0x176: {  	_ =	swait.ge [sflag:s21], $0x400  }
0x177: {  	[sflag:s21] =	ssyncset.done $0x0  }
0x178: {  	[sflag:s21] =	ssyncadd.s32 $0xFFFFFC00  }
0x179: {  	[bflag:$0x0] =	sbarrier.arrive $0xFFFF  }
0x17a: {  	s8 =	rddreg [dreg:$0x11]  }
0x17b: {  	s23 =	rddreg [dreg:$0x12]  }
0x17c: {  	s7 =	simm.s32 $0x11;
	s6 =	rddreg [dreg:$0x14]  }
0x17d: {  	[hbm:s23], [sflag:s8] =	dma.local [spmem:s6], $0x280  }
0x17e: {  	_ =	swait.ge [sflag:s7], $0x280  }
0x17f: {  	s25 =	rddreg [dreg:$0x15]  }
0x180: {  	s28 =	rddreg [dreg:$0x13];
	s0 =	sadd.s32 $0x1, s25  }
0x181: {  	p0 =	sne.s32 s0, s28  }
.Ltmp1:
0x182: {  	_ = 	snop;
	(pc) =	sbr.rel @p0 .LBB2_1-.Ltmp1, $3  }
0x183: {  	_ =	sdelay $0x1  }
0x184: {  	[sflag:s7] =	ssyncset.done $0x0  }
0x185: {  	[sflag:s7] =	ssyncadd.s32 $0xFFFFFD80  }
0x186: {  	_ =	sfence.sel $0x180000  }
0x187: {  	[bflag:$0x0] =	sbarrier.arrive $0xFFFF  }
0x188: {  	_ =	strace $0x90000050  }
0x189: {  	s0 =	stileid.u32;
	[bflag:$0x2] =	sbarrier.arrive $0xFFFF  }
0x18a: {  	p0 =	sne.s32 s0, $0x0;
	s0 =	rddreg [dreg:$0x2]  }
0x18b: {  	s0 =	sadd.s32 @!p0 $0x100000, s0  }
0x18c: {  	[sflag:s0] =	ssyncadd.tile.s32 @!p0 $0x1;
	_ =	shalt  }
.Lfunc_end2:
_tile_overlayer_lowered:
.L_overlay_start_2:
0x18d: {  	(tag) =	ssettag $0x2  }
0x18e: {  	s0 =	rddreg [dreg:$0x0];
	s2 =	stileid.u32  }
0x18f: {  	s1 =	rddreg [dreg:$0x1];
	p0 =	sne.s32 s2, $0x0  }
0x190: {  	s3 =	rddreg [dreg:$0x2];
	[bflag:$0x3] =	sbarrier.arrive $0xFFFF;
	s2 =	simm.s32 @!p0 $0x1C11  }
0x191: {  	[timem:s3], [sflag:s2] =	dma.local @!p0 [hbm:s0], s1  }
0x192: {  	s0 =	simm.s32 @!p0 $0x11  }
0x193: {  	_ =	swait.ge @!p0 [sflag:s0], s1  }
0x194: {  	s1 =	ssub.s32 @!p0 $0x0, s1;
	[sflag:s0] =	ssyncset.done @!p0 $0x0  }
0x195: {  	[sflag:s0] =	ssyncadd.s32 @!p0 s1  }
0x196: {  	[bflag:$0x3] =	sbarrier.arrive $0xFFFF  }
0x197: {  	_ =	shalt  }

</sc_bundles>
